<compile_context>
chip_gen: v7x
topology: tpu7x:2x2x1
jax: 0.10.2.dev20260603
libtpu: 0.0.44.dev20260713+nightly
codegen_flags: <defaults>
</compile_context>

<pallas_src>
import functools

import jax
import jax.numpy as jnp
from jax import lax
from jax.experimental import pallas as pl
from jax.experimental.pallas import tpu as pltpu
from jax.experimental.pallas import tpu_sc as plsc

DIM = 1024
SCALE = DIM ** (-0.5)

LANES = 16
NC = 2
NS = 16
NW = NC * NS
NBUF = 7
PREF = 4


def _make_sc_scale(seq_len):
    per_w = seq_len // NW
    chunk = 16
    n_chunks = per_w // chunk
    vecs_per_row = DIM // LANES
    mesh = plsc.VectorSubcoreMesh(core_axis_name="c", subcore_axis_name="s")

    @functools.partial(
        pl.kernel,
        mesh=mesh,
        out_type=jax.ShapeDtypeStruct((seq_len, DIM), jnp.float32),
        scratch_types=(
            [pltpu.VMEM((chunk, DIM), jnp.float32) for _ in range(NBUF)]
            + [pltpu.SemaphoreType.DMA for _ in range(2 * NBUF)]
        ),
    )
    def sc_scale(emb_hbm, out_hbm, *refs):
        bufs = refs[:NBUF]
        lsems = refs[NBUF:2 * NBUF]
        ssems = refs[2 * NBUF:]
        wid = lax.axis_index("s") * NC + lax.axis_index("c")
        base = wid * per_w

        def start_load(c):
            return pltpu.async_copy(
                emb_hbm.at[pl.ds(base + c * chunk, chunk)],
                bufs[c % NBUF],
                lsems[c % NBUF],
            )

        def start_store(c):
            return pltpu.async_copy(
                bufs[c % NBUF],
                out_hbm.at[pl.ds(base + c * chunk, chunk)],
                ssems[c % NBUF],
            )

        def scale_chunk(buf):
            def row_body(r, carry):
                def vec_body(v, c2):
                    sl = pl.ds(v * LANES, LANES)
                    buf[r, sl] = buf[r, sl] * SCALE
                    return c2

                return lax.fori_loop(0, vecs_per_row, vec_body, carry,
                                     unroll=16)

            lax.fori_loop(0, chunk, row_body, 0)

        loads = [None] * n_chunks
        stores = [None] * n_chunks
        store_waited = [False] * n_chunks
        for c in range(min(PREF, n_chunks)):
            loads[c] = start_load(c)
        for c in range(n_chunks):
            loads[c].wait()
            scale_chunk(bufs[c % NBUF])
            stores[c] = start_store(c)
            nxt = c + PREF
            if nxt < n_chunks:
                prev = nxt - NBUF
                if prev >= 0 and not store_waited[prev]:
                    stores[prev].wait()
                    store_waited[prev] = True
                loads[nxt] = start_load(nxt)
        for c in range(n_chunks):
            if stores[c] is not None and not store_waited[c]:
                stores[c].wait()
                store_waited[c] = True

    return sc_scale


@jax.jit
def _scaled_copy(emb):
    return _make_sc_scale(emb.shape[0])(emb)


def kernel(x, emb):
    seq_len = x.shape[1]
    return _scaled_copy(emb[:seq_len])

# --- scband reference (transcript-rebuilt; emitter-appended) ---
"""Pipeline reference for scband-absolute-positional-embedding-73375221285445 (READ-ONLY COPY).

The authoritative reference and input builder live on the scoring server;
editing this copy changes nothing except your own understanding.
"""

import jax, jax.numpy as jnp
import numpy as np

DIM = 1024
MAX_SEQ_LEN = 8192
SCALE = DIM ** (-0.5)

def setup_inputs(seed: int = 0) -> dict:
    key = jax.random.key(seed)
    k_x, k_emb = jax.random.split(key)
    x = jax.random.normal(k_x, (4, 8192, DIM), dtype=jnp.float32)
    emb = jax.random.normal(k_emb, (MAX_SEQ_LEN, DIM), dtype=jnp.float32) * 0.02
    return {"x": x, "emb": emb}

def reference(x, emb):
    seq_len = x.shape[1]
    pos = jnp.arange(seq_len)
    pos_emb = jnp.take(emb, pos, axis=0)
    pos_emb = pos_emb * SCALE
    return pos_emb

if __name__ == "__main__":
    import jax
    _d = setup_inputs()
    print(jax.jit(kernel)(*tuple(_d.values())))

</pallas_src>

<mosaic_0001>
#map = affine_map<(d0, d1) -> (0, 0)>
module attributes {stable_mosaic.version = 14 : i64} {
  func.func @sc_scale(%arg0: i32, %arg1: i32, %arg2: memref<8192x1024xf32, #tpu.memory_space<hbm>>, %arg3: memref<8192x1024xf32, #tpu.memory_space<hbm>>, %arg4: memref<16x1024xf32, #tpu.memory_space<vmem>>, %arg5: memref<16x1024xf32, #tpu.memory_space<vmem>>, %arg6: memref<16x1024xf32, #tpu.memory_space<vmem>>, %arg7: memref<16x1024xf32, #tpu.memory_space<vmem>>, %arg8: memref<16x1024xf32, #tpu.memory_space<vmem>>, %arg9: memref<16x1024xf32, #tpu.memory_space<vmem>>, %arg10: memref<16x1024xf32, #tpu.memory_space<vmem>>, %arg11: memref<!tpu.dma_semaphore, #tpu.memory_space<semaphore_mem>>, %arg12: memref<!tpu.dma_semaphore, #tpu.memory_space<semaphore_mem>>, %arg13: memref<!tpu.dma_semaphore, #tpu.memory_space<semaphore_mem>>, %arg14: memref<!tpu.dma_semaphore, #tpu.memory_space<semaphore_mem>>, %arg15: memref<!tpu.dma_semaphore, #tpu.memory_space<semaphore_mem>>, %arg16: memref<!tpu.dma_semaphore, #tpu.memory_space<semaphore_mem>>, %arg17: memref<!tpu.dma_semaphore, #tpu.memory_space<semaphore_mem>>, %arg18: memref<!tpu.dma_semaphore, #tpu.memory_space<semaphore_mem>>, %arg19: memref<!tpu.dma_semaphore, #tpu.memory_space<semaphore_mem>>, %arg20: memref<!tpu.dma_semaphore, #tpu.memory_space<semaphore_mem>>, %arg21: memref<!tpu.dma_semaphore, #tpu.memory_space<semaphore_mem>>, %arg22: memref<!tpu.dma_semaphore, #tpu.memory_space<semaphore_mem>>, %arg23: memref<!tpu.dma_semaphore, #tpu.memory_space<semaphore_mem>>, %arg24: memref<!tpu.dma_semaphore, #tpu.memory_space<semaphore_mem>>) attributes {dimension_semantics = [#tpu.dimension_semantics<core_parallel>, #tpu.dimension_semantics<subcore_parallel>], iteration_bounds = array<i64: 2, 16>, scalar_prefetch = 0 : i64, scratch_operands = 21 : i64, tpu.core_type = #tpu.core_type<sc_vector_subcore>, window_params = [{transform_indices = #map}, {transform_indices = #map}]} {
    %mul3A = arith.constant 2 : i32
    %mul3A_0 = arith.muli %arg1, %mul3A : i32
    %add3A = arith.addi %mul3A_0, %arg0 : i32
    %mul3A_1 = arith.constant 256 : i32
    %mul3A_2 = arith.muli %add3A, %mul3A_1 : i32
    %add3A_3 = arith.constant 0 : i32
    %add3A_4 = arith.addi %mul3A_2, %add3A_3 : i32
    %dma_start3A = arith.constant 0 : i32
    %dma_start3A_5 = tpu.memref_slice %arg2[%add3A_4, %dma_start3A] : memref<8192x1024xf32, #tpu.memory_space<hbm>> -> memref<16x1024xf32, #tpu.memory_space<hbm>>
    %dma_start3A_6 = arith.constant 0 : i32
    %dma_start3A_7 = tpu.memref_slice %arg2[%add3A_4, %dma_start3A_6] : memref<8192x1024xf32, #tpu.memory_space<hbm>> -> memref<16x1024xf32, #tpu.memory_space<hbm>>
    tpu.enqueue_dma source(%dma_start3A_7 : memref<16x1024xf32, #tpu.memory_space<hbm>>) target(%arg4 : memref<16x1024xf32, #tpu.memory_space<vmem>>) target_semaphore(%arg11 : memref<!tpu.dma_semaphore, #tpu.memory_space<semaphore_mem>>)
    %add3A_8 = arith.constant 16 : i32
    %add3A_9 = arith.addi %mul3A_2, %add3A_8 : i32
    %dma_start3A_10 = arith.constant 0 : i32
    %dma_start3A_11 = tpu.memref_slice %arg2[%add3A_9, %dma_start3A_10] : memref<8192x1024xf32, #tpu.memory_space<hbm>> -> memref<16x1024xf32, #tpu.memory_space<hbm>>
    %dma_start3A_12 = arith.constant 0 : i32
    %dma_start3A_13 = tpu.memref_slice %arg2[%add3A_9, %dma_start3A_12] : memref<8192x1024xf32, #tpu.memory_space<hbm>> -> memref<16x1024xf32, #tpu.memory_space<hbm>>
    tpu.enqueue_dma source(%dma_start3A_13 : memref<16x1024xf32, #tpu.memory_space<hbm>>) target(%arg5 : memref<16x1024xf32, #tpu.memory_space<vmem>>) target_semaphore(%arg12 : memref<!tpu.dma_semaphore, #tpu.memory_space<semaphore_mem>>)
    %add3A_14 = arith.constant 32 : i32
    %add3A_15 = arith.addi %mul3A_2, %add3A_14 : i32
    %dma_start3A_16 = arith.constant 0 : i32
    %dma_start3A_17 = tpu.memref_slice %arg2[%add3A_15, %dma_start3A_16] : memref<8192x1024xf32, #tpu.memory_space<hbm>> -> memref<16x1024xf32, #tpu.memory_space<hbm>>
    %dma_start3A_18 = arith.constant 0 : i32
    %dma_start3A_19 = tpu.memref_slice %arg2[%add3A_15, %dma_start3A_18] : memref<8192x1024xf32, #tpu.memory_space<hbm>> -> memref<16x1024xf32, #tpu.memory_space<hbm>>
    tpu.enqueue_dma source(%dma_start3A_19 : memref<16x1024xf32, #tpu.memory_space<hbm>>) target(%arg6 : memref<16x1024xf32, #tpu.memory_space<vmem>>) target_semaphore(%arg13 : memref<!tpu.dma_semaphore, #tpu.memory_space<semaphore_mem>>)
    %add3A_20 = arith.constant 48 : i32
    %add3A_21 = arith.addi %mul3A_2, %add3A_20 : i32
    %dma_start3A_22 = arith.constant 0 : i32
    %dma_start3A_23 = tpu.memref_slice %arg2[%add3A_21, %dma_start3A_22] : memref<8192x1024xf32, #tpu.memory_space<hbm>> -> memref<16x1024xf32, #tpu.memory_space<hbm>>
    %dma_start3A_24 = arith.constant 0 : i32
    %dma_start3A_25 = tpu.memref_slice %arg2[%add3A_21, %dma_start3A_24] : memref<8192x1024xf32, #tpu.memory_space<hbm>> -> memref<16x1024xf32, #tpu.memory_space<hbm>>
    tpu.enqueue_dma source(%dma_start3A_25 : memref<16x1024xf32, #tpu.memory_space<hbm>>) target(%arg7 : memref<16x1024xf32, #tpu.memory_space<vmem>>) target_semaphore(%arg14 : memref<!tpu.dma_semaphore, #tpu.memory_space<semaphore_mem>>)
    %dma_wait3A = arith.constant 0 : i32
    %dma_wait3A_26 = tpu.memref_slice %arg2[%add3A_4, %dma_wait3A] : memref<8192x1024xf32, #tpu.memory_space<hbm>> -> memref<16x1024xf32, #tpu.memory_space<hbm>>
    %dma_wait3A_27 = arith.constant 0 : i32
    %dma_wait3A_28 = tpu.memref_slice %arg2[%add3A_4, %dma_wait3A_27] : memref<8192x1024xf32, #tpu.memory_space<hbm>> -> memref<16x1024xf32, #tpu.memory_space<hbm>>
    tpu.wait_dma2 semaphore(%arg11 : memref<!tpu.dma_semaphore, #tpu.memory_space<semaphore_mem>>) src(%dma_wait3A_28 : memref<16x1024xf32, #tpu.memory_space<hbm>>) dst(%arg4 : memref<16x1024xf32, #tpu.memory_space<vmem>>)
    %scan3A = arith.constant 0 : i32
    %scan3A_29 = arith.constant 0 : i32
    %scan3A_30 = arith.constant 16 : i32
    %scan3A_31 = arith.addi %scan3A_29, %scan3A_30 : i32
    %scan3A_32 = arith.constant 1 : i32
    scf.for %scan3A_416 = %scan3A_29 to %scan3A_31 step %scan3A_32  : i32 {
      %scan3A_417 = arith.constant 0 : i32
      %scan3A_418 = arith.constant 64 : i32
      %scan3A_419 = arith.addi %scan3A_417, %scan3A_418 : i32
      %scan3A_420 = arith.constant 16 : i32
      scf.for %scan3A_422 = %scan3A_417 to %scan3A_419 step %scan3A_420  : i32 {
        %mul3A_423 = arith.constant 16 : i32
        %mul3A_424 = arith.muli %scan3A_422, %mul3A_423 : i32
        %get3A = arith.index_cast %scan3A_416 : i32 to index
        %get3A_425 = arith.index_cast %mul3A_424 : i32 to index
        %get3A_426 = tpu.vector_load %arg4[%get3A, %get3A_425] {strides = array<i32>} : memref<16x1024xf32, #tpu.memory_space<vmem>>, vector<1x16xf32>,
        %get3A_427 = vector.shape_cast %get3A_426 : vector<1x16xf32> to vector<16xf32>
        %mul3A_428 = arith.constant 3.125000e-02 : f32
        %mul3A_429 = vector.broadcast %mul3A_428 : f32 to vector<16xf32>
        %mul3A_430 = arith.mulf %get3A_427, %mul3A_429 : vector<16xf32>
        %swap3A = arith.index_cast %scan3A_416 : i32 to index
        %swap3A_431 = arith.index_cast %mul3A_424 : i32 to index
        %swap3A_432 = tpu.vector_load %arg4[%swap3A, %swap3A_431] {strides = array<i32>} : memref<16x1024xf32, #tpu.memory_space<vmem>>, vector<1x16xf32>,
        %swap3A_433 = vector.shape_cast %swap3A_432 : vector<1x16xf32> to vector<16xf32>
        %swap3A_434 = vector.shape_cast %mul3A_430 : vector<16xf32> to vector<1x16xf32>
        tpu.vector_store %arg4[%swap3A, %swap3A_431], %swap3A_434 {strides = array<i32>} : memref<16x1024xf32, #tpu.memory_space<vmem>>, vector<1x16xf32>,
        %scan3A_435 = arith.constant 1 : i32
        %scan3A_436 = arith.addi %scan3A_422, %scan3A_435 : i32
        %mul3A_437 = arith.constant 16 : i32
        %mul3A_438 = arith.muli %scan3A_436, %mul3A_437 : i32
        %get3A_439 = arith.index_cast %scan3A_416 : i32 to index
        %get3A_440 = arith.index_cast %mul3A_438 : i32 to index
        %get3A_441 = tpu.vector_load %arg4[%get3A_439, %get3A_440] {strides = array<i32>} : memref<16x1024xf32, #tpu.memory_space<vmem>>, vector<1x16xf32>,
        %get3A_442 = vector.shape_cast %get3A_441 : vector<1x16xf32> to vector<16xf32>
        %mul3A_443 = arith.constant 3.125000e-02 : f32
        %mul3A_444 = vector.broadcast %mul3A_443 : f32 to vector<16xf32>
        %mul3A_445 = arith.mulf %get3A_442, %mul3A_444 : vector<16xf32>
        %swap3A_446 = arith.index_cast %scan3A_416 : i32 to index
        %swap3A_447 = arith.index_cast %mul3A_438 : i32 to index
        %swap3A_448 = tpu.vector_load %arg4[%swap3A_446, %swap3A_447] {strides = array<i32>} : memref<16x1024xf32, #tpu.memory_space<vmem>>, vector<1x16xf32>,
        %swap3A_449 = vector.shape_cast %swap3A_448 : vector<1x16xf32> to vector<16xf32>
        %swap3A_450 = vector.shape_cast %mul3A_445 : vector<16xf32> to vector<1x16xf32>
        tpu.vector_store %arg4[%swap3A_446, %swap3A_447], %swap3A_450 {strides = array<i32>} : memref<16x1024xf32, #tpu.memory_space<vmem>>, vector<1x16xf32>,
        %scan3A_451 = arith.constant 2 : i32
        %scan3A_452 = arith.addi %scan3A_422, %scan3A_451 : i32
        %mul3A_453 = arith.constant 16 : i32
        %mul3A_454 = arith.muli %scan3A_452, %mul3A_453 : i32
        %get3A_455 = arith.index_cast %scan3A_416 : i32 to index
        %get3A_456 = arith.index_cast %mul3A_454 : i32 to index
        %get3A_457 = tpu.vector_load %arg4[%get3A_455, %get3A_456] {strides = array<i32>} : memref<16x1024xf32, #tpu.memory_space<vmem>>, vector<1x16xf32>,
        %get3A_458 = vector.shape_cast %get3A_457 : vector<1x16xf32> to vector<16xf32>
        %mul3A_459 = arith.constant 3.125000e-02 : f32
        %mul3A_460 = vector.broadcast %mul3A_459 : f32 to vector<16xf32>
        %mul3A_461 = arith.mulf %get3A_458, %mul3A_460 : vector<16xf32>
        %swap3A_462 = arith.index_cast %scan3A_416 : i32 to index
        %swap3A_463 = arith.index_cast %mul3A_454 : i32 to index
        %swap3A_464 = tpu.vector_load %arg4[%swap3A_462, %swap3A_463] {strides = array<i32>} : memref<16x1024xf32, #tpu.memory_space<vmem>>, vector<1x16xf32>,
        %swap3A_465 = vector.shape_cast %swap3A_464 : vector<1x16xf32> to vector<16xf32>
        %swap3A_466 = vector.shape_cast %mul3A_461 : vector<16xf32> to vector<1x16xf32>
        tpu.vector_store %arg4[%swap3A_462, %swap3A_463], %swap3A_466 {strides = array<i32>} : memref<16x1024xf32, #tpu.memory_space<vmem>>, vector<1x16xf32>,
        %scan3A_467 = arith.constant 3 : i32
        %scan3A_468 = arith.addi %scan3A_422, %scan3A_467 : i32
        %mul3A_469 = arith.constant 16 : i32
        %mul3A_470 = arith.muli %scan3A_468, %mul3A_469 : i32
        %get3A_471 = arith.index_cast %scan3A_416 : i32 to index
        %get3A_472 = arith.index_cast %mul3A_470 : i32 to index
        %get3A_473 = tpu.vector_load %arg4[%get3A_471, %get3A_472] {strides = array<i32>} : memref<16x1024xf32, #tpu.memory_space<vmem>>, vector<1x16xf32>,
        %get3A_474 = vector.shape_cast %get3A_473 : vector<1x16xf32> to vector<16xf32>
        %mul3A_475 = arith.constant 3.125000e-02 : f32
        %mul3A_476 = vector.broadcast %mul3A_475 : f32 to vector<16xf32>
        %mul3A_477 = arith.mulf %get3A_474, %mul3A_476 : vector<16xf32>
        %swap3A_478 = arith.index_cast %scan3A_416 : i32 to index
        %swap3A_479 = arith.index_cast %mul3A_470 : i32 to index
        %swap3A_480 = tpu.vector_load %arg4[%swap3A_478, %swap3A_479] {strides = array<i32>} : memref<16x1024xf32, #tpu.memory_space<vmem>>, vector<1x16xf32>,
        %swap3A_481 = vector.shape_cast %swap3A_480 : vector<1x16xf32> to vector<16xf32>
        %swap3A_482 = vector.shape_cast %mul3A_477 : vector<16xf32> to vector<1x16xf32>
        tpu.vector_store %arg4[%swap3A_478, %swap3A_479], %swap3A_482 {strides = array<i32>} : memref<16x1024xf32, #tpu.memory_space<vmem>>, vector<1x16xf32>,
        %scan3A_483 = arith.constant 4 : i32
        %scan3A_484 = arith.addi %scan3A_422, %scan3A_483 : i32
        %mul3A_485 = arith.constant 16 : i32
        %mul3A_486 = arith.muli %scan3A_484, %mul3A_485 : i32
        %get3A_487 = arith.index_cast %scan3A_416 : i32 to index
        %get3A_488 = arith.index_cast %mul3A_486 : i32 to index
        %get3A_489 = tpu.vector_load %arg4[%get3A_487, %get3A_488] {strides = array<i32>} : memref<16x1024xf32, #tpu.memory_space<vmem>>, vector<1x16xf32>,
        %get3A_490 = vector.shape_cast %get3A_489 : vector<1x16xf32> to vector<16xf32>
        %mul3A_491 = arith.constant 3.125000e-02 : f32
        %mul3A_492 = vector.broadcast %mul3A_491 : f32 to vector<16xf32>
        %mul3A_493 = arith.mulf %get3A_490, %mul3A_492 : vector<16xf32>
        %swap3A_494 = arith.index_cast %scan3A_416 : i32 to index
        %swap3A_495 = arith.index_cast %mul3A_486 : i32 to index
        %swap3A_496 = tpu.vector_load %arg4[%swap3A_494, %swap3A_495] {strides = array<i32>} : memref<16x1024xf32, #tpu.memory_space<vmem>>, vector<1x16xf32>,
        %swap3A_497 = vector.shape_cast %swap3A_496 : vector<1x16xf32> to vector<16xf32>
        %swap3A_498 = vector.shape_cast %mul3A_493 : vector<16xf32> to vector<1x16xf32>
        tpu.vector_store %arg4[%swap3A_494, %swap3A_495], %swap3A_498 {strides = array<i32>} : memref<16x1024xf32, #tpu.memory_space<vmem>>, vector<1x16xf32>,
        %scan3A_499 = arith.constant 5 : i32
        %scan3A_500 = arith.addi %scan3A_422, %scan3A_499 : i32
        %mul3A_501 = arith.constant 16 : i32
        %mul3A_502 = arith.muli %scan3A_500, %mul3A_501 : i32
        %get3A_503 = arith.index_cast %scan3A_416 : i32 to index
        %get3A_504 = arith.index_cast %mul3A_502 : i32 to index
        %get3A_505 = tpu.vector_load %arg4[%get3A_503, %get3A_504] {strides = array<i32>} : memref<16x1024xf32, #tpu.memory_space<vmem>>, vector<1x16xf32>,
        %get3A_506 = vector.shape_cast %get3A_505 : vector<1x16xf32> to vector<16xf32>
        %mul3A_507 = arith.constant 3.125000e-02 : f32
        %mul3A_508 = vector.broadcast %mul3A_507 : f32 to vector<16xf32>
        %mul3A_509 = arith.mulf %get3A_506, %mul3A_508 : vector<16xf32>
        %swap3A_510 = arith.index_cast %scan3A_416 : i32 to index
        %swap3A_511 = arith.index_cast %mul3A_502 : i32 to index
        %swap3A_512 = tpu.vector_load %arg4[%swap3A_510, %swap3A_511] {strides = array<i32>} : memref<16x1024xf32, #tpu.memory_space<vmem>>, vector<1x16xf32>,
        %swap3A_513 = vector.shape_cast %swap3A_512 : vector<1x16xf32> to vector<16xf32>
        %swap3A_514 = vector.shape_cast %mul3A_509 : vector<16xf32> to vector<1x16xf32>
        tpu.vector_store %arg4[%swap3A_510, %swap3A_511], %swap3A_514 {strides = array<i32>} : memref<16x1024xf32, #tpu.memory_space<vmem>>, vector<1x16xf32>,
        %scan3A_515 = arith.constant 6 : i32
        %scan3A_516 = arith.addi %scan3A_422, %scan3A_515 : i32
        %mul3A_517 = arith.constant 16 : i32
        %mul3A_518 = arith.muli %scan3A_516, %mul3A_517 : i32
        %get3A_519 = arith.index_cast %scan3A_416 : i32 to index
        %get3A_520 = arith.index_cast %mul3A_518 : i32 to index
        %get3A_521 = tpu.vector_load %arg4[%get3A_519, %get3A_520] {strides = array<i32>} : memref<16x1024xf32, #tpu.memory_space<vmem>>, vector<1x16xf32>,
        %get3A_522 = vector.shape_cast %get3A_521 : vector<1x16xf32> to vector<16xf32>
        %mul3A_523 = arith.constant 3.125000e-02 : f32
        %mul3A_524 = vector.broadcast %mul3A_523 : f32 to vector<16xf32>
        %mul3A_525 = arith.mulf %get3A_522, %mul3A_524 : vector<16xf32>
        %swap3A_526 = arith.index_cast %scan3A_416 : i32 to index
        %swap3A_527 = arith.index_cast %mul3A_518 : i32 to index
        %swap3A_528 = tpu.vector_load %arg4[%swap3A_526, %swap3A_527] {strides = array<i32>} : memref<16x1024xf32, #tpu.memory_space<vmem>>, vector<1x16xf32>,
        %swap3A_529 = vector.shape_cast %swap3A_528 : vector<1x16xf32> to vector<16xf32>
        %swap3A_530 = vector.shape_cast %mul3A_525 : vector<16xf32> to vector<1x16xf32>
        tpu.vector_store %arg4[%swap3A_526, %swap3A_527], %swap3A_530 {strides = array<i32>} : memref<16x1024xf32, #tpu.memory_space<vmem>>, vector<1x16xf32>,
        %scan3A_531 = arith.constant 7 : i32
        %scan3A_532 = arith.addi %scan3A_422, %scan3A_531 : i32
        %mul3A_533 = arith.constant 16 : i32
        %mul3A_534 = arith.muli %scan3A_532, %mul3A_533 : i32
        %get3A_535 = arith.index_cast %scan3A_416 : i32 to index
        %get3A_536 = arith.index_cast %mul3A_534 : i32 to index
        %get3A_537 = tpu.vector_load %arg4[%get3A_535, %get3A_536] {strides = array<i32>} : memref<16x1024xf32, #tpu.memory_space<vmem>>, vector<1x16xf32>,
        %get3A_538 = vector.shape_cast %get3A_537 : vector<1x16xf32> to vector<16xf32>
        %mul3A_539 = arith.constant 3.125000e-02 : f32
        %mul3A_540 = vector.broadcast %mul3A_539 : f32 to vector<16xf32>
        %mul3A_541 = arith.mulf %get3A_538, %mul3A_540 : vector<16xf32>
        %swap3A_542 = arith.index_cast %scan3A_416 : i32 to index
        %swap3A_543 = arith.index_cast %mul3A_534 : i32 to index
        %swap3A_544 = tpu.vector_load %arg4[%swap3A_542, %swap3A_543] {strides = array<i32>} : memref<16x1024xf32, #tpu.memory_space<vmem>>, vector<1x16xf32>,
        %swap3A_545 = vector.shape_cast %swap3A_544 : vector<1x16xf32> to vector<16xf32>
        %swap3A_546 = vector.shape_cast %mul3A_541 : vector<16xf32> to vector<1x16xf32>
        tpu.vector_store %arg4[%swap3A_542, %swap3A_543], %swap3A_546 {strides = array<i32>} : memref<16x1024xf32, #tpu.memory_space<vmem>>, vector<1x16xf32>,
        %scan3A_547 = arith.constant 8 : i32
        %scan3A_548 = arith.addi %scan3A_422, %scan3A_547 : i32
        %mul3A_549 = arith.constant 16 : i32
        %mul3A_550 = arith.muli %scan3A_548, %mul3A_549 : i32
        %get3A_551 = arith.index_cast %scan3A_416 : i32 to index
        %get3A_552 = arith.index_cast %mul3A_550 : i32 to index
        %get3A_553 = tpu.vector_load %arg4[%get3A_551, %get3A_552] {strides = array<i32>} : memref<16x1024xf32, #tpu.memory_space<vmem>>, vector<1x16xf32>,
        %get3A_554 = vector.shape_cast %get3A_553 : vector<1x16xf32> to vector<16xf32>
        %mul3A_555 = arith.constant 3.125000e-02 : f32
        %mul3A_556 = vector.broadcast %mul3A_555 : f32 to vector<16xf32>
        %mul3A_557 = arith.mulf %get3A_554, %mul3A_556 : vector<16xf32>
        %swap3A_558 = arith.index_cast %scan3A_416 : i32 to index
        %swap3A_559 = arith.index_cast %mul3A_550 : i32 to index
        %swap3A_560 = tpu.vector_load %arg4[%swap3A_558, %swap3A_559] {strides = array<i32>} : memref<16x1024xf32, #tpu.memory_space<vmem>>, vector<1x16xf32>,
        %swap3A_561 = vector.shape_cast %swap3A_560 : vector<1x16xf32> to vector<16xf32>
        %swap3A_562 = vector.shape_cast %mul3A_557 : vector<16xf32> to vector<1x16xf32>
        tpu.vector_store %arg4[%swap3A_558, %swap3A_559], %swap3A_562 {strides = array<i32>} : memref<16x1024xf32, #tpu.memory_space<vmem>>, vector<1x16xf32>,
        %scan3A_563 = arith.constant 9 : i32
        %scan3A_564 = arith.addi %scan3A_422, %scan3A_563 : i32
        %mul3A_565 = arith.constant 16 : i32
        %mul3A_566 = arith.muli %scan3A_564, %mul3A_565 : i32
        %get3A_567 = arith.index_cast %scan3A_416 : i32 to index
        %get3A_568 = arith.index_cast %mul3A_566 : i32 to index
        %get3A_569 = tpu.vector_load %arg4[%get3A_567, %get3A_568] {strides = array<i32>} : memref<16x1024xf32, #tpu.memory_space<vmem>>, vector<1x16xf32>,
        %get3A_570 = vector.shape_cast %get3A_569 : vector<1x16xf32> to vector<16xf32>
        %mul3A_571 = arith.constant 3.125000e-02 : f32
        %mul3A_572 = vector.broadcast %mul3A_571 : f32 to vector<16xf32>
        %mul3A_573 = arith.mulf %get3A_570, %mul3A_572 : vector<16xf32>
        %swap3A_574 = arith.index_cast %scan3A_416 : i32 to index
        %swap3A_575 = arith.index_cast %mul3A_566 : i32 to index
        %swap3A_576 = tpu.vector_load %arg4[%swap3A_574, %swap3A_575] {strides = array<i32>} : memref<16x1024xf32, #tpu.memory_space<vmem>>, vector<1x16xf32>,
        %swap3A_577 = vector.shape_cast %swap3A_576 : vector<1x16xf32> to vector<16xf32>
        %swap3A_578 = vector.shape_cast %mul3A_573 : vector<16xf32> to vector<1x16xf32>
        tpu.vector_store %arg4[%swap3A_574, %swap3A_575], %swap3A_578 {strides = array<i32>} : memref<16x1024xf32, #tpu.memory_space<vmem>>, vector<1x16xf32>,
        %scan3A_579 = arith.constant 10 : i32
        %scan3A_580 = arith.addi %scan3A_422, %scan3A_579 : i32
        %mul3A_581 = arith.constant 16 : i32
        %mul3A_582 = arith.muli %scan3A_580, %mul3A_581 : i32
        %get3A_583 = arith.index_cast %scan3A_416 : i32 to index
        %get3A_584 = arith.index_cast %mul3A_582 : i32 to index
        %get3A_585 = tpu.vector_load %arg4[%get3A_583, %get3A_584] {strides = array<i32>} : memref<16x1024xf32, #tpu.memory_space<vmem>>, vector<1x16xf32>,
        %get3A_586 = vector.shape_cast %get3A_585 : vector<1x16xf32> to vector<16xf32>
        %mul3A_587 = arith.constant 3.125000e-02 : f32
        %mul3A_588 = vector.broadcast %mul3A_587 : f32 to vector<16xf32>
        %mul3A_589 = arith.mulf %get3A_586, %mul3A_588 : vector<16xf32>
        %swap3A_590 = arith.index_cast %scan3A_416 : i32 to index
        %swap3A_591 = arith.index_cast %mul3A_582 : i32 to index
        %swap3A_592 = tpu.vector_load %arg4[%swap3A_590, %swap3A_591] {strides = array<i32>} : memref<16x1024xf32, #tpu.memory_space<vmem>>, vector<1x16xf32>,
        %swap3A_593 = vector.shape_cast %swap3A_592 : vector<1x16xf32> to vector<16xf32>
        %swap3A_594 = vector.shape_cast %mul3A_589 : vector<16xf32> to vector<1x16xf32>
        tpu.vector_store %arg4[%swap3A_590, %swap3A_591], %swap3A_594 {strides = array<i32>} : memref<16x1024xf32, #tpu.memory_space<vmem>>, vector<1x16xf32>,
        %scan3A_595 = arith.constant 11 : i32
        %scan3A_596 = arith.addi %scan3A_422, %scan3A_595 : i32
        %mul3A_597 = arith.constant 16 : i32
        %mul3A_598 = arith.muli %scan3A_596, %mul3A_597 : i32
        %get3A_599 = arith.index_cast %scan3A_416 : i32 to index
        %get3A_600 = arith.index_cast %mul3A_598 : i32 to index
        %get3A_601 = tpu.vector_load %arg4[%get3A_599, %get3A_600] {strides = array<i32>} : memref<16x1024xf32, #tpu.memory_space<vmem>>, vector<1x16xf32>,
        %get3A_602 = vector.shape_cast %get3A_601 : vector<1x16xf32> to vector<16xf32>
        %mul3A_603 = arith.constant 3.125000e-02 : f32
        %mul3A_604 = vector.broadcast %mul3A_603 : f32 to vector<16xf32>
        %mul3A_605 = arith.mulf %get3A_602, %mul3A_604 : vector<16xf32>
        %swap3A_606 = arith.index_cast %scan3A_416 : i32 to index
        %swap3A_607 = arith.index_cast %mul3A_598 : i32 to index
        %swap3A_608 = tpu.vector_load %arg4[%swap3A_606, %swap3A_607] {strides = array<i32>} : memref<16x1024xf32, #tpu.memory_space<vmem>>, vector<1x16xf32>,
        %swap3A_609 = vector.shape_cast %swap3A_608 : vector<1x16xf32> to vector<16xf32>
        %swap3A_610 = vector.shape_cast %mul3A_605 : vector<16xf32> to vector<1x16xf32>
        tpu.vector_store %arg4[%swap3A_606, %swap3A_607], %swap3A_610 {strides = array<i32>} : memref<16x1024xf32, #tpu.memory_space<vmem>>, vector<1x16xf32>,
        %scan3A_611 = arith.constant 12 : i32
        %scan3A_612 = arith.addi %scan3A_422, %scan3A_611 : i32
        %mul3A_613 = arith.constant 16 : i32
        %mul3A_614 = arith.muli %scan3A_612, %mul3A_613 : i32
        %get3A_615 = arith.index_cast %scan3A_416 : i32 to index
        %get3A_616 = arith.index_cast %mul3A_614 : i32 to index
        %get3A_617 = tpu.vector_load %arg4[%get3A_615, %get3A_616] {strides = array<i32>} : memref<16x1024xf32, #tpu.memory_space<vmem>>, vector<1x16xf32>,
        %get3A_618 = vector.shape_cast %get3A_617 : vector<1x16xf32> to vector<16xf32>
        %mul3A_619 = arith.constant 3.125000e-02 : f32
        %mul3A_620 = vector.broadcast %mul3A_619 : f32 to vector<16xf32>
        %mul3A_621 = arith.mulf %get3A_618, %mul3A_620 : vector<16xf32>
        %swap3A_622 = arith.index_cast %scan3A_416 : i32 to index
        %swap3A_623 = arith.index_cast %mul3A_614 : i32 to index
        %swap3A_624 = tpu.vector_load %arg4[%swap3A_622, %swap3A_623] {strides = array<i32>} : memref<16x1024xf32, #tpu.memory_space<vmem>>, vector<1x16xf32>,
        %swap3A_625 = vector.shape_cast %swap3A_624 : vector<1x16xf32> to vector<16xf32>
        %swap3A_626 = vector.shape_cast %mul3A_621 : vector<16xf32> to vector<1x16xf32>
        tpu.vector_store %arg4[%swap3A_622, %swap3A_623], %swap3A_626 {strides = array<i32>} : memref<16x1024xf32, #tpu.memory_space<vmem>>, vector<1x16xf32>,
        %scan3A_627 = arith.constant 13 : i32
        %scan3A_628 = arith.addi %scan3A_422, %scan3A_627 : i32
        %mul3A_629 = arith.constant 16 : i32
        %mul3A_630 = arith.muli %scan3A_628, %mul3A_629 : i32
        %get3A_631 = arith.index_cast %scan3A_416 : i32 to index
        %get3A_632 = arith.index_cast %mul3A_630 : i32 to index
        %get3A_633 = tpu.vector_load %arg4[%get3A_631, %get3A_632] {strides = array<i32>} : memref<16x1024xf32, #tpu.memory_space<vmem>>, vector<1x16xf32>,
        %get3A_634 = vector.shape_cast %get3A_633 : vector<1x16xf32> to vector<16xf32>
        %mul3A_635 = arith.constant 3.125000e-02 : f32
        %mul3A_636 = vector.broadcast %mul3A_635 : f32 to vector<16xf32>
        %mul3A_637 = arith.mulf %get3A_634, %mul3A_636 : vector<16xf32>
        %swap3A_638 = arith.index_cast %scan3A_416 : i32 to index
        %swap3A_639 = arith.index_cast %mul3A_630 : i32 to index
        %swap3A_640 = tpu.vector_load %arg4[%swap3A_638, %swap3A_639] {strides = array<i32>} : memref<16x1024xf32, #tpu.memory_space<vmem>>, vector<1x16xf32>,
        %swap3A_641 = vector.shape_cast %swap3A_640 : vector<1x16xf32> to vector<16xf32>
        %swap3A_642 = vector.shape_cast %mul3A_637 : vector<16xf32> to vector<1x16xf32>
        tpu.vector_store %arg4[%swap3A_638, %swap3A_639], %swap3A_642 {strides = array<i32>} : memref<16x1024xf32, #tpu.memory_space<vmem>>, vector<1x16xf32>,
        %scan3A_643 = arith.constant 14 : i32
        %scan3A_644 = arith.addi %scan3A_422, %scan3A_643 : i32
        %mul3A_645 = arith.constant 16 : i32
        %mul3A_646 = arith.muli %scan3A_644, %mul3A_645 : i32
        %get3A_647 = arith.index_cast %scan3A_416 : i32 to index
        %get3A_648 = arith.index_cast %mul3A_646 : i32 to index
        %get3A_649 = tpu.vector_load %arg4[%get3A_647, %get3A_648] {strides = array<i32>} : memref<16x1024xf32, #tpu.memory_space<vmem>>, vector<1x16xf32>,
        %get3A_650 = vector.shape_cast %get3A_649 : vector<1x16xf32> to vector<16xf32>
        %mul3A_651 = arith.constant 3.125000e-02 : f32
        %mul3A_652 = vector.broadcast %mul3A_651 : f32 to vector<16xf32>
        %mul3A_653 = arith.mulf %get3A_650, %mul3A_652 : vector<16xf32>
        %swap3A_654 = arith.index_cast %scan3A_416 : i32 to index
        %swap3A_655 = arith.index_cast %mul3A_646 : i32 to index
        %swap3A_656 = tpu.vector_load %arg4[%swap3A_654, %swap3A_655] {strides = array<i32>} : memref<16x1024xf32, #tpu.memory_space<vmem>>, vector<1x16xf32>,
        %swap3A_657 = vector.shape_cast %swap3A_656 : vector<1x16xf32> to vector<16xf32>
        %swap3A_658 = vector.shape_cast %mul3A_653 : vector<16xf32> to vector<1x16xf32>
        tpu.vector_store %arg4[%swap3A_654, %swap3A_655], %swap3A_658 {strides = array<i32>} : memref<16x1024xf32, #tpu.memory_space<vmem>>, vector<1x16xf32>,
        %scan3A_659 = arith.constant 15 : i32
        %scan3A_660 = arith.addi %scan3A_422, %scan3A_659 : i32
        %mul3A_661 = arith.constant 16 : i32
        %mul3A_662 = arith.muli %scan3A_660, %mul3A_661 : i32
        %get3A_663 = arith.index_cast %scan3A_416 : i32 to index
        %get3A_664 = arith.index_cast %mul3A_662 : i32 to index
        %get3A_665 = tpu.vector_load %arg4[%get3A_663, %get3A_664] {strides = array<i32>} : memref<16x1024xf32, #tpu.memory_space<vmem>>, vector<1x16xf32>,
        %get3A_666 = vector.shape_cast %get3A_665 : vector<1x16xf32> to vector<16xf32>
        %mul3A_667 = arith.constant 3.125000e-02 : f32
        %mul3A_668 = vector.broadcast %mul3A_667 : f32 to vector<16xf32>
        %mul3A_669 = arith.mulf %get3A_666, %mul3A_668 : vector<16xf32>
        %swap3A_670 = arith.index_cast %scan3A_416 : i32 to index
        %swap3A_671 = arith.index_cast %mul3A_662 : i32 to index
        %swap3A_672 = tpu.vector_load %arg4[%swap3A_670, %swap3A_671] {strides = array<i32>} : memref<16x1024xf32, #tpu.memory_space<vmem>>, vector<1x16xf32>,
        %swap3A_673 = vector.shape_cast %swap3A_672 : vector<1x16xf32> to vector<16xf32>
        %swap3A_674 = vector.shape_cast %mul3A_669 : vector<16xf32> to vector<1x16xf32>
        tpu.vector_store %arg4[%swap3A_670, %swap3A_671], %swap3A_674 {strides = array<i32>} : memref<16x1024xf32, #tpu.memory_space<vmem>>, vector<1x16xf32>,
      }
      %scan3A_421 = arith.constant 64 : i32
    }
    %scan3A_33 = arith.constant 16 : i32
    %add3A_34 = arith.constant 0 : i32
    %add3A_35 = arith.addi %mul3A_2, %add3A_34 : i32
    %dma_start3A_36 = arith.constant 0 : i32
    %dma_start3A_37 = tpu.memref_slice %arg3[%add3A_35, %dma_start3A_36] : memref<8192x1024xf32, #tpu.memory_space<hbm>> -> memref<16x1024xf32, #tpu.memory_space<hbm>>
    %dma_start3A_38 = arith.constant 0 : i32
    %dma_start3A_39 = tpu.memref_slice %arg3[%add3A_35, %dma_start3A_38] : memref<8192x1024xf32, #tpu.memory_space<hbm>> -> memref<16x1024xf32, #tpu.memory_space<hbm>>
    tpu.enqueue_dma source(%arg4 : memref<16x1024xf32, #tpu.memory_space<vmem>>) target(%dma_start3A_39 : memref<16x1024xf32, #tpu.memory_space<hbm>>) target_semaphore(%arg18 : memref<!tpu.dma_semaphore, #tpu.memory_space<semaphore_mem>>)
    %add3A_40 = arith.constant 64 : i32
    %add3A_41 = arith.addi %mul3A_2, %add3A_40 : i32
    %dma_start3A_42 = arith.constant 0 : i32
    %dma_start3A_43 = tpu.memref_slice %arg2[%add3A_41, %dma_start3A_42] : memref<8192x1024xf32, #tpu.memory_space<hbm>> -> memref<16x1024xf32, #tpu.memory_space<hbm>>
    %dma_start3A_44 = arith.constant 0 : i32
    %dma_start3A_45 = tpu.memref_slice %arg2[%add3A_41, %dma_start3A_44] : memref<8192x1024xf32, #tpu.memory_space<hbm>> -> memref<16x1024xf32, #tpu.memory_space<hbm>>
    tpu.enqueue_dma source(%dma_start3A_45 : memref<16x1024xf32, #tpu.memory_space<hbm>>) target(%arg8 : memref<16x1024xf32, #tpu.memory_space<vmem>>) target_semaphore(%arg15 : memref<!tpu.dma_semaphore, #tpu.memory_space<semaphore_mem>>)
    %dma_wait3A_46 = arith.constant 0 : i32
    %dma_wait3A_47 = tpu.memref_slice %arg2[%add3A_9, %dma_wait3A_46] : memref<8192x1024xf32, #tpu.memory_space<hbm>> -> memref<16x1024xf32, #tpu.memory_space<hbm>>
    %dma_wait3A_48 = arith.constant 0 : i32
    %dma_wait3A_49 = tpu.memref_slice %arg2[%add3A_9, %dma_wait3A_48] : memref<8192x1024xf32, #tpu.memory_space<hbm>> -> memref<16x1024xf32, #tpu.memory_space<hbm>>
    tpu.wait_dma2 semaphore(%arg12 : memref<!tpu.dma_semaphore, #tpu.memory_space<semaphore_mem>>) src(%dma_wait3A_49 : memref<16x1024xf32, #tpu.memory_space<hbm>>) dst(%arg5 : memref<16x1024xf32, #tpu.memory_space<vmem>>)
    %scan3A_50 = arith.constant 0 : i32
    %scan3A_51 = arith.constant 0 : i32
    %scan3A_52 = arith.constant 16 : i32
    %scan3A_53 = arith.addi %scan3A_51, %scan3A_52 : i32
    %scan3A_54 = arith.constant 1 : i32
    scf.for %scan3A_416 = %scan3A_51 to %scan3A_53 step %scan3A_54  : i32 {
      %scan3A_417 = arith.constant 0 : i32
      %scan3A_418 = arith.constant 64 : i32
      %scan3A_419 = arith.addi %scan3A_417, %scan3A_418 : i32
      %scan3A_420 = arith.constant 16 : i32
      scf.for %scan3A_422 = %scan3A_417 to %scan3A_419 step %scan3A_420  : i32 {
        %mul3A_423 = arith.constant 16 : i32
        %mul3A_424 = arith.muli %scan3A_422, %mul3A_423 : i32
        %get3A = arith.index_cast %scan3A_416 : i32 to index
        %get3A_425 = arith.index_cast %mul3A_424 : i32 to index
        %get3A_426 = tpu.vector_load %arg5[%get3A, %get3A_425] {strides = array<i32>} : memref<16x1024xf32, #tpu.memory_space<vmem>>, vector<1x16xf32>,
        %get3A_427 = vector.shape_cast %get3A_426 : vector<1x16xf32> to vector<16xf32>
        %mul3A_428 = arith.constant 3.125000e-02 : f32
        %mul3A_429 = vector.broadcast %mul3A_428 : f32 to vector<16xf32>
        %mul3A_430 = arith.mulf %get3A_427, %mul3A_429 : vector<16xf32>
        %swap3A = arith.index_cast %scan3A_416 : i32 to index
        %swap3A_431 = arith.index_cast %mul3A_424 : i32 to index
        %swap3A_432 = tpu.vector_load %arg5[%swap3A, %swap3A_431] {strides = array<i32>} : memref<16x1024xf32, #tpu.memory_space<vmem>>, vector<1x16xf32>,
        %swap3A_433 = vector.shape_cast %swap3A_432 : vector<1x16xf32> to vector<16xf32>
        %swap3A_434 = vector.shape_cast %mul3A_430 : vector<16xf32> to vector<1x16xf32>
        tpu.vector_store %arg5[%swap3A, %swap3A_431], %swap3A_434 {strides = array<i32>} : memref<16x1024xf32, #tpu.memory_space<vmem>>, vector<1x16xf32>,
        %scan3A_435 = arith.constant 1 : i32
        %scan3A_436 = arith.addi %scan3A_422, %scan3A_435 : i32
        %mul3A_437 = arith.constant 16 : i32
        %mul3A_438 = arith.muli %scan3A_436, %mul3A_437 : i32
        %get3A_439 = arith.index_cast %scan3A_416 : i32 to index
        %get3A_440 = arith.index_cast %mul3A_438 : i32 to index
        %get3A_441 = tpu.vector_load %arg5[%get3A_439, %get3A_440] {strides = array<i32>} : memref<16x1024xf32, #tpu.memory_space<vmem>>, vector<1x16xf32>,
        %get3A_442 = vector.shape_cast %get3A_441 : vector<1x16xf32> to vector<16xf32>
        %mul3A_443 = arith.constant 3.125000e-02 : f32
        %mul3A_444 = vector.broadcast %mul3A_443 : f32 to vector<16xf32>
        %mul3A_445 = arith.mulf %get3A_442, %mul3A_444 : vector<16xf32>
        %swap3A_446 = arith.index_cast %scan3A_416 : i32 to index
        %swap3A_447 = arith.index_cast %mul3A_438 : i32 to index
        %swap3A_448 = tpu.vector_load %arg5[%swap3A_446, %swap3A_447] {strides = array<i32>} : memref<16x1024xf32, #tpu.memory_space<vmem>>, vector<1x16xf32>,
        %swap3A_449 = vector.shape_cast %swap3A_448 : vector<1x16xf32> to vector<16xf32>
        %swap3A_450 = vector.shape_cast %mul3A_445 : vector<16xf32> to vector<1x16xf32>
        tpu.vector_store %arg5[%swap3A_446, %swap3A_447], %swap3A_450 {strides = array<i32>} : memref<16x1024xf32, #tpu.memory_space<vmem>>, vector<1x16xf32>,
        %scan3A_451 = arith.constant 2 : i32
        %scan3A_452 = arith.addi %scan3A_422, %scan3A_451 : i32
        %mul3A_453 = arith.constant 16 : i32
        %mul3A_454 = arith.muli %scan3A_452, %mul3A_453 : i32
        %get3A_455 = arith.index_cast %scan3A_416 : i32 to index
        %get3A_456 = arith.index_cast %mul3A_454 : i32 to index
        %get3A_457 = tpu.vector_load %arg5[%get3A_455, %get3A_456] {strides = array<i32>} : memref<16x1024xf32, #tpu.memory_space<vmem>>, vector<1x16xf32>,
        %get3A_458 = vector.shape_cast %get3A_457 : vector<1x16xf32> to vector<16xf32>
        %mul3A_459 = arith.constant 3.125000e-02 : f32
        %mul3A_460 = vector.broadcast %mul3A_459 : f32 to vector<16xf32>
        %mul3A_461 = arith.mulf %get3A_458, %mul3A_460 : vector<16xf32>
        %swap3A_462 = arith.index_cast %scan3A_416 : i32 to index
        %swap3A_463 = arith.index_cast %mul3A_454 : i32 to index
        %swap3A_464 = tpu.vector_load %arg5[%swap3A_462, %swap3A_463] {strides = array<i32>} : memref<16x1024xf32, #tpu.memory_space<vmem>>, vector<1x16xf32>,
        %swap3A_465 = vector.shape_cast %swap3A_464 : vector<1x16xf32> to vector<16xf32>
        %swap3A_466 = vector.shape_cast %mul3A_461 : vector<16xf32> to vector<1x16xf32>
        tpu.vector_store %arg5[%swap3A_462, %swap3A_463], %swap3A_466 {strides = array<i32>} : memref<16x1024xf32, #tpu.memory_space<vmem>>, vector<1x16xf32>,
        %scan3A_467 = arith.constant 3 : i32
        %scan3A_468 = arith.addi %scan3A_422, %scan3A_467 : i32
        %mul3A_469 = arith.constant 16 : i32
        %mul3A_470 = arith.muli %scan3A_468, %mul3A_469 : i32
        %get3A_471 = arith.index_cast %scan3A_416 : i32 to index
        %get3A_472 = arith.index_cast %mul3A_470 : i32 to index
        %get3A_473 = tpu.vector_load %arg5[%get3A_471, %get3A_472] {strides = array<i32>} : memref<16x1024xf32, #tpu.memory_space<vmem>>, vector<1x16xf32>,
        %get3A_474 = vector.shape_cast %get3A_473 : vector<1x16xf32> to vector<16xf32>
        %mul3A_475 = arith.constant 3.125000e-02 : f32
        %mul3A_476 = vector.broadcast %mul3A_475 : f32 to vector<16xf32>
        %mul3A_477 = arith.mulf %get3A_474, %mul3A_476 : vector<16xf32>
        %swap3A_478 = arith.index_cast %scan3A_416 : i32 to index
        %swap3A_479 = arith.index_cast %mul3A_470 : i32 to index
        %swap3A_480 = tpu.vector_load %arg5[%swap3A_478, %swap3A_479] {strides = array<i32>} : memref<16x1024xf32, #tpu.memory_space<vmem>>, vector<1x16xf32>,
        %swap3A_481 = vector.shape_cast %swap3A_480 : vector<1x16xf32> to vector<16xf32>
        %swap3A_482 = vector.shape_cast %mul3A_477 : vector<16xf32> to vector<1x16xf32>
        tpu.vector_store %arg5[%swap3A_478, %swap3A_479], %swap3A_482 {strides = array<i32>} : memref<16x1024xf32, #tpu.memory_space<vmem>>, vector<1x16xf32>,
        %scan3A_483 = arith.constant 4 : i32
        %scan3A_484 = arith.addi %scan3A_422, %scan3A_483 : i32
        %mul3A_485 = arith.constant 16 : i32
        %mul3A_486 = arith.muli %scan3A_484, %mul3A_485 : i32
        %get3A_487 = arith.index_cast %scan3A_416 : i32 to index
        %get3A_488 = arith.index_cast %mul3A_486 : i32 to index
        %get3A_489 = tpu.vector_load %arg5[%get3A_487, %get3A_488] {strides = array<i32>} : memref<16x1024xf32, #tpu.memory_space<vmem>>, vector<1x16xf32>,
        %get3A_490 = vector.shape_cast %get3A_489 : vector<1x16xf32> to vector<16xf32>
        %mul3A_491 = arith.constant 3.125000e-02 : f32
        %mul3A_492 = vector.broadcast %mul3A_491 : f32 to vector<16xf32>
        %mul3A_493 = arith.mulf %get3A_490, %mul3A_492 : vector<16xf32>
        %swap3A_494 = arith.index_cast %scan3A_416 : i32 to index
        %swap3A_495 = arith.index_cast %mul3A_486 : i32 to index
        %swap3A_496 = tpu.vector_load %arg5[%swap3A_494, %swap3A_495] {strides = array<i32>} : memref<16x1024xf32, #tpu.memory_space<vmem>>, vector<1x16xf32>,
        %swap3A_497 = vector.shape_cast %swap3A_496 : vector<1x16xf32> to vector<16xf32>
        %swap3A_498 = vector.shape_cast %mul3A_493 : vector<16xf32> to vector<1x16xf32>
        tpu.vector_store %arg5[%swap3A_494, %swap3A_495], %swap3A_498 {strides = array<i32>} : memref<16x1024xf32, #tpu.memory_space<vmem>>, vector<1x16xf32>,
        %scan3A_499 = arith.constant 5 : i32
        %scan3A_500 = arith.addi %scan3A_422, %scan3A_499 : i32
        %mul3A_501 = arith.constant 16 : i32
        %mul3A_502 = arith.muli %scan3A_500, %mul3A_501 : i32
        %get3A_503 = arith.index_cast %scan3A_416 : i32 to index
        %get3A_504 = arith.index_cast %mul3A_502 : i32 to index
        %get3A_505 = tpu.vector_load %arg5[%get3A_503, %get3A_504] {strides = array<i32>} : memref<16x1024xf32, #tpu.memory_space<vmem>>, vector<1x16xf32>,
        %get3A_506 = vector.shape_cast %get3A_505 : vector<1x16xf32> to vector<16xf32>
        %mul3A_507 = arith.constant 3.125000e-02 : f32
        %mul3A_508 = vector.broadcast %mul3A_507 : f32 to vector<16xf32>
        %mul3A_509 = arith.mulf %get3A_506, %mul3A_508 : vector<16xf32>
        %swap3A_510 = arith.index_cast %scan3A_416 : i32 to index
        %swap3A_511 = arith.index_cast %mul3A_502 : i32 to index
        %swap3A_512 = tpu.vector_load %arg5[%swap3A_510, %swap3A_511] {strides = array<i32>} : memref<16x1024xf32, #tpu.memory_space<vmem>>, vector<1x16xf32>,
        %swap3A_513 = vector.shape_cast %swap3A_512 : vector<1x16xf32> to vector<16xf32>
        %swap3A_514 = vector.shape_cast %mul3A_509 : vector<16xf32> to vector<1x16xf32>
        tpu.vector_store %arg5[%swap3A_510, %swap3A_511], %swap3A_514 {strides = array<i32>} : memref<16x1024xf32, #tpu.memory_space<vmem>>, vector<1x16xf32>,
        %scan3A_515 = arith.constant 6 : i32
        %scan3A_516 = arith.addi %scan3A_422, %scan3A_515 : i32
        %mul3A_517 = arith.constant 16 : i32
        %mul3A_518 = arith.muli %scan3A_516, %mul3A_517 : i32
        %get3A_519 = arith.index_cast %scan3A_416 : i32 to index
        %get3A_520 = arith.index_cast %mul3A_518 : i32 to index
        %get3A_521 = tpu.vector_load %arg5[%get3A_519, %get3A_520] {strides = array<i32>} : memref<16x1024xf32, #tpu.memory_space<vmem>>, vector<1x16xf32>,
        %get3A_522 = vector.shape_cast %get3A_521 : vector<1x16xf32> to vector<16xf32>
        %mul3A_523 = arith.constant 3.125000e-02 : f32
        %mul3A_524 = vector.broadcast %mul3A_523 : f32 to vector<16xf32>
        %mul3A_525 = arith.mulf %get3A_522, %mul3A_524 : vector<16xf32>
        %swap3A_526 = arith.index_cast %scan3A_416 : i32 to index
        %swap3A_527 = arith.index_cast %mul3A_518 : i32 to index
        %swap3A_528 = tpu.vector_load %arg5[%swap3A_526, %swap3A_527] {strides = array<i32>} : memref<16x1024xf32, #tpu.memory_space<vmem>>, vector<1x16xf32>,
        %swap3A_529 = vector.shape_cast %swap3A_528 : vector<1x16xf32> to vector<16xf32>
        %swap3A_530 = vector.shape_cast %mul3A_525 : vector<16xf32> to vector<1x16xf32>
        tpu.vector_store %arg5[%swap3A_526, %swap3A_527], %swap3A_530 {strides = array<i32>} : memref<16x1024xf32, #tpu.memory_space<vmem>>, vector<1x16xf32>,
        %scan3A_531 = arith.constant 7 : i32
        %scan3A_532 = arith.addi %scan3A_422, %scan3A_531 : i32
        %mul3A_533 = arith.constant 16 : i32
        %mul3A_534 = arith.muli %scan3A_532, %mul3A_533 : i32
        %get3A_535 = arith.index_cast %scan3A_416 : i32 to index
        %get3A_536 = arith.index_cast %mul3A_534 : i32 to index
        %get3A_537 = tpu.vector_load %arg5[%get3A_535, %get3A_536] {strides = array<i32>} : memref<16x1024xf32, #tpu.memory_space<vmem>>, vector<1x16xf32>,
        %get3A_538 = vector.shape_cast %get3A_537 : vector<1x16xf32> to vector<16xf32>
        %mul3A_539 = arith.constant 3.125000e-02 : f32
        %mul3A_540 = vector.broadcast %mul3A_539 : f32 to vector<16xf32>
        %mul3A_541 = arith.mulf %get3A_538, %mul3A_540 : vector<16xf32>
        %swap3A_542 = arith.index_cast %scan3A_416 : i32 to index
        %swap3A_543 = arith.index_cast %mul3A_534 : i32 to index
        %swap3A_544 = tpu.vector_load %arg5[%swap3A_542, %swap3A_543] {strides = array<i32>} : memref<16x1024xf32, #tpu.memory_space<vmem>>, vector<1x16xf32>,
        %swap3A_545 = vector.shape_cast %swap3A_544 : vector<1x16xf32> to vector<16xf32>
        %swap3A_546 = vector.shape_cast %mul3A_541 : vector<16xf32> to vector<1x16xf32>
        tpu.vector_store %arg5[%swap3A_542, %swap3A_543], %swap3A_546 {strides = array<i32>} : memref<16x1024xf32, #tpu.memory_space<vmem>>, vector<1x16xf32>,
        %scan3A_547 = arith.constant 8 : i32
        %scan3A_548 = arith.addi %scan3A_422, %scan3A_547 : i32
        %mul3A_549 = arith.constant 16 : i32
        %mul3A_550 = arith.muli %scan3A_548, %mul3A_549 : i32
        %get3A_551 = arith.index_cast %scan3A_416 : i32 to index
        %get3A_552 = arith.index_cast %mul3A_550 : i32 to index
        %get3A_553 = tpu.vector_load %arg5[%get3A_551, %get3A_552] {strides = array<i32>} : memref<16x1024xf32, #tpu.memory_space<vmem>>, vector<1x16xf32>,
        %get3A_554 = vector.shape_cast %get3A_553 : vector<1x16xf32> to vector<16xf32>
        %mul3A_555 = arith.constant 3.125000e-02 : f32
        %mul3A_556 = vector.broadcast %mul3A_555 : f32 to vector<16xf32>
        %mul3A_557 = arith.mulf %get3A_554, %mul3A_556 : vector<16xf32>
        %swap3A_558 = arith.index_cast %scan3A_416 : i32 to index
        %swap3A_559 = arith.index_cast %mul3A_550 : i32 to index
        %swap3A_560 = tpu.vector_load %arg5[%swap3A_558, %swap3A_559] {strides = array<i32>} : memref<16x1024xf32, #tpu.memory_space<vmem>>, vector<1x16xf32>,
        %swap3A_561 = vector.shape_cast %swap3A_560 : vector<1x16xf32> to vector<16xf32>
        %swap3A_562 = vector.shape_cast %mul3A_557 : vector<16xf32> to vector<1x16xf32>
        tpu.vector_store %arg5[%swap3A_558, %swap3A_559], %swap3A_562 {strides = array<i32>} : memref<16x1024xf32, #tpu.memory_space<vmem>>, vector<1x16xf32>,
        %scan3A_563 = arith.constant 9 : i32
        %scan3A_564 = arith.addi %scan3A_422, %scan3A_563 : i32
        %mul3A_565 = arith.constant 16 : i32
        %mul3A_566 = arith.muli %scan3A_564, %mul3A_565 : i32
        %get3A_567 = arith.index_cast %scan3A_416 : i32 to index
        %get3A_568 = arith.index_cast %mul3A_566 : i32 to index
        %get3A_569 = tpu.vector_load %arg5[%get3A_567, %get3A_568] {strides = array<i32>} : memref<16x1024xf32, #tpu.memory_space<vmem>>, vector<1x16xf32>,
        %get3A_570 = vector.shape_cast %get3A_569 : vector<1x16xf32> to vector<16xf32>
        %mul3A_571 = arith.constant 3.125000e-02 : f32
        %mul3A_572 = vector.broadcast %mul3A_571 : f32 to vector<16xf32>
        %mul3A_573 = arith.mulf %get3A_570, %mul3A_572 : vector<16xf32>
        %swap3A_574 = arith.index_cast %scan3A_416 : i32 to index
        %swap3A_575 = arith.index_cast %mul3A_566 : i32 to index
        %swap3A_576 = tpu.vector_load %arg5[%swap3A_574, %swap3A_575] {strides = array<i32>} : memref<16x1024xf32, #tpu.memory_space<vmem>>, vector<1x16xf32>,
        %swap3A_577 = vector.shape_cast %swap3A_576 : vector<1x16xf32> to vector<16xf32>
        %swap3A_578 = vector.shape_cast %mul3A_573 : vector<16xf32> to vector<1x16xf32>
        tpu.vector_store %arg5[%swap3A_574, %swap3A_575], %swap3A_578 {strides = array<i32>} : memref<16x1024xf32, #tpu.memory_space<vmem>>, vector<1x16xf32>,
        %scan3A_579 = arith.constant 10 : i32
        %scan3A_580 = arith.addi %scan3A_422, %scan3A_579 : i32
        %mul3A_581 = arith.constant 16 : i32
        %mul3A_582 = arith.muli %scan3A_580, %mul3A_581 : i32
        %get3A_583 = arith.index_cast %scan3A_416 : i32 to index
        %get3A_584 = arith.index_cast %mul3A_582 : i32 to index
        %get3A_585 = tpu.vector_load %arg5[%get3A_583, %get3A_584] {strides = array<i32>} : memref<16x1024xf32, #tpu.memory_space<vmem>>, vector<1x16xf32>,
        %get3A_586 = vector.shape_cast %get3A_585 : vector<1x16xf32> to vector<16xf32>
        %mul3A_587 = arith.constant 3.125000e-02 : f32
        %mul3A_588 = vector.broadcast %mul3A_587 : f32 to vector<16xf32>
        %mul3A_589 = arith.mulf %get3A_586, %mul3A_588 : vector<16xf32>
        %swap3A_590 = arith.index_cast %scan3A_416 : i32 to index
        %swap3A_591 = arith.index_cast %mul3A_582 : i32 to index
        %swap3A_592 = tpu.vector_load %arg5[%swap3A_590, %swap3A_591] {strides = array<i32>} : memref<16x1024xf32, #tpu.memory_space<vmem>>, vector<1x16xf32>,
        %swap3A_593 = vector.shape_cast %swap3A_592 : vector<1x16xf32> to vector<16xf32>
        %swap3A_594 = vector.shape_cast %mul3A_589 : vector<16xf32> to vector<1x16xf32>
        tpu.vector_store %arg5[%swap3A_590, %swap3A_591], %swap3A_594 {strides = array<i32>} : memref<16x1024xf32, #tpu.memory_space<vmem>>, vector<1x16xf32>,
        %scan3A_595 = arith.constant 11 : i32
        %scan3A_596 = arith.addi %scan3A_422, %scan3A_595 : i32
        %mul3A_597 = arith.constant 16 : i32
        %mul3A_598 = arith.muli %scan3A_596, %mul3A_597 : i32
        %get3A_599 = arith.index_cast %scan3A_416 : i32 to index
        %get3A_600 = arith.index_cast %mul3A_598 : i32 to index
        %get3A_601 = tpu.vector_load %arg5[%get3A_599, %get3A_600] {strides = array<i32>} : memref<16x1024xf32, #tpu.memory_space<vmem>>, vector<1x16xf32>,
        %get3A_602 = vector.shape_cast %get3A_601 : vector<1x16xf32> to vector<16xf32>
        %mul3A_603 = arith.constant 3.125000e-02 : f32
        %mul3A_604 = vector.broadcast %mul3A_603 : f32 to vector<16xf32>
        %mul3A_605 = arith.mulf %get3A_602, %mul3A_604 : vector<16xf32>
        %swap3A_606 = arith.index_cast %scan3A_416 : i32 to index
        %swap3A_607 = arith.index_cast %mul3A_598 : i32 to index
        %swap3A_608 = tpu.vector_load %arg5[%swap3A_606, %swap3A_607] {strides = array<i32>} : memref<16x1024xf32, #tpu.memory_space<vmem>>, vector<1x16xf32>,
        %swap3A_609 = vector.shape_cast %swap3A_608 : vector<1x16xf32> to vector<16xf32>
        %swap3A_610 = vector.shape_cast %mul3A_605 : vector<16xf32> to vector<1x16xf32>
        tpu.vector_store %arg5[%swap3A_606, %swap3A_607], %swap3A_610 {strides = array<i32>} : memref<16x1024xf32, #tpu.memory_space<vmem>>, vector<1x16xf32>,
        %scan3A_611 = arith.constant 12 : i32
        %scan3A_612 = arith.addi %scan3A_422, %scan3A_611 : i32
        %mul3A_613 = arith.constant 16 : i32
        %mul3A_614 = arith.muli %scan3A_612, %mul3A_613 : i32
        %get3A_615 = arith.index_cast %scan3A_416 : i32 to index
        %get3A_616 = arith.index_cast %mul3A_614 : i32 to index
        %get3A_617 = tpu.vector_load %arg5[%get3A_615, %get3A_616] {strides = array<i32>} : memref<16x1024xf32, #tpu.memory_space<vmem>>, vector<1x16xf32>,
        %get3A_618 = vector.shape_cast %get3A_617 : vector<1x16xf32> to vector<16xf32>
        %mul3A_619 = arith.constant 3.125000e-02 : f32
        %mul3A_620 = vector.broadcast %mul3A_619 : f32 to vector<16xf32>
        %mul3A_621 = arith.mulf %get3A_618, %mul3A_620 : vector<16xf32>
        %swap3A_622 = arith.index_cast %scan3A_416 : i32 to index
        %swap3A_623 = arith.index_cast %mul3A_614 : i32 to index
        %swap3A_624 = tpu.vector_load %arg5[%swap3A_622, %swap3A_623] {strides = array<i32>} : memref<16x1024xf32, #tpu.memory_space<vmem>>, vector<1x16xf32>,
        %swap3A_625 = vector.shape_cast %swap3A_624 : vector<1x16xf32> to vector<16xf32>
        %swap3A_626 = vector.shape_cast %mul3A_621 : vector<16xf32> to vector<1x16xf32>
        tpu.vector_store %arg5[%swap3A_622, %swap3A_623], %swap3A_626 {strides = array<i32>} : memref<16x1024xf32, #tpu.memory_space<vmem>>, vector<1x16xf32>,
        %scan3A_627 = arith.constant 13 : i32
        %scan3A_628 = arith.addi %scan3A_422, %scan3A_627 : i32
        %mul3A_629 = arith.constant 16 : i32
        %mul3A_630 = arith.muli %scan3A_628, %mul3A_629 : i32
        %get3A_631 = arith.index_cast %scan3A_416 : i32 to index
        %get3A_632 = arith.index_cast %mul3A_630 : i32 to index
        %get3A_633 = tpu.vector_load %arg5[%get3A_631, %get3A_632] {strides = array<i32>} : memref<16x1024xf32, #tpu.memory_space<vmem>>, vector<1x16xf32>,
        %get3A_634 = vector.shape_cast %get3A_633 : vector<1x16xf32> to vector<16xf32>
        %mul3A_635 = arith.constant 3.125000e-02 : f32
        %mul3A_636 = vector.broadcast %mul3A_635 : f32 to vector<16xf32>
        %mul3A_637 = arith.mulf %get3A_634, %mul3A_636 : vector<16xf32>
        %swap3A_638 = arith.index_cast %scan3A_416 : i32 to index
        %swap3A_639 = arith.index_cast %mul3A_630 : i32 to index
        %swap3A_640 = tpu.vector_load %arg5[%swap3A_638, %swap3A_639] {strides = array<i32>} : memref<16x1024xf32, #tpu.memory_space<vmem>>, vector<1x16xf32>,
        %swap3A_641 = vector.shape_cast %swap3A_640 : vector<1x16xf32> to vector<16xf32>
        %swap3A_642 = vector.shape_cast %mul3A_637 : vector<16xf32> to vector<1x16xf32>
        tpu.vector_store %arg5[%swap3A_638, %swap3A_639], %swap3A_642 {strides = array<i32>} : memref<16x1024xf32, #tpu.memory_space<vmem>>, vector<1x16xf32>,
        %scan3A_643 = arith.constant 14 : i32
        %scan3A_644 = arith.addi %scan3A_422, %scan3A_643 : i32
        %mul3A_645 = arith.constant 16 : i32
        %mul3A_646 = arith.muli %scan3A_644, %mul3A_645 : i32
        %get3A_647 = arith.index_cast %scan3A_416 : i32 to index
        %get3A_648 = arith.index_cast %mul3A_646 : i32 to index
        %get3A_649 = tpu.vector_load %arg5[%get3A_647, %get3A_648] {strides = array<i32>} : memref<16x1024xf32, #tpu.memory_space<vmem>>, vector<1x16xf32>,
        %get3A_650 = vector.shape_cast %get3A_649 : vector<1x16xf32> to vector<16xf32>
        %mul3A_651 = arith.constant 3.125000e-02 : f32
        %mul3A_652 = vector.broadcast %mul3A_651 : f32 to vector<16xf32>
        %mul3A_653 = arith.mulf %get3A_650, %mul3A_652 : vector<16xf32>
        %swap3A_654 = arith.index_cast %scan3A_416 : i32 to index
        %swap3A_655 = arith.index_cast %mul3A_646 : i32 to index
        %swap3A_656 = tpu.vector_load %arg5[%swap3A_654, %swap3A_655] {strides = array<i32>} : memref<16x1024xf32, #tpu.memory_space<vmem>>, vector<1x16xf32>,
        %swap3A_657 = vector.shape_cast %swap3A_656 : vector<1x16xf32> to vector<16xf32>
        %swap3A_658 = vector.shape_cast %mul3A_653 : vector<16xf32> to vector<1x16xf32>
        tpu.vector_store %arg5[%swap3A_654, %swap3A_655], %swap3A_658 {strides = array<i32>} : memref<16x1024xf32, #tpu.memory_space<vmem>>, vector<1x16xf32>,
        %scan3A_659 = arith.constant 15 : i32
        %scan3A_660 = arith.addi %scan3A_422, %scan3A_659 : i32
        %mul3A_661 = arith.constant 16 : i32
        %mul3A_662 = arith.muli %scan3A_660, %mul3A_661 : i32
        %get3A_663 = arith.index_cast %scan3A_416 : i32 to index
        %get3A_664 = arith.index_cast %mul3A_662 : i32 to index
        %get3A_665 = tpu.vector_load %arg5[%get3A_663, %get3A_664] {strides = array<i32>} : memref<16x1024xf32, #tpu.memory_space<vmem>>, vector<1x16xf32>,
        %get3A_666 = vector.shape_cast %get3A_665 : vector<1x16xf32> to vector<16xf32>
        %mul3A_667 = arith.constant 3.125000e-02 : f32
        %mul3A_668 = vector.broadcast %mul3A_667 : f32 to vector<16xf32>
        %mul3A_669 = arith.mulf %get3A_666, %mul3A_668 : vector<16xf32>
        %swap3A_670 = arith.index_cast %scan3A_416 : i32 to index
        %swap3A_671 = arith.index_cast %mul3A_662 : i32 to index
        %swap3A_672 = tpu.vector_load %arg5[%swap3A_670, %swap3A_671] {strides = array<i32>} : memref<16x1024xf32, #tpu.memory_space<vmem>>, vector<1x16xf32>,
        %swap3A_673 = vector.shape_cast %swap3A_672 : vector<1x16xf32> to vector<16xf32>
        %swap3A_674 = vector.shape_cast %mul3A_669 : vector<16xf32> to vector<1x16xf32>
        tpu.vector_store %arg5[%swap3A_670, %swap3A_671], %swap3A_674 {strides = array<i32>} : memref<16x1024xf32, #tpu.memory_space<vmem>>, vector<1x16xf32>,
      }
      %scan3A_421 = arith.constant 64 : i32
    }
    %scan3A_55 = arith.constant 16 : i32
    %add3A_56 = arith.constant 16 : i32
    %add3A_57 = arith.addi %mul3A_2, %add3A_56 : i32
    %dma_start3A_58 = arith.constant 0 : i32
    %dma_start3A_59 = tpu.memref_slice %arg3[%add3A_57, %dma_start3A_58] : memref<8192x1024xf32, #tpu.memory_space<hbm>> -> memref<16x1024xf32, #tpu.memory_space<hbm>>
    %dma_start3A_60 = arith.constant 0 : i32
    %dma_start3A_61 = tpu.memref_slice %arg3[%add3A_57, %dma_start3A_60] : memref<8192x1024xf32, #tpu.memory_space<hbm>> -> memref<16x1024xf32, #tpu.memory_space<hbm>>
    tpu.enqueue_dma source(%arg5 : memref<16x1024xf32, #tpu.memory_space<vmem>>) target(%dma_start3A_61 : memref<16x1024xf32, #tpu.memory_space<hbm>>) target_semaphore(%arg19 : memref<!tpu.dma_semaphore, #tpu.memory_space<semaphore_mem>>)
    %add3A_62 = arith.constant 80 : i32
    %add3A_63 = arith.addi %mul3A_2, %add3A_62 : i32
    %dma_start3A_64 = arith.constant 0 : i32
    %dma_start3A_65 = tpu.memref_slice %arg2[%add3A_63, %dma_start3A_64] : memref<8192x1024xf32, #tpu.memory_space<hbm>> -> memref<16x1024xf32, #tpu.memory_space<hbm>>
    %dma_start3A_66 = arith.constant 0 : i32
    %dma_start3A_67 = tpu.memref_slice %arg2[%add3A_63, %dma_start3A_66] : memref<8192x1024xf32, #tpu.memory_space<hbm>> -> memref<16x1024xf32, #tpu.memory_space<hbm>>
    tpu.enqueue_dma source(%dma_start3A_67 : memref<16x1024xf32, #tpu.memory_space<hbm>>) target(%arg9 : memref<16x1024xf32, #tpu.memory_space<vmem>>) target_semaphore(%arg16 : memref<!tpu.dma_semaphore, #tpu.memory_space<semaphore_mem>>)
    %dma_wait3A_68 = arith.constant 0 : i32
    %dma_wait3A_69 = tpu.memref_slice %arg2[%add3A_15, %dma_wait3A_68] : memref<8192x1024xf32, #tpu.memory_space<hbm>> -> memref<16x1024xf32, #tpu.memory_space<hbm>>
    %dma_wait3A_70 = arith.constant 0 : i32
    %dma_wait3A_71 = tpu.memref_slice %arg2[%add3A_15, %dma_wait3A_70] : memref<8192x1024xf32, #tpu.memory_space<hbm>> -> memref<16x1024xf32, #tpu.memory_space<hbm>>
    tpu.wait_dma2 semaphore(%arg13 : memref<!tpu.dma_semaphore, #tpu.memory_space<semaphore_mem>>) src(%dma_wait3A_71 : memref<16x1024xf32, #tpu.memory_space<hbm>>) dst(%arg6 : memref<16x1024xf32, #tpu.memory_space<vmem>>)
    %scan3A_72 = arith.constant 0 : i32
    %scan3A_73 = arith.constant 0 : i32
    %scan3A_74 = arith.constant 16 : i32
    %scan3A_75 = arith.addi %scan3A_73, %scan3A_74 : i32
    %scan3A_76 = arith.constant 1 : i32
    scf.for %scan3A_416 = %scan3A_73 to %scan3A_75 step %scan3A_76  : i32 {
      %scan3A_417 = arith.constant 0 : i32
      %scan3A_418 = arith.constant 64 : i32
      %scan3A_419 = arith.addi %scan3A_417, %scan3A_418 : i32
      %scan3A_420 = arith.constant 16 : i32
      scf.for %scan3A_422 = %scan3A_417 to %scan3A_419 step %scan3A_420  : i32 {
        %mul3A_423 = arith.constant 16 : i32
        %mul3A_424 = arith.muli %scan3A_422, %mul3A_423 : i32
        %get3A = arith.index_cast %scan3A_416 : i32 to index
        %get3A_425 = arith.index_cast %mul3A_424 : i32 to index
        %get3A_426 = tpu.vector_load %arg6[%get3A, %get3A_425] {strides = array<i32>} : memref<16x1024xf32, #tpu.memory_space<vmem>>, vector<1x16xf32>,
        %get3A_427 = vector.shape_cast %get3A_426 : vector<1x16xf32> to vector<16xf32>
        %mul3A_428 = arith.constant 3.125000e-02 : f32
        %mul3A_429 = vector.broadcast %mul3A_428 : f32 to vector<16xf32>
        %mul3A_430 = arith.mulf %get3A_427, %mul3A_429 : vector<16xf32>
        %swap3A = arith.index_cast %scan3A_416 : i32 to index
        %swap3A_431 = arith.index_cast %mul3A_424 : i32 to index
        %swap3A_432 = tpu.vector_load %arg6[%swap3A, %swap3A_431] {strides = array<i32>} : memref<16x1024xf32, #tpu.memory_space<vmem>>, vector<1x16xf32>,
        %swap3A_433 = vector.shape_cast %swap3A_432 : vector<1x16xf32> to vector<16xf32>
        %swap3A_434 = vector.shape_cast %mul3A_430 : vector<16xf32> to vector<1x16xf32>
        tpu.vector_store %arg6[%swap3A, %swap3A_431], %swap3A_434 {strides = array<i32>} : memref<16x1024xf32, #tpu.memory_space<vmem>>, vector<1x16xf32>,
        %scan3A_435 = arith.constant 1 : i32
        %scan3A_436 = arith.addi %scan3A_422, %scan3A_435 : i32
        %mul3A_437 = arith.constant 16 : i32
        %mul3A_438 = arith.muli %scan3A_436, %mul3A_437 : i32
        %get3A_439 = arith.index_cast %scan3A_416 : i32 to index
        %get3A_440 = arith.index_cast %mul3A_438 : i32 to index
        %get3A_441 = tpu.vector_load %arg6[%get3A_439, %get3A_440] {strides = array<i32>} : memref<16x1024xf32, #tpu.memory_space<vmem>>, vector<1x16xf32>,
        %get3A_442 = vector.shape_cast %get3A_441 : vector<1x16xf32> to vector<16xf32>
        %mul3A_443 = arith.constant 3.125000e-02 : f32
        %mul3A_444 = vector.broadcast %mul3A_443 : f32 to vector<16xf32>
        %mul3A_445 = arith.mulf %get3A_442, %mul3A_444 : vector<16xf32>
        %swap3A_446 = arith.index_cast %scan3A_416 : i32 to index
        %swap3A_447 = arith.index_cast %mul3A_438 : i32 to index
        %swap3A_448 = tpu.vector_load %arg6[%swap3A_446, %swap3A_447] {strides = array<i32>} : memref<16x1024xf32, #tpu.memory_space<vmem>>, vector<1x16xf32>,
        %swap3A_449 = vector.shape_cast %swap3A_448 : vector<1x16xf32> to vector<16xf32>
        %swap3A_450 = vector.shape_cast %mul3A_445 : vector<16xf32> to vector<1x16xf32>
        tpu.vector_store %arg6[%swap3A_446, %swap3A_447], %swap3A_450 {strides = array<i32>} : memref<16x1024xf32, #tpu.memory_space<vmem>>, vector<1x16xf32>,
        %scan3A_451 = arith.constant 2 : i32
        %scan3A_452 = arith.addi %scan3A_422, %scan3A_451 : i32
        %mul3A_453 = arith.constant 16 : i32
        %mul3A_454 = arith.muli %scan3A_452, %mul3A_453 : i32
        %get3A_455 = arith.index_cast %scan3A_416 : i32 to index
        %get3A_456 = arith.index_cast %mul3A_454 : i32 to index
        %get3A_457 = tpu.vector_load %arg6[%get3A_455, %get3A_456] {strides = array<i32>} : memref<16x1024xf32, #tpu.memory_space<vmem>>, vector<1x16xf32>,
        %get3A_458 = vector.shape_cast %get3A_457 : vector<1x16xf32> to vector<16xf32>
        %mul3A_459 = arith.constant 3.125000e-02 : f32
        %mul3A_460 = vector.broadcast %mul3A_459 : f32 to vector<16xf32>
        %mul3A_461 = arith.mulf %get3A_458, %mul3A_460 : vector<16xf32>
        %swap3A_462 = arith.index_cast %scan3A_416 : i32 to index
        %swap3A_463 = arith.index_cast %mul3A_454 : i32 to index
        %swap3A_464 = tpu.vector_load %arg6[%swap3A_462, %swap3A_463] {strides = array<i32>} : memref<16x1024xf32, #tpu.memory_space<vmem>>, vector<1x16xf32>,
        %swap3A_465 = vector.shape_cast %swap3A_464 : vector<1x16xf32> to vector<16xf32>
        %swap3A_466 = vector.shape_cast %mul3A_461 : vector<16xf32> to vector<1x16xf32>
        tpu.vector_store %arg6[%swap3A_462, %swap3A_463], %swap3A_466 {strides = array<i32>} : memref<16x1024xf32, #tpu.memory_space<vmem>>, vector<1x16xf32>,
        %scan3A_467 = arith.constant 3 : i32
        %scan3A_468 = arith.addi %scan3A_422, %scan3A_467 : i32
        %mul3A_469 = arith.constant 16 : i32
        %mul3A_470 = arith.muli %scan3A_468, %mul3A_469 : i32
        %get3A_471 = arith.index_cast %scan3A_416 : i32 to index
        %get3A_472 = arith.index_cast %mul3A_470 : i32 to index
        %get3A_473 = tpu.vector_load %arg6[%get3A_471, %get3A_472] {strides = array<i32>} : memref<16x1024xf32, #tpu.memory_space<vmem>>, vector<1x16xf32>,
        %get3A_474 = vector.shape_cast %get3A_473 : vector<1x16xf32> to vector<16xf32>
        %mul3A_475 = arith.constant 3.125000e-02 : f32
        %mul3A_476 = vector.broadcast %mul3A_475 : f32 to vector<16xf32>
        %mul3A_477 = arith.mulf %get3A_474, %mul3A_476 : vector<16xf32>
        %swap3A_478 = arith.index_cast %scan3A_416 : i32 to index
        %swap3A_479 = arith.index_cast %mul3A_470 : i32 to index
        %swap3A_480 = tpu.vector_load %arg6[%swap3A_478, %swap3A_479] {strides = array<i32>} : memref<16x1024xf32, #tpu.memory_space<vmem>>, vector<1x16xf32>,
        %swap3A_481 = vector.shape_cast %swap3A_480 : vector<1x16xf32> to vector<16xf32>
        %swap3A_482 = vector.shape_cast %mul3A_477 : vector<16xf32> to vector<1x16xf32>
        tpu.vector_store %arg6[%swap3A_478, %swap3A_479], %swap3A_482 {strides = array<i32>} : memref<16x1024xf32, #tpu.memory_space<vmem>>, vector<1x16xf32>,
        %scan3A_483 = arith.constant 4 : i32
        %scan3A_484 = arith.addi %scan3A_422, %scan3A_483 : i32
        %mul3A_485 = arith.constant 16 : i32
        %mul3A_486 = arith.muli %scan3A_484, %mul3A_485 : i32
        %get3A_487 = arith.index_cast %scan3A_416 : i32 to index
        %get3A_488 = arith.index_cast %mul3A_486 : i32 to index
        %get3A_489 = tpu.vector_load %arg6[%get3A_487, %get3A_488] {strides = array<i32>} : memref<16x1024xf32, #tpu.memory_space<vmem>>, vector<1x16xf32>,
        %get3A_490 = vector.shape_cast %get3A_489 : vector<1x16xf32> to vector<16xf32>
        %mul3A_491 = arith.constant 3.125000e-02 : f32
        %mul3A_492 = vector.broadcast %mul3A_491 : f32 to vector<16xf32>
        %mul3A_493 = arith.mulf %get3A_490, %mul3A_492 : vector<16xf32>
        %swap3A_494 = arith.index_cast %scan3A_416 : i32 to index
        %swap3A_495 = arith.index_cast %mul3A_486 : i32 to index
        %swap3A_496 = tpu.vector_load %arg6[%swap3A_494, %swap3A_495] {strides = array<i32>} : memref<16x1024xf32, #tpu.memory_space<vmem>>, vector<1x16xf32>,
        %swap3A_497 = vector.shape_cast %swap3A_496 : vector<1x16xf32> to vector<16xf32>
        %swap3A_498 = vector.shape_cast %mul3A_493 : vector<16xf32> to vector<1x16xf32>
        tpu.vector_store %arg6[%swap3A_494, %swap3A_495], %swap3A_498 {strides = array<i32>} : memref<16x1024xf32, #tpu.memory_space<vmem>>, vector<1x16xf32>,
        %scan3A_499 = arith.constant 5 : i32
        %scan3A_500 = arith.addi %scan3A_422, %scan3A_499 : i32
        %mul3A_501 = arith.constant 16 : i32
        %mul3A_502 = arith.muli %scan3A_500, %mul3A_501 : i32
        %get3A_503 = arith.index_cast %scan3A_416 : i32 to index
        %get3A_504 = arith.index_cast %mul3A_502 : i32 to index
        %get3A_505 = tpu.vector_load %arg6[%get3A_503, %get3A_504] {strides = array<i32>} : memref<16x1024xf32, #tpu.memory_space<vmem>>, vector<1x16xf32>,
        %get3A_506 = vector.shape_cast %get3A_505 : vector<1x16xf32> to vector<16xf32>
        %mul3A_507 = arith.constant 3.125000e-02 : f32
        %mul3A_508 = vector.broadcast %mul3A_507 : f32 to vector<16xf32>
        %mul3A_509 = arith.mulf %get3A_506, %mul3A_508 : vector<16xf32>
        %swap3A_510 = arith.index_cast %scan3A_416 : i32 to index
        %swap3A_511 = arith.index_cast %mul3A_502 : i32 to index
        %swap3A_512 = tpu.vector_load %arg6[%swap3A_510, %swap3A_511] {strides = array<i32>} : memref<16x1024xf32, #tpu.memory_space<vmem>>, vector<1x16xf32>,
        %swap3A_513 = vector.shape_cast %swap3A_512 : vector<1x16xf32> to vector<16xf32>
        %swap3A_514 = vector.shape_cast %mul3A_509 : vector<16xf32> to vector<1x16xf32>
        tpu.vector_store %arg6[%swap3A_510, %swap3A_511], %swap3A_514 {strides = array<i32>} : memref<16x1024xf32, #tpu.memory_space<vmem>>, vector<1x16xf32>,
        %scan3A_515 = arith.constant 6 : i32
        %scan3A_516 = arith.addi %scan3A_422, %scan3A_515 : i32
        %mul3A_517 = arith.constant 16 : i32
        %mul3A_518 = arith.muli %scan3A_516, %mul3A_517 : i32
        %get3A_519 = arith.index_cast %scan3A_416 : i32 to index
        %get3A_520 = arith.index_cast %mul3A_518 : i32 to index
        %get3A_521 = tpu.vector_load %arg6[%get3A_519, %get3A_520] {strides = array<i32>} : memref<16x1024xf32, #tpu.memory_space<vmem>>, vector<1x16xf32>,
        %get3A_522 = vector.shape_cast %get3A_521 : vector<1x16xf32> to vector<16xf32>
        %mul3A_523 = arith.constant 3.125000e-02 : f32
        %mul3A_524 = vector.broadcast %mul3A_523 : f32 to vector<16xf32>
        %mul3A_525 = arith.mulf %get3A_522, %mul3A_524 : vector<16xf32>
        %swap3A_526 = arith.index_cast %scan3A_416 : i32 to index
        %swap3A_527 = arith.index_cast %mul3A_518 : i32 to index
        %swap3A_528 = tpu.vector_load %arg6[%swap3A_526, %swap3A_527] {strides = array<i32>} : memref<16x1024xf32, #tpu.memory_space<vmem>>, vector<1x16xf32>,
        %swap3A_529 = vector.shape_cast %swap3A_528 : vector<1x16xf32> to vector<16xf32>
        %swap3A_530 = vector.shape_cast %mul3A_525 : vector<16xf32> to vector<1x16xf32>
        tpu.vector_store %arg6[%swap3A_526, %swap3A_527], %swap3A_530 {strides = array<i32>} : memref<16x1024xf32, #tpu.memory_space<vmem>>, vector<1x16xf32>,
        %scan3A_531 = arith.constant 7 : i32
        %scan3A_532 = arith.addi %scan3A_422, %scan3A_531 : i32
        %mul3A_533 = arith.constant 16 : i32
        %mul3A_534 = arith.muli %scan3A_532, %mul3A_533 : i32
        %get3A_535 = arith.index_cast %scan3A_416 : i32 to index
        %get3A_536 = arith.index_cast %mul3A_534 : i32 to index
        %get3A_537 = tpu.vector_load %arg6[%get3A_535, %get3A_536] {strides = array<i32>} : memref<16x1024xf32, #tpu.memory_space<vmem>>, vector<1x16xf32>,
        %get3A_538 = vector.shape_cast %get3A_537 : vector<1x16xf32> to vector<16xf32>
        %mul3A_539 = arith.constant 3.125000e-02 : f32
        %mul3A_540 = vector.broadcast %mul3A_539 : f32 to vector<16xf32>
        %mul3A_541 = arith.mulf %get3A_538, %mul3A_540 : vector<16xf32>
        %swap3A_542 = arith.index_cast %scan3A_416 : i32 to index
        %swap3A_543 = arith.index_cast %mul3A_534 : i32 to index
        %swap3A_544 = tpu.vector_load %arg6[%swap3A_542, %swap3A_543] {strides = array<i32>} : memref<16x1024xf32, #tpu.memory_space<vmem>>, vector<1x16xf32>,
        %swap3A_545 = vector.shape_cast %swap3A_544 : vector<1x16xf32> to vector<16xf32>
        %swap3A_546 = vector.shape_cast %mul3A_541 : vector<16xf32> to vector<1x16xf32>
        tpu.vector_store %arg6[%swap3A_542, %swap3A_543], %swap3A_546 {strides = array<i32>} : memref<16x1024xf32, #tpu.memory_space<vmem>>, vector<1x16xf32>,
        %scan3A_547 = arith.constant 8 : i32
        %scan3A_548 = arith.addi %scan3A_422, %scan3A_547 : i32
        %mul3A_549 = arith.constant 16 : i32
        %mul3A_550 = arith.muli %scan3A_548, %mul3A_549 : i32
        %get3A_551 = arith.index_cast %scan3A_416 : i32 to index
        %get3A_552 = arith.index_cast %mul3A_550 : i32 to index
        %get3A_553 = tpu.vector_load %arg6[%get3A_551, %get3A_552] {strides = array<i32>} : memref<16x1024xf32, #tpu.memory_space<vmem>>, vector<1x16xf32>,
        %get3A_554 = vector.shape_cast %get3A_553 : vector<1x16xf32> to vector<16xf32>
        %mul3A_555 = arith.constant 3.125000e-02 : f32
        %mul3A_556 = vector.broadcast %mul3A_555 : f32 to vector<16xf32>
        %mul3A_557 = arith.mulf %get3A_554, %mul3A_556 : vector<16xf32>
        %swap3A_558 = arith.index_cast %scan3A_416 : i32 to index
        %swap3A_559 = arith.index_cast %mul3A_550 : i32 to index
        %swap3A_560 = tpu.vector_load %arg6[%swap3A_558, %swap3A_559] {strides = array<i32>} : memref<16x1024xf32, #tpu.memory_space<vmem>>, vector<1x16xf32>,
        %swap3A_561 = vector.shape_cast %swap3A_560 : vector<1x16xf32> to vector<16xf32>
        %swap3A_562 = vector.shape_cast %mul3A_557 : vector<16xf32> to vector<1x16xf32>
        tpu.vector_store %arg6[%swap3A_558, %swap3A_559], %swap3A_562 {strides = array<i32>} : memref<16x1024xf32, #tpu.memory_space<vmem>>, vector<1x16xf32>,
        %scan3A_563 = arith.constant 9 : i32
        %scan3A_564 = arith.addi %scan3A_422, %scan3A_563 : i32
        %mul3A_565 = arith.constant 16 : i32
        %mul3A_566 = arith.muli %scan3A_564, %mul3A_565 : i32
        %get3A_567 = arith.index_cast %scan3A_416 : i32 to index
        %get3A_568 = arith.index_cast %mul3A_566 : i32 to index
        %get3A_569 = tpu.vector_load %arg6[%get3A_567, %get3A_568] {strides = array<i32>} : memref<16x1024xf32, #tpu.memory_space<vmem>>, vector<1x16xf32>,
        %get3A_570 = vector.shape_cast %get3A_569 : vector<1x16xf32> to vector<16xf32>
        %mul3A_571 = arith.constant 3.125000e-02 : f32
        %mul3A_572 = vector.broadcast %mul3A_571 : f32 to vector<16xf32>
        %mul3A_573 = arith.mulf %get3A_570, %mul3A_572 : vector<16xf32>
        %swap3A_574 = arith.index_cast %scan3A_416 : i32 to index
        %swap3A_575 = arith.index_cast %mul3A_566 : i32 to index
        %swap3A_576 = tpu.vector_load %arg6[%swap3A_574, %swap3A_575] {strides = array<i32>} : memref<16x1024xf32, #tpu.memory_space<vmem>>, vector<1x16xf32>,
        %swap3A_577 = vector.shape_cast %swap3A_576 : vector<1x16xf32> to vector<16xf32>
        %swap3A_578 = vector.shape_cast %mul3A_573 : vector<16xf32> to vector<1x16xf32>
        tpu.vector_store %arg6[%swap3A_574, %swap3A_575], %swap3A_578 {strides = array<i32>} : memref<16x1024xf32, #tpu.memory_space<vmem>>, vector<1x16xf32>,
        %scan3A_579 = arith.constant 10 : i32
        %scan3A_580 = arith.addi %scan3A_422, %scan3A_579 : i32
        %mul3A_581 = arith.constant 16 : i32
        %mul3A_582 = arith.muli %scan3A_580, %mul3A_581 : i32
        %get3A_583 = arith.index_cast %scan3A_416 : i32 to index
        %get3A_584 = arith.index_cast %mul3A_582 : i32 to index
        %get3A_585 = tpu.vector_load %arg6[%get3A_583, %get3A_584] {strides = array<i32>} : memref<16x1024xf32, #tpu.memory_space<vmem>>, vector<1x16xf32>,
        %get3A_586 = vector.shape_cast %get3A_585 : vector<1x16xf32> to vector<16xf32>
        %mul3A_587 = arith.constant 3.125000e-02 : f32
        %mul3A_588 = vector.broadcast %mul3A_587 : f32 to vector<16xf32>
        %mul3A_589 = arith.mulf %get3A_586, %mul3A_588 : vector<16xf32>
        %swap3A_590 = arith.index_cast %scan3A_416 : i32 to index
        %swap3A_591 = arith.index_cast %mul3A_582 : i32 to index
        %swap3A_592 = tpu.vector_load %arg6[%swap3A_590, %swap3A_591] {strides = array<i32>} : memref<16x1024xf32, #tpu.memory_space<vmem>>, vector<1x16xf32>,
        %swap3A_593 = vector.shape_cast %swap3A_592 : vector<1x16xf32> to vector<16xf32>
        %swap3A_594 = vector.shape_cast %mul3A_589 : vector<16xf32> to vector<1x16xf32>
        tpu.vector_store %arg6[%swap3A_590, %swap3A_591], %swap3A_594 {strides = array<i32>} : memref<16x1024xf32, #tpu.memory_space<vmem>>, vector<1x16xf32>,
        %scan3A_595 = arith.constant 11 : i32
        %scan3A_596 = arith.addi %scan3A_422, %scan3A_595 : i32
        %mul3A_597 = arith.constant 16 : i32
        %mul3A_598 = arith.muli %scan3A_596, %mul3A_597 : i32
        %get3A_599 = arith.index_cast %scan3A_416 : i32 to index
        %get3A_600 = arith.index_cast %mul3A_598 : i32 to index
        %get3A_601 = tpu.vector_load %arg6[%get3A_599, %get3A_600] {strides = array<i32>} : memref<16x1024xf32, #tpu.memory_space<vmem>>, vector<1x16xf32>,
        %get3A_602 = vector.shape_cast %get3A_601 : vector<1x16xf32> to vector<16xf32>
        %mul3A_603 = arith.constant 3.125000e-02 : f32
        %mul3A_604 = vector.broadcast %mul3A_603 : f32 to vector<16xf32>
        %mul3A_605 = arith.mulf %get3A_602, %mul3A_604 : vector<16xf32>
        %swap3A_606 = arith.index_cast %scan3A_416 : i32 to index
        %swap3A_607 = arith.index_cast %mul3A_598 : i32 to index
        %swap3A_608 = tpu.vector_load %arg6[%swap3A_606, %swap3A_607] {strides = array<i32>} : memref<16x1024xf32, #tpu.memory_space<vmem>>, vector<1x16xf32>,
        %swap3A_609 = vector.shape_cast %swap3A_608 : vector<1x16xf32> to vector<16xf32>
        %swap3A_610 = vector.shape_cast %mul3A_605 : vector<16xf32> to vector<1x16xf32>
        tpu.vector_store %arg6[%swap3A_606, %swap3A_607], %swap3A_610 {strides = array<i32>} : memref<16x1024xf32, #tpu.memory_space<vmem>>, vector<1x16xf32>,
        %scan3A_611 = arith.constant 12 : i32
        %scan3A_612 = arith.addi %scan3A_422, %scan3A_611 : i32
        %mul3A_613 = arith.constant 16 : i32
        %mul3A_614 = arith.muli %scan3A_612, %mul3A_613 : i32
        %get3A_615 = arith.index_cast %scan3A_416 : i32 to index
        %get3A_616 = arith.index_cast %mul3A_614 : i32 to index
        %get3A_617 = tpu.vector_load %arg6[%get3A_615, %get3A_616] {strides = array<i32>} : memref<16x1024xf32, #tpu.memory_space<vmem>>, vector<1x16xf32>,
        %get3A_618 = vector.shape_cast %get3A_617 : vector<1x16xf32> to vector<16xf32>
        %mul3A_619 = arith.constant 3.125000e-02 : f32
        %mul3A_620 = vector.broadcast %mul3A_619 : f32 to vector<16xf32>
        %mul3A_621 = arith.mulf %get3A_618, %mul3A_620 : vector<16xf32>
        %swap3A_622 = arith.index_cast %scan3A_416 : i32 to index
        %swap3A_623 = arith.index_cast %mul3A_614 : i32 to index
        %swap3A_624 = tpu.vector_load %arg6[%swap3A_622, %swap3A_623] {strides = array<i32>} : memref<16x1024xf32, #tpu.memory_space<vmem>>, vector<1x16xf32>,
        %swap3A_625 = vector.shape_cast %swap3A_624 : vector<1x16xf32> to vector<16xf32>
        %swap3A_626 = vector.shape_cast %mul3A_621 : vector<16xf32> to vector<1x16xf32>
        tpu.vector_store %arg6[%swap3A_622, %swap3A_623], %swap3A_626 {strides = array<i32>} : memref<16x1024xf32, #tpu.memory_space<vmem>>, vector<1x16xf32>,
        %scan3A_627 = arith.constant 13 : i32
        %scan3A_628 = arith.addi %scan3A_422, %scan3A_627 : i32
        %mul3A_629 = arith.constant 16 : i32
        %mul3A_630 = arith.muli %scan3A_628, %mul3A_629 : i32
        %get3A_631 = arith.index_cast %scan3A_416 : i32 to index
        %get3A_632 = arith.index_cast %mul3A_630 : i32 to index
        %get3A_633 = tpu.vector_load %arg6[%get3A_631, %get3A_632] {strides = array<i32>} : memref<16x1024xf32, #tpu.memory_space<vmem>>, vector<1x16xf32>,
        %get3A_634 = vector.shape_cast %get3A_633 : vector<1x16xf32> to vector<16xf32>
        %mul3A_635 = arith.constant 3.125000e-02 : f32
        %mul3A_636 = vector.broadcast %mul3A_635 : f32 to vector<16xf32>
        %mul3A_637 = arith.mulf %get3A_634, %mul3A_636 : vector<16xf32>
        %swap3A_638 = arith.index_cast %scan3A_416 : i32 to index
        %swap3A_639 = arith.index_cast %mul3A_630 : i32 to index
        %swap3A_640 = tpu.vector_load %arg6[%swap3A_638, %swap3A_639] {strides = array<i32>} : memref<16x1024xf32, #tpu.memory_space<vmem>>, vector<1x16xf32>,
        %swap3A_641 = vector.shape_cast %swap3A_640 : vector<1x16xf32> to vector<16xf32>
        %swap3A_642 = vector.shape_cast %mul3A_637 : vector<16xf32> to vector<1x16xf32>
        tpu.vector_store %arg6[%swap3A_638, %swap3A_639], %swap3A_642 {strides = array<i32>} : memref<16x1024xf32, #tpu.memory_space<vmem>>, vector<1x16xf32>,
        %scan3A_643 = arith.constant 14 : i32
        %scan3A_644 = arith.addi %scan3A_422, %scan3A_643 : i32
        %mul3A_645 = arith.constant 16 : i32
        %mul3A_646 = arith.muli %scan3A_644, %mul3A_645 : i32
        %get3A_647 = arith.index_cast %scan3A_416 : i32 to index
        %get3A_648 = arith.index_cast %mul3A_646 : i32 to index
        %get3A_649 = tpu.vector_load %arg6[%get3A_647, %get3A_648] {strides = array<i32>} : memref<16x1024xf32, #tpu.memory_space<vmem>>, vector<1x16xf32>,
        %get3A_650 = vector.shape_cast %get3A_649 : vector<1x16xf32> to vector<16xf32>
        %mul3A_651 = arith.constant 3.125000e-02 : f32
        %mul3A_652 = vector.broadcast %mul3A_651 : f32 to vector<16xf32>
        %mul3A_653 = arith.mulf %get3A_650, %mul3A_652 : vector<16xf32>
        %swap3A_654 = arith.index_cast %scan3A_416 : i32 to index
        %swap3A_655 = arith.index_cast %mul3A_646 : i32 to index
        %swap3A_656 = tpu.vector_load %arg6[%swap3A_654, %swap3A_655] {strides = array<i32>} : memref<16x1024xf32, #tpu.memory_space<vmem>>, vector<1x16xf32>,
        %swap3A_657 = vector.shape_cast %swap3A_656 : vector<1x16xf32> to vector<16xf32>
        %swap3A_658 = vector.shape_cast %mul3A_653 : vector<16xf32> to vector<1x16xf32>
        tpu.vector_store %arg6[%swap3A_654, %swap3A_655], %swap3A_658 {strides = array<i32>} : memref<16x1024xf32, #tpu.memory_space<vmem>>, vector<1x16xf32>,
        %scan3A_659 = arith.constant 15 : i32
        %scan3A_660 = arith.addi %scan3A_422, %scan3A_659 : i32
        %mul3A_661 = arith.constant 16 : i32
        %mul3A_662 = arith.muli %scan3A_660, %mul3A_661 : i32
        %get3A_663 = arith.index_cast %scan3A_416 : i32 to index
        %get3A_664 = arith.index_cast %mul3A_662 : i32 to index
        %get3A_665 = tpu.vector_load %arg6[%get3A_663, %get3A_664] {strides = array<i32>} : memref<16x1024xf32, #tpu.memory_space<vmem>>, vector<1x16xf32>,
        %get3A_666 = vector.shape_cast %get3A_665 : vector<1x16xf32> to vector<16xf32>
        %mul3A_667 = arith.constant 3.125000e-02 : f32
        %mul3A_668 = vector.broadcast %mul3A_667 : f32 to vector<16xf32>
        %mul3A_669 = arith.mulf %get3A_666, %mul3A_668 : vector<16xf32>
        %swap3A_670 = arith.index_cast %scan3A_416 : i32 to index
        %swap3A_671 = arith.index_cast %mul3A_662 : i32 to index
        %swap3A_672 = tpu.vector_load %arg6[%swap3A_670, %swap3A_671] {strides = array<i32>} : memref<16x1024xf32, #tpu.memory_space<vmem>>, vector<1x16xf32>,
        %swap3A_673 = vector.shape_cast %swap3A_672 : vector<1x16xf32> to vector<16xf32>
        %swap3A_674 = vector.shape_cast %mul3A_669 : vector<16xf32> to vector<1x16xf32>
        tpu.vector_store %arg6[%swap3A_670, %swap3A_671], %swap3A_674 {strides = array<i32>} : memref<16x1024xf32, #tpu.memory_space<vmem>>, vector<1x16xf32>,
      }
      %scan3A_421 = arith.constant 64 : i32
    }
    %scan3A_77 = arith.constant 16 : i32
    %add3A_78 = arith.constant 32 : i32
    %add3A_79 = arith.addi %mul3A_2, %add3A_78 : i32
    %dma_start3A_80 = arith.constant 0 : i32
    %dma_start3A_81 = tpu.memref_slice %arg3[%add3A_79, %dma_start3A_80] : memref<8192x1024xf32, #tpu.memory_space<hbm>> -> memref<16x1024xf32, #tpu.memory_space<hbm>>
    %dma_start3A_82 = arith.constant 0 : i32
    %dma_start3A_83 = tpu.memref_slice %arg3[%add3A_79, %dma_start3A_82] : memref<8192x1024xf32, #tpu.memory_space<hbm>> -> memref<16x1024xf32, #tpu.memory_space<hbm>>
    tpu.enqueue_dma source(%arg6 : memref<16x1024xf32, #tpu.memory_space<vmem>>) target(%dma_start3A_83 : memref<16x1024xf32, #tpu.memory_space<hbm>>) target_semaphore(%arg20 : memref<!tpu.dma_semaphore, #tpu.memory_space<semaphore_mem>>)
    %add3A_84 = arith.constant 96 : i32
    %add3A_85 = arith.addi %mul3A_2, %add3A_84 : i32
    %dma_start3A_86 = arith.constant 0 : i32
    %dma_start3A_87 = tpu.memref_slice %arg2[%add3A_85, %dma_start3A_86] : memref<8192x1024xf32, #tpu.memory_space<hbm>> -> memref<16x1024xf32, #tpu.memory_space<hbm>>
    %dma_start3A_88 = arith.constant 0 : i32
    %dma_start3A_89 = tpu.memref_slice %arg2[%add3A_85, %dma_start3A_88] : memref<8192x1024xf32, #tpu.memory_space<hbm>> -> memref<16x1024xf32, #tpu.memory_space<hbm>>
    tpu.enqueue_dma source(%dma_start3A_89 : memref<16x1024xf32, #tpu.memory_space<hbm>>) target(%arg10 : memref<16x1024xf32, #tpu.memory_space<vmem>>) target_semaphore(%arg17 : memref<!tpu.dma_semaphore, #tpu.memory_space<semaphore_mem>>)
    %dma_wait3A_90 = arith.constant 0 : i32
    %dma_wait3A_91 = tpu.memref_slice %arg2[%add3A_21, %dma_wait3A_90] : memref<8192x1024xf32, #tpu.memory_space<hbm>> -> memref<16x1024xf32, #tpu.memory_space<hbm>>
    %dma_wait3A_92 = arith.constant 0 : i32
    %dma_wait3A_93 = tpu.memref_slice %arg2[%add3A_21, %dma_wait3A_92] : memref<8192x1024xf32, #tpu.memory_space<hbm>> -> memref<16x1024xf32, #tpu.memory_space<hbm>>
    tpu.wait_dma2 semaphore(%arg14 : memref<!tpu.dma_semaphore, #tpu.memory_space<semaphore_mem>>) src(%dma_wait3A_93 : memref<16x1024xf32, #tpu.memory_space<hbm>>) dst(%arg7 : memref<16x1024xf32, #tpu.memory_space<vmem>>)
    %scan3A_94 = arith.constant 0 : i32
    %scan3A_95 = arith.constant 0 : i32
    %scan3A_96 = arith.constant 16 : i32
    %scan3A_97 = arith.addi %scan3A_95, %scan3A_96 : i32
    %scan3A_98 = arith.constant 1 : i32
    scf.for %scan3A_416 = %scan3A_95 to %scan3A_97 step %scan3A_98  : i32 {
      %scan3A_417 = arith.constant 0 : i32
      %scan3A_418 = arith.constant 64 : i32
      %scan3A_419 = arith.addi %scan3A_417, %scan3A_418 : i32
      %scan3A_420 = arith.constant 16 : i32
      scf.for %scan3A_422 = %scan3A_417 to %scan3A_419 step %scan3A_420  : i32 {
        %mul3A_423 = arith.constant 16 : i32
        %mul3A_424 = arith.muli %scan3A_422, %mul3A_423 : i32
        %get3A = arith.index_cast %scan3A_416 : i32 to index
        %get3A_425 = arith.index_cast %mul3A_424 : i32 to index
        %get3A_426 = tpu.vector_load %arg7[%get3A, %get3A_425] {strides = array<i32>} : memref<16x1024xf32, #tpu.memory_space<vmem>>, vector<1x16xf32>,
        %get3A_427 = vector.shape_cast %get3A_426 : vector<1x16xf32> to vector<16xf32>
        %mul3A_428 = arith.constant 3.125000e-02 : f32
        %mul3A_429 = vector.broadcast %mul3A_428 : f32 to vector<16xf32>
        %mul3A_430 = arith.mulf %get3A_427, %mul3A_429 : vector<16xf32>
        %swap3A = arith.index_cast %scan3A_416 : i32 to index
        %swap3A_431 = arith.index_cast %mul3A_424 : i32 to index
        %swap3A_432 = tpu.vector_load %arg7[%swap3A, %swap3A_431] {strides = array<i32>} : memref<16x1024xf32, #tpu.memory_space<vmem>>, vector<1x16xf32>,
        %swap3A_433 = vector.shape_cast %swap3A_432 : vector<1x16xf32> to vector<16xf32>
        %swap3A_434 = vector.shape_cast %mul3A_430 : vector<16xf32> to vector<1x16xf32>
        tpu.vector_store %arg7[%swap3A, %swap3A_431], %swap3A_434 {strides = array<i32>} : memref<16x1024xf32, #tpu.memory_space<vmem>>, vector<1x16xf32>,
        %scan3A_435 = arith.constant 1 : i32
        %scan3A_436 = arith.addi %scan3A_422, %scan3A_435 : i32
        %mul3A_437 = arith.constant 16 : i32
        %mul3A_438 = arith.muli %scan3A_436, %mul3A_437 : i32
        %get3A_439 = arith.index_cast %scan3A_416 : i32 to index
        %get3A_440 = arith.index_cast %mul3A_438 : i32 to index
        %get3A_441 = tpu.vector_load %arg7[%get3A_439, %get3A_440] {strides = array<i32>} : memref<16x1024xf32, #tpu.memory_space<vmem>>, vector<1x16xf32>,
        %get3A_442 = vector.shape_cast %get3A_441 : vector<1x16xf32> to vector<16xf32>
        %mul3A_443 = arith.constant 3.125000e-02 : f32
        %mul3A_444 = vector.broadcast %mul3A_443 : f32 to vector<16xf32>
        %mul3A_445 = arith.mulf %get3A_442, %mul3A_444 : vector<16xf32>
        %swap3A_446 = arith.index_cast %scan3A_416 : i32 to index
        %swap3A_447 = arith.index_cast %mul3A_438 : i32 to index
        %swap3A_448 = tpu.vector_load %arg7[%swap3A_446, %swap3A_447] {strides = array<i32>} : memref<16x1024xf32, #tpu.memory_space<vmem>>, vector<1x16xf32>,
        %swap3A_449 = vector.shape_cast %swap3A_448 : vector<1x16xf32> to vector<16xf32>
        %swap3A_450 = vector.shape_cast %mul3A_445 : vector<16xf32> to vector<1x16xf32>
        tpu.vector_store %arg7[%swap3A_446, %swap3A_447], %swap3A_450 {strides = array<i32>} : memref<16x1024xf32, #tpu.memory_space<vmem>>, vector<1x16xf32>,
        %scan3A_451 = arith.constant 2 : i32
        %scan3A_452 = arith.addi %scan3A_422, %scan3A_451 : i32
        %mul3A_453 = arith.constant 16 : i32
        %mul3A_454 = arith.muli %scan3A_452, %mul3A_453 : i32
        %get3A_455 = arith.index_cast %scan3A_416 : i32 to index
        %get3A_456 = arith.index_cast %mul3A_454 : i32 to index
        %get3A_457 = tpu.vector_load %arg7[%get3A_455, %get3A_456] {strides = array<i32>} : memref<16x1024xf32, #tpu.memory_space<vmem>>, vector<1x16xf32>,
        %get3A_458 = vector.shape_cast %get3A_457 : vector<1x16xf32> to vector<16xf32>
        %mul3A_459 = arith.constant 3.125000e-02 : f32
        %mul3A_460 = vector.broadcast %mul3A_459 : f32 to vector<16xf32>
        %mul3A_461 = arith.mulf %get3A_458, %mul3A_460 : vector<16xf32>
        %swap3A_462 = arith.index_cast %scan3A_416 : i32 to index
        %swap3A_463 = arith.index_cast %mul3A_454 : i32 to index
        %swap3A_464 = tpu.vector_load %arg7[%swap3A_462, %swap3A_463] {strides = array<i32>} : memref<16x1024xf32, #tpu.memory_space<vmem>>, vector<1x16xf32>,
        %swap3A_465 = vector.shape_cast %swap3A_464 : vector<1x16xf32> to vector<16xf32>
        %swap3A_466 = vector.shape_cast %mul3A_461 : vector<16xf32> to vector<1x16xf32>
        tpu.vector_store %arg7[%swap3A_462, %swap3A_463], %swap3A_466 {strides = array<i32>} : memref<16x1024xf32, #tpu.memory_space<vmem>>, vector<1x16xf32>,
        %scan3A_467 = arith.constant 3 : i32
        %scan3A_468 = arith.addi %scan3A_422, %scan3A_467 : i32
        %mul3A_469 = arith.constant 16 : i32
        %mul3A_470 = arith.muli %scan3A_468, %mul3A_469 : i32
        %get3A_471 = arith.index_cast %scan3A_416 : i32 to index
        %get3A_472 = arith.index_cast %mul3A_470 : i32 to index
        %get3A_473 = tpu.vector_load %arg7[%get3A_471, %get3A_472] {strides = array<i32>} : memref<16x1024xf32, #tpu.memory_space<vmem>>, vector<1x16xf32>,
        %get3A_474 = vector.shape_cast %get3A_473 : vector<1x16xf32> to vector<16xf32>
        %mul3A_475 = arith.constant 3.125000e-02 : f32
        %mul3A_476 = vector.broadcast %mul3A_475 : f32 to vector<16xf32>
        %mul3A_477 = arith.mulf %get3A_474, %mul3A_476 : vector<16xf32>
        %swap3A_478 = arith.index_cast %scan3A_416 : i32 to index
        %swap3A_479 = arith.index_cast %mul3A_470 : i32 to index
        %swap3A_480 = tpu.vector_load %arg7[%swap3A_478, %swap3A_479] {strides = array<i32>} : memref<16x1024xf32, #tpu.memory_space<vmem>>, vector<1x16xf32>,
        %swap3A_481 = vector.shape_cast %swap3A_480 : vector<1x16xf32> to vector<16xf32>
        %swap3A_482 = vector.shape_cast %mul3A_477 : vector<16xf32> to vector<1x16xf32>
        tpu.vector_store %arg7[%swap3A_478, %swap3A_479], %swap3A_482 {strides = array<i32>} : memref<16x1024xf32, #tpu.memory_space<vmem>>, vector<1x16xf32>,
        %scan3A_483 = arith.constant 4 : i32
        %scan3A_484 = arith.addi %scan3A_422, %scan3A_483 : i32
        %mul3A_485 = arith.constant 16 : i32
        %mul3A_486 = arith.muli %scan3A_484, %mul3A_485 : i32
        %get3A_487 = arith.index_cast %scan3A_416 : i32 to index
        %get3A_488 = arith.index_cast %mul3A_486 : i32 to index
        %get3A_489 = tpu.vector_load %arg7[%get3A_487, %get3A_488] {strides = array<i32>} : memref<16x1024xf32, #tpu.memory_space<vmem>>, vector<1x16xf32>,
        %get3A_490 = vector.shape_cast %get3A_489 : vector<1x16xf32> to vector<16xf32>
        %mul3A_491 = arith.constant 3.125000e-02 : f32
        %mul3A_492 = vector.broadcast %mul3A_491 : f32 to vector<16xf32>
        %mul3A_493 = arith.mulf %get3A_490, %mul3A_492 : vector<16xf32>
        %swap3A_494 = arith.index_cast %scan3A_416 : i32 to index
        %swap3A_495 = arith.index_cast %mul3A_486 : i32 to index
        %swap3A_496 = tpu.vector_load %arg7[%swap3A_494, %swap3A_495] {strides = array<i32>} : memref<16x1024xf32, #tpu.memory_space<vmem>>, vector<1x16xf32>,
        %swap3A_497 = vector.shape_cast %swap3A_496 : vector<1x16xf32> to vector<16xf32>
        %swap3A_498 = vector.shape_cast %mul3A_493 : vector<16xf32> to vector<1x16xf32>
        tpu.vector_store %arg7[%swap3A_494, %swap3A_495], %swap3A_498 {strides = array<i32>} : memref<16x1024xf32, #tpu.memory_space<vmem>>, vector<1x16xf32>,
        %scan3A_499 = arith.constant 5 : i32
        %scan3A_500 = arith.addi %scan3A_422, %scan3A_499 : i32
        %mul3A_501 = arith.constant 16 : i32
        %mul3A_502 = arith.muli %scan3A_500, %mul3A_501 : i32
        %get3A_503 = arith.index_cast %scan3A_416 : i32 to index
        %get3A_504 = arith.index_cast %mul3A_502 : i32 to index
        %get3A_505 = tpu.vector_load %arg7[%get3A_503, %get3A_504] {strides = array<i32>} : memref<16x1024xf32, #tpu.memory_space<vmem>>, vector<1x16xf32>,
        %get3A_506 = vector.shape_cast %get3A_505 : vector<1x16xf32> to vector<16xf32>
        %mul3A_507 = arith.constant 3.125000e-02 : f32
        %mul3A_508 = vector.broadcast %mul3A_507 : f32 to vector<16xf32>
        %mul3A_509 = arith.mulf %get3A_506, %mul3A_508 : vector<16xf32>
        %swap3A_510 = arith.index_cast %scan3A_416 : i32 to index
        %swap3A_511 = arith.index_cast %mul3A_502 : i32 to index
        %swap3A_512 = tpu.vector_load %arg7[%swap3A_510, %swap3A_511] {strides = array<i32>} : memref<16x1024xf32, #tpu.memory_space<vmem>>, vector<1x16xf32>,
        %swap3A_513 = vector.shape_cast %swap3A_512 : vector<1x16xf32> to vector<16xf32>
        %swap3A_514 = vector.shape_cast %mul3A_509 : vector<16xf32> to vector<1x16xf32>
        tpu.vector_store %arg7[%swap3A_510, %swap3A_511], %swap3A_514 {strides = array<i32>} : memref<16x1024xf32, #tpu.memory_space<vmem>>, vector<1x16xf32>,
        %scan3A_515 = arith.constant 6 : i32
        %scan3A_516 = arith.addi %scan3A_422, %scan3A_515 : i32
        %mul3A_517 = arith.constant 16 : i32
        %mul3A_518 = arith.muli %scan3A_516, %mul3A_517 : i32
        %get3A_519 = arith.index_cast %scan3A_416 : i32 to index
        %get3A_520 = arith.index_cast %mul3A_518 : i32 to index
        %get3A_521 = tpu.vector_load %arg7[%get3A_519, %get3A_520] {strides = array<i32>} : memref<16x1024xf32, #tpu.memory_space<vmem>>, vector<1x16xf32>,
        %get3A_522 = vector.shape_cast %get3A_521 : vector<1x16xf32> to vector<16xf32>
        %mul3A_523 = arith.constant 3.125000e-02 : f32
        %mul3A_524 = vector.broadcast %mul3A_523 : f32 to vector<16xf32>
        %mul3A_525 = arith.mulf %get3A_522, %mul3A_524 : vector<16xf32>
        %swap3A_526 = arith.index_cast %scan3A_416 : i32 to index
        %swap3A_527 = arith.index_cast %mul3A_518 : i32 to index
        %swap3A_528 = tpu.vector_load %arg7[%swap3A_526, %swap3A_527] {strides = array<i32>} : memref<16x1024xf32, #tpu.memory_space<vmem>>, vector<1x16xf32>,
        %swap3A_529 = vector.shape_cast %swap3A_528 : vector<1x16xf32> to vector<16xf32>
        %swap3A_530 = vector.shape_cast %mul3A_525 : vector<16xf32> to vector<1x16xf32>
        tpu.vector_store %arg7[%swap3A_526, %swap3A_527], %swap3A_530 {strides = array<i32>} : memref<16x1024xf32, #tpu.memory_space<vmem>>, vector<1x16xf32>,
        %scan3A_531 = arith.constant 7 : i32
        %scan3A_532 = arith.addi %scan3A_422, %scan3A_531 : i32
        %mul3A_533 = arith.constant 16 : i32
        %mul3A_534 = arith.muli %scan3A_532, %mul3A_533 : i32
        %get3A_535 = arith.index_cast %scan3A_416 : i32 to index
        %get3A_536 = arith.index_cast %mul3A_534 : i32 to index
        %get3A_537 = tpu.vector_load %arg7[%get3A_535, %get3A_536] {strides = array<i32>} : memref<16x1024xf32, #tpu.memory_space<vmem>>, vector<1x16xf32>,
        %get3A_538 = vector.shape_cast %get3A_537 : vector<1x16xf32> to vector<16xf32>
        %mul3A_539 = arith.constant 3.125000e-02 : f32
        %mul3A_540 = vector.broadcast %mul3A_539 : f32 to vector<16xf32>
        %mul3A_541 = arith.mulf %get3A_538, %mul3A_540 : vector<16xf32>
        %swap3A_542 = arith.index_cast %scan3A_416 : i32 to index
        %swap3A_543 = arith.index_cast %mul3A_534 : i32 to index
        %swap3A_544 = tpu.vector_load %arg7[%swap3A_542, %swap3A_543] {strides = array<i32>} : memref<16x1024xf32, #tpu.memory_space<vmem>>, vector<1x16xf32>,
        %swap3A_545 = vector.shape_cast %swap3A_544 : vector<1x16xf32> to vector<16xf32>
        %swap3A_546 = vector.shape_cast %mul3A_541 : vector<16xf32> to vector<1x16xf32>
        tpu.vector_store %arg7[%swap3A_542, %swap3A_543], %swap3A_546 {strides = array<i32>} : memref<16x1024xf32, #tpu.memory_space<vmem>>, vector<1x16xf32>,
        %scan3A_547 = arith.constant 8 : i32
        %scan3A_548 = arith.addi %scan3A_422, %scan3A_547 : i32
        %mul3A_549 = arith.constant 16 : i32
        %mul3A_550 = arith.muli %scan3A_548, %mul3A_549 : i32
        %get3A_551 = arith.index_cast %scan3A_416 : i32 to index
        %get3A_552 = arith.index_cast %mul3A_550 : i32 to index
        %get3A_553 = tpu.vector_load %arg7[%get3A_551, %get3A_552] {strides = array<i32>} : memref<16x1024xf32, #tpu.memory_space<vmem>>, vector<1x16xf32>,
        %get3A_554 = vector.shape_cast %get3A_553 : vector<1x16xf32> to vector<16xf32>
        %mul3A_555 = arith.constant 3.125000e-02 : f32
        %mul3A_556 = vector.broadcast %mul3A_555 : f32 to vector<16xf32>
        %mul3A_557 = arith.mulf %get3A_554, %mul3A_556 : vector<16xf32>
        %swap3A_558 = arith.index_cast %scan3A_416 : i32 to index
        %swap3A_559 = arith.index_cast %mul3A_550 : i32 to index
        %swap3A_560 = tpu.vector_load %arg7[%swap3A_558, %swap3A_559] {strides = array<i32>} : memref<16x1024xf32, #tpu.memory_space<vmem>>, vector<1x16xf32>,
        %swap3A_561 = vector.shape_cast %swap3A_560 : vector<1x16xf32> to vector<16xf32>
        %swap3A_562 = vector.shape_cast %mul3A_557 : vector<16xf32> to vector<1x16xf32>
        tpu.vector_store %arg7[%swap3A_558, %swap3A_559], %swap3A_562 {strides = array<i32>} : memref<16x1024xf32, #tpu.memory_space<vmem>>, vector<1x16xf32>,
        %scan3A_563 = arith.constant 9 : i32
        %scan3A_564 = arith.addi %scan3A_422, %scan3A_563 : i32
        %mul3A_565 = arith.constant 16 : i32
        %mul3A_566 = arith.muli %scan3A_564, %mul3A_565 : i32
        %get3A_567 = arith.index_cast %scan3A_416 : i32 to index
        %get3A_568 = arith.index_cast %mul3A_566 : i32 to index
        %get3A_569 = tpu.vector_load %arg7[%get3A_567, %get3A_568] {strides = array<i32>} : memref<16x1024xf32, #tpu.memory_space<vmem>>, vector<1x16xf32>,
        %get3A_570 = vector.shape_cast %get3A_569 : vector<1x16xf32> to vector<16xf32>
        %mul3A_571 = arith.constant 3.125000e-02 : f32
        %mul3A_572 = vector.broadcast %mul3A_571 : f32 to vector<16xf32>
        %mul3A_573 = arith.mulf %get3A_570, %mul3A_572 : vector<16xf32>
        %swap3A_574 = arith.index_cast %scan3A_416 : i32 to index
        %swap3A_575 = arith.index_cast %mul3A_566 : i32 to index
        %swap3A_576 = tpu.vector_load %arg7[%swap3A_574, %swap3A_575] {strides = array<i32>} : memref<16x1024xf32, #tpu.memory_space<vmem>>, vector<1x16xf32>,
        %swap3A_577 = vector.shape_cast %swap3A_576 : vector<1x16xf32> to vector<16xf32>
        %swap3A_578 = vector.shape_cast %mul3A_573 : vector<16xf32> to vector<1x16xf32>
        tpu.vector_store %arg7[%swap3A_574, %swap3A_575], %swap3A_578 {strides = array<i32>} : memref<16x1024xf32, #tpu.memory_space<vmem>>, vector<1x16xf32>,
        %scan3A_579 = arith.constant 10 : i32
        %scan3A_580 = arith.addi %scan3A_422, %scan3A_579 : i32
        %mul3A_581 = arith.constant 16 : i32
        %mul3A_582 = arith.muli %scan3A_580, %mul3A_581 : i32
        %get3A_583 = arith.index_cast %scan3A_416 : i32 to index
        %get3A_584 = arith.index_cast %mul3A_582 : i32 to index
        %get3A_585 = tpu.vector_load %arg7[%get3A_583, %get3A_584] {strides = array<i32>} : memref<16x1024xf32, #tpu.memory_space<vmem>>, vector<1x16xf32>,
        %get3A_586 = vector.shape_cast %get3A_585 : vector<1x16xf32> to vector<16xf32>
        %mul3A_587 = arith.constant 3.125000e-02 : f32
        %mul3A_588 = vector.broadcast %mul3A_587 : f32 to vector<16xf32>
        %mul3A_589 = arith.mulf %get3A_586, %mul3A_588 : vector<16xf32>
        %swap3A_590 = arith.index_cast %scan3A_416 : i32 to index
        %swap3A_591 = arith.index_cast %mul3A_582 : i32 to index
        %swap3A_592 = tpu.vector_load %arg7[%swap3A_590, %swap3A_591] {strides = array<i32>} : memref<16x1024xf32, #tpu.memory_space<vmem>>, vector<1x16xf32>,
        %swap3A_593 = vector.shape_cast %swap3A_592 : vector<1x16xf32> to vector<16xf32>
        %swap3A_594 = vector.shape_cast %mul3A_589 : vector<16xf32> to vector<1x16xf32>
        tpu.vector_store %arg7[%swap3A_590, %swap3A_591], %swap3A_594 {strides = array<i32>} : memref<16x1024xf32, #tpu.memory_space<vmem>>, vector<1x16xf32>,
        %scan3A_595 = arith.constant 11 : i32
        %scan3A_596 = arith.addi %scan3A_422, %scan3A_595 : i32
        %mul3A_597 = arith.constant 16 : i32
        %mul3A_598 = arith.muli %scan3A_596, %mul3A_597 : i32
        %get3A_599 = arith.index_cast %scan3A_416 : i32 to index
        %get3A_600 = arith.index_cast %mul3A_598 : i32 to index
        %get3A_601 = tpu.vector_load %arg7[%get3A_599, %get3A_600] {strides = array<i32>} : memref<16x1024xf32, #tpu.memory_space<vmem>>, vector<1x16xf32>,
        %get3A_602 = vector.shape_cast %get3A_601 : vector<1x16xf32> to vector<16xf32>
        %mul3A_603 = arith.constant 3.125000e-02 : f32
        %mul3A_604 = vector.broadcast %mul3A_603 : f32 to vector<16xf32>
        %mul3A_605 = arith.mulf %get3A_602, %mul3A_604 : vector<16xf32>
        %swap3A_606 = arith.index_cast %scan3A_416 : i32 to index
        %swap3A_607 = arith.index_cast %mul3A_598 : i32 to index
        %swap3A_608 = tpu.vector_load %arg7[%swap3A_606, %swap3A_607] {strides = array<i32>} : memref<16x1024xf32, #tpu.memory_space<vmem>>, vector<1x16xf32>,
        %swap3A_609 = vector.shape_cast %swap3A_608 : vector<1x16xf32> to vector<16xf32>
        %swap3A_610 = vector.shape_cast %mul3A_605 : vector<16xf32> to vector<1x16xf32>
        tpu.vector_store %arg7[%swap3A_606, %swap3A_607], %swap3A_610 {strides = array<i32>} : memref<16x1024xf32, #tpu.memory_space<vmem>>, vector<1x16xf32>,
        %scan3A_611 = arith.constant 12 : i32
        %scan3A_612 = arith.addi %scan3A_422, %scan3A_611 : i32
        %mul3A_613 = arith.constant 16 : i32
        %mul3A_614 = arith.muli %scan3A_612, %mul3A_613 : i32
        %get3A_615 = arith.index_cast %scan3A_416 : i32 to index
        %get3A_616 = arith.index_cast %mul3A_614 : i32 to index
        %get3A_617 = tpu.vector_load %arg7[%get3A_615, %get3A_616] {strides = array<i32>} : memref<16x1024xf32, #tpu.memory_space<vmem>>, vector<1x16xf32>,
        %get3A_618 = vector.shape_cast %get3A_617 : vector<1x16xf32> to vector<16xf32>
        %mul3A_619 = arith.constant 3.125000e-02 : f32
        %mul3A_620 = vector.broadcast %mul3A_619 : f32 to vector<16xf32>
        %mul3A_621 = arith.mulf %get3A_618, %mul3A_620 : vector<16xf32>
        %swap3A_622 = arith.index_cast %scan3A_416 : i32 to index
        %swap3A_623 = arith.index_cast %mul3A_614 : i32 to index
        %swap3A_624 = tpu.vector_load %arg7[%swap3A_622, %swap3A_623] {strides = array<i32>} : memref<16x1024xf32, #tpu.memory_space<vmem>>, vector<1x16xf32>,
        %swap3A_625 = vector.shape_cast %swap3A_624 : vector<1x16xf32> to vector<16xf32>
        %swap3A_626 = vector.shape_cast %mul3A_621 : vector<16xf32> to vector<1x16xf32>
        tpu.vector_store %arg7[%swap3A_622, %swap3A_623], %swap3A_626 {strides = array<i32>} : memref<16x1024xf32, #tpu.memory_space<vmem>>, vector<1x16xf32>,
        %scan3A_627 = arith.constant 13 : i32
        %scan3A_628 = arith.addi %scan3A_422, %scan3A_627 : i32
        %mul3A_629 = arith.constant 16 : i32
        %mul3A_630 = arith.muli %scan3A_628, %mul3A_629 : i32
        %get3A_631 = arith.index_cast %scan3A_416 : i32 to index
        %get3A_632 = arith.index_cast %mul3A_630 : i32 to index
        %get3A_633 = tpu.vector_load %arg7[%get3A_631, %get3A_632] {strides = array<i32>} : memref<16x1024xf32, #tpu.memory_space<vmem>>, vector<1x16xf32>,
        %get3A_634 = vector.shape_cast %get3A_633 : vector<1x16xf32> to vector<16xf32>
        %mul3A_635 = arith.constant 3.125000e-02 : f32
        %mul3A_636 = vector.broadcast %mul3A_635 : f32 to vector<16xf32>
        %mul3A_637 = arith.mulf %get3A_634, %mul3A_636 : vector<16xf32>
        %swap3A_638 = arith.index_cast %scan3A_416 : i32 to index
        %swap3A_639 = arith.index_cast %mul3A_630 : i32 to index
        %swap3A_640 = tpu.vector_load %arg7[%swap3A_638, %swap3A_639] {strides = array<i32>} : memref<16x1024xf32, #tpu.memory_space<vmem>>, vector<1x16xf32>,
        %swap3A_641 = vector.shape_cast %swap3A_640 : vector<1x16xf32> to vector<16xf32>
        %swap3A_642 = vector.shape_cast %mul3A_637 : vector<16xf32> to vector<1x16xf32>
        tpu.vector_store %arg7[%swap3A_638, %swap3A_639], %swap3A_642 {strides = array<i32>} : memref<16x1024xf32, #tpu.memory_space<vmem>>, vector<1x16xf32>,
        %scan3A_643 = arith.constant 14 : i32
        %scan3A_644 = arith.addi %scan3A_422, %scan3A_643 : i32
        %mul3A_645 = arith.constant 16 : i32
        %mul3A_646 = arith.muli %scan3A_644, %mul3A_645 : i32
        %get3A_647 = arith.index_cast %scan3A_416 : i32 to index
        %get3A_648 = arith.index_cast %mul3A_646 : i32 to index
        %get3A_649 = tpu.vector_load %arg7[%get3A_647, %get3A_648] {strides = array<i32>} : memref<16x1024xf32, #tpu.memory_space<vmem>>, vector<1x16xf32>,
        %get3A_650 = vector.shape_cast %get3A_649 : vector<1x16xf32> to vector<16xf32>
        %mul3A_651 = arith.constant 3.125000e-02 : f32
        %mul3A_652 = vector.broadcast %mul3A_651 : f32 to vector<16xf32>
        %mul3A_653 = arith.mulf %get3A_650, %mul3A_652 : vector<16xf32>
        %swap3A_654 = arith.index_cast %scan3A_416 : i32 to index
        %swap3A_655 = arith.index_cast %mul3A_646 : i32 to index
        %swap3A_656 = tpu.vector_load %arg7[%swap3A_654, %swap3A_655] {strides = array<i32>} : memref<16x1024xf32, #tpu.memory_space<vmem>>, vector<1x16xf32>,
        %swap3A_657 = vector.shape_cast %swap3A_656 : vector<1x16xf32> to vector<16xf32>
        %swap3A_658 = vector.shape_cast %mul3A_653 : vector<16xf32> to vector<1x16xf32>
        tpu.vector_store %arg7[%swap3A_654, %swap3A_655], %swap3A_658 {strides = array<i32>} : memref<16x1024xf32, #tpu.memory_space<vmem>>, vector<1x16xf32>,
        %scan3A_659 = arith.constant 15 : i32
        %scan3A_660 = arith.addi %scan3A_422, %scan3A_659 : i32
        %mul3A_661 = arith.constant 16 : i32
        %mul3A_662 = arith.muli %scan3A_660, %mul3A_661 : i32
        %get3A_663 = arith.index_cast %scan3A_416 : i32 to index
        %get3A_664 = arith.index_cast %mul3A_662 : i32 to index
        %get3A_665 = tpu.vector_load %arg7[%get3A_663, %get3A_664] {strides = array<i32>} : memref<16x1024xf32, #tpu.memory_space<vmem>>, vector<1x16xf32>,
        %get3A_666 = vector.shape_cast %get3A_665 : vector<1x16xf32> to vector<16xf32>
        %mul3A_667 = arith.constant 3.125000e-02 : f32
        %mul3A_668 = vector.broadcast %mul3A_667 : f32 to vector<16xf32>
        %mul3A_669 = arith.mulf %get3A_666, %mul3A_668 : vector<16xf32>
        %swap3A_670 = arith.index_cast %scan3A_416 : i32 to index
        %swap3A_671 = arith.index_cast %mul3A_662 : i32 to index
        %swap3A_672 = tpu.vector_load %arg7[%swap3A_670, %swap3A_671] {strides = array<i32>} : memref<16x1024xf32, #tpu.memory_space<vmem>>, vector<1x16xf32>,
        %swap3A_673 = vector.shape_cast %swap3A_672 : vector<1x16xf32> to vector<16xf32>
        %swap3A_674 = vector.shape_cast %mul3A_669 : vector<16xf32> to vector<1x16xf32>
        tpu.vector_store %arg7[%swap3A_670, %swap3A_671], %swap3A_674 {strides = array<i32>} : memref<16x1024xf32, #tpu.memory_space<vmem>>, vector<1x16xf32>,
      }
      %scan3A_421 = arith.constant 64 : i32
    }
    %scan3A_99 = arith.constant 16 : i32
    %add3A_100 = arith.constant 48 : i32
    %add3A_101 = arith.addi %mul3A_2, %add3A_100 : i32
    %dma_start3A_102 = arith.constant 0 : i32
    %dma_start3A_103 = tpu.memref_slice %arg3[%add3A_101, %dma_start3A_102] : memref<8192x1024xf32, #tpu.memory_space<hbm>> -> memref<16x1024xf32, #tpu.memory_space<hbm>>
    %dma_start3A_104 = arith.constant 0 : i32
    %dma_start3A_105 = tpu.memref_slice %arg3[%add3A_101, %dma_start3A_104] : memref<8192x1024xf32, #tpu.memory_space<hbm>> -> memref<16x1024xf32, #tpu.memory_space<hbm>>
    tpu.enqueue_dma source(%arg7 : memref<16x1024xf32, #tpu.memory_space<vmem>>) target(%dma_start3A_105 : memref<16x1024xf32, #tpu.memory_space<hbm>>) target_semaphore(%arg21 : memref<!tpu.dma_semaphore, #tpu.memory_space<semaphore_mem>>)
    %dma_wait3A_106 = arith.constant 0 : i32
    %dma_wait3A_107 = tpu.memref_slice %arg3[%add3A_35, %dma_wait3A_106] : memref<8192x1024xf32, #tpu.memory_space<hbm>> -> memref<16x1024xf32, #tpu.memory_space<hbm>>
    %dma_wait3A_108 = arith.constant 0 : i32
    %dma_wait3A_109 = tpu.memref_slice %arg3[%add3A_35, %dma_wait3A_108] : memref<8192x1024xf32, #tpu.memory_space<hbm>> -> memref<16x1024xf32, #tpu.memory_space<hbm>>
    tpu.wait_dma2 semaphore(%arg18 : memref<!tpu.dma_semaphore, #tpu.memory_space<semaphore_mem>>) src(%arg4 : memref<16x1024xf32, #tpu.memory_space<vmem>>) dst(%dma_wait3A_109 : memref<16x1024xf32, #tpu.memory_space<hbm>>)
    %add3A_110 = arith.constant 112 : i32
    %add3A_111 = arith.addi %mul3A_2, %add3A_110 : i32
    %dma_start3A_112 = arith.constant 0 : i32
    %dma_start3A_113 = tpu.memref_slice %arg2[%add3A_111, %dma_start3A_112] : memref<8192x1024xf32, #tpu.memory_space<hbm>> -> memref<16x1024xf32, #tpu.memory_space<hbm>>
    %dma_start3A_114 = arith.constant 0 : i32
    %dma_start3A_115 = tpu.memref_slice %arg2[%add3A_111, %dma_start3A_114] : memref<8192x1024xf32, #tpu.memory_space<hbm>> -> memref<16x1024xf32, #tpu.memory_space<hbm>>
    tpu.enqueue_dma source(%dma_start3A_115 : memref<16x1024xf32, #tpu.memory_space<hbm>>) target(%arg4 : memref<16x1024xf32, #tpu.memory_space<vmem>>) target_semaphore(%arg11 : memref<!tpu.dma_semaphore, #tpu.memory_space<semaphore_mem>>)
    %dma_wait3A_116 = arith.constant 0 : i32
    %dma_wait3A_117 = tpu.memref_slice %arg2[%add3A_41, %dma_wait3A_116] : memref<8192x1024xf32, #tpu.memory_space<hbm>> -> memref<16x1024xf32, #tpu.memory_space<hbm>>
    %dma_wait3A_118 = arith.constant 0 : i32
    %dma_wait3A_119 = tpu.memref_slice %arg2[%add3A_41, %dma_wait3A_118] : memref<8192x1024xf32, #tpu.memory_space<hbm>> -> memref<16x1024xf32, #tpu.memory_space<hbm>>
    tpu.wait_dma2 semaphore(%arg15 : memref<!tpu.dma_semaphore, #tpu.memory_space<semaphore_mem>>) src(%dma_wait3A_119 : memref<16x1024xf32, #tpu.memory_space<hbm>>) dst(%arg8 : memref<16x1024xf32, #tpu.memory_space<vmem>>)
    %scan3A_120 = arith.constant 0 : i32
    %scan3A_121 = arith.constant 0 : i32
    %scan3A_122 = arith.constant 16 : i32
    %scan3A_123 = arith.addi %scan3A_121, %scan3A_122 : i32
    %scan3A_124 = arith.constant 1 : i32
    scf.for %scan3A_416 = %scan3A_121 to %scan3A_123 step %scan3A_124  : i32 {
      %scan3A_417 = arith.constant 0 : i32
      %scan3A_418 = arith.constant 64 : i32
      %scan3A_419 = arith.addi %scan3A_417, %scan3A_418 : i32
      %scan3A_420 = arith.constant 16 : i32
      scf.for %scan3A_422 = %scan3A_417 to %scan3A_419 step %scan3A_420  : i32 {
        %mul3A_423 = arith.constant 16 : i32
        %mul3A_424 = arith.muli %scan3A_422, %mul3A_423 : i32
        %get3A = arith.index_cast %scan3A_416 : i32 to index
        %get3A_425 = arith.index_cast %mul3A_424 : i32 to index
        %get3A_426 = tpu.vector_load %arg8[%get3A, %get3A_425] {strides = array<i32>} : memref<16x1024xf32, #tpu.memory_space<vmem>>, vector<1x16xf32>,
        %get3A_427 = vector.shape_cast %get3A_426 : vector<1x16xf32> to vector<16xf32>
        %mul3A_428 = arith.constant 3.125000e-02 : f32
        %mul3A_429 = vector.broadcast %mul3A_428 : f32 to vector<16xf32>
        %mul3A_430 = arith.mulf %get3A_427, %mul3A_429 : vector<16xf32>
        %swap3A = arith.index_cast %scan3A_416 : i32 to index
        %swap3A_431 = arith.index_cast %mul3A_424 : i32 to index
        %swap3A_432 = tpu.vector_load %arg8[%swap3A, %swap3A_431] {strides = array<i32>} : memref<16x1024xf32, #tpu.memory_space<vmem>>, vector<1x16xf32>,
        %swap3A_433 = vector.shape_cast %swap3A_432 : vector<1x16xf32> to vector<16xf32>
        %swap3A_434 = vector.shape_cast %mul3A_430 : vector<16xf32> to vector<1x16xf32>
        tpu.vector_store %arg8[%swap3A, %swap3A_431], %swap3A_434 {strides = array<i32>} : memref<16x1024xf32, #tpu.memory_space<vmem>>, vector<1x16xf32>,
        %scan3A_435 = arith.constant 1 : i32
        %scan3A_436 = arith.addi %scan3A_422, %scan3A_435 : i32
        %mul3A_437 = arith.constant 16 : i32
        %mul3A_438 = arith.muli %scan3A_436, %mul3A_437 : i32
        %get3A_439 = arith.index_cast %scan3A_416 : i32 to index
        %get3A_440 = arith.index_cast %mul3A_438 : i32 to index
        %get3A_441 = tpu.vector_load %arg8[%get3A_439, %get3A_440] {strides = array<i32>} : memref<16x1024xf32, #tpu.memory_space<vmem>>, vector<1x16xf32>,
        %get3A_442 = vector.shape_cast %get3A_441 : vector<1x16xf32> to vector<16xf32>
        %mul3A_443 = arith.constant 3.125000e-02 : f32
        %mul3A_444 = vector.broadcast %mul3A_443 : f32 to vector<16xf32>
        %mul3A_445 = arith.mulf %get3A_442, %mul3A_444 : vector<16xf32>
        %swap3A_446 = arith.index_cast %scan3A_416 : i32 to index
        %swap3A_447 = arith.index_cast %mul3A_438 : i32 to index
        %swap3A_448 = tpu.vector_load %arg8[%swap3A_446, %swap3A_447] {strides = array<i32>} : memref<16x1024xf32, #tpu.memory_space<vmem>>, vector<1x16xf32>,
        %swap3A_449 = vector.shape_cast %swap3A_448 : vector<1x16xf32> to vector<16xf32>
        %swap3A_450 = vector.shape_cast %mul3A_445 : vector<16xf32> to vector<1x16xf32>
        tpu.vector_store %arg8[%swap3A_446, %swap3A_447], %swap3A_450 {strides = array<i32>} : memref<16x1024xf32, #tpu.memory_space<vmem>>, vector<1x16xf32>,
        %scan3A_451 = arith.constant 2 : i32
        %scan3A_452 = arith.addi %scan3A_422, %scan3A_451 : i32
        %mul3A_453 = arith.constant 16 : i32
        %mul3A_454 = arith.muli %scan3A_452, %mul3A_453 : i32
        %get3A_455 = arith.index_cast %scan3A_416 : i32 to index
        %get3A_456 = arith.index_cast %mul3A_454 : i32 to index
        %get3A_457 = tpu.vector_load %arg8[%get3A_455, %get3A_456] {strides = array<i32>} : memref<16x1024xf32, #tpu.memory_space<vmem>>, vector<1x16xf32>,
        %get3A_458 = vector.shape_cast %get3A_457 : vector<1x16xf32> to vector<16xf32>
        %mul3A_459 = arith.constant 3.125000e-02 : f32
        %mul3A_460 = vector.broadcast %mul3A_459 : f32 to vector<16xf32>
        %mul3A_461 = arith.mulf %get3A_458, %mul3A_460 : vector<16xf32>
        %swap3A_462 = arith.index_cast %scan3A_416 : i32 to index
        %swap3A_463 = arith.index_cast %mul3A_454 : i32 to index
        %swap3A_464 = tpu.vector_load %arg8[%swap3A_462, %swap3A_463] {strides = array<i32>} : memref<16x1024xf32, #tpu.memory_space<vmem>>, vector<1x16xf32>,
        %swap3A_465 = vector.shape_cast %swap3A_464 : vector<1x16xf32> to vector<16xf32>
        %swap3A_466 = vector.shape_cast %mul3A_461 : vector<16xf32> to vector<1x16xf32>
        tpu.vector_store %arg8[%swap3A_462, %swap3A_463], %swap3A_466 {strides = array<i32>} : memref<16x1024xf32, #tpu.memory_space<vmem>>, vector<1x16xf32>,
        %scan3A_467 = arith.constant 3 : i32
        %scan3A_468 = arith.addi %scan3A_422, %scan3A_467 : i32
        %mul3A_469 = arith.constant 16 : i32
        %mul3A_470 = arith.muli %scan3A_468, %mul3A_469 : i32
        %get3A_471 = arith.index_cast %scan3A_416 : i32 to index
        %get3A_472 = arith.index_cast %mul3A_470 : i32 to index
        %get3A_473 = tpu.vector_load %arg8[%get3A_471, %get3A_472] {strides = array<i32>} : memref<16x1024xf32, #tpu.memory_space<vmem>>, vector<1x16xf32>,
        %get3A_474 = vector.shape_cast %get3A_473 : vector<1x16xf32> to vector<16xf32>
        %mul3A_475 = arith.constant 3.125000e-02 : f32
        %mul3A_476 = vector.broadcast %mul3A_475 : f32 to vector<16xf32>
        %mul3A_477 = arith.mulf %get3A_474, %mul3A_476 : vector<16xf32>
        %swap3A_478 = arith.index_cast %scan3A_416 : i32 to index
        %swap3A_479 = arith.index_cast %mul3A_470 : i32 to index
        %swap3A_480 = tpu.vector_load %arg8[%swap3A_478, %swap3A_479] {strides = array<i32>} : memref<16x1024xf32, #tpu.memory_space<vmem>>, vector<1x16xf32>,
        %swap3A_481 = vector.shape_cast %swap3A_480 : vector<1x16xf32> to vector<16xf32>
        %swap3A_482 = vector.shape_cast %mul3A_477 : vector<16xf32> to vector<1x16xf32>
        tpu.vector_store %arg8[%swap3A_478, %swap3A_479], %swap3A_482 {strides = array<i32>} : memref<16x1024xf32, #tpu.memory_space<vmem>>, vector<1x16xf32>,
        %scan3A_483 = arith.constant 4 : i32
        %scan3A_484 = arith.addi %scan3A_422, %scan3A_483 : i32
        %mul3A_485 = arith.constant 16 : i32
        %mul3A_486 = arith.muli %scan3A_484, %mul3A_485 : i32
        %get3A_487 = arith.index_cast %scan3A_416 : i32 to index
        %get3A_488 = arith.index_cast %mul3A_486 : i32 to index
        %get3A_489 = tpu.vector_load %arg8[%get3A_487, %get3A_488] {strides = array<i32>} : memref<16x1024xf32, #tpu.memory_space<vmem>>, vector<1x16xf32>,
        %get3A_490 = vector.shape_cast %get3A_489 : vector<1x16xf32> to vector<16xf32>
        %mul3A_491 = arith.constant 3.125000e-02 : f32
        %mul3A_492 = vector.broadcast %mul3A_491 : f32 to vector<16xf32>
        %mul3A_493 = arith.mulf %get3A_490, %mul3A_492 : vector<16xf32>
        %swap3A_494 = arith.index_cast %scan3A_416 : i32 to index
        %swap3A_495 = arith.index_cast %mul3A_486 : i32 to index
        %swap3A_496 = tpu.vector_load %arg8[%swap3A_494, %swap3A_495] {strides = array<i32>} : memref<16x1024xf32, #tpu.memory_space<vmem>>, vector<1x16xf32>,
        %swap3A_497 = vector.shape_cast %swap3A_496 : vector<1x16xf32> to vector<16xf32>
        %swap3A_498 = vector.shape_cast %mul3A_493 : vector<16xf32> to vector<1x16xf32>
        tpu.vector_store %arg8[%swap3A_494, %swap3A_495], %swap3A_498 {strides = array<i32>} : memref<16x1024xf32, #tpu.memory_space<vmem>>, vector<1x16xf32>,
        %scan3A_499 = arith.constant 5 : i32
        %scan3A_500 = arith.addi %scan3A_422, %scan3A_499 : i32
        %mul3A_501 = arith.constant 16 : i32
        %mul3A_502 = arith.muli %scan3A_500, %mul3A_501 : i32
        %get3A_503 = arith.index_cast %scan3A_416 : i32 to index
        %get3A_504 = arith.index_cast %mul3A_502 : i32 to index
        %get3A_505 = tpu.vector_load %arg8[%get3A_503, %get3A_504] {strides = array<i32>} : memref<16x1024xf32, #tpu.memory_space<vmem>>, vector<1x16xf32>,
        %get3A_506 = vector.shape_cast %get3A_505 : vector<1x16xf32> to vector<16xf32>
        %mul3A_507 = arith.constant 3.125000e-02 : f32
        %mul3A_508 = vector.broadcast %mul3A_507 : f32 to vector<16xf32>
        %mul3A_509 = arith.mulf %get3A_506, %mul3A_508 : vector<16xf32>
        %swap3A_510 = arith.index_cast %scan3A_416 : i32 to index
        %swap3A_511 = arith.index_cast %mul3A_502 : i32 to index
        %swap3A_512 = tpu.vector_load %arg8[%swap3A_510, %swap3A_511] {strides = array<i32>} : memref<16x1024xf32, #tpu.memory_space<vmem>>, vector<1x16xf32>,
        %swap3A_513 = vector.shape_cast %swap3A_512 : vector<1x16xf32> to vector<16xf32>
        %swap3A_514 = vector.shape_cast %mul3A_509 : vector<16xf32> to vector<1x16xf32>
        tpu.vector_store %arg8[%swap3A_510, %swap3A_511], %swap3A_514 {strides = array<i32>} : memref<16x1024xf32, #tpu.memory_space<vmem>>, vector<1x16xf32>,
        %scan3A_515 = arith.constant 6 : i32
        %scan3A_516 = arith.addi %scan3A_422, %scan3A_515 : i32
        %mul3A_517 = arith.constant 16 : i32
        %mul3A_518 = arith.muli %scan3A_516, %mul3A_517 : i32
        %get3A_519 = arith.index_cast %scan3A_416 : i32 to index
        %get3A_520 = arith.index_cast %mul3A_518 : i32 to index
        %get3A_521 = tpu.vector_load %arg8[%get3A_519, %get3A_520] {strides = array<i32>} : memref<16x1024xf32, #tpu.memory_space<vmem>>, vector<1x16xf32>,
        %get3A_522 = vector.shape_cast %get3A_521 : vector<1x16xf32> to vector<16xf32>
        %mul3A_523 = arith.constant 3.125000e-02 : f32
        %mul3A_524 = vector.broadcast %mul3A_523 : f32 to vector<16xf32>
        %mul3A_525 = arith.mulf %get3A_522, %mul3A_524 : vector<16xf32>
        %swap3A_526 = arith.index_cast %scan3A_416 : i32 to index
        %swap3A_527 = arith.index_cast %mul3A_518 : i32 to index
        %swap3A_528 = tpu.vector_load %arg8[%swap3A_526, %swap3A_527] {strides = array<i32>} : memref<16x1024xf32, #tpu.memory_space<vmem>>, vector<1x16xf32>,
        %swap3A_529 = vector.shape_cast %swap3A_528 : vector<1x16xf32> to vector<16xf32>
        %swap3A_530 = vector.shape_cast %mul3A_525 : vector<16xf32> to vector<1x16xf32>
        tpu.vector_store %arg8[%swap3A_526, %swap3A_527], %swap3A_530 {strides = array<i32>} : memref<16x1024xf32, #tpu.memory_space<vmem>>, vector<1x16xf32>,
        %scan3A_531 = arith.constant 7 : i32
        %scan3A_532 = arith.addi %scan3A_422, %scan3A_531 : i32
        %mul3A_533 = arith.constant 16 : i32
        %mul3A_534 = arith.muli %scan3A_532, %mul3A_533 : i32
        %get3A_535 = arith.index_cast %scan3A_416 : i32 to index
        %get3A_536 = arith.index_cast %mul3A_534 : i32 to index
        %get3A_537 = tpu.vector_load %arg8[%get3A_535, %get3A_536] {strides = array<i32>} : memref<16x1024xf32, #tpu.memory_space<vmem>>, vector<1x16xf32>,
        %get3A_538 = vector.shape_cast %get3A_537 : vector<1x16xf32> to vector<16xf32>
        %mul3A_539 = arith.constant 3.125000e-02 : f32
        %mul3A_540 = vector.broadcast %mul3A_539 : f32 to vector<16xf32>
        %mul3A_541 = arith.mulf %get3A_538, %mul3A_540 : vector<16xf32>
        %swap3A_542 = arith.index_cast %scan3A_416 : i32 to index
        %swap3A_543 = arith.index_cast %mul3A_534 : i32 to index
        %swap3A_544 = tpu.vector_load %arg8[%swap3A_542, %swap3A_543] {strides = array<i32>} : memref<16x1024xf32, #tpu.memory_space<vmem>>, vector<1x16xf32>,
        %swap3A_545 = vector.shape_cast %swap3A_544 : vector<1x16xf32> to vector<16xf32>
        %swap3A_546 = vector.shape_cast %mul3A_541 : vector<16xf32> to vector<1x16xf32>
        tpu.vector_store %arg8[%swap3A_542, %swap3A_543], %swap3A_546 {strides = array<i32>} : memref<16x1024xf32, #tpu.memory_space<vmem>>, vector<1x16xf32>,
        %scan3A_547 = arith.constant 8 : i32
        %scan3A_548 = arith.addi %scan3A_422, %scan3A_547 : i32
        %mul3A_549 = arith.constant 16 : i32
        %mul3A_550 = arith.muli %scan3A_548, %mul3A_549 : i32
        %get3A_551 = arith.index_cast %scan3A_416 : i32 to index
        %get3A_552 = arith.index_cast %mul3A_550 : i32 to index
        %get3A_553 = tpu.vector_load %arg8[%get3A_551, %get3A_552] {strides = array<i32>} : memref<16x1024xf32, #tpu.memory_space<vmem>>, vector<1x16xf32>,
        %get3A_554 = vector.shape_cast %get3A_553 : vector<1x16xf32> to vector<16xf32>
        %mul3A_555 = arith.constant 3.125000e-02 : f32
        %mul3A_556 = vector.broadcast %mul3A_555 : f32 to vector<16xf32>
        %mul3A_557 = arith.mulf %get3A_554, %mul3A_556 : vector<16xf32>
        %swap3A_558 = arith.index_cast %scan3A_416 : i32 to index
        %swap3A_559 = arith.index_cast %mul3A_550 : i32 to index
        %swap3A_560 = tpu.vector_load %arg8[%swap3A_558, %swap3A_559] {strides = array<i32>} : memref<16x1024xf32, #tpu.memory_space<vmem>>, vector<1x16xf32>,
        %swap3A_561 = vector.shape_cast %swap3A_560 : vector<1x16xf32> to vector<16xf32>
        %swap3A_562 = vector.shape_cast %mul3A_557 : vector<16xf32> to vector<1x16xf32>
        tpu.vector_store %arg8[%swap3A_558, %swap3A_559], %swap3A_562 {strides = array<i32>} : memref<16x1024xf32, #tpu.memory_space<vmem>>, vector<1x16xf32>,
        %scan3A_563 = arith.constant 9 : i32
        %scan3A_564 = arith.addi %scan3A_422, %scan3A_563 : i32
        %mul3A_565 = arith.constant 16 : i32
        %mul3A_566 = arith.muli %scan3A_564, %mul3A_565 : i32
        %get3A_567 = arith.index_cast %scan3A_416 : i32 to index
        %get3A_568 = arith.index_cast %mul3A_566 : i32 to index
        %get3A_569 = tpu.vector_load %arg8[%get3A_567, %get3A_568] {strides = array<i32>} : memref<16x1024xf32, #tpu.memory_space<vmem>>, vector<1x16xf32>,
        %get3A_570 = vector.shape_cast %get3A_569 : vector<1x16xf32> to vector<16xf32>
        %mul3A_571 = arith.constant 3.125000e-02 : f32
        %mul3A_572 = vector.broadcast %mul3A_571 : f32 to vector<16xf32>
        %mul3A_573 = arith.mulf %get3A_570, %mul3A_572 : vector<16xf32>
        %swap3A_574 = arith.index_cast %scan3A_416 : i32 to index
        %swap3A_575 = arith.index_cast %mul3A_566 : i32 to index
        %swap3A_576 = tpu.vector_load %arg8[%swap3A_574, %swap3A_575] {strides = array<i32>} : memref<16x1024xf32, #tpu.memory_space<vmem>>, vector<1x16xf32>,
        %swap3A_577 = vector.shape_cast %swap3A_576 : vector<1x16xf32> to vector<16xf32>
        %swap3A_578 = vector.shape_cast %mul3A_573 : vector<16xf32> to vector<1x16xf32>
        tpu.vector_store %arg8[%swap3A_574, %swap3A_575], %swap3A_578 {strides = array<i32>} : memref<16x1024xf32, #tpu.memory_space<vmem>>, vector<1x16xf32>,
        %scan3A_579 = arith.constant 10 : i32
        %scan3A_580 = arith.addi %scan3A_422, %scan3A_579 : i32
        %mul3A_581 = arith.constant 16 : i32
        %mul3A_582 = arith.muli %scan3A_580, %mul3A_581 : i32
        %get3A_583 = arith.index_cast %scan3A_416 : i32 to index
        %get3A_584 = arith.index_cast %mul3A_582 : i32 to index
        %get3A_585 = tpu.vector_load %arg8[%get3A_583, %get3A_584] {strides = array<i32>} : memref<16x1024xf32, #tpu.memory_space<vmem>>, vector<1x16xf32>,
        %get3A_586 = vector.shape_cast %get3A_585 : vector<1x16xf32> to vector<16xf32>
        %mul3A_587 = arith.constant 3.125000e-02 : f32
        %mul3A_588 = vector.broadcast %mul3A_587 : f32 to vector<16xf32>
        %mul3A_589 = arith.mulf %get3A_586, %mul3A_588 : vector<16xf32>
        %swap3A_590 = arith.index_cast %scan3A_416 : i32 to index
        %swap3A_591 = arith.index_cast %mul3A_582 : i32 to index
        %swap3A_592 = tpu.vector_load %arg8[%swap3A_590, %swap3A_591] {strides = array<i32>} : memref<16x1024xf32, #tpu.memory_space<vmem>>, vector<1x16xf32>,
        %swap3A_593 = vector.shape_cast %swap3A_592 : vector<1x16xf32> to vector<16xf32>
        %swap3A_594 = vector.shape_cast %mul3A_589 : vector<16xf32> to vector<1x16xf32>
        tpu.vector_store %arg8[%swap3A_590, %swap3A_591], %swap3A_594 {strides = array<i32>} : memref<16x1024xf32, #tpu.memory_space<vmem>>, vector<1x16xf32>,
        %scan3A_595 = arith.constant 11 : i32
        %scan3A_596 = arith.addi %scan3A_422, %scan3A_595 : i32
        %mul3A_597 = arith.constant 16 : i32
        %mul3A_598 = arith.muli %scan3A_596, %mul3A_597 : i32
        %get3A_599 = arith.index_cast %scan3A_416 : i32 to index
        %get3A_600 = arith.index_cast %mul3A_598 : i32 to index
        %get3A_601 = tpu.vector_load %arg8[%get3A_599, %get3A_600] {strides = array<i32>} : memref<16x1024xf32, #tpu.memory_space<vmem>>, vector<1x16xf32>,
        %get3A_602 = vector.shape_cast %get3A_601 : vector<1x16xf32> to vector<16xf32>
        %mul3A_603 = arith.constant 3.125000e-02 : f32
        %mul3A_604 = vector.broadcast %mul3A_603 : f32 to vector<16xf32>
        %mul3A_605 = arith.mulf %get3A_602, %mul3A_604 : vector<16xf32>
        %swap3A_606 = arith.index_cast %scan3A_416 : i32 to index
        %swap3A_607 = arith.index_cast %mul3A_598 : i32 to index
        %swap3A_608 = tpu.vector_load %arg8[%swap3A_606, %swap3A_607] {strides = array<i32>} : memref<16x1024xf32, #tpu.memory_space<vmem>>, vector<1x16xf32>,
        %swap3A_609 = vector.shape_cast %swap3A_608 : vector<1x16xf32> to vector<16xf32>
        %swap3A_610 = vector.shape_cast %mul3A_605 : vector<16xf32> to vector<1x16xf32>
        tpu.vector_store %arg8[%swap3A_606, %swap3A_607], %swap3A_610 {strides = array<i32>} : memref<16x1024xf32, #tpu.memory_space<vmem>>, vector<1x16xf32>,
        %scan3A_611 = arith.constant 12 : i32
        %scan3A_612 = arith.addi %scan3A_422, %scan3A_611 : i32
        %mul3A_613 = arith.constant 16 : i32
        %mul3A_614 = arith.muli %scan3A_612, %mul3A_613 : i32
        %get3A_615 = arith.index_cast %scan3A_416 : i32 to index
        %get3A_616 = arith.index_cast %mul3A_614 : i32 to index
        %get3A_617 = tpu.vector_load %arg8[%get3A_615, %get3A_616] {strides = array<i32>} : memref<16x1024xf32, #tpu.memory_space<vmem>>, vector<1x16xf32>,
        %get3A_618 = vector.shape_cast %get3A_617 : vector<1x16xf32> to vector<16xf32>
        %mul3A_619 = arith.constant 3.125000e-02 : f32
        %mul3A_620 = vector.broadcast %mul3A_619 : f32 to vector<16xf32>
        %mul3A_621 = arith.mulf %get3A_618, %mul3A_620 : vector<16xf32>
        %swap3A_622 = arith.index_cast %scan3A_416 : i32 to index
        %swap3A_623 = arith.index_cast %mul3A_614 : i32 to index
        %swap3A_624 = tpu.vector_load %arg8[%swap3A_622, %swap3A_623] {strides = array<i32>} : memref<16x1024xf32, #tpu.memory_space<vmem>>, vector<1x16xf32>,
        %swap3A_625 = vector.shape_cast %swap3A_624 : vector<1x16xf32> to vector<16xf32>
        %swap3A_626 = vector.shape_cast %mul3A_621 : vector<16xf32> to vector<1x16xf32>
        tpu.vector_store %arg8[%swap3A_622, %swap3A_623], %swap3A_626 {strides = array<i32>} : memref<16x1024xf32, #tpu.memory_space<vmem>>, vector<1x16xf32>,
        %scan3A_627 = arith.constant 13 : i32
        %scan3A_628 = arith.addi %scan3A_422, %scan3A_627 : i32
        %mul3A_629 = arith.constant 16 : i32
        %mul3A_630 = arith.muli %scan3A_628, %mul3A_629 : i32
        %get3A_631 = arith.index_cast %scan3A_416 : i32 to index
        %get3A_632 = arith.index_cast %mul3A_630 : i32 to index
        %get3A_633 = tpu.vector_load %arg8[%get3A_631, %get3A_632] {strides = array<i32>} : memref<16x1024xf32, #tpu.memory_space<vmem>>, vector<1x16xf32>,
        %get3A_634 = vector.shape_cast %get3A_633 : vector<1x16xf32> to vector<16xf32>
        %mul3A_635 = arith.constant 3.125000e-02 : f32
        %mul3A_636 = vector.broadcast %mul3A_635 : f32 to vector<16xf32>
        %mul3A_637 = arith.mulf %get3A_634, %mul3A_636 : vector<16xf32>
        %swap3A_638 = arith.index_cast %scan3A_416 : i32 to index
        %swap3A_639 = arith.index_cast %mul3A_630 : i32 to index
        %swap3A_640 = tpu.vector_load %arg8[%swap3A_638, %swap3A_639] {strides = array<i32>} : memref<16x1024xf32, #tpu.memory_space<vmem>>, vector<1x16xf32>,
        %swap3A_641 = vector.shape_cast %swap3A_640 : vector<1x16xf32> to vector<16xf32>
        %swap3A_642 = vector.shape_cast %mul3A_637 : vector<16xf32> to vector<1x16xf32>
        tpu.vector_store %arg8[%swap3A_638, %swap3A_639], %swap3A_642 {strides = array<i32>} : memref<16x1024xf32, #tpu.memory_space<vmem>>, vector<1x16xf32>,
        %scan3A_643 = arith.constant 14 : i32
        %scan3A_644 = arith.addi %scan3A_422, %scan3A_643 : i32
        %mul3A_645 = arith.constant 16 : i32
        %mul3A_646 = arith.muli %scan3A_644, %mul3A_645 : i32
        %get3A_647 = arith.index_cast %scan3A_416 : i32 to index
        %get3A_648 = arith.index_cast %mul3A_646 : i32 to index
        %get3A_649 = tpu.vector_load %arg8[%get3A_647, %get3A_648] {strides = array<i32>} : memref<16x1024xf32, #tpu.memory_space<vmem>>, vector<1x16xf32>,
        %get3A_650 = vector.shape_cast %get3A_649 : vector<1x16xf32> to vector<16xf32>
        %mul3A_651 = arith.constant 3.125000e-02 : f32
        %mul3A_652 = vector.broadcast %mul3A_651 : f32 to vector<16xf32>
        %mul3A_653 = arith.mulf %get3A_650, %mul3A_652 : vector<16xf32>
        %swap3A_654 = arith.index_cast %scan3A_416 : i32 to index
        %swap3A_655 = arith.index_cast %mul3A_646 : i32 to index
        %swap3A_656 = tpu.vector_load %arg8[%swap3A_654, %swap3A_655] {strides = array<i32>} : memref<16x1024xf32, #tpu.memory_space<vmem>>, vector<1x16xf32>,
        %swap3A_657 = vector.shape_cast %swap3A_656 : vector<1x16xf32> to vector<16xf32>
        %swap3A_658 = vector.shape_cast %mul3A_653 : vector<16xf32> to vector<1x16xf32>
        tpu.vector_store %arg8[%swap3A_654, %swap3A_655], %swap3A_658 {strides = array<i32>} : memref<16x1024xf32, #tpu.memory_space<vmem>>, vector<1x16xf32>,
        %scan3A_659 = arith.constant 15 : i32
        %scan3A_660 = arith.addi %scan3A_422, %scan3A_659 : i32
        %mul3A_661 = arith.constant 16 : i32
        %mul3A_662 = arith.muli %scan3A_660, %mul3A_661 : i32
        %get3A_663 = arith.index_cast %scan3A_416 : i32 to index
        %get3A_664 = arith.index_cast %mul3A_662 : i32 to index
        %get3A_665 = tpu.vector_load %arg8[%get3A_663, %get3A_664] {strides = array<i32>} : memref<16x1024xf32, #tpu.memory_space<vmem>>, vector<1x16xf32>,
        %get3A_666 = vector.shape_cast %get3A_665 : vector<1x16xf32> to vector<16xf32>
        %mul3A_667 = arith.constant 3.125000e-02 : f32
        %mul3A_668 = vector.broadcast %mul3A_667 : f32 to vector<16xf32>
        %mul3A_669 = arith.mulf %get3A_666, %mul3A_668 : vector<16xf32>
        %swap3A_670 = arith.index_cast %scan3A_416 : i32 to index
        %swap3A_671 = arith.index_cast %mul3A_662 : i32 to index
        %swap3A_672 = tpu.vector_load %arg8[%swap3A_670, %swap3A_671] {strides = array<i32>} : memref<16x1024xf32, #tpu.memory_space<vmem>>, vector<1x16xf32>,
        %swap3A_673 = vector.shape_cast %swap3A_672 : vector<1x16xf32> to vector<16xf32>
        %swap3A_674 = vector.shape_cast %mul3A_669 : vector<16xf32> to vector<1x16xf32>
        tpu.vector_store %arg8[%swap3A_670, %swap3A_671], %swap3A_674 {strides = array<i32>} : memref<16x1024xf32, #tpu.memory_space<vmem>>, vector<1x16xf32>,
      }
      %scan3A_421 = arith.constant 64 : i32
    }
    %scan3A_125 = arith.constant 16 : i32
    %add3A_126 = arith.constant 64 : i32
    %add3A_127 = arith.addi %mul3A_2, %add3A_126 : i32
    %dma_start3A_128 = arith.constant 0 : i32
    %dma_start3A_129 = tpu.memref_slice %arg3[%add3A_127, %dma_start3A_128] : memref<8192x1024xf32, #tpu.memory_space<hbm>> -> memref<16x1024xf32, #tpu.memory_space<hbm>>
    %dma_start3A_130 = arith.constant 0 : i32
    %dma_start3A_131 = tpu.memref_slice %arg3[%add3A_127, %dma_start3A_130] : memref<8192x1024xf32, #tpu.memory_space<hbm>> -> memref<16x1024xf32, #tpu.memory_space<hbm>>
    tpu.enqueue_dma source(%arg8 : memref<16x1024xf32, #tpu.memory_space<vmem>>) target(%dma_start3A_131 : memref<16x1024xf32, #tpu.memory_space<hbm>>) target_semaphore(%arg22 : memref<!tpu.dma_semaphore, #tpu.memory_space<semaphore_mem>>)
    %dma_wait3A_132 = arith.constant 0 : i32
    %dma_wait3A_133 = tpu.memref_slice %arg3[%add3A_57, %dma_wait3A_132] : memref<8192x1024xf32, #tpu.memory_space<hbm>> -> memref<16x1024xf32, #tpu.memory_space<hbm>>
    %dma_wait3A_134 = arith.constant 0 : i32
    %dma_wait3A_135 = tpu.memref_slice %arg3[%add3A_57, %dma_wait3A_134] : memref<8192x1024xf32, #tpu.memory_space<hbm>> -> memref<16x1024xf32, #tpu.memory_space<hbm>>
    tpu.wait_dma2 semaphore(%arg19 : memref<!tpu.dma_semaphore, #tpu.memory_space<semaphore_mem>>) src(%arg5 : memref<16x1024xf32, #tpu.memory_space<vmem>>) dst(%dma_wait3A_135 : memref<16x1024xf32, #tpu.memory_space<hbm>>)
    %add3A_136 = arith.constant 128 : i32
    %add3A_137 = arith.addi %mul3A_2, %add3A_136 : i32
    %dma_start3A_138 = arith.constant 0 : i32
    %dma_start3A_139 = tpu.memref_slice %arg2[%add3A_137, %dma_start3A_138] : memref<8192x1024xf32, #tpu.memory_space<hbm>> -> memref<16x1024xf32, #tpu.memory_space<hbm>>
    %dma_start3A_140 = arith.constant 0 : i32
    %dma_start3A_141 = tpu.memref_slice %arg2[%add3A_137, %dma_start3A_140] : memref<8192x1024xf32, #tpu.memory_space<hbm>> -> memref<16x1024xf32, #tpu.memory_space<hbm>>
    tpu.enqueue_dma source(%dma_start3A_141 : memref<16x1024xf32, #tpu.memory_space<hbm>>) target(%arg5 : memref<16x1024xf32, #tpu.memory_space<vmem>>) target_semaphore(%arg12 : memref<!tpu.dma_semaphore, #tpu.memory_space<semaphore_mem>>)
    %dma_wait3A_142 = arith.constant 0 : i32
    %dma_wait3A_143 = tpu.memref_slice %arg2[%add3A_63, %dma_wait3A_142] : memref<8192x1024xf32, #tpu.memory_space<hbm>> -> memref<16x1024xf32, #tpu.memory_space<hbm>>
    %dma_wait3A_144 = arith.constant 0 : i32
    %dma_wait3A_145 = tpu.memref_slice %arg2[%add3A_63, %dma_wait3A_144] : memref<8192x1024xf32, #tpu.memory_space<hbm>> -> memref<16x1024xf32, #tpu.memory_space<hbm>>
    tpu.wait_dma2 semaphore(%arg16 : memref<!tpu.dma_semaphore, #tpu.memory_space<semaphore_mem>>) src(%dma_wait3A_145 : memref<16x1024xf32, #tpu.memory_space<hbm>>) dst(%arg9 : memref<16x1024xf32, #tpu.memory_space<vmem>>)
    %scan3A_146 = arith.constant 0 : i32
    %scan3A_147 = arith.constant 0 : i32
    %scan3A_148 = arith.constant 16 : i32
    %scan3A_149 = arith.addi %scan3A_147, %scan3A_148 : i32
    %scan3A_150 = arith.constant 1 : i32
    scf.for %scan3A_416 = %scan3A_147 to %scan3A_149 step %scan3A_150  : i32 {
      %scan3A_417 = arith.constant 0 : i32
      %scan3A_418 = arith.constant 64 : i32
      %scan3A_419 = arith.addi %scan3A_417, %scan3A_418 : i32
      %scan3A_420 = arith.constant 16 : i32
      scf.for %scan3A_422 = %scan3A_417 to %scan3A_419 step %scan3A_420  : i32 {
        %mul3A_423 = arith.constant 16 : i32
        %mul3A_424 = arith.muli %scan3A_422, %mul3A_423 : i32
        %get3A = arith.index_cast %scan3A_416 : i32 to index
        %get3A_425 = arith.index_cast %mul3A_424 : i32 to index
        %get3A_426 = tpu.vector_load %arg9[%get3A, %get3A_425] {strides = array<i32>} : memref<16x1024xf32, #tpu.memory_space<vmem>>, vector<1x16xf32>,
        %get3A_427 = vector.shape_cast %get3A_426 : vector<1x16xf32> to vector<16xf32>
        %mul3A_428 = arith.constant 3.125000e-02 : f32
        %mul3A_429 = vector.broadcast %mul3A_428 : f32 to vector<16xf32>
        %mul3A_430 = arith.mulf %get3A_427, %mul3A_429 : vector<16xf32>
        %swap3A = arith.index_cast %scan3A_416 : i32 to index
        %swap3A_431 = arith.index_cast %mul3A_424 : i32 to index
        %swap3A_432 = tpu.vector_load %arg9[%swap3A, %swap3A_431] {strides = array<i32>} : memref<16x1024xf32, #tpu.memory_space<vmem>>, vector<1x16xf32>,
        %swap3A_433 = vector.shape_cast %swap3A_432 : vector<1x16xf32> to vector<16xf32>
        %swap3A_434 = vector.shape_cast %mul3A_430 : vector<16xf32> to vector<1x16xf32>
        tpu.vector_store %arg9[%swap3A, %swap3A_431], %swap3A_434 {strides = array<i32>} : memref<16x1024xf32, #tpu.memory_space<vmem>>, vector<1x16xf32>,
        %scan3A_435 = arith.constant 1 : i32
        %scan3A_436 = arith.addi %scan3A_422, %scan3A_435 : i32
        %mul3A_437 = arith.constant 16 : i32
        %mul3A_438 = arith.muli %scan3A_436, %mul3A_437 : i32
        %get3A_439 = arith.index_cast %scan3A_416 : i32 to index
        %get3A_440 = arith.index_cast %mul3A_438 : i32 to index
        %get3A_441 = tpu.vector_load %arg9[%get3A_439, %get3A_440] {strides = array<i32>} : memref<16x1024xf32, #tpu.memory_space<vmem>>, vector<1x16xf32>,
        %get3A_442 = vector.shape_cast %get3A_441 : vector<1x16xf32> to vector<16xf32>
        %mul3A_443 = arith.constant 3.125000e-02 : f32
        %mul3A_444 = vector.broadcast %mul3A_443 : f32 to vector<16xf32>
        %mul3A_445 = arith.mulf %get3A_442, %mul3A_444 : vector<16xf32>
        %swap3A_446 = arith.index_cast %scan3A_416 : i32 to index
        %swap3A_447 = arith.index_cast %mul3A_438 : i32 to index
        %swap3A_448 = tpu.vector_load %arg9[%swap3A_446, %swap3A_447] {strides = array<i32>} : memref<16x1024xf32, #tpu.memory_space<vmem>>, vector<1x16xf32>,
        %swap3A_449 = vector.shape_cast %swap3A_448 : vector<1x16xf32> to vector<16xf32>
        %swap3A_450 = vector.shape_cast %mul3A_445 : vector<16xf32> to vector<1x16xf32>
        tpu.vector_store %arg9[%swap3A_446, %swap3A_447], %swap3A_450 {strides = array<i32>} : memref<16x1024xf32, #tpu.memory_space<vmem>>, vector<1x16xf32>,
        %scan3A_451 = arith.constant 2 : i32
        %scan3A_452 = arith.addi %scan3A_422, %scan3A_451 : i32
        %mul3A_453 = arith.constant 16 : i32
        %mul3A_454 = arith.muli %scan3A_452, %mul3A_453 : i32
        %get3A_455 = arith.index_cast %scan3A_416 : i32 to index
        %get3A_456 = arith.index_cast %mul3A_454 : i32 to index
        %get3A_457 = tpu.vector_load %arg9[%get3A_455, %get3A_456] {strides = array<i32>} : memref<16x1024xf32, #tpu.memory_space<vmem>>, vector<1x16xf32>,
        %get3A_458 = vector.shape_cast %get3A_457 : vector<1x16xf32> to vector<16xf32>
        %mul3A_459 = arith.constant 3.125000e-02 : f32
        %mul3A_460 = vector.broadcast %mul3A_459 : f32 to vector<16xf32>
        %mul3A_461 = arith.mulf %get3A_458, %mul3A_460 : vector<16xf32>
        %swap3A_462 = arith.index_cast %scan3A_416 : i32 to index
        %swap3A_463 = arith.index_cast %mul3A_454 : i32 to index
        %swap3A_464 = tpu.vector_load %arg9[%swap3A_462, %swap3A_463] {strides = array<i32>} : memref<16x1024xf32, #tpu.memory_space<vmem>>, vector<1x16xf32>,
        %swap3A_465 = vector.shape_cast %swap3A_464 : vector<1x16xf32> to vector<16xf32>
        %swap3A_466 = vector.shape_cast %mul3A_461 : vector<16xf32> to vector<1x16xf32>
        tpu.vector_store %arg9[%swap3A_462, %swap3A_463], %swap3A_466 {strides = array<i32>} : memref<16x1024xf32, #tpu.memory_space<vmem>>, vector<1x16xf32>,
        %scan3A_467 = arith.constant 3 : i32
        %scan3A_468 = arith.addi %scan3A_422, %scan3A_467 : i32
        %mul3A_469 = arith.constant 16 : i32
        %mul3A_470 = arith.muli %scan3A_468, %mul3A_469 : i32
        %get3A_471 = arith.index_cast %scan3A_416 : i32 to index
        %get3A_472 = arith.index_cast %mul3A_470 : i32 to index
        %get3A_473 = tpu.vector_load %arg9[%get3A_471, %get3A_472] {strides = array<i32>} : memref<16x1024xf32, #tpu.memory_space<vmem>>, vector<1x16xf32>,
        %get3A_474 = vector.shape_cast %get3A_473 : vector<1x16xf32> to vector<16xf32>
        %mul3A_475 = arith.constant 3.125000e-02 : f32
        %mul3A_476 = vector.broadcast %mul3A_475 : f32 to vector<16xf32>
        %mul3A_477 = arith.mulf %get3A_474, %mul3A_476 : vector<16xf32>
        %swap3A_478 = arith.index_cast %scan3A_416 : i32 to index
        %swap3A_479 = arith.index_cast %mul3A_470 : i32 to index
        %swap3A_480 = tpu.vector_load %arg9[%swap3A_478, %swap3A_479] {strides = array<i32>} : memref<16x1024xf32, #tpu.memory_space<vmem>>, vector<1x16xf32>,
        %swap3A_481 = vector.shape_cast %swap3A_480 : vector<1x16xf32> to vector<16xf32>
        %swap3A_482 = vector.shape_cast %mul3A_477 : vector<16xf32> to vector<1x16xf32>
        tpu.vector_store %arg9[%swap3A_478, %swap3A_479], %swap3A_482 {strides = array<i32>} : memref<16x1024xf32, #tpu.memory_space<vmem>>, vector<1x16xf32>,
        %scan3A_483 = arith.constant 4 : i32
        %scan3A_484 = arith.addi %scan3A_422, %scan3A_483 : i32
        %mul3A_485 = arith.constant 16 : i32
        %mul3A_486 = arith.muli %scan3A_484, %mul3A_485 : i32
        %get3A_487 = arith.index_cast %scan3A_416 : i32 to index
        %get3A_488 = arith.index_cast %mul3A_486 : i32 to index
        %get3A_489 = tpu.vector_load %arg9[%get3A_487, %get3A_488] {strides = array<i32>} : memref<16x1024xf32, #tpu.memory_space<vmem>>, vector<1x16xf32>,
        %get3A_490 = vector.shape_cast %get3A_489 : vector<1x16xf32> to vector<16xf32>
        %mul3A_491 = arith.constant 3.125000e-02 : f32
        %mul3A_492 = vector.broadcast %mul3A_491 : f32 to vector<16xf32>
        %mul3A_493 = arith.mulf %get3A_490, %mul3A_492 : vector<16xf32>
        %swap3A_494 = arith.index_cast %scan3A_416 : i32 to index
        %swap3A_495 = arith.index_cast %mul3A_486 : i32 to index
        %swap3A_496 = tpu.vector_load %arg9[%swap3A_494, %swap3A_495] {strides = array<i32>} : memref<16x1024xf32, #tpu.memory_space<vmem>>, vector<1x16xf32>,
        %swap3A_497 = vector.shape_cast %swap3A_496 : vector<1x16xf32> to vector<16xf32>
        %swap3A_498 = vector.shape_cast %mul3A_493 : vector<16xf32> to vector<1x16xf32>
        tpu.vector_store %arg9[%swap3A_494, %swap3A_495], %swap3A_498 {strides = array<i32>} : memref<16x1024xf32, #tpu.memory_space<vmem>>, vector<1x16xf32>,
        %scan3A_499 = arith.constant 5 : i32
        %scan3A_500 = arith.addi %scan3A_422, %scan3A_499 : i32
        %mul3A_501 = arith.constant 16 : i32
        %mul3A_502 = arith.muli %scan3A_500, %mul3A_501 : i32
        %get3A_503 = arith.index_cast %scan3A_416 : i32 to index
        %get3A_504 = arith.index_cast %mul3A_502 : i32 to index
        %get3A_505 = tpu.vector_load %arg9[%get3A_503, %get3A_504] {strides = array<i32>} : memref<16x1024xf32, #tpu.memory_space<vmem>>, vector<1x16xf32>,
        %get3A_506 = vector.shape_cast %get3A_505 : vector<1x16xf32> to vector<16xf32>
        %mul3A_507 = arith.constant 3.125000e-02 : f32
        %mul3A_508 = vector.broadcast %mul3A_507 : f32 to vector<16xf32>
        %mul3A_509 = arith.mulf %get3A_506, %mul3A_508 : vector<16xf32>
        %swap3A_510 = arith.index_cast %scan3A_416 : i32 to index
        %swap3A_511 = arith.index_cast %mul3A_502 : i32 to index
        %swap3A_512 = tpu.vector_load %arg9[%swap3A_510, %swap3A_511] {strides = array<i32>} : memref<16x1024xf32, #tpu.memory_space<vmem>>, vector<1x16xf32>,
        %swap3A_513 = vector.shape_cast %swap3A_512 : vector<1x16xf32> to vector<16xf32>
        %swap3A_514 = vector.shape_cast %mul3A_509 : vector<16xf32> to vector<1x16xf32>
        tpu.vector_store %arg9[%swap3A_510, %swap3A_511], %swap3A_514 {strides = array<i32>} : memref<16x1024xf32, #tpu.memory_space<vmem>>, vector<1x16xf32>,
        %scan3A_515 = arith.constant 6 : i32
        %scan3A_516 = arith.addi %scan3A_422, %scan3A_515 : i32
        %mul3A_517 = arith.constant 16 : i32
        %mul3A_518 = arith.muli %scan3A_516, %mul3A_517 : i32
        %get3A_519 = arith.index_cast %scan3A_416 : i32 to index
        %get3A_520 = arith.index_cast %mul3A_518 : i32 to index
        %get3A_521 = tpu.vector_load %arg9[%get3A_519, %get3A_520] {strides = array<i32>} : memref<16x1024xf32, #tpu.memory_space<vmem>>, vector<1x16xf32>,
        %get3A_522 = vector.shape_cast %get3A_521 : vector<1x16xf32> to vector<16xf32>
        %mul3A_523 = arith.constant 3.125000e-02 : f32
        %mul3A_524 = vector.broadcast %mul3A_523 : f32 to vector<16xf32>
        %mul3A_525 = arith.mulf %get3A_522, %mul3A_524 : vector<16xf32>
        %swap3A_526 = arith.index_cast %scan3A_416 : i32 to index
        %swap3A_527 = arith.index_cast %mul3A_518 : i32 to index
        %swap3A_528 = tpu.vector_load %arg9[%swap3A_526, %swap3A_527] {strides = array<i32>} : memref<16x1024xf32, #tpu.memory_space<vmem>>, vector<1x16xf32>,
        %swap3A_529 = vector.shape_cast %swap3A_528 : vector<1x16xf32> to vector<16xf32>
        %swap3A_530 = vector.shape_cast %mul3A_525 : vector<16xf32> to vector<1x16xf32>
        tpu.vector_store %arg9[%swap3A_526, %swap3A_527], %swap3A_530 {strides = array<i32>} : memref<16x1024xf32, #tpu.memory_space<vmem>>, vector<1x16xf32>,
        %scan3A_531 = arith.constant 7 : i32
        %scan3A_532 = arith.addi %scan3A_422, %scan3A_531 : i32
        %mul3A_533 = arith.constant 16 : i32
        %mul3A_534 = arith.muli %scan3A_532, %mul3A_533 : i32
        %get3A_535 = arith.index_cast %scan3A_416 : i32 to index
        %get3A_536 = arith.index_cast %mul3A_534 : i32 to index
        %get3A_537 = tpu.vector_load %arg9[%get3A_535, %get3A_536] {strides = array<i32>} : memref<16x1024xf32, #tpu.memory_space<vmem>>, vector<1x16xf32>,
        %get3A_538 = vector.shape_cast %get3A_537 : vector<1x16xf32> to vector<16xf32>
        %mul3A_539 = arith.constant 3.125000e-02 : f32
        %mul3A_540 = vector.broadcast %mul3A_539 : f32 to vector<16xf32>
        %mul3A_541 = arith.mulf %get3A_538, %mul3A_540 : vector<16xf32>
        %swap3A_542 = arith.index_cast %scan3A_416 : i32 to index
        %swap3A_543 = arith.index_cast %mul3A_534 : i32 to index
        %swap3A_544 = tpu.vector_load %arg9[%swap3A_542, %swap3A_543] {strides = array<i32>} : memref<16x1024xf32, #tpu.memory_space<vmem>>, vector<1x16xf32>,
        %swap3A_545 = vector.shape_cast %swap3A_544 : vector<1x16xf32> to vector<16xf32>
        %swap3A_546 = vector.shape_cast %mul3A_541 : vector<16xf32> to vector<1x16xf32>
        tpu.vector_store %arg9[%swap3A_542, %swap3A_543], %swap3A_546 {strides = array<i32>} : memref<16x1024xf32, #tpu.memory_space<vmem>>, vector<1x16xf32>,
        %scan3A_547 = arith.constant 8 : i32
        %scan3A_548 = arith.addi %scan3A_422, %scan3A_547 : i32
        %mul3A_549 = arith.constant 16 : i32
        %mul3A_550 = arith.muli %scan3A_548, %mul3A_549 : i32
        %get3A_551 = arith.index_cast %scan3A_416 : i32 to index
        %get3A_552 = arith.index_cast %mul3A_550 : i32 to index
        %get3A_553 = tpu.vector_load %arg9[%get3A_551, %get3A_552] {strides = array<i32>} : memref<16x1024xf32, #tpu.memory_space<vmem>>, vector<1x16xf32>,
        %get3A_554 = vector.shape_cast %get3A_553 : vector<1x16xf32> to vector<16xf32>
        %mul3A_555 = arith.constant 3.125000e-02 : f32
        %mul3A_556 = vector.broadcast %mul3A_555 : f32 to vector<16xf32>
        %mul3A_557 = arith.mulf %get3A_554, %mul3A_556 : vector<16xf32>
        %swap3A_558 = arith.index_cast %scan3A_416 : i32 to index
        %swap3A_559 = arith.index_cast %mul3A_550 : i32 to index
        %swap3A_560 = tpu.vector_load %arg9[%swap3A_558, %swap3A_559] {strides = array<i32>} : memref<16x1024xf32, #tpu.memory_space<vmem>>, vector<1x16xf32>,
        %swap3A_561 = vector.shape_cast %swap3A_560 : vector<1x16xf32> to vector<16xf32>
        %swap3A_562 = vector.shape_cast %mul3A_557 : vector<16xf32> to vector<1x16xf32>
        tpu.vector_store %arg9[%swap3A_558, %swap3A_559], %swap3A_562 {strides = array<i32>} : memref<16x1024xf32, #tpu.memory_space<vmem>>, vector<1x16xf32>,
        %scan3A_563 = arith.constant 9 : i32
        %scan3A_564 = arith.addi %scan3A_422, %scan3A_563 : i32
        %mul3A_565 = arith.constant 16 : i32
        %mul3A_566 = arith.muli %scan3A_564, %mul3A_565 : i32
        %get3A_567 = arith.index_cast %scan3A_416 : i32 to index
        %get3A_568 = arith.index_cast %mul3A_566 : i32 to index
        %get3A_569 = tpu.vector_load %arg9[%get3A_567, %get3A_568] {strides = array<i32>} : memref<16x1024xf32, #tpu.memory_space<vmem>>, vector<1x16xf32>,
        %get3A_570 = vector.shape_cast %get3A_569 : vector<1x16xf32> to vector<16xf32>
        %mul3A_571 = arith.constant 3.125000e-02 : f32
        %mul3A_572 = vector.broadcast %mul3A_571 : f32 to vector<16xf32>
        %mul3A_573 = arith.mulf %get3A_570, %mul3A_572 : vector<16xf32>
        %swap3A_574 = arith.index_cast %scan3A_416 : i32 to index
        %swap3A_575 = arith.index_cast %mul3A_566 : i32 to index
        %swap3A_576 = tpu.vector_load %arg9[%swap3A_574, %swap3A_575] {strides = array<i32>} : memref<16x1024xf32, #tpu.memory_space<vmem>>, vector<1x16xf32>,
        %swap3A_577 = vector.shape_cast %swap3A_576 : vector<1x16xf32> to vector<16xf32>
        %swap3A_578 = vector.shape_cast %mul3A_573 : vector<16xf32> to vector<1x16xf32>
        tpu.vector_store %arg9[%swap3A_574, %swap3A_575], %swap3A_578 {strides = array<i32>} : memref<16x1024xf32, #tpu.memory_space<vmem>>, vector<1x16xf32>,
        %scan3A_579 = arith.constant 10 : i32
        %scan3A_580 = arith.addi %scan3A_422, %scan3A_579 : i32
        %mul3A_581 = arith.constant 16 : i32
        %mul3A_582 = arith.muli %scan3A_580, %mul3A_581 : i32
        %get3A_583 = arith.index_cast %scan3A_416 : i32 to index
        %get3A_584 = arith.index_cast %mul3A_582 : i32 to index
        %get3A_585 = tpu.vector_load %arg9[%get3A_583, %get3A_584] {strides = array<i32>} : memref<16x1024xf32, #tpu.memory_space<vmem>>, vector<1x16xf32>,
        %get3A_586 = vector.shape_cast %get3A_585 : vector<1x16xf32> to vector<16xf32>
        %mul3A_587 = arith.constant 3.125000e-02 : f32
        %mul3A_588 = vector.broadcast %mul3A_587 : f32 to vector<16xf32>
        %mul3A_589 = arith.mulf %get3A_586, %mul3A_588 : vector<16xf32>
        %swap3A_590 = arith.index_cast %scan3A_416 : i32 to index
        %swap3A_591 = arith.index_cast %mul3A_582 : i32 to index
        %swap3A_592 = tpu.vector_load %arg9[%swap3A_590, %swap3A_591] {strides = array<i32>} : memref<16x1024xf32, #tpu.memory_space<vmem>>, vector<1x16xf32>,
        %swap3A_593 = vector.shape_cast %swap3A_592 : vector<1x16xf32> to vector<16xf32>
        %swap3A_594 = vector.shape_cast %mul3A_589 : vector<16xf32> to vector<1x16xf32>
        tpu.vector_store %arg9[%swap3A_590, %swap3A_591], %swap3A_594 {strides = array<i32>} : memref<16x1024xf32, #tpu.memory_space<vmem>>, vector<1x16xf32>,
        %scan3A_595 = arith.constant 11 : i32
        %scan3A_596 = arith.addi %scan3A_422, %scan3A_595 : i32
        %mul3A_597 = arith.constant 16 : i32
        %mul3A_598 = arith.muli %scan3A_596, %mul3A_597 : i32
        %get3A_599 = arith.index_cast %scan3A_416 : i32 to index
        %get3A_600 = arith.index_cast %mul3A_598 : i32 to index
        %get3A_601 = tpu.vector_load %arg9[%get3A_599, %get3A_600] {strides = array<i32>} : memref<16x1024xf32, #tpu.memory_space<vmem>>, vector<1x16xf32>,
        %get3A_602 = vector.shape_cast %get3A_601 : vector<1x16xf32> to vector<16xf32>
        %mul3A_603 = arith.constant 3.125000e-02 : f32
        %mul3A_604 = vector.broadcast %mul3A_603 : f32 to vector<16xf32>
        %mul3A_605 = arith.mulf %get3A_602, %mul3A_604 : vector<16xf32>
        %swap3A_606 = arith.index_cast %scan3A_416 : i32 to index
        %swap3A_607 = arith.index_cast %mul3A_598 : i32 to index
        %swap3A_608 = tpu.vector_load %arg9[%swap3A_606, %swap3A_607] {strides = array<i32>} : memref<16x1024xf32, #tpu.memory_space<vmem>>, vector<1x16xf32>,
        %swap3A_609 = vector.shape_cast %swap3A_608 : vector<1x16xf32> to vector<16xf32>
        %swap3A_610 = vector.shape_cast %mul3A_605 : vector<16xf32> to vector<1x16xf32>
        tpu.vector_store %arg9[%swap3A_606, %swap3A_607], %swap3A_610 {strides = array<i32>} : memref<16x1024xf32, #tpu.memory_space<vmem>>, vector<1x16xf32>,
        %scan3A_611 = arith.constant 12 : i32
        %scan3A_612 = arith.addi %scan3A_422, %scan3A_611 : i32
        %mul3A_613 = arith.constant 16 : i32
        %mul3A_614 = arith.muli %scan3A_612, %mul3A_613 : i32
        %get3A_615 = arith.index_cast %scan3A_416 : i32 to index
        %get3A_616 = arith.index_cast %mul3A_614 : i32 to index
        %get3A_617 = tpu.vector_load %arg9[%get3A_615, %get3A_616] {strides = array<i32>} : memref<16x1024xf32, #tpu.memory_space<vmem>>, vector<1x16xf32>,
        %get3A_618 = vector.shape_cast %get3A_617 : vector<1x16xf32> to vector<16xf32>
        %mul3A_619 = arith.constant 3.125000e-02 : f32
        %mul3A_620 = vector.broadcast %mul3A_619 : f32 to vector<16xf32>
        %mul3A_621 = arith.mulf %get3A_618, %mul3A_620 : vector<16xf32>
        %swap3A_622 = arith.index_cast %scan3A_416 : i32 to index
        %swap3A_623 = arith.index_cast %mul3A_614 : i32 to index
        %swap3A_624 = tpu.vector_load %arg9[%swap3A_622, %swap3A_623] {strides = array<i32>} : memref<16x1024xf32, #tpu.memory_space<vmem>>, vector<1x16xf32>,
        %swap3A_625 = vector.shape_cast %swap3A_624 : vector<1x16xf32> to vector<16xf32>
        %swap3A_626 = vector.shape_cast %mul3A_621 : vector<16xf32> to vector<1x16xf32>
        tpu.vector_store %arg9[%swap3A_622, %swap3A_623], %swap3A_626 {strides = array<i32>} : memref<16x1024xf32, #tpu.memory_space<vmem>>, vector<1x16xf32>,
        %scan3A_627 = arith.constant 13 : i32
        %scan3A_628 = arith.addi %scan3A_422, %scan3A_627 : i32
        %mul3A_629 = arith.constant 16 : i32
        %mul3A_630 = arith.muli %scan3A_628, %mul3A_629 : i32
        %get3A_631 = arith.index_cast %scan3A_416 : i32 to index
        %get3A_632 = arith.index_cast %mul3A_630 : i32 to index
        %get3A_633 = tpu.vector_load %arg9[%get3A_631, %get3A_632] {strides = array<i32>} : memref<16x1024xf32, #tpu.memory_space<vmem>>, vector<1x16xf32>,
        %get3A_634 = vector.shape_cast %get3A_633 : vector<1x16xf32> to vector<16xf32>
        %mul3A_635 = arith.constant 3.125000e-02 : f32
        %mul3A_636 = vector.broadcast %mul3A_635 : f32 to vector<16xf32>
        %mul3A_637 = arith.mulf %get3A_634, %mul3A_636 : vector<16xf32>
        %swap3A_638 = arith.index_cast %scan3A_416 : i32 to index
        %swap3A_639 = arith.index_cast %mul3A_630 : i32 to index
        %swap3A_640 = tpu.vector_load %arg9[%swap3A_638, %swap3A_639] {strides = array<i32>} : memref<16x1024xf32, #tpu.memory_space<vmem>>, vector<1x16xf32>,
        %swap3A_641 = vector.shape_cast %swap3A_640 : vector<1x16xf32> to vector<16xf32>
        %swap3A_642 = vector.shape_cast %mul3A_637 : vector<16xf32> to vector<1x16xf32>
        tpu.vector_store %arg9[%swap3A_638, %swap3A_639], %swap3A_642 {strides = array<i32>} : memref<16x1024xf32, #tpu.memory_space<vmem>>, vector<1x16xf32>,
        %scan3A_643 = arith.constant 14 : i32
        %scan3A_644 = arith.addi %scan3A_422, %scan3A_643 : i32
        %mul3A_645 = arith.constant 16 : i32
        %mul3A_646 = arith.muli %scan3A_644, %mul3A_645 : i32
        %get3A_647 = arith.index_cast %scan3A_416 : i32 to index
        %get3A_648 = arith.index_cast %mul3A_646 : i32 to index
        %get3A_649 = tpu.vector_load %arg9[%get3A_647, %get3A_648] {strides = array<i32>} : memref<16x1024xf32, #tpu.memory_space<vmem>>, vector<1x16xf32>,
        %get3A_650 = vector.shape_cast %get3A_649 : vector<1x16xf32> to vector<16xf32>
        %mul3A_651 = arith.constant 3.125000e-02 : f32
        %mul3A_652 = vector.broadcast %mul3A_651 : f32 to vector<16xf32>
        %mul3A_653 = arith.mulf %get3A_650, %mul3A_652 : vector<16xf32>
        %swap3A_654 = arith.index_cast %scan3A_416 : i32 to index
        %swap3A_655 = arith.index_cast %mul3A_646 : i32 to index
        %swap3A_656 = tpu.vector_load %arg9[%swap3A_654, %swap3A_655] {strides = array<i32>} : memref<16x1024xf32, #tpu.memory_space<vmem>>, vector<1x16xf32>,
        %swap3A_657 = vector.shape_cast %swap3A_656 : vector<1x16xf32> to vector<16xf32>
        %swap3A_658 = vector.shape_cast %mul3A_653 : vector<16xf32> to vector<1x16xf32>
        tpu.vector_store %arg9[%swap3A_654, %swap3A_655], %swap3A_658 {strides = array<i32>} : memref<16x1024xf32, #tpu.memory_space<vmem>>, vector<1x16xf32>,
        %scan3A_659 = arith.constant 15 : i32
        %scan3A_660 = arith.addi %scan3A_422, %scan3A_659 : i32
        %mul3A_661 = arith.constant 16 : i32
        %mul3A_662 = arith.muli %scan3A_660, %mul3A_661 : i32
        %get3A_663 = arith.index_cast %scan3A_416 : i32 to index
        %get3A_664 = arith.index_cast %mul3A_662 : i32 to index
        %get3A_665 = tpu.vector_load %arg9[%get3A_663, %get3A_664] {strides = array<i32>} : memref<16x1024xf32, #tpu.memory_space<vmem>>, vector<1x16xf32>,
        %get3A_666 = vector.shape_cast %get3A_665 : vector<1x16xf32> to vector<16xf32>
        %mul3A_667 = arith.constant 3.125000e-02 : f32
        %mul3A_668 = vector.broadcast %mul3A_667 : f32 to vector<16xf32>
        %mul3A_669 = arith.mulf %get3A_666, %mul3A_668 : vector<16xf32>
        %swap3A_670 = arith.index_cast %scan3A_416 : i32 to index
        %swap3A_671 = arith.index_cast %mul3A_662 : i32 to index
        %swap3A_672 = tpu.vector_load %arg9[%swap3A_670, %swap3A_671] {strides = array<i32>} : memref<16x1024xf32, #tpu.memory_space<vmem>>, vector<1x16xf32>,
        %swap3A_673 = vector.shape_cast %swap3A_672 : vector<1x16xf32> to vector<16xf32>
        %swap3A_674 = vector.shape_cast %mul3A_669 : vector<16xf32> to vector<1x16xf32>
        tpu.vector_store %arg9[%swap3A_670, %swap3A_671], %swap3A_674 {strides = array<i32>} : memref<16x1024xf32, #tpu.memory_space<vmem>>, vector<1x16xf32>,
      }
      %scan3A_421 = arith.constant 64 : i32
    }
    %scan3A_151 = arith.constant 16 : i32
    %add3A_152 = arith.constant 80 : i32
    %add3A_153 = arith.addi %mul3A_2, %add3A_152 : i32
    %dma_start3A_154 = arith.constant 0 : i32
    %dma_start3A_155 = tpu.memref_slice %arg3[%add3A_153, %dma_start3A_154] : memref<8192x1024xf32, #tpu.memory_space<hbm>> -> memref<16x1024xf32, #tpu.memory_space<hbm>>
    %dma_start3A_156 = arith.constant 0 : i32
    %dma_start3A_157 = tpu.memref_slice %arg3[%add3A_153, %dma_start3A_156] : memref<8192x1024xf32, #tpu.memory_space<hbm>> -> memref<16x1024xf32, #tpu.memory_space<hbm>>
    tpu.enqueue_dma source(%arg9 : memref<16x1024xf32, #tpu.memory_space<vmem>>) target(%dma_start3A_157 : memref<16x1024xf32, #tpu.memory_space<hbm>>) target_semaphore(%arg23 : memref<!tpu.dma_semaphore, #tpu.memory_space<semaphore_mem>>)
    %dma_wait3A_158 = arith.constant 0 : i32
    %dma_wait3A_159 = tpu.memref_slice %arg3[%add3A_79, %dma_wait3A_158] : memref<8192x1024xf32, #tpu.memory_space<hbm>> -> memref<16x1024xf32, #tpu.memory_space<hbm>>
    %dma_wait3A_160 = arith.constant 0 : i32
    %dma_wait3A_161 = tpu.memref_slice %arg3[%add3A_79, %dma_wait3A_160] : memref<8192x1024xf32, #tpu.memory_space<hbm>> -> memref<16x1024xf32, #tpu.memory_space<hbm>>
    tpu.wait_dma2 semaphore(%arg20 : memref<!tpu.dma_semaphore, #tpu.memory_space<semaphore_mem>>) src(%arg6 : memref<16x1024xf32, #tpu.memory_space<vmem>>) dst(%dma_wait3A_161 : memref<16x1024xf32, #tpu.memory_space<hbm>>)
    %add3A_162 = arith.constant 144 : i32
    %add3A_163 = arith.addi %mul3A_2, %add3A_162 : i32
    %dma_start3A_164 = arith.constant 0 : i32
    %dma_start3A_165 = tpu.memref_slice %arg2[%add3A_163, %dma_start3A_164] : memref<8192x1024xf32, #tpu.memory_space<hbm>> -> memref<16x1024xf32, #tpu.memory_space<hbm>>
    %dma_start3A_166 = arith.constant 0 : i32
    %dma_start3A_167 = tpu.memref_slice %arg2[%add3A_163, %dma_start3A_166] : memref<8192x1024xf32, #tpu.memory_space<hbm>> -> memref<16x1024xf32, #tpu.memory_space<hbm>>
    tpu.enqueue_dma source(%dma_start3A_167 : memref<16x1024xf32, #tpu.memory_space<hbm>>) target(%arg6 : memref<16x1024xf32, #tpu.memory_space<vmem>>) target_semaphore(%arg13 : memref<!tpu.dma_semaphore, #tpu.memory_space<semaphore_mem>>)
    %dma_wait3A_168 = arith.constant 0 : i32
    %dma_wait3A_169 = tpu.memref_slice %arg2[%add3A_85, %dma_wait3A_168] : memref<8192x1024xf32, #tpu.memory_space<hbm>> -> memref<16x1024xf32, #tpu.memory_space<hbm>>
    %dma_wait3A_170 = arith.constant 0 : i32
    %dma_wait3A_171 = tpu.memref_slice %arg2[%add3A_85, %dma_wait3A_170] : memref<8192x1024xf32, #tpu.memory_space<hbm>> -> memref<16x1024xf32, #tpu.memory_space<hbm>>
    tpu.wait_dma2 semaphore(%arg17 : memref<!tpu.dma_semaphore, #tpu.memory_space<semaphore_mem>>) src(%dma_wait3A_171 : memref<16x1024xf32, #tpu.memory_space<hbm>>) dst(%arg10 : memref<16x1024xf32, #tpu.memory_space<vmem>>)
    %scan3A_172 = arith.constant 0 : i32
    %scan3A_173 = arith.constant 0 : i32
    %scan3A_174 = arith.constant 16 : i32
    %scan3A_175 = arith.addi %scan3A_173, %scan3A_174 : i32
    %scan3A_176 = arith.constant 1 : i32
    scf.for %scan3A_416 = %scan3A_173 to %scan3A_175 step %scan3A_176  : i32 {
      %scan3A_417 = arith.constant 0 : i32
      %scan3A_418 = arith.constant 64 : i32
      %scan3A_419 = arith.addi %scan3A_417, %scan3A_418 : i32
      %scan3A_420 = arith.constant 16 : i32
      scf.for %scan3A_422 = %scan3A_417 to %scan3A_419 step %scan3A_420  : i32 {
        %mul3A_423 = arith.constant 16 : i32
        %mul3A_424 = arith.muli %scan3A_422, %mul3A_423 : i32
        %get3A = arith.index_cast %scan3A_416 : i32 to index
        %get3A_425 = arith.index_cast %mul3A_424 : i32 to index
        %get3A_426 = tpu.vector_load %arg10[%get3A, %get3A_425] {strides = array<i32>} : memref<16x1024xf32, #tpu.memory_space<vmem>>, vector<1x16xf32>,
        %get3A_427 = vector.shape_cast %get3A_426 : vector<1x16xf32> to vector<16xf32>
        %mul3A_428 = arith.constant 3.125000e-02 : f32
        %mul3A_429 = vector.broadcast %mul3A_428 : f32 to vector<16xf32>
        %mul3A_430 = arith.mulf %get3A_427, %mul3A_429 : vector<16xf32>
        %swap3A = arith.index_cast %scan3A_416 : i32 to index
        %swap3A_431 = arith.index_cast %mul3A_424 : i32 to index
        %swap3A_432 = tpu.vector_load %arg10[%swap3A, %swap3A_431] {strides = array<i32>} : memref<16x1024xf32, #tpu.memory_space<vmem>>, vector<1x16xf32>,
        %swap3A_433 = vector.shape_cast %swap3A_432 : vector<1x16xf32> to vector<16xf32>
        %swap3A_434 = vector.shape_cast %mul3A_430 : vector<16xf32> to vector<1x16xf32>
        tpu.vector_store %arg10[%swap3A, %swap3A_431], %swap3A_434 {strides = array<i32>} : memref<16x1024xf32, #tpu.memory_space<vmem>>, vector<1x16xf32>,
        %scan3A_435 = arith.constant 1 : i32
        %scan3A_436 = arith.addi %scan3A_422, %scan3A_435 : i32
        %mul3A_437 = arith.constant 16 : i32
        %mul3A_438 = arith.muli %scan3A_436, %mul3A_437 : i32
        %get3A_439 = arith.index_cast %scan3A_416 : i32 to index
        %get3A_440 = arith.index_cast %mul3A_438 : i32 to index
        %get3A_441 = tpu.vector_load %arg10[%get3A_439, %get3A_440] {strides = array<i32>} : memref<16x1024xf32, #tpu.memory_space<vmem>>, vector<1x16xf32>,
        %get3A_442 = vector.shape_cast %get3A_441 : vector<1x16xf32> to vector<16xf32>
        %mul3A_443 = arith.constant 3.125000e-02 : f32
        %mul3A_444 = vector.broadcast %mul3A_443 : f32 to vector<16xf32>
        %mul3A_445 = arith.mulf %get3A_442, %mul3A_444 : vector<16xf32>
        %swap3A_446 = arith.index_cast %scan3A_416 : i32 to index
        %swap3A_447 = arith.index_cast %mul3A_438 : i32 to index
        %swap3A_448 = tpu.vector_load %arg10[%swap3A_446, %swap3A_447] {strides = array<i32>} : memref<16x1024xf32, #tpu.memory_space<vmem>>, vector<1x16xf32>,
        %swap3A_449 = vector.shape_cast %swap3A_448 : vector<1x16xf32> to vector<16xf32>
        %swap3A_450 = vector.shape_cast %mul3A_445 : vector<16xf32> to vector<1x16xf32>
        tpu.vector_store %arg10[%swap3A_446, %swap3A_447], %swap3A_450 {strides = array<i32>} : memref<16x1024xf32, #tpu.memory_space<vmem>>, vector<1x16xf32>,
        %scan3A_451 = arith.constant 2 : i32
        %scan3A_452 = arith.addi %scan3A_422, %scan3A_451 : i32
        %mul3A_453 = arith.constant 16 : i32
        %mul3A_454 = arith.muli %scan3A_452, %mul3A_453 : i32
        %get3A_455 = arith.index_cast %scan3A_416 : i32 to index
        %get3A_456 = arith.index_cast %mul3A_454 : i32 to index
        %get3A_457 = tpu.vector_load %arg10[%get3A_455, %get3A_456] {strides = array<i32>} : memref<16x1024xf32, #tpu.memory_space<vmem>>, vector<1x16xf32>,
        %get3A_458 = vector.shape_cast %get3A_457 : vector<1x16xf32> to vector<16xf32>
        %mul3A_459 = arith.constant 3.125000e-02 : f32
        %mul3A_460 = vector.broadcast %mul3A_459 : f32 to vector<16xf32>
        %mul3A_461 = arith.mulf %get3A_458, %mul3A_460 : vector<16xf32>
        %swap3A_462 = arith.index_cast %scan3A_416 : i32 to index
        %swap3A_463 = arith.index_cast %mul3A_454 : i32 to index
        %swap3A_464 = tpu.vector_load %arg10[%swap3A_462, %swap3A_463] {strides = array<i32>} : memref<16x1024xf32, #tpu.memory_space<vmem>>, vector<1x16xf32>,
        %swap3A_465 = vector.shape_cast %swap3A_464 : vector<1x16xf32> to vector<16xf32>
        %swap3A_466 = vector.shape_cast %mul3A_461 : vector<16xf32> to vector<1x16xf32>
        tpu.vector_store %arg10[%swap3A_462, %swap3A_463], %swap3A_466 {strides = array<i32>} : memref<16x1024xf32, #tpu.memory_space<vmem>>, vector<1x16xf32>,
        %scan3A_467 = arith.constant 3 : i32
        %scan3A_468 = arith.addi %scan3A_422, %scan3A_467 : i32
        %mul3A_469 = arith.constant 16 : i32
        %mul3A_470 = arith.muli %scan3A_468, %mul3A_469 : i32
        %get3A_471 = arith.index_cast %scan3A_416 : i32 to index
        %get3A_472 = arith.index_cast %mul3A_470 : i32 to index
        %get3A_473 = tpu.vector_load %arg10[%get3A_471, %get3A_472] {strides = array<i32>} : memref<16x1024xf32, #tpu.memory_space<vmem>>, vector<1x16xf32>,
        %get3A_474 = vector.shape_cast %get3A_473 : vector<1x16xf32> to vector<16xf32>
        %mul3A_475 = arith.constant 3.125000e-02 : f32
        %mul3A_476 = vector.broadcast %mul3A_475 : f32 to vector<16xf32>
        %mul3A_477 = arith.mulf %get3A_474, %mul3A_476 : vector<16xf32>
        %swap3A_478 = arith.index_cast %scan3A_416 : i32 to index
        %swap3A_479 = arith.index_cast %mul3A_470 : i32 to index
        %swap3A_480 = tpu.vector_load %arg10[%swap3A_478, %swap3A_479] {strides = array<i32>} : memref<16x1024xf32, #tpu.memory_space<vmem>>, vector<1x16xf32>,
        %swap3A_481 = vector.shape_cast %swap3A_480 : vector<1x16xf32> to vector<16xf32>
        %swap3A_482 = vector.shape_cast %mul3A_477 : vector<16xf32> to vector<1x16xf32>
        tpu.vector_store %arg10[%swap3A_478, %swap3A_479], %swap3A_482 {strides = array<i32>} : memref<16x1024xf32, #tpu.memory_space<vmem>>, vector<1x16xf32>,
        %scan3A_483 = arith.constant 4 : i32
        %scan3A_484 = arith.addi %scan3A_422, %scan3A_483 : i32
        %mul3A_485 = arith.constant 16 : i32
        %mul3A_486 = arith.muli %scan3A_484, %mul3A_485 : i32
        %get3A_487 = arith.index_cast %scan3A_416 : i32 to index
        %get3A_488 = arith.index_cast %mul3A_486 : i32 to index
        %get3A_489 = tpu.vector_load %arg10[%get3A_487, %get3A_488] {strides = array<i32>} : memref<16x1024xf32, #tpu.memory_space<vmem>>, vector<1x16xf32>,
        %get3A_490 = vector.shape_cast %get3A_489 : vector<1x16xf32> to vector<16xf32>
        %mul3A_491 = arith.constant 3.125000e-02 : f32
        %mul3A_492 = vector.broadcast %mul3A_491 : f32 to vector<16xf32>
        %mul3A_493 = arith.mulf %get3A_490, %mul3A_492 : vector<16xf32>
        %swap3A_494 = arith.index_cast %scan3A_416 : i32 to index
        %swap3A_495 = arith.index_cast %mul3A_486 : i32 to index
        %swap3A_496 = tpu.vector_load %arg10[%swap3A_494, %swap3A_495] {strides = array<i32>} : memref<16x1024xf32, #tpu.memory_space<vmem>>, vector<1x16xf32>,
        %swap3A_497 = vector.shape_cast %swap3A_496 : vector<1x16xf32> to vector<16xf32>
        %swap3A_498 = vector.shape_cast %mul3A_493 : vector<16xf32> to vector<1x16xf32>
        tpu.vector_store %arg10[%swap3A_494, %swap3A_495], %swap3A_498 {strides = array<i32>} : memref<16x1024xf32, #tpu.memory_space<vmem>>, vector<1x16xf32>,
        %scan3A_499 = arith.constant 5 : i32
        %scan3A_500 = arith.addi %scan3A_422, %scan3A_499 : i32
        %mul3A_501 = arith.constant 16 : i32
        %mul3A_502 = arith.muli %scan3A_500, %mul3A_501 : i32
        %get3A_503 = arith.index_cast %scan3A_416 : i32 to index
        %get3A_504 = arith.index_cast %mul3A_502 : i32 to index
        %get3A_505 = tpu.vector_load %arg10[%get3A_503, %get3A_504] {strides = array<i32>} : memref<16x1024xf32, #tpu.memory_space<vmem>>, vector<1x16xf32>,
        %get3A_506 = vector.shape_cast %get3A_505 : vector<1x16xf32> to vector<16xf32>
        %mul3A_507 = arith.constant 3.125000e-02 : f32
        %mul3A_508 = vector.broadcast %mul3A_507 : f32 to vector<16xf32>
        %mul3A_509 = arith.mulf %get3A_506, %mul3A_508 : vector<16xf32>
        %swap3A_510 = arith.index_cast %scan3A_416 : i32 to index
        %swap3A_511 = arith.index_cast %mul3A_502 : i32 to index
        %swap3A_512 = tpu.vector_load %arg10[%swap3A_510, %swap3A_511] {strides = array<i32>} : memref<16x1024xf32, #tpu.memory_space<vmem>>, vector<1x16xf32>,
        %swap3A_513 = vector.shape_cast %swap3A_512 : vector<1x16xf32> to vector<16xf32>
        %swap3A_514 = vector.shape_cast %mul3A_509 : vector<16xf32> to vector<1x16xf32>
        tpu.vector_store %arg10[%swap3A_510, %swap3A_511], %swap3A_514 {strides = array<i32>} : memref<16x1024xf32, #tpu.memory_space<vmem>>, vector<1x16xf32>,
        %scan3A_515 = arith.constant 6 : i32
        %scan3A_516 = arith.addi %scan3A_422, %scan3A_515 : i32
        %mul3A_517 = arith.constant 16 : i32
        %mul3A_518 = arith.muli %scan3A_516, %mul3A_517 : i32
        %get3A_519 = arith.index_cast %scan3A_416 : i32 to index
        %get3A_520 = arith.index_cast %mul3A_518 : i32 to index
        %get3A_521 = tpu.vector_load %arg10[%get3A_519, %get3A_520] {strides = array<i32>} : memref<16x1024xf32, #tpu.memory_space<vmem>>, vector<1x16xf32>,
        %get3A_522 = vector.shape_cast %get3A_521 : vector<1x16xf32> to vector<16xf32>
        %mul3A_523 = arith.constant 3.125000e-02 : f32
        %mul3A_524 = vector.broadcast %mul3A_523 : f32 to vector<16xf32>
        %mul3A_525 = arith.mulf %get3A_522, %mul3A_524 : vector<16xf32>
        %swap3A_526 = arith.index_cast %scan3A_416 : i32 to index
        %swap3A_527 = arith.index_cast %mul3A_518 : i32 to index
        %swap3A_528 = tpu.vector_load %arg10[%swap3A_526, %swap3A_527] {strides = array<i32>} : memref<16x1024xf32, #tpu.memory_space<vmem>>, vector<1x16xf32>,
        %swap3A_529 = vector.shape_cast %swap3A_528 : vector<1x16xf32> to vector<16xf32>
        %swap3A_530 = vector.shape_cast %mul3A_525 : vector<16xf32> to vector<1x16xf32>
        tpu.vector_store %arg10[%swap3A_526, %swap3A_527], %swap3A_530 {strides = array<i32>} : memref<16x1024xf32, #tpu.memory_space<vmem>>, vector<1x16xf32>,
        %scan3A_531 = arith.constant 7 : i32
        %scan3A_532 = arith.addi %scan3A_422, %scan3A_531 : i32
        %mul3A_533 = arith.constant 16 : i32
        %mul3A_534 = arith.muli %scan3A_532, %mul3A_533 : i32
        %get3A_535 = arith.index_cast %scan3A_416 : i32 to index
        %get3A_536 = arith.index_cast %mul3A_534 : i32 to index
        %get3A_537 = tpu.vector_load %arg10[%get3A_535, %get3A_536] {strides = array<i32>} : memref<16x1024xf32, #tpu.memory_space<vmem>>, vector<1x16xf32>,
        %get3A_538 = vector.shape_cast %get3A_537 : vector<1x16xf32> to vector<16xf32>
        %mul3A_539 = arith.constant 3.125000e-02 : f32
        %mul3A_540 = vector.broadcast %mul3A_539 : f32 to vector<16xf32>
        %mul3A_541 = arith.mulf %get3A_538, %mul3A_540 : vector<16xf32>
        %swap3A_542 = arith.index_cast %scan3A_416 : i32 to index
        %swap3A_543 = arith.index_cast %mul3A_534 : i32 to index
        %swap3A_544 = tpu.vector_load %arg10[%swap3A_542, %swap3A_543] {strides = array<i32>} : memref<16x1024xf32, #tpu.memory_space<vmem>>, vector<1x16xf32>,
        %swap3A_545 = vector.shape_cast %swap3A_544 : vector<1x16xf32> to vector<16xf32>
        %swap3A_546 = vector.shape_cast %mul3A_541 : vector<16xf32> to vector<1x16xf32>
        tpu.vector_store %arg10[%swap3A_542, %swap3A_543], %swap3A_546 {strides = array<i32>} : memref<16x1024xf32, #tpu.memory_space<vmem>>, vector<1x16xf32>,
        %scan3A_547 = arith.constant 8 : i32
        %scan3A_548 = arith.addi %scan3A_422, %scan3A_547 : i32
        %mul3A_549 = arith.constant 16 : i32
        %mul3A_550 = arith.muli %scan3A_548, %mul3A_549 : i32
        %get3A_551 = arith.index_cast %scan3A_416 : i32 to index
        %get3A_552 = arith.index_cast %mul3A_550 : i32 to index
        %get3A_553 = tpu.vector_load %arg10[%get3A_551, %get3A_552] {strides = array<i32>} : memref<16x1024xf32, #tpu.memory_space<vmem>>, vector<1x16xf32>,
        %get3A_554 = vector.shape_cast %get3A_553 : vector<1x16xf32> to vector<16xf32>
        %mul3A_555 = arith.constant 3.125000e-02 : f32
        %mul3A_556 = vector.broadcast %mul3A_555 : f32 to vector<16xf32>
        %mul3A_557 = arith.mulf %get3A_554, %mul3A_556 : vector<16xf32>
        %swap3A_558 = arith.index_cast %scan3A_416 : i32 to index
        %swap3A_559 = arith.index_cast %mul3A_550 : i32 to index
        %swap3A_560 = tpu.vector_load %arg10[%swap3A_558, %swap3A_559] {strides = array<i32>} : memref<16x1024xf32, #tpu.memory_space<vmem>>, vector<1x16xf32>,
        %swap3A_561 = vector.shape_cast %swap3A_560 : vector<1x16xf32> to vector<16xf32>
        %swap3A_562 = vector.shape_cast %mul3A_557 : vector<16xf32> to vector<1x16xf32>
        tpu.vector_store %arg10[%swap3A_558, %swap3A_559], %swap3A_562 {strides = array<i32>} : memref<16x1024xf32, #tpu.memory_space<vmem>>, vector<1x16xf32>,
        %scan3A_563 = arith.constant 9 : i32
        %scan3A_564 = arith.addi %scan3A_422, %scan3A_563 : i32
        %mul3A_565 = arith.constant 16 : i32
        %mul3A_566 = arith.muli %scan3A_564, %mul3A_565 : i32
        %get3A_567 = arith.index_cast %scan3A_416 : i32 to index
        %get3A_568 = arith.index_cast %mul3A_566 : i32 to index
        %get3A_569 = tpu.vector_load %arg10[%get3A_567, %get3A_568] {strides = array<i32>} : memref<16x1024xf32, #tpu.memory_space<vmem>>, vector<1x16xf32>,
        %get3A_570 = vector.shape_cast %get3A_569 : vector<1x16xf32> to vector<16xf32>
        %mul3A_571 = arith.constant 3.125000e-02 : f32
        %mul3A_572 = vector.broadcast %mul3A_571 : f32 to vector<16xf32>
        %mul3A_573 = arith.mulf %get3A_570, %mul3A_572 : vector<16xf32>
        %swap3A_574 = arith.index_cast %scan3A_416 : i32 to index
        %swap3A_575 = arith.index_cast %mul3A_566 : i32 to index
        %swap3A_576 = tpu.vector_load %arg10[%swap3A_574, %swap3A_575] {strides = array<i32>} : memref<16x1024xf32, #tpu.memory_space<vmem>>, vector<1x16xf32>,
        %swap3A_577 = vector.shape_cast %swap3A_576 : vector<1x16xf32> to vector<16xf32>
        %swap3A_578 = vector.shape_cast %mul3A_573 : vector<16xf32> to vector<1x16xf32>
        tpu.vector_store %arg10[%swap3A_574, %swap3A_575], %swap3A_578 {strides = array<i32>} : memref<16x1024xf32, #tpu.memory_space<vmem>>, vector<1x16xf32>,
        %scan3A_579 = arith.constant 10 : i32
        %scan3A_580 = arith.addi %scan3A_422, %scan3A_579 : i32
        %mul3A_581 = arith.constant 16 : i32
        %mul3A_582 = arith.muli %scan3A_580, %mul3A_581 : i32
        %get3A_583 = arith.index_cast %scan3A_416 : i32 to index
        %get3A_584 = arith.index_cast %mul3A_582 : i32 to index
        %get3A_585 = tpu.vector_load %arg10[%get3A_583, %get3A_584] {strides = array<i32>} : memref<16x1024xf32, #tpu.memory_space<vmem>>, vector<1x16xf32>,
        %get3A_586 = vector.shape_cast %get3A_585 : vector<1x16xf32> to vector<16xf32>
        %mul3A_587 = arith.constant 3.125000e-02 : f32
        %mul3A_588 = vector.broadcast %mul3A_587 : f32 to vector<16xf32>
        %mul3A_589 = arith.mulf %get3A_586, %mul3A_588 : vector<16xf32>
        %swap3A_590 = arith.index_cast %scan3A_416 : i32 to index
        %swap3A_591 = arith.index_cast %mul3A_582 : i32 to index
        %swap3A_592 = tpu.vector_load %arg10[%swap3A_590, %swap3A_591] {strides = array<i32>} : memref<16x1024xf32, #tpu.memory_space<vmem>>, vector<1x16xf32>,
        %swap3A_593 = vector.shape_cast %swap3A_592 : vector<1x16xf32> to vector<16xf32>
        %swap3A_594 = vector.shape_cast %mul3A_589 : vector<16xf32> to vector<1x16xf32>
        tpu.vector_store %arg10[%swap3A_590, %swap3A_591], %swap3A_594 {strides = array<i32>} : memref<16x1024xf32, #tpu.memory_space<vmem>>, vector<1x16xf32>,
        %scan3A_595 = arith.constant 11 : i32
        %scan3A_596 = arith.addi %scan3A_422, %scan3A_595 : i32
        %mul3A_597 = arith.constant 16 : i32
        %mul3A_598 = arith.muli %scan3A_596, %mul3A_597 : i32
        %get3A_599 = arith.index_cast %scan3A_416 : i32 to index
        %get3A_600 = arith.index_cast %mul3A_598 : i32 to index
        %get3A_601 = tpu.vector_load %arg10[%get3A_599, %get3A_600] {strides = array<i32>} : memref<16x1024xf32, #tpu.memory_space<vmem>>, vector<1x16xf32>,
        %get3A_602 = vector.shape_cast %get3A_601 : vector<1x16xf32> to vector<16xf32>
        %mul3A_603 = arith.constant 3.125000e-02 : f32
        %mul3A_604 = vector.broadcast %mul3A_603 : f32 to vector<16xf32>
        %mul3A_605 = arith.mulf %get3A_602, %mul3A_604 : vector<16xf32>
        %swap3A_606 = arith.index_cast %scan3A_416 : i32 to index
        %swap3A_607 = arith.index_cast %mul3A_598 : i32 to index
        %swap3A_608 = tpu.vector_load %arg10[%swap3A_606, %swap3A_607] {strides = array<i32>} : memref<16x1024xf32, #tpu.memory_space<vmem>>, vector<1x16xf32>,
        %swap3A_609 = vector.shape_cast %swap3A_608 : vector<1x16xf32> to vector<16xf32>
        %swap3A_610 = vector.shape_cast %mul3A_605 : vector<16xf32> to vector<1x16xf32>
        tpu.vector_store %arg10[%swap3A_606, %swap3A_607], %swap3A_610 {strides = array<i32>} : memref<16x1024xf32, #tpu.memory_space<vmem>>, vector<1x16xf32>,
        %scan3A_611 = arith.constant 12 : i32
        %scan3A_612 = arith.addi %scan3A_422, %scan3A_611 : i32
        %mul3A_613 = arith.constant 16 : i32
        %mul3A_614 = arith.muli %scan3A_612, %mul3A_613 : i32
        %get3A_615 = arith.index_cast %scan3A_416 : i32 to index
        %get3A_616 = arith.index_cast %mul3A_614 : i32 to index
        %get3A_617 = tpu.vector_load %arg10[%get3A_615, %get3A_616] {strides = array<i32>} : memref<16x1024xf32, #tpu.memory_space<vmem>>, vector<1x16xf32>,
        %get3A_618 = vector.shape_cast %get3A_617 : vector<1x16xf32> to vector<16xf32>
        %mul3A_619 = arith.constant 3.125000e-02 : f32
        %mul3A_620 = vector.broadcast %mul3A_619 : f32 to vector<16xf32>
        %mul3A_621 = arith.mulf %get3A_618, %mul3A_620 : vector<16xf32>
        %swap3A_622 = arith.index_cast %scan3A_416 : i32 to index
        %swap3A_623 = arith.index_cast %mul3A_614 : i32 to index
        %swap3A_624 = tpu.vector_load %arg10[%swap3A_622, %swap3A_623] {strides = array<i32>} : memref<16x1024xf32, #tpu.memory_space<vmem>>, vector<1x16xf32>,
        %swap3A_625 = vector.shape_cast %swap3A_624 : vector<1x16xf32> to vector<16xf32>
        %swap3A_626 = vector.shape_cast %mul3A_621 : vector<16xf32> to vector<1x16xf32>
        tpu.vector_store %arg10[%swap3A_622, %swap3A_623], %swap3A_626 {strides = array<i32>} : memref<16x1024xf32, #tpu.memory_space<vmem>>, vector<1x16xf32>,
        %scan3A_627 = arith.constant 13 : i32
        %scan3A_628 = arith.addi %scan3A_422, %scan3A_627 : i32
        %mul3A_629 = arith.constant 16 : i32
        %mul3A_630 = arith.muli %scan3A_628, %mul3A_629 : i32
        %get3A_631 = arith.index_cast %scan3A_416 : i32 to index
        %get3A_632 = arith.index_cast %mul3A_630 : i32 to index
        %get3A_633 = tpu.vector_load %arg10[%get3A_631, %get3A_632] {strides = array<i32>} : memref<16x1024xf32, #tpu.memory_space<vmem>>, vector<1x16xf32>,
        %get3A_634 = vector.shape_cast %get3A_633 : vector<1x16xf32> to vector<16xf32>
        %mul3A_635 = arith.constant 3.125000e-02 : f32
        %mul3A_636 = vector.broadcast %mul3A_635 : f32 to vector<16xf32>
        %mul3A_637 = arith.mulf %get3A_634, %mul3A_636 : vector<16xf32>
        %swap3A_638 = arith.index_cast %scan3A_416 : i32 to index
        %swap3A_639 = arith.index_cast %mul3A_630 : i32 to index
        %swap3A_640 = tpu.vector_load %arg10[%swap3A_638, %swap3A_639] {strides = array<i32>} : memref<16x1024xf32, #tpu.memory_space<vmem>>, vector<1x16xf32>,
        %swap3A_641 = vector.shape_cast %swap3A_640 : vector<1x16xf32> to vector<16xf32>
        %swap3A_642 = vector.shape_cast %mul3A_637 : vector<16xf32> to vector<1x16xf32>
        tpu.vector_store %arg10[%swap3A_638, %swap3A_639], %swap3A_642 {strides = array<i32>} : memref<16x1024xf32, #tpu.memory_space<vmem>>, vector<1x16xf32>,
        %scan3A_643 = arith.constant 14 : i32
        %scan3A_644 = arith.addi %scan3A_422, %scan3A_643 : i32
        %mul3A_645 = arith.constant 16 : i32
        %mul3A_646 = arith.muli %scan3A_644, %mul3A_645 : i32
        %get3A_647 = arith.index_cast %scan3A_416 : i32 to index
        %get3A_648 = arith.index_cast %mul3A_646 : i32 to index
        %get3A_649 = tpu.vector_load %arg10[%get3A_647, %get3A_648] {strides = array<i32>} : memref<16x1024xf32, #tpu.memory_space<vmem>>, vector<1x16xf32>,
        %get3A_650 = vector.shape_cast %get3A_649 : vector<1x16xf32> to vector<16xf32>
        %mul3A_651 = arith.constant 3.125000e-02 : f32
        %mul3A_652 = vector.broadcast %mul3A_651 : f32 to vector<16xf32>
        %mul3A_653 = arith.mulf %get3A_650, %mul3A_652 : vector<16xf32>
        %swap3A_654 = arith.index_cast %scan3A_416 : i32 to index
        %swap3A_655 = arith.index_cast %mul3A_646 : i32 to index
        %swap3A_656 = tpu.vector_load %arg10[%swap3A_654, %swap3A_655] {strides = array<i32>} : memref<16x1024xf32, #tpu.memory_space<vmem>>, vector<1x16xf32>,
        %swap3A_657 = vector.shape_cast %swap3A_656 : vector<1x16xf32> to vector<16xf32>
        %swap3A_658 = vector.shape_cast %mul3A_653 : vector<16xf32> to vector<1x16xf32>
        tpu.vector_store %arg10[%swap3A_654, %swap3A_655], %swap3A_658 {strides = array<i32>} : memref<16x1024xf32, #tpu.memory_space<vmem>>, vector<1x16xf32>,
        %scan3A_659 = arith.constant 15 : i32
        %scan3A_660 = arith.addi %scan3A_422, %scan3A_659 : i32
        %mul3A_661 = arith.constant 16 : i32
        %mul3A_662 = arith.muli %scan3A_660, %mul3A_661 : i32
        %get3A_663 = arith.index_cast %scan3A_416 : i32 to index
        %get3A_664 = arith.index_cast %mul3A_662 : i32 to index
        %get3A_665 = tpu.vector_load %arg10[%get3A_663, %get3A_664] {strides = array<i32>} : memref<16x1024xf32, #tpu.memory_space<vmem>>, vector<1x16xf32>,
        %get3A_666 = vector.shape_cast %get3A_665 : vector<1x16xf32> to vector<16xf32>
        %mul3A_667 = arith.constant 3.125000e-02 : f32
        %mul3A_668 = vector.broadcast %mul3A_667 : f32 to vector<16xf32>
        %mul3A_669 = arith.mulf %get3A_666, %mul3A_668 : vector<16xf32>
        %swap3A_670 = arith.index_cast %scan3A_416 : i32 to index
        %swap3A_671 = arith.index_cast %mul3A_662 : i32 to index
        %swap3A_672 = tpu.vector_load %arg10[%swap3A_670, %swap3A_671] {strides = array<i32>} : memref<16x1024xf32, #tpu.memory_space<vmem>>, vector<1x16xf32>,
        %swap3A_673 = vector.shape_cast %swap3A_672 : vector<1x16xf32> to vector<16xf32>
        %swap3A_674 = vector.shape_cast %mul3A_669 : vector<16xf32> to vector<1x16xf32>
        tpu.vector_store %arg10[%swap3A_670, %swap3A_671], %swap3A_674 {strides = array<i32>} : memref<16x1024xf32, #tpu.memory_space<vmem>>, vector<1x16xf32>,
      }
      %scan3A_421 = arith.constant 64 : i32
    }
    %scan3A_177 = arith.constant 16 : i32
    %add3A_178 = arith.constant 96 : i32
    %add3A_179 = arith.addi %mul3A_2, %add3A_178 : i32
    %dma_start3A_180 = arith.constant 0 : i32
    %dma_start3A_181 = tpu.memref_slice %arg3[%add3A_179, %dma_start3A_180] : memref<8192x1024xf32, #tpu.memory_space<hbm>> -> memref<16x1024xf32, #tpu.memory_space<hbm>>
    %dma_start3A_182 = arith.constant 0 : i32
    %dma_start3A_183 = tpu.memref_slice %arg3[%add3A_179, %dma_start3A_182] : memref<8192x1024xf32, #tpu.memory_space<hbm>> -> memref<16x1024xf32, #tpu.memory_space<hbm>>
    tpu.enqueue_dma source(%arg10 : memref<16x1024xf32, #tpu.memory_space<vmem>>) target(%dma_start3A_183 : memref<16x1024xf32, #tpu.memory_space<hbm>>) target_semaphore(%arg24 : memref<!tpu.dma_semaphore, #tpu.memory_space<semaphore_mem>>)
    %dma_wait3A_184 = arith.constant 0 : i32
    %dma_wait3A_185 = tpu.memref_slice %arg3[%add3A_101, %dma_wait3A_184] : memref<8192x1024xf32, #tpu.memory_space<hbm>> -> memref<16x1024xf32, #tpu.memory_space<hbm>>
    %dma_wait3A_186 = arith.constant 0 : i32
    %dma_wait3A_187 = tpu.memref_slice %arg3[%add3A_101, %dma_wait3A_186] : memref<8192x1024xf32, #tpu.memory_space<hbm>> -> memref<16x1024xf32, #tpu.memory_space<hbm>>
    tpu.wait_dma2 semaphore(%arg21 : memref<!tpu.dma_semaphore, #tpu.memory_space<semaphore_mem>>) src(%arg7 : memref<16x1024xf32, #tpu.memory_space<vmem>>) dst(%dma_wait3A_187 : memref<16x1024xf32, #tpu.memory_space<hbm>>)
    %add3A_188 = arith.constant 160 : i32
    %add3A_189 = arith.addi %mul3A_2, %add3A_188 : i32
    %dma_start3A_190 = arith.constant 0 : i32
    %dma_start3A_191 = tpu.memref_slice %arg2[%add3A_189, %dma_start3A_190] : memref<8192x1024xf32, #tpu.memory_space<hbm>> -> memref<16x1024xf32, #tpu.memory_space<hbm>>
    %dma_start3A_192 = arith.constant 0 : i32
    %dma_start3A_193 = tpu.memref_slice %arg2[%add3A_189, %dma_start3A_192] : memref<8192x1024xf32, #tpu.memory_space<hbm>> -> memref<16x1024xf32, #tpu.memory_space<hbm>>
    tpu.enqueue_dma source(%dma_start3A_193 : memref<16x1024xf32, #tpu.memory_space<hbm>>) target(%arg7 : memref<16x1024xf32, #tpu.memory_space<vmem>>) target_semaphore(%arg14 : memref<!tpu.dma_semaphore, #tpu.memory_space<semaphore_mem>>)
    %dma_wait3A_194 = arith.constant 0 : i32
    %dma_wait3A_195 = tpu.memref_slice %arg2[%add3A_111, %dma_wait3A_194] : memref<8192x1024xf32, #tpu.memory_space<hbm>> -> memref<16x1024xf32, #tpu.memory_space<hbm>>
    %dma_wait3A_196 = arith.constant 0 : i32
    %dma_wait3A_197 = tpu.memref_slice %arg2[%add3A_111, %dma_wait3A_196] : memref<8192x1024xf32, #tpu.memory_space<hbm>> -> memref<16x1024xf32, #tpu.memory_space<hbm>>
    tpu.wait_dma2 semaphore(%arg11 : memref<!tpu.dma_semaphore, #tpu.memory_space<semaphore_mem>>) src(%dma_wait3A_197 : memref<16x1024xf32, #tpu.memory_space<hbm>>) dst(%arg4 : memref<16x1024xf32, #tpu.memory_space<vmem>>)
    %scan3A_198 = arith.constant 0 : i32
    %scan3A_199 = arith.constant 0 : i32
    %scan3A_200 = arith.constant 16 : i32
    %scan3A_201 = arith.addi %scan3A_199, %scan3A_200 : i32
    %scan3A_202 = arith.constant 1 : i32
    scf.for %scan3A_416 = %scan3A_199 to %scan3A_201 step %scan3A_202  : i32 {
      %scan3A_417 = arith.constant 0 : i32
      %scan3A_418 = arith.constant 64 : i32
      %scan3A_419 = arith.addi %scan3A_417, %scan3A_418 : i32
      %scan3A_420 = arith.constant 16 : i32
      scf.for %scan3A_422 = %scan3A_417 to %scan3A_419 step %scan3A_420  : i32 {
        %mul3A_423 = arith.constant 16 : i32
        %mul3A_424 = arith.muli %scan3A_422, %mul3A_423 : i32
        %get3A = arith.index_cast %scan3A_416 : i32 to index
        %get3A_425 = arith.index_cast %mul3A_424 : i32 to index
        %get3A_426 = tpu.vector_load %arg4[%get3A, %get3A_425] {strides = array<i32>} : memref<16x1024xf32, #tpu.memory_space<vmem>>, vector<1x16xf32>,
        %get3A_427 = vector.shape_cast %get3A_426 : vector<1x16xf32> to vector<16xf32>
        %mul3A_428 = arith.constant 3.125000e-02 : f32
        %mul3A_429 = vector.broadcast %mul3A_428 : f32 to vector<16xf32>
        %mul3A_430 = arith.mulf %get3A_427, %mul3A_429 : vector<16xf32>
        %swap3A = arith.index_cast %scan3A_416 : i32 to index
        %swap3A_431 = arith.index_cast %mul3A_424 : i32 to index
        %swap3A_432 = tpu.vector_load %arg4[%swap3A, %swap3A_431] {strides = array<i32>} : memref<16x1024xf32, #tpu.memory_space<vmem>>, vector<1x16xf32>,
        %swap3A_433 = vector.shape_cast %swap3A_432 : vector<1x16xf32> to vector<16xf32>
        %swap3A_434 = vector.shape_cast %mul3A_430 : vector<16xf32> to vector<1x16xf32>
        tpu.vector_store %arg4[%swap3A, %swap3A_431], %swap3A_434 {strides = array<i32>} : memref<16x1024xf32, #tpu.memory_space<vmem>>, vector<1x16xf32>,
        %scan3A_435 = arith.constant 1 : i32
        %scan3A_436 = arith.addi %scan3A_422, %scan3A_435 : i32
        %mul3A_437 = arith.constant 16 : i32
        %mul3A_438 = arith.muli %scan3A_436, %mul3A_437 : i32
        %get3A_439 = arith.index_cast %scan3A_416 : i32 to index
        %get3A_440 = arith.index_cast %mul3A_438 : i32 to index
        %get3A_441 = tpu.vector_load %arg4[%get3A_439, %get3A_440] {strides = array<i32>} : memref<16x1024xf32, #tpu.memory_space<vmem>>, vector<1x16xf32>,
        %get3A_442 = vector.shape_cast %get3A_441 : vector<1x16xf32> to vector<16xf32>
        %mul3A_443 = arith.constant 3.125000e-02 : f32
        %mul3A_444 = vector.broadcast %mul3A_443 : f32 to vector<16xf32>
        %mul3A_445 = arith.mulf %get3A_442, %mul3A_444 : vector<16xf32>
        %swap3A_446 = arith.index_cast %scan3A_416 : i32 to index
        %swap3A_447 = arith.index_cast %mul3A_438 : i32 to index
        %swap3A_448 = tpu.vector_load %arg4[%swap3A_446, %swap3A_447] {strides = array<i32>} : memref<16x1024xf32, #tpu.memory_space<vmem>>, vector<1x16xf32>,
        %swap3A_449 = vector.shape_cast %swap3A_448 : vector<1x16xf32> to vector<16xf32>
        %swap3A_450 = vector.shape_cast %mul3A_445 : vector<16xf32> to vector<1x16xf32>
        tpu.vector_store %arg4[%swap3A_446, %swap3A_447], %swap3A_450 {strides = array<i32>} : memref<16x1024xf32, #tpu.memory_space<vmem>>, vector<1x16xf32>,
        %scan3A_451 = arith.constant 2 : i32
        %scan3A_452 = arith.addi %scan3A_422, %scan3A_451 : i32
        %mul3A_453 = arith.constant 16 : i32
        %mul3A_454 = arith.muli %scan3A_452, %mul3A_453 : i32
        %get3A_455 = arith.index_cast %scan3A_416 : i32 to index
        %get3A_456 = arith.index_cast %mul3A_454 : i32 to index
        %get3A_457 = tpu.vector_load %arg4[%get3A_455, %get3A_456] {strides = array<i32>} : memref<16x1024xf32, #tpu.memory_space<vmem>>, vector<1x16xf32>,
        %get3A_458 = vector.shape_cast %get3A_457 : vector<1x16xf32> to vector<16xf32>
        %mul3A_459 = arith.constant 3.125000e-02 : f32
        %mul3A_460 = vector.broadcast %mul3A_459 : f32 to vector<16xf32>
        %mul3A_461 = arith.mulf %get3A_458, %mul3A_460 : vector<16xf32>
        %swap3A_462 = arith.index_cast %scan3A_416 : i32 to index
        %swap3A_463 = arith.index_cast %mul3A_454 : i32 to index
        %swap3A_464 = tpu.vector_load %arg4[%swap3A_462, %swap3A_463] {strides = array<i32>} : memref<16x1024xf32, #tpu.memory_space<vmem>>, vector<1x16xf32>,
        %swap3A_465 = vector.shape_cast %swap3A_464 : vector<1x16xf32> to vector<16xf32>
        %swap3A_466 = vector.shape_cast %mul3A_461 : vector<16xf32> to vector<1x16xf32>
        tpu.vector_store %arg4[%swap3A_462, %swap3A_463], %swap3A_466 {strides = array<i32>} : memref<16x1024xf32, #tpu.memory_space<vmem>>, vector<1x16xf32>,
        %scan3A_467 = arith.constant 3 : i32
        %scan3A_468 = arith.addi %scan3A_422, %scan3A_467 : i32
        %mul3A_469 = arith.constant 16 : i32
        %mul3A_470 = arith.muli %scan3A_468, %mul3A_469 : i32
        %get3A_471 = arith.index_cast %scan3A_416 : i32 to index
        %get3A_472 = arith.index_cast %mul3A_470 : i32 to index
        %get3A_473 = tpu.vector_load %arg4[%get3A_471, %get3A_472] {strides = array<i32>} : memref<16x1024xf32, #tpu.memory_space<vmem>>, vector<1x16xf32>,
        %get3A_474 = vector.shape_cast %get3A_473 : vector<1x16xf32> to vector<16xf32>
        %mul3A_475 = arith.constant 3.125000e-02 : f32
        %mul3A_476 = vector.broadcast %mul3A_475 : f32 to vector<16xf32>
        %mul3A_477 = arith.mulf %get3A_474, %mul3A_476 : vector<16xf32>
        %swap3A_478 = arith.index_cast %scan3A_416 : i32 to index
        %swap3A_479 = arith.index_cast %mul3A_470 : i32 to index
        %swap3A_480 = tpu.vector_load %arg4[%swap3A_478, %swap3A_479] {strides = array<i32>} : memref<16x1024xf32, #tpu.memory_space<vmem>>, vector<1x16xf32>,
        %swap3A_481 = vector.shape_cast %swap3A_480 : vector<1x16xf32> to vector<16xf32>
        %swap3A_482 = vector.shape_cast %mul3A_477 : vector<16xf32> to vector<1x16xf32>
        tpu.vector_store %arg4[%swap3A_478, %swap3A_479], %swap3A_482 {strides = array<i32>} : memref<16x1024xf32, #tpu.memory_space<vmem>>, vector<1x16xf32>,
        %scan3A_483 = arith.constant 4 : i32
        %scan3A_484 = arith.addi %scan3A_422, %scan3A_483 : i32
        %mul3A_485 = arith.constant 16 : i32
        %mul3A_486 = arith.muli %scan3A_484, %mul3A_485 : i32
        %get3A_487 = arith.index_cast %scan3A_416 : i32 to index
        %get3A_488 = arith.index_cast %mul3A_486 : i32 to index
        %get3A_489 = tpu.vector_load %arg4[%get3A_487, %get3A_488] {strides = array<i32>} : memref<16x1024xf32, #tpu.memory_space<vmem>>, vector<1x16xf32>,
        %get3A_490 = vector.shape_cast %get3A_489 : vector<1x16xf32> to vector<16xf32>
        %mul3A_491 = arith.constant 3.125000e-02 : f32
        %mul3A_492 = vector.broadcast %mul3A_491 : f32 to vector<16xf32>
        %mul3A_493 = arith.mulf %get3A_490, %mul3A_492 : vector<16xf32>
        %swap3A_494 = arith.index_cast %scan3A_416 : i32 to index
        %swap3A_495 = arith.index_cast %mul3A_486 : i32 to index
        %swap3A_496 = tpu.vector_load %arg4[%swap3A_494, %swap3A_495] {strides = array<i32>} : memref<16x1024xf32, #tpu.memory_space<vmem>>, vector<1x16xf32>,
        %swap3A_497 = vector.shape_cast %swap3A_496 : vector<1x16xf32> to vector<16xf32>
        %swap3A_498 = vector.shape_cast %mul3A_493 : vector<16xf32> to vector<1x16xf32>
        tpu.vector_store %arg4[%swap3A_494, %swap3A_495], %swap3A_498 {strides = array<i32>} : memref<16x1024xf32, #tpu.memory_space<vmem>>, vector<1x16xf32>,
        %scan3A_499 = arith.constant 5 : i32
        %scan3A_500 = arith.addi %scan3A_422, %scan3A_499 : i32
        %mul3A_501 = arith.constant 16 : i32
        %mul3A_502 = arith.muli %scan3A_500, %mul3A_501 : i32
        %get3A_503 = arith.index_cast %scan3A_416 : i32 to index
        %get3A_504 = arith.index_cast %mul3A_502 : i32 to index
        %get3A_505 = tpu.vector_load %arg4[%get3A_503, %get3A_504] {strides = array<i32>} : memref<16x1024xf32, #tpu.memory_space<vmem>>, vector<1x16xf32>,
        %get3A_506 = vector.shape_cast %get3A_505 : vector<1x16xf32> to vector<16xf32>
        %mul3A_507 = arith.constant 3.125000e-02 : f32
        %mul3A_508 = vector.broadcast %mul3A_507 : f32 to vector<16xf32>
        %mul3A_509 = arith.mulf %get3A_506, %mul3A_508 : vector<16xf32>
        %swap3A_510 = arith.index_cast %scan3A_416 : i32 to index
        %swap3A_511 = arith.index_cast %mul3A_502 : i32 to index
        %swap3A_512 = tpu.vector_load %arg4[%swap3A_510, %swap3A_511] {strides = array<i32>} : memref<16x1024xf32, #tpu.memory_space<vmem>>, vector<1x16xf32>,
        %swap3A_513 = vector.shape_cast %swap3A_512 : vector<1x16xf32> to vector<16xf32>
        %swap3A_514 = vector.shape_cast %mul3A_509 : vector<16xf32> to vector<1x16xf32>
        tpu.vector_store %arg4[%swap3A_510, %swap3A_511], %swap3A_514 {strides = array<i32>} : memref<16x1024xf32, #tpu.memory_space<vmem>>, vector<1x16xf32>,
        %scan3A_515 = arith.constant 6 : i32
        %scan3A_516 = arith.addi %scan3A_422, %scan3A_515 : i32
        %mul3A_517 = arith.constant 16 : i32
        %mul3A_518 = arith.muli %scan3A_516, %mul3A_517 : i32
        %get3A_519 = arith.index_cast %scan3A_416 : i32 to index
        %get3A_520 = arith.index_cast %mul3A_518 : i32 to index
        %get3A_521 = tpu.vector_load %arg4[%get3A_519, %get3A_520] {strides = array<i32>} : memref<16x1024xf32, #tpu.memory_space<vmem>>, vector<1x16xf32>,
        %get3A_522 = vector.shape_cast %get3A_521 : vector<1x16xf32> to vector<16xf32>
        %mul3A_523 = arith.constant 3.125000e-02 : f32
        %mul3A_524 = vector.broadcast %mul3A_523 : f32 to vector<16xf32>
        %mul3A_525 = arith.mulf %get3A_522, %mul3A_524 : vector<16xf32>
        %swap3A_526 = arith.index_cast %scan3A_416 : i32 to index
        %swap3A_527 = arith.index_cast %mul3A_518 : i32 to index
        %swap3A_528 = tpu.vector_load %arg4[%swap3A_526, %swap3A_527] {strides = array<i32>} : memref<16x1024xf32, #tpu.memory_space<vmem>>, vector<1x16xf32>,
        %swap3A_529 = vector.shape_cast %swap3A_528 : vector<1x16xf32> to vector<16xf32>
        %swap3A_530 = vector.shape_cast %mul3A_525 : vector<16xf32> to vector<1x16xf32>
        tpu.vector_store %arg4[%swap3A_526, %swap3A_527], %swap3A_530 {strides = array<i32>} : memref<16x1024xf32, #tpu.memory_space<vmem>>, vector<1x16xf32>,
        %scan3A_531 = arith.constant 7 : i32
        %scan3A_532 = arith.addi %scan3A_422, %scan3A_531 : i32
        %mul3A_533 = arith.constant 16 : i32
        %mul3A_534 = arith.muli %scan3A_532, %mul3A_533 : i32
        %get3A_535 = arith.index_cast %scan3A_416 : i32 to index
        %get3A_536 = arith.index_cast %mul3A_534 : i32 to index
        %get3A_537 = tpu.vector_load %arg4[%get3A_535, %get3A_536] {strides = array<i32>} : memref<16x1024xf32, #tpu.memory_space<vmem>>, vector<1x16xf32>,
        %get3A_538 = vector.shape_cast %get3A_537 : vector<1x16xf32> to vector<16xf32>
        %mul3A_539 = arith.constant 3.125000e-02 : f32
        %mul3A_540 = vector.broadcast %mul3A_539 : f32 to vector<16xf32>
        %mul3A_541 = arith.mulf %get3A_538, %mul3A_540 : vector<16xf32>
        %swap3A_542 = arith.index_cast %scan3A_416 : i32 to index
        %swap3A_543 = arith.index_cast %mul3A_534 : i32 to index
        %swap3A_544 = tpu.vector_load %arg4[%swap3A_542, %swap3A_543] {strides = array<i32>} : memref<16x1024xf32, #tpu.memory_space<vmem>>, vector<1x16xf32>,
        %swap3A_545 = vector.shape_cast %swap3A_544 : vector<1x16xf32> to vector<16xf32>
        %swap3A_546 = vector.shape_cast %mul3A_541 : vector<16xf32> to vector<1x16xf32>
        tpu.vector_store %arg4[%swap3A_542, %swap3A_543], %swap3A_546 {strides = array<i32>} : memref<16x1024xf32, #tpu.memory_space<vmem>>, vector<1x16xf32>,
        %scan3A_547 = arith.constant 8 : i32
        %scan3A_548 = arith.addi %scan3A_422, %scan3A_547 : i32
        %mul3A_549 = arith.constant 16 : i32
        %mul3A_550 = arith.muli %scan3A_548, %mul3A_549 : i32
        %get3A_551 = arith.index_cast %scan3A_416 : i32 to index
        %get3A_552 = arith.index_cast %mul3A_550 : i32 to index
        %get3A_553 = tpu.vector_load %arg4[%get3A_551, %get3A_552] {strides = array<i32>} : memref<16x1024xf32, #tpu.memory_space<vmem>>, vector<1x16xf32>,
        %get3A_554 = vector.shape_cast %get3A_553 : vector<1x16xf32> to vector<16xf32>
        %mul3A_555 = arith.constant 3.125000e-02 : f32
        %mul3A_556 = vector.broadcast %mul3A_555 : f32 to vector<16xf32>
        %mul3A_557 = arith.mulf %get3A_554, %mul3A_556 : vector<16xf32>
        %swap3A_558 = arith.index_cast %scan3A_416 : i32 to index
        %swap3A_559 = arith.index_cast %mul3A_550 : i32 to index
        %swap3A_560 = tpu.vector_load %arg4[%swap3A_558, %swap3A_559] {strides = array<i32>} : memref<16x1024xf32, #tpu.memory_space<vmem>>, vector<1x16xf32>,
        %swap3A_561 = vector.shape_cast %swap3A_560 : vector<1x16xf32> to vector<16xf32>
        %swap3A_562 = vector.shape_cast %mul3A_557 : vector<16xf32> to vector<1x16xf32>
        tpu.vector_store %arg4[%swap3A_558, %swap3A_559], %swap3A_562 {strides = array<i32>} : memref<16x1024xf32, #tpu.memory_space<vmem>>, vector<1x16xf32>,
        %scan3A_563 = arith.constant 9 : i32
        %scan3A_564 = arith.addi %scan3A_422, %scan3A_563 : i32
        %mul3A_565 = arith.constant 16 : i32
        %mul3A_566 = arith.muli %scan3A_564, %mul3A_565 : i32
        %get3A_567 = arith.index_cast %scan3A_416 : i32 to index
        %get3A_568 = arith.index_cast %mul3A_566 : i32 to index
        %get3A_569 = tpu.vector_load %arg4[%get3A_567, %get3A_568] {strides = array<i32>} : memref<16x1024xf32, #tpu.memory_space<vmem>>, vector<1x16xf32>,
        %get3A_570 = vector.shape_cast %get3A_569 : vector<1x16xf32> to vector<16xf32>
        %mul3A_571 = arith.constant 3.125000e-02 : f32
        %mul3A_572 = vector.broadcast %mul3A_571 : f32 to vector<16xf32>
        %mul3A_573 = arith.mulf %get3A_570, %mul3A_572 : vector<16xf32>
        %swap3A_574 = arith.index_cast %scan3A_416 : i32 to index
        %swap3A_575 = arith.index_cast %mul3A_566 : i32 to index
        %swap3A_576 = tpu.vector_load %arg4[%swap3A_574, %swap3A_575] {strides = array<i32>} : memref<16x1024xf32, #tpu.memory_space<vmem>>, vector<1x16xf32>,
        %swap3A_577 = vector.shape_cast %swap3A_576 : vector<1x16xf32> to vector<16xf32>
        %swap3A_578 = vector.shape_cast %mul3A_573 : vector<16xf32> to vector<1x16xf32>
        tpu.vector_store %arg4[%swap3A_574, %swap3A_575], %swap3A_578 {strides = array<i32>} : memref<16x1024xf32, #tpu.memory_space<vmem>>, vector<1x16xf32>,
        %scan3A_579 = arith.constant 10 : i32
        %scan3A_580 = arith.addi %scan3A_422, %scan3A_579 : i32
        %mul3A_581 = arith.constant 16 : i32
        %mul3A_582 = arith.muli %scan3A_580, %mul3A_581 : i32
        %get3A_583 = arith.index_cast %scan3A_416 : i32 to index
        %get3A_584 = arith.index_cast %mul3A_582 : i32 to index
        %get3A_585 = tpu.vector_load %arg4[%get3A_583, %get3A_584] {strides = array<i32>} : memref<16x1024xf32, #tpu.memory_space<vmem>>, vector<1x16xf32>,
        %get3A_586 = vector.shape_cast %get3A_585 : vector<1x16xf32> to vector<16xf32>
        %mul3A_587 = arith.constant 3.125000e-02 : f32
        %mul3A_588 = vector.broadcast %mul3A_587 : f32 to vector<16xf32>
        %mul3A_589 = arith.mulf %get3A_586, %mul3A_588 : vector<16xf32>
        %swap3A_590 = arith.index_cast %scan3A_416 : i32 to index
        %swap3A_591 = arith.index_cast %mul3A_582 : i32 to index
        %swap3A_592 = tpu.vector_load %arg4[%swap3A_590, %swap3A_591] {strides = array<i32>} : memref<16x1024xf32, #tpu.memory_space<vmem>>, vector<1x16xf32>,
        %swap3A_593 = vector.shape_cast %swap3A_592 : vector<1x16xf32> to vector<16xf32>
        %swap3A_594 = vector.shape_cast %mul3A_589 : vector<16xf32> to vector<1x16xf32>
        tpu.vector_store %arg4[%swap3A_590, %swap3A_591], %swap3A_594 {strides = array<i32>} : memref<16x1024xf32, #tpu.memory_space<vmem>>, vector<1x16xf32>,
        %scan3A_595 = arith.constant 11 : i32
        %scan3A_596 = arith.addi %scan3A_422, %scan3A_595 : i32
        %mul3A_597 = arith.constant 16 : i32
        %mul3A_598 = arith.muli %scan3A_596, %mul3A_597 : i32
        %get3A_599 = arith.index_cast %scan3A_416 : i32 to index
        %get3A_600 = arith.index_cast %mul3A_598 : i32 to index
        %get3A_601 = tpu.vector_load %arg4[%get3A_599, %get3A_600] {strides = array<i32>} : memref<16x1024xf32, #tpu.memory_space<vmem>>, vector<1x16xf32>,
        %get3A_602 = vector.shape_cast %get3A_601 : vector<1x16xf32> to vector<16xf32>
        %mul3A_603 = arith.constant 3.125000e-02 : f32
        %mul3A_604 = vector.broadcast %mul3A_603 : f32 to vector<16xf32>
        %mul3A_605 = arith.mulf %get3A_602, %mul3A_604 : vector<16xf32>
        %swap3A_606 = arith.index_cast %scan3A_416 : i32 to index
        %swap3A_607 = arith.index_cast %mul3A_598 : i32 to index
        %swap3A_608 = tpu.vector_load %arg4[%swap3A_606, %swap3A_607] {strides = array<i32>} : memref<16x1024xf32, #tpu.memory_space<vmem>>, vector<1x16xf32>,
        %swap3A_609 = vector.shape_cast %swap3A_608 : vector<1x16xf32> to vector<16xf32>
        %swap3A_610 = vector.shape_cast %mul3A_605 : vector<16xf32> to vector<1x16xf32>
        tpu.vector_store %arg4[%swap3A_606, %swap3A_607], %swap3A_610 {strides = array<i32>} : memref<16x1024xf32, #tpu.memory_space<vmem>>, vector<1x16xf32>,
        %scan3A_611 = arith.constant 12 : i32
        %scan3A_612 = arith.addi %scan3A_422, %scan3A_611 : i32
        %mul3A_613 = arith.constant 16 : i32
        %mul3A_614 = arith.muli %scan3A_612, %mul3A_613 : i32
        %get3A_615 = arith.index_cast %scan3A_416 : i32 to index
        %get3A_616 = arith.index_cast %mul3A_614 : i32 to index
        %get3A_617 = tpu.vector_load %arg4[%get3A_615, %get3A_616] {strides = array<i32>} : memref<16x1024xf32, #tpu.memory_space<vmem>>, vector<1x16xf32>,
        %get3A_618 = vector.shape_cast %get3A_617 : vector<1x16xf32> to vector<16xf32>
        %mul3A_619 = arith.constant 3.125000e-02 : f32
        %mul3A_620 = vector.broadcast %mul3A_619 : f32 to vector<16xf32>
        %mul3A_621 = arith.mulf %get3A_618, %mul3A_620 : vector<16xf32>
        %swap3A_622 = arith.index_cast %scan3A_416 : i32 to index
        %swap3A_623 = arith.index_cast %mul3A_614 : i32 to index
        %swap3A_624 = tpu.vector_load %arg4[%swap3A_622, %swap3A_623] {strides = array<i32>} : memref<16x1024xf32, #tpu.memory_space<vmem>>, vector<1x16xf32>,
        %swap3A_625 = vector.shape_cast %swap3A_624 : vector<1x16xf32> to vector<16xf32>
        %swap3A_626 = vector.shape_cast %mul3A_621 : vector<16xf32> to vector<1x16xf32>
        tpu.vector_store %arg4[%swap3A_622, %swap3A_623], %swap3A_626 {strides = array<i32>} : memref<16x1024xf32, #tpu.memory_space<vmem>>, vector<1x16xf32>,
        %scan3A_627 = arith.constant 13 : i32
        %scan3A_628 = arith.addi %scan3A_422, %scan3A_627 : i32
        %mul3A_629 = arith.constant 16 : i32
        %mul3A_630 = arith.muli %scan3A_628, %mul3A_629 : i32
        %get3A_631 = arith.index_cast %scan3A_416 : i32 to index
        %get3A_632 = arith.index_cast %mul3A_630 : i32 to index
        %get3A_633 = tpu.vector_load %arg4[%get3A_631, %get3A_632] {strides = array<i32>} : memref<16x1024xf32, #tpu.memory_space<vmem>>, vector<1x16xf32>,
        %get3A_634 = vector.shape_cast %get3A_633 : vector<1x16xf32> to vector<16xf32>
        %mul3A_635 = arith.constant 3.125000e-02 : f32
        %mul3A_636 = vector.broadcast %mul3A_635 : f32 to vector<16xf32>
        %mul3A_637 = arith.mulf %get3A_634, %mul3A_636 : vector<16xf32>
        %swap3A_638 = arith.index_cast %scan3A_416 : i32 to index
        %swap3A_639 = arith.index_cast %mul3A_630 : i32 to index
        %swap3A_640 = tpu.vector_load %arg4[%swap3A_638, %swap3A_639] {strides = array<i32>} : memref<16x1024xf32, #tpu.memory_space<vmem>>, vector<1x16xf32>,
        %swap3A_641 = vector.shape_cast %swap3A_640 : vector<1x16xf32> to vector<16xf32>
        %swap3A_642 = vector.shape_cast %mul3A_637 : vector<16xf32> to vector<1x16xf32>
        tpu.vector_store %arg4[%swap3A_638, %swap3A_639], %swap3A_642 {strides = array<i32>} : memref<16x1024xf32, #tpu.memory_space<vmem>>, vector<1x16xf32>,
        %scan3A_643 = arith.constant 14 : i32
        %scan3A_644 = arith.addi %scan3A_422, %scan3A_643 : i32
        %mul3A_645 = arith.constant 16 : i32
        %mul3A_646 = arith.muli %scan3A_644, %mul3A_645 : i32
        %get3A_647 = arith.index_cast %scan3A_416 : i32 to index
        %get3A_648 = arith.index_cast %mul3A_646 : i32 to index
        %get3A_649 = tpu.vector_load %arg4[%get3A_647, %get3A_648] {strides = array<i32>} : memref<16x1024xf32, #tpu.memory_space<vmem>>, vector<1x16xf32>,
        %get3A_650 = vector.shape_cast %get3A_649 : vector<1x16xf32> to vector<16xf32>
        %mul3A_651 = arith.constant 3.125000e-02 : f32
        %mul3A_652 = vector.broadcast %mul3A_651 : f32 to vector<16xf32>
        %mul3A_653 = arith.mulf %get3A_650, %mul3A_652 : vector<16xf32>
        %swap3A_654 = arith.index_cast %scan3A_416 : i32 to index
        %swap3A_655 = arith.index_cast %mul3A_646 : i32 to index
        %swap3A_656 = tpu.vector_load %arg4[%swap3A_654, %swap3A_655] {strides = array<i32>} : memref<16x1024xf32, #tpu.memory_space<vmem>>, vector<1x16xf32>,
        %swap3A_657 = vector.shape_cast %swap3A_656 : vector<1x16xf32> to vector<16xf32>
        %swap3A_658 = vector.shape_cast %mul3A_653 : vector<16xf32> to vector<1x16xf32>
        tpu.vector_store %arg4[%swap3A_654, %swap3A_655], %swap3A_658 {strides = array<i32>} : memref<16x1024xf32, #tpu.memory_space<vmem>>, vector<1x16xf32>,
        %scan3A_659 = arith.constant 15 : i32
        %scan3A_660 = arith.addi %scan3A_422, %scan3A_659 : i32
        %mul3A_661 = arith.constant 16 : i32
        %mul3A_662 = arith.muli %scan3A_660, %mul3A_661 : i32
        %get3A_663 = arith.index_cast %scan3A_416 : i32 to index
        %get3A_664 = arith.index_cast %mul3A_662 : i32 to index
        %get3A_665 = tpu.vector_load %arg4[%get3A_663, %get3A_664] {strides = array<i32>} : memref<16x1024xf32, #tpu.memory_space<vmem>>, vector<1x16xf32>,
        %get3A_666 = vector.shape_cast %get3A_665 : vector<1x16xf32> to vector<16xf32>
        %mul3A_667 = arith.constant 3.125000e-02 : f32
        %mul3A_668 = vector.broadcast %mul3A_667 : f32 to vector<16xf32>
        %mul3A_669 = arith.mulf %get3A_666, %mul3A_668 : vector<16xf32>
        %swap3A_670 = arith.index_cast %scan3A_416 : i32 to index
        %swap3A_671 = arith.index_cast %mul3A_662 : i32 to index
        %swap3A_672 = tpu.vector_load %arg4[%swap3A_670, %swap3A_671] {strides = array<i32>} : memref<16x1024xf32, #tpu.memory_space<vmem>>, vector<1x16xf32>,
        %swap3A_673 = vector.shape_cast %swap3A_672 : vector<1x16xf32> to vector<16xf32>
        %swap3A_674 = vector.shape_cast %mul3A_669 : vector<16xf32> to vector<1x16xf32>
        tpu.vector_store %arg4[%swap3A_670, %swap3A_671], %swap3A_674 {strides = array<i32>} : memref<16x1024xf32, #tpu.memory_space<vmem>>, vector<1x16xf32>,
      }
      %scan3A_421 = arith.constant 64 : i32
    }
    %scan3A_203 = arith.constant 16 : i32
    %add3A_204 = arith.constant 112 : i32
    %add3A_205 = arith.addi %mul3A_2, %add3A_204 : i32
    %dma_start3A_206 = arith.constant 0 : i32
    %dma_start3A_207 = tpu.memref_slice %arg3[%add3A_205, %dma_start3A_206] : memref<8192x1024xf32, #tpu.memory_space<hbm>> -> memref<16x1024xf32, #tpu.memory_space<hbm>>
    %dma_start3A_208 = arith.constant 0 : i32
    %dma_start3A_209 = tpu.memref_slice %arg3[%add3A_205, %dma_start3A_208] : memref<8192x1024xf32, #tpu.memory_space<hbm>> -> memref<16x1024xf32, #tpu.memory_space<hbm>>
    tpu.enqueue_dma source(%arg4 : memref<16x1024xf32, #tpu.memory_space<vmem>>) target(%dma_start3A_209 : memref<16x1024xf32, #tpu.memory_space<hbm>>) target_semaphore(%arg18 : memref<!tpu.dma_semaphore, #tpu.memory_space<semaphore_mem>>)
    %dma_wait3A_210 = arith.constant 0 : i32
    %dma_wait3A_211 = tpu.memref_slice %arg3[%add3A_127, %dma_wait3A_210] : memref<8192x1024xf32, #tpu.memory_space<hbm>> -> memref<16x1024xf32, #tpu.memory_space<hbm>>
    %dma_wait3A_212 = arith.constant 0 : i32
    %dma_wait3A_213 = tpu.memref_slice %arg3[%add3A_127, %dma_wait3A_212] : memref<8192x1024xf32, #tpu.memory_space<hbm>> -> memref<16x1024xf32, #tpu.memory_space<hbm>>
    tpu.wait_dma2 semaphore(%arg22 : memref<!tpu.dma_semaphore, #tpu.memory_space<semaphore_mem>>) src(%arg8 : memref<16x1024xf32, #tpu.memory_space<vmem>>) dst(%dma_wait3A_213 : memref<16x1024xf32, #tpu.memory_space<hbm>>)
    %add3A_214 = arith.constant 176 : i32
    %add3A_215 = arith.addi %mul3A_2, %add3A_214 : i32
    %dma_start3A_216 = arith.constant 0 : i32
    %dma_start3A_217 = tpu.memref_slice %arg2[%add3A_215, %dma_start3A_216] : memref<8192x1024xf32, #tpu.memory_space<hbm>> -> memref<16x1024xf32, #tpu.memory_space<hbm>>
    %dma_start3A_218 = arith.constant 0 : i32
    %dma_start3A_219 = tpu.memref_slice %arg2[%add3A_215, %dma_start3A_218] : memref<8192x1024xf32, #tpu.memory_space<hbm>> -> memref<16x1024xf32, #tpu.memory_space<hbm>>
    tpu.enqueue_dma source(%dma_start3A_219 : memref<16x1024xf32, #tpu.memory_space<hbm>>) target(%arg8 : memref<16x1024xf32, #tpu.memory_space<vmem>>) target_semaphore(%arg15 : memref<!tpu.dma_semaphore, #tpu.memory_space<semaphore_mem>>)
    %dma_wait3A_220 = arith.constant 0 : i32
    %dma_wait3A_221 = tpu.memref_slice %arg2[%add3A_137, %dma_wait3A_220] : memref<8192x1024xf32, #tpu.memory_space<hbm>> -> memref<16x1024xf32, #tpu.memory_space<hbm>>
    %dma_wait3A_222 = arith.constant 0 : i32
    %dma_wait3A_223 = tpu.memref_slice %arg2[%add3A_137, %dma_wait3A_222] : memref<8192x1024xf32, #tpu.memory_space<hbm>> -> memref<16x1024xf32, #tpu.memory_space<hbm>>
    tpu.wait_dma2 semaphore(%arg12 : memref<!tpu.dma_semaphore, #tpu.memory_space<semaphore_mem>>) src(%dma_wait3A_223 : memref<16x1024xf32, #tpu.memory_space<hbm>>) dst(%arg5 : memref<16x1024xf32, #tpu.memory_space<vmem>>)
    %scan3A_224 = arith.constant 0 : i32
    %scan3A_225 = arith.constant 0 : i32
    %scan3A_226 = arith.constant 16 : i32
    %scan3A_227 = arith.addi %scan3A_225, %scan3A_226 : i32
    %scan3A_228 = arith.constant 1 : i32
    scf.for %scan3A_416 = %scan3A_225 to %scan3A_227 step %scan3A_228  : i32 {
      %scan3A_417 = arith.constant 0 : i32
      %scan3A_418 = arith.constant 64 : i32
      %scan3A_419 = arith.addi %scan3A_417, %scan3A_418 : i32
      %scan3A_420 = arith.constant 16 : i32
      scf.for %scan3A_422 = %scan3A_417 to %scan3A_419 step %scan3A_420  : i32 {
        %mul3A_423 = arith.constant 16 : i32
        %mul3A_424 = arith.muli %scan3A_422, %mul3A_423 : i32
        %get3A = arith.index_cast %scan3A_416 : i32 to index
        %get3A_425 = arith.index_cast %mul3A_424 : i32 to index
        %get3A_426 = tpu.vector_load %arg5[%get3A, %get3A_425] {strides = array<i32>} : memref<16x1024xf32, #tpu.memory_space<vmem>>, vector<1x16xf32>,
        %get3A_427 = vector.shape_cast %get3A_426 : vector<1x16xf32> to vector<16xf32>
        %mul3A_428 = arith.constant 3.125000e-02 : f32
        %mul3A_429 = vector.broadcast %mul3A_428 : f32 to vector<16xf32>
        %mul3A_430 = arith.mulf %get3A_427, %mul3A_429 : vector<16xf32>
        %swap3A = arith.index_cast %scan3A_416 : i32 to index
        %swap3A_431 = arith.index_cast %mul3A_424 : i32 to index
        %swap3A_432 = tpu.vector_load %arg5[%swap3A, %swap3A_431] {strides = array<i32>} : memref<16x1024xf32, #tpu.memory_space<vmem>>, vector<1x16xf32>,
        %swap3A_433 = vector.shape_cast %swap3A_432 : vector<1x16xf32> to vector<16xf32>
        %swap3A_434 = vector.shape_cast %mul3A_430 : vector<16xf32> to vector<1x16xf32>
        tpu.vector_store %arg5[%swap3A, %swap3A_431], %swap3A_434 {strides = array<i32>} : memref<16x1024xf32, #tpu.memory_space<vmem>>, vector<1x16xf32>,
        %scan3A_435 = arith.constant 1 : i32
        %scan3A_436 = arith.addi %scan3A_422, %scan3A_435 : i32
        %mul3A_437 = arith.constant 16 : i32
        %mul3A_438 = arith.muli %scan3A_436, %mul3A_437 : i32
        %get3A_439 = arith.index_cast %scan3A_416 : i32 to index
        %get3A_440 = arith.index_cast %mul3A_438 : i32 to index
        %get3A_441 = tpu.vector_load %arg5[%get3A_439, %get3A_440] {strides = array<i32>} : memref<16x1024xf32, #tpu.memory_space<vmem>>, vector<1x16xf32>,
        %get3A_442 = vector.shape_cast %get3A_441 : vector<1x16xf32> to vector<16xf32>
        %mul3A_443 = arith.constant 3.125000e-02 : f32
        %mul3A_444 = vector.broadcast %mul3A_443 : f32 to vector<16xf32>
        %mul3A_445 = arith.mulf %get3A_442, %mul3A_444 : vector<16xf32>
        %swap3A_446 = arith.index_cast %scan3A_416 : i32 to index
        %swap3A_447 = arith.index_cast %mul3A_438 : i32 to index
        %swap3A_448 = tpu.vector_load %arg5[%swap3A_446, %swap3A_447] {strides = array<i32>} : memref<16x1024xf32, #tpu.memory_space<vmem>>, vector<1x16xf32>,
        %swap3A_449 = vector.shape_cast %swap3A_448 : vector<1x16xf32> to vector<16xf32>
        %swap3A_450 = vector.shape_cast %mul3A_445 : vector<16xf32> to vector<1x16xf32>
        tpu.vector_store %arg5[%swap3A_446, %swap3A_447], %swap3A_450 {strides = array<i32>} : memref<16x1024xf32, #tpu.memory_space<vmem>>, vector<1x16xf32>,
        %scan3A_451 = arith.constant 2 : i32
        %scan3A_452 = arith.addi %scan3A_422, %scan3A_451 : i32
        %mul3A_453 = arith.constant 16 : i32
        %mul3A_454 = arith.muli %scan3A_452, %mul3A_453 : i32
        %get3A_455 = arith.index_cast %scan3A_416 : i32 to index
        %get3A_456 = arith.index_cast %mul3A_454 : i32 to index
        %get3A_457 = tpu.vector_load %arg5[%get3A_455, %get3A_456] {strides = array<i32>} : memref<16x1024xf32, #tpu.memory_space<vmem>>, vector<1x16xf32>,
        %get3A_458 = vector.shape_cast %get3A_457 : vector<1x16xf32> to vector<16xf32>
        %mul3A_459 = arith.constant 3.125000e-02 : f32
        %mul3A_460 = vector.broadcast %mul3A_459 : f32 to vector<16xf32>
        %mul3A_461 = arith.mulf %get3A_458, %mul3A_460 : vector<16xf32>
        %swap3A_462 = arith.index_cast %scan3A_416 : i32 to index
        %swap3A_463 = arith.index_cast %mul3A_454 : i32 to index
        %swap3A_464 = tpu.vector_load %arg5[%swap3A_462, %swap3A_463] {strides = array<i32>} : memref<16x1024xf32, #tpu.memory_space<vmem>>, vector<1x16xf32>,
        %swap3A_465 = vector.shape_cast %swap3A_464 : vector<1x16xf32> to vector<16xf32>
        %swap3A_466 = vector.shape_cast %mul3A_461 : vector<16xf32> to vector<1x16xf32>
        tpu.vector_store %arg5[%swap3A_462, %swap3A_463], %swap3A_466 {strides = array<i32>} : memref<16x1024xf32, #tpu.memory_space<vmem>>, vector<1x16xf32>,
        %scan3A_467 = arith.constant 3 : i32
        %scan3A_468 = arith.addi %scan3A_422, %scan3A_467 : i32
        %mul3A_469 = arith.constant 16 : i32
        %mul3A_470 = arith.muli %scan3A_468, %mul3A_469 : i32
        %get3A_471 = arith.index_cast %scan3A_416 : i32 to index
        %get3A_472 = arith.index_cast %mul3A_470 : i32 to index
        %get3A_473 = tpu.vector_load %arg5[%get3A_471, %get3A_472] {strides = array<i32>} : memref<16x1024xf32, #tpu.memory_space<vmem>>, vector<1x16xf32>,
        %get3A_474 = vector.shape_cast %get3A_473 : vector<1x16xf32> to vector<16xf32>
        %mul3A_475 = arith.constant 3.125000e-02 : f32
        %mul3A_476 = vector.broadcast %mul3A_475 : f32 to vector<16xf32>
        %mul3A_477 = arith.mulf %get3A_474, %mul3A_476 : vector<16xf32>
        %swap3A_478 = arith.index_cast %scan3A_416 : i32 to index
        %swap3A_479 = arith.index_cast %mul3A_470 : i32 to index
        %swap3A_480 = tpu.vector_load %arg5[%swap3A_478, %swap3A_479] {strides = array<i32>} : memref<16x1024xf32, #tpu.memory_space<vmem>>, vector<1x16xf32>,
        %swap3A_481 = vector.shape_cast %swap3A_480 : vector<1x16xf32> to vector<16xf32>
        %swap3A_482 = vector.shape_cast %mul3A_477 : vector<16xf32> to vector<1x16xf32>
        tpu.vector_store %arg5[%swap3A_478, %swap3A_479], %swap3A_482 {strides = array<i32>} : memref<16x1024xf32, #tpu.memory_space<vmem>>, vector<1x16xf32>,
        %scan3A_483 = arith.constant 4 : i32
        %scan3A_484 = arith.addi %scan3A_422, %scan3A_483 : i32
        %mul3A_485 = arith.constant 16 : i32
        %mul3A_486 = arith.muli %scan3A_484, %mul3A_485 : i32
        %get3A_487 = arith.index_cast %scan3A_416 : i32 to index
        %get3A_488 = arith.index_cast %mul3A_486 : i32 to index
        %get3A_489 = tpu.vector_load %arg5[%get3A_487, %get3A_488] {strides = array<i32>} : memref<16x1024xf32, #tpu.memory_space<vmem>>, vector<1x16xf32>,
        %get3A_490 = vector.shape_cast %get3A_489 : vector<1x16xf32> to vector<16xf32>
        %mul3A_491 = arith.constant 3.125000e-02 : f32
        %mul3A_492 = vector.broadcast %mul3A_491 : f32 to vector<16xf32>
        %mul3A_493 = arith.mulf %get3A_490, %mul3A_492 : vector<16xf32>
        %swap3A_494 = arith.index_cast %scan3A_416 : i32 to index
        %swap3A_495 = arith.index_cast %mul3A_486 : i32 to index
        %swap3A_496 = tpu.vector_load %arg5[%swap3A_494, %swap3A_495] {strides = array<i32>} : memref<16x1024xf32, #tpu.memory_space<vmem>>, vector<1x16xf32>,
        %swap3A_497 = vector.shape_cast %swap3A_496 : vector<1x16xf32> to vector<16xf32>
        %swap3A_498 = vector.shape_cast %mul3A_493 : vector<16xf32> to vector<1x16xf32>
        tpu.vector_store %arg5[%swap3A_494, %swap3A_495], %swap3A_498 {strides = array<i32>} : memref<16x1024xf32, #tpu.memory_space<vmem>>, vector<1x16xf32>,
        %scan3A_499 = arith.constant 5 : i32
        %scan3A_500 = arith.addi %scan3A_422, %scan3A_499 : i32
        %mul3A_501 = arith.constant 16 : i32
        %mul3A_502 = arith.muli %scan3A_500, %mul3A_501 : i32
        %get3A_503 = arith.index_cast %scan3A_416 : i32 to index
        %get3A_504 = arith.index_cast %mul3A_502 : i32 to index
        %get3A_505 = tpu.vector_load %arg5[%get3A_503, %get3A_504] {strides = array<i32>} : memref<16x1024xf32, #tpu.memory_space<vmem>>, vector<1x16xf32>,
        %get3A_506 = vector.shape_cast %get3A_505 : vector<1x16xf32> to vector<16xf32>
        %mul3A_507 = arith.constant 3.125000e-02 : f32
        %mul3A_508 = vector.broadcast %mul3A_507 : f32 to vector<16xf32>
        %mul3A_509 = arith.mulf %get3A_506, %mul3A_508 : vector<16xf32>
        %swap3A_510 = arith.index_cast %scan3A_416 : i32 to index
        %swap3A_511 = arith.index_cast %mul3A_502 : i32 to index
        %swap3A_512 = tpu.vector_load %arg5[%swap3A_510, %swap3A_511] {strides = array<i32>} : memref<16x1024xf32, #tpu.memory_space<vmem>>, vector<1x16xf32>,
        %swap3A_513 = vector.shape_cast %swap3A_512 : vector<1x16xf32> to vector<16xf32>
        %swap3A_514 = vector.shape_cast %mul3A_509 : vector<16xf32> to vector<1x16xf32>
        tpu.vector_store %arg5[%swap3A_510, %swap3A_511], %swap3A_514 {strides = array<i32>} : memref<16x1024xf32, #tpu.memory_space<vmem>>, vector<1x16xf32>,
        %scan3A_515 = arith.constant 6 : i32
        %scan3A_516 = arith.addi %scan3A_422, %scan3A_515 : i32
        %mul3A_517 = arith.constant 16 : i32
        %mul3A_518 = arith.muli %scan3A_516, %mul3A_517 : i32
        %get3A_519 = arith.index_cast %scan3A_416 : i32 to index
        %get3A_520 = arith.index_cast %mul3A_518 : i32 to index
        %get3A_521 = tpu.vector_load %arg5[%get3A_519, %get3A_520] {strides = array<i32>} : memref<16x1024xf32, #tpu.memory_space<vmem>>, vector<1x16xf32>,
        %get3A_522 = vector.shape_cast %get3A_521 : vector<1x16xf32> to vector<16xf32>
        %mul3A_523 = arith.constant 3.125000e-02 : f32
        %mul3A_524 = vector.broadcast %mul3A_523 : f32 to vector<16xf32>
        %mul3A_525 = arith.mulf %get3A_522, %mul3A_524 : vector<16xf32>
        %swap3A_526 = arith.index_cast %scan3A_416 : i32 to index
        %swap3A_527 = arith.index_cast %mul3A_518 : i32 to index
        %swap3A_528 = tpu.vector_load %arg5[%swap3A_526, %swap3A_527] {strides = array<i32>} : memref<16x1024xf32, #tpu.memory_space<vmem>>, vector<1x16xf32>,
        %swap3A_529 = vector.shape_cast %swap3A_528 : vector<1x16xf32> to vector<16xf32>
        %swap3A_530 = vector.shape_cast %mul3A_525 : vector<16xf32> to vector<1x16xf32>
        tpu.vector_store %arg5[%swap3A_526, %swap3A_527], %swap3A_530 {strides = array<i32>} : memref<16x1024xf32, #tpu.memory_space<vmem>>, vector<1x16xf32>,
        %scan3A_531 = arith.constant 7 : i32
        %scan3A_532 = arith.addi %scan3A_422, %scan3A_531 : i32
        %mul3A_533 = arith.constant 16 : i32
        %mul3A_534 = arith.muli %scan3A_532, %mul3A_533 : i32
        %get3A_535 = arith.index_cast %scan3A_416 : i32 to index
        %get3A_536 = arith.index_cast %mul3A_534 : i32 to index
        %get3A_537 = tpu.vector_load %arg5[%get3A_535, %get3A_536] {strides = array<i32>} : memref<16x1024xf32, #tpu.memory_space<vmem>>, vector<1x16xf32>,
        %get3A_538 = vector.shape_cast %get3A_537 : vector<1x16xf32> to vector<16xf32>
        %mul3A_539 = arith.constant 3.125000e-02 : f32
        %mul3A_540 = vector.broadcast %mul3A_539 : f32 to vector<16xf32>
        %mul3A_541 = arith.mulf %get3A_538, %mul3A_540 : vector<16xf32>
        %swap3A_542 = arith.index_cast %scan3A_416 : i32 to index
        %swap3A_543 = arith.index_cast %mul3A_534 : i32 to index
        %swap3A_544 = tpu.vector_load %arg5[%swap3A_542, %swap3A_543] {strides = array<i32>} : memref<16x1024xf32, #tpu.memory_space<vmem>>, vector<1x16xf32>,
        %swap3A_545 = vector.shape_cast %swap3A_544 : vector<1x16xf32> to vector<16xf32>
        %swap3A_546 = vector.shape_cast %mul3A_541 : vector<16xf32> to vector<1x16xf32>
        tpu.vector_store %arg5[%swap3A_542, %swap3A_543], %swap3A_546 {strides = array<i32>} : memref<16x1024xf32, #tpu.memory_space<vmem>>, vector<1x16xf32>,
        %scan3A_547 = arith.constant 8 : i32
        %scan3A_548 = arith.addi %scan3A_422, %scan3A_547 : i32
        %mul3A_549 = arith.constant 16 : i32
        %mul3A_550 = arith.muli %scan3A_548, %mul3A_549 : i32
        %get3A_551 = arith.index_cast %scan3A_416 : i32 to index
        %get3A_552 = arith.index_cast %mul3A_550 : i32 to index
        %get3A_553 = tpu.vector_load %arg5[%get3A_551, %get3A_552] {strides = array<i32>} : memref<16x1024xf32, #tpu.memory_space<vmem>>, vector<1x16xf32>,
        %get3A_554 = vector.shape_cast %get3A_553 : vector<1x16xf32> to vector<16xf32>
        %mul3A_555 = arith.constant 3.125000e-02 : f32
        %mul3A_556 = vector.broadcast %mul3A_555 : f32 to vector<16xf32>
        %mul3A_557 = arith.mulf %get3A_554, %mul3A_556 : vector<16xf32>
        %swap3A_558 = arith.index_cast %scan3A_416 : i32 to index
        %swap3A_559 = arith.index_cast %mul3A_550 : i32 to index
        %swap3A_560 = tpu.vector_load %arg5[%swap3A_558, %swap3A_559] {strides = array<i32>} : memref<16x1024xf32, #tpu.memory_space<vmem>>, vector<1x16xf32>,
        %swap3A_561 = vector.shape_cast %swap3A_560 : vector<1x16xf32> to vector<16xf32>
        %swap3A_562 = vector.shape_cast %mul3A_557 : vector<16xf32> to vector<1x16xf32>
        tpu.vector_store %arg5[%swap3A_558, %swap3A_559], %swap3A_562 {strides = array<i32>} : memref<16x1024xf32, #tpu.memory_space<vmem>>, vector<1x16xf32>,
        %scan3A_563 = arith.constant 9 : i32
        %scan3A_564 = arith.addi %scan3A_422, %scan3A_563 : i32
        %mul3A_565 = arith.constant 16 : i32
        %mul3A_566 = arith.muli %scan3A_564, %mul3A_565 : i32
        %get3A_567 = arith.index_cast %scan3A_416 : i32 to index
        %get3A_568 = arith.index_cast %mul3A_566 : i32 to index
        %get3A_569 = tpu.vector_load %arg5[%get3A_567, %get3A_568] {strides = array<i32>} : memref<16x1024xf32, #tpu.memory_space<vmem>>, vector<1x16xf32>,
        %get3A_570 = vector.shape_cast %get3A_569 : vector<1x16xf32> to vector<16xf32>
        %mul3A_571 = arith.constant 3.125000e-02 : f32
        %mul3A_572 = vector.broadcast %mul3A_571 : f32 to vector<16xf32>
        %mul3A_573 = arith.mulf %get3A_570, %mul3A_572 : vector<16xf32>
        %swap3A_574 = arith.index_cast %scan3A_416 : i32 to index
        %swap3A_575 = arith.index_cast %mul3A_566 : i32 to index
        %swap3A_576 = tpu.vector_load %arg5[%swap3A_574, %swap3A_575] {strides = array<i32>} : memref<16x1024xf32, #tpu.memory_space<vmem>>, vector<1x16xf32>,
        %swap3A_577 = vector.shape_cast %swap3A_576 : vector<1x16xf32> to vector<16xf32>
        %swap3A_578 = vector.shape_cast %mul3A_573 : vector<16xf32> to vector<1x16xf32>
        tpu.vector_store %arg5[%swap3A_574, %swap3A_575], %swap3A_578 {strides = array<i32>} : memref<16x1024xf32, #tpu.memory_space<vmem>>, vector<1x16xf32>,
        %scan3A_579 = arith.constant 10 : i32
        %scan3A_580 = arith.addi %scan3A_422, %scan3A_579 : i32
        %mul3A_581 = arith.constant 16 : i32
        %mul3A_582 = arith.muli %scan3A_580, %mul3A_581 : i32
        %get3A_583 = arith.index_cast %scan3A_416 : i32 to index
        %get3A_584 = arith.index_cast %mul3A_582 : i32 to index
        %get3A_585 = tpu.vector_load %arg5[%get3A_583, %get3A_584] {strides = array<i32>} : memref<16x1024xf32, #tpu.memory_space<vmem>>, vector<1x16xf32>,
        %get3A_586 = vector.shape_cast %get3A_585 : vector<1x16xf32> to vector<16xf32>
        %mul3A_587 = arith.constant 3.125000e-02 : f32
        %mul3A_588 = vector.broadcast %mul3A_587 : f32 to vector<16xf32>
        %mul3A_589 = arith.mulf %get3A_586, %mul3A_588 : vector<16xf32>
        %swap3A_590 = arith.index_cast %scan3A_416 : i32 to index
        %swap3A_591 = arith.index_cast %mul3A_582 : i32 to index
        %swap3A_592 = tpu.vector_load %arg5[%swap3A_590, %swap3A_591] {strides = array<i32>} : memref<16x1024xf32, #tpu.memory_space<vmem>>, vector<1x16xf32>,
        %swap3A_593 = vector.shape_cast %swap3A_592 : vector<1x16xf32> to vector<16xf32>
        %swap3A_594 = vector.shape_cast %mul3A_589 : vector<16xf32> to vector<1x16xf32>
        tpu.vector_store %arg5[%swap3A_590, %swap3A_591], %swap3A_594 {strides = array<i32>} : memref<16x1024xf32, #tpu.memory_space<vmem>>, vector<1x16xf32>,
        %scan3A_595 = arith.constant 11 : i32
        %scan3A_596 = arith.addi %scan3A_422, %scan3A_595 : i32
        %mul3A_597 = arith.constant 16 : i32
        %mul3A_598 = arith.muli %scan3A_596, %mul3A_597 : i32
        %get3A_599 = arith.index_cast %scan3A_416 : i32 to index
        %get3A_600 = arith.index_cast %mul3A_598 : i32 to index
        %get3A_601 = tpu.vector_load %arg5[%get3A_599, %get3A_600] {strides = array<i32>} : memref<16x1024xf32, #tpu.memory_space<vmem>>, vector<1x16xf32>,
        %get3A_602 = vector.shape_cast %get3A_601 : vector<1x16xf32> to vector<16xf32>
        %mul3A_603 = arith.constant 3.125000e-02 : f32
        %mul3A_604 = vector.broadcast %mul3A_603 : f32 to vector<16xf32>
        %mul3A_605 = arith.mulf %get3A_602, %mul3A_604 : vector<16xf32>
        %swap3A_606 = arith.index_cast %scan3A_416 : i32 to index
        %swap3A_607 = arith.index_cast %mul3A_598 : i32 to index
        %swap3A_608 = tpu.vector_load %arg5[%swap3A_606, %swap3A_607] {strides = array<i32>} : memref<16x1024xf32, #tpu.memory_space<vmem>>, vector<1x16xf32>,
        %swap3A_609 = vector.shape_cast %swap3A_608 : vector<1x16xf32> to vector<16xf32>
        %swap3A_610 = vector.shape_cast %mul3A_605 : vector<16xf32> to vector<1x16xf32>
        tpu.vector_store %arg5[%swap3A_606, %swap3A_607], %swap3A_610 {strides = array<i32>} : memref<16x1024xf32, #tpu.memory_space<vmem>>, vector<1x16xf32>,
        %scan3A_611 = arith.constant 12 : i32
        %scan3A_612 = arith.addi %scan3A_422, %scan3A_611 : i32
        %mul3A_613 = arith.constant 16 : i32
        %mul3A_614 = arith.muli %scan3A_612, %mul3A_613 : i32
        %get3A_615 = arith.index_cast %scan3A_416 : i32 to index
        %get3A_616 = arith.index_cast %mul3A_614 : i32 to index
        %get3A_617 = tpu.vector_load %arg5[%get3A_615, %get3A_616] {strides = array<i32>} : memref<16x1024xf32, #tpu.memory_space<vmem>>, vector<1x16xf32>,
        %get3A_618 = vector.shape_cast %get3A_617 : vector<1x16xf32> to vector<16xf32>
        %mul3A_619 = arith.constant 3.125000e-02 : f32
        %mul3A_620 = vector.broadcast %mul3A_619 : f32 to vector<16xf32>
        %mul3A_621 = arith.mulf %get3A_618, %mul3A_620 : vector<16xf32>
        %swap3A_622 = arith.index_cast %scan3A_416 : i32 to index
        %swap3A_623 = arith.index_cast %mul3A_614 : i32 to index
        %swap3A_624 = tpu.vector_load %arg5[%swap3A_622, %swap3A_623] {strides = array<i32>} : memref<16x1024xf32, #tpu.memory_space<vmem>>, vector<1x16xf32>,
        %swap3A_625 = vector.shape_cast %swap3A_624 : vector<1x16xf32> to vector<16xf32>
        %swap3A_626 = vector.shape_cast %mul3A_621 : vector<16xf32> to vector<1x16xf32>
        tpu.vector_store %arg5[%swap3A_622, %swap3A_623], %swap3A_626 {strides = array<i32>} : memref<16x1024xf32, #tpu.memory_space<vmem>>, vector<1x16xf32>,
        %scan3A_627 = arith.constant 13 : i32
        %scan3A_628 = arith.addi %scan3A_422, %scan3A_627 : i32
        %mul3A_629 = arith.constant 16 : i32
        %mul3A_630 = arith.muli %scan3A_628, %mul3A_629 : i32
        %get3A_631 = arith.index_cast %scan3A_416 : i32 to index
        %get3A_632 = arith.index_cast %mul3A_630 : i32 to index
        %get3A_633 = tpu.vector_load %arg5[%get3A_631, %get3A_632] {strides = array<i32>} : memref<16x1024xf32, #tpu.memory_space<vmem>>, vector<1x16xf32>,
        %get3A_634 = vector.shape_cast %get3A_633 : vector<1x16xf32> to vector<16xf32>
        %mul3A_635 = arith.constant 3.125000e-02 : f32
        %mul3A_636 = vector.broadcast %mul3A_635 : f32 to vector<16xf32>
        %mul3A_637 = arith.mulf %get3A_634, %mul3A_636 : vector<16xf32>
        %swap3A_638 = arith.index_cast %scan3A_416 : i32 to index
        %swap3A_639 = arith.index_cast %mul3A_630 : i32 to index
        %swap3A_640 = tpu.vector_load %arg5[%swap3A_638, %swap3A_639] {strides = array<i32>} : memref<16x1024xf32, #tpu.memory_space<vmem>>, vector<1x16xf32>,
        %swap3A_641 = vector.shape_cast %swap3A_640 : vector<1x16xf32> to vector<16xf32>
        %swap3A_642 = vector.shape_cast %mul3A_637 : vector<16xf32> to vector<1x16xf32>
        tpu.vector_store %arg5[%swap3A_638, %swap3A_639], %swap3A_642 {strides = array<i32>} : memref<16x1024xf32, #tpu.memory_space<vmem>>, vector<1x16xf32>,
        %scan3A_643 = arith.constant 14 : i32
        %scan3A_644 = arith.addi %scan3A_422, %scan3A_643 : i32
        %mul3A_645 = arith.constant 16 : i32
        %mul3A_646 = arith.muli %scan3A_644, %mul3A_645 : i32
        %get3A_647 = arith.index_cast %scan3A_416 : i32 to index
        %get3A_648 = arith.index_cast %mul3A_646 : i32 to index
        %get3A_649 = tpu.vector_load %arg5[%get3A_647, %get3A_648] {strides = array<i32>} : memref<16x1024xf32, #tpu.memory_space<vmem>>, vector<1x16xf32>,
        %get3A_650 = vector.shape_cast %get3A_649 : vector<1x16xf32> to vector<16xf32>
        %mul3A_651 = arith.constant 3.125000e-02 : f32
        %mul3A_652 = vector.broadcast %mul3A_651 : f32 to vector<16xf32>
        %mul3A_653 = arith.mulf %get3A_650, %mul3A_652 : vector<16xf32>
        %swap3A_654 = arith.index_cast %scan3A_416 : i32 to index
        %swap3A_655 = arith.index_cast %mul3A_646 : i32 to index
        %swap3A_656 = tpu.vector_load %arg5[%swap3A_654, %swap3A_655] {strides = array<i32>} : memref<16x1024xf32, #tpu.memory_space<vmem>>, vector<1x16xf32>,
        %swap3A_657 = vector.shape_cast %swap3A_656 : vector<1x16xf32> to vector<16xf32>
        %swap3A_658 = vector.shape_cast %mul3A_653 : vector<16xf32> to vector<1x16xf32>
        tpu.vector_store %arg5[%swap3A_654, %swap3A_655], %swap3A_658 {strides = array<i32>} : memref<16x1024xf32, #tpu.memory_space<vmem>>, vector<1x16xf32>,
        %scan3A_659 = arith.constant 15 : i32
        %scan3A_660 = arith.addi %scan3A_422, %scan3A_659 : i32
        %mul3A_661 = arith.constant 16 : i32
        %mul3A_662 = arith.muli %scan3A_660, %mul3A_661 : i32
        %get3A_663 = arith.index_cast %scan3A_416 : i32 to index
        %get3A_664 = arith.index_cast %mul3A_662 : i32 to index
        %get3A_665 = tpu.vector_load %arg5[%get3A_663, %get3A_664] {strides = array<i32>} : memref<16x1024xf32, #tpu.memory_space<vmem>>, vector<1x16xf32>,
        %get3A_666 = vector.shape_cast %get3A_665 : vector<1x16xf32> to vector<16xf32>
        %mul3A_667 = arith.constant 3.125000e-02 : f32
        %mul3A_668 = vector.broadcast %mul3A_667 : f32 to vector<16xf32>
        %mul3A_669 = arith.mulf %get3A_666, %mul3A_668 : vector<16xf32>
        %swap3A_670 = arith.index_cast %scan3A_416 : i32 to index
        %swap3A_671 = arith.index_cast %mul3A_662 : i32 to index
        %swap3A_672 = tpu.vector_load %arg5[%swap3A_670, %swap3A_671] {strides = array<i32>} : memref<16x1024xf32, #tpu.memory_space<vmem>>, vector<1x16xf32>,
        %swap3A_673 = vector.shape_cast %swap3A_672 : vector<1x16xf32> to vector<16xf32>
        %swap3A_674 = vector.shape_cast %mul3A_669 : vector<16xf32> to vector<1x16xf32>
        tpu.vector_store %arg5[%swap3A_670, %swap3A_671], %swap3A_674 {strides = array<i32>} : memref<16x1024xf32, #tpu.memory_space<vmem>>, vector<1x16xf32>,
      }
      %scan3A_421 = arith.constant 64 : i32
    }
    %scan3A_229 = arith.constant 16 : i32
    %add3A_230 = arith.constant 128 : i32
    %add3A_231 = arith.addi %mul3A_2, %add3A_230 : i32
    %dma_start3A_232 = arith.constant 0 : i32
    %dma_start3A_233 = tpu.memref_slice %arg3[%add3A_231, %dma_start3A_232] : memref<8192x1024xf32, #tpu.memory_space<hbm>> -> memref<16x1024xf32, #tpu.memory_space<hbm>>
    %dma_start3A_234 = arith.constant 0 : i32
    %dma_start3A_235 = tpu.memref_slice %arg3[%add3A_231, %dma_start3A_234] : memref<8192x1024xf32, #tpu.memory_space<hbm>> -> memref<16x1024xf32, #tpu.memory_space<hbm>>
    tpu.enqueue_dma source(%arg5 : memref<16x1024xf32, #tpu.memory_space<vmem>>) target(%dma_start3A_235 : memref<16x1024xf32, #tpu.memory_space<hbm>>) target_semaphore(%arg19 : memref<!tpu.dma_semaphore, #tpu.memory_space<semaphore_mem>>)
    %dma_wait3A_236 = arith.constant 0 : i32
    %dma_wait3A_237 = tpu.memref_slice %arg3[%add3A_153, %dma_wait3A_236] : memref<8192x1024xf32, #tpu.memory_space<hbm>> -> memref<16x1024xf32, #tpu.memory_space<hbm>>
    %dma_wait3A_238 = arith.constant 0 : i32
    %dma_wait3A_239 = tpu.memref_slice %arg3[%add3A_153, %dma_wait3A_238] : memref<8192x1024xf32, #tpu.memory_space<hbm>> -> memref<16x1024xf32, #tpu.memory_space<hbm>>
    tpu.wait_dma2 semaphore(%arg23 : memref<!tpu.dma_semaphore, #tpu.memory_space<semaphore_mem>>) src(%arg9 : memref<16x1024xf32, #tpu.memory_space<vmem>>) dst(%dma_wait3A_239 : memref<16x1024xf32, #tpu.memory_space<hbm>>)
    %add3A_240 = arith.constant 192 : i32
    %add3A_241 = arith.addi %mul3A_2, %add3A_240 : i32
    %dma_start3A_242 = arith.constant 0 : i32
    %dma_start3A_243 = tpu.memref_slice %arg2[%add3A_241, %dma_start3A_242] : memref<8192x1024xf32, #tpu.memory_space<hbm>> -> memref<16x1024xf32, #tpu.memory_space<hbm>>
    %dma_start3A_244 = arith.constant 0 : i32
    %dma_start3A_245 = tpu.memref_slice %arg2[%add3A_241, %dma_start3A_244] : memref<8192x1024xf32, #tpu.memory_space<hbm>> -> memref<16x1024xf32, #tpu.memory_space<hbm>>
    tpu.enqueue_dma source(%dma_start3A_245 : memref<16x1024xf32, #tpu.memory_space<hbm>>) target(%arg9 : memref<16x1024xf32, #tpu.memory_space<vmem>>) target_semaphore(%arg16 : memref<!tpu.dma_semaphore, #tpu.memory_space<semaphore_mem>>)
    %dma_wait3A_246 = arith.constant 0 : i32
    %dma_wait3A_247 = tpu.memref_slice %arg2[%add3A_163, %dma_wait3A_246] : memref<8192x1024xf32, #tpu.memory_space<hbm>> -> memref<16x1024xf32, #tpu.memory_space<hbm>>
    %dma_wait3A_248 = arith.constant 0 : i32
    %dma_wait3A_249 = tpu.memref_slice %arg2[%add3A_163, %dma_wait3A_248] : memref<8192x1024xf32, #tpu.memory_space<hbm>> -> memref<16x1024xf32, #tpu.memory_space<hbm>>
    tpu.wait_dma2 semaphore(%arg13 : memref<!tpu.dma_semaphore, #tpu.memory_space<semaphore_mem>>) src(%dma_wait3A_249 : memref<16x1024xf32, #tpu.memory_space<hbm>>) dst(%arg6 : memref<16x1024xf32, #tpu.memory_space<vmem>>)
    %scan3A_250 = arith.constant 0 : i32
    %scan3A_251 = arith.constant 0 : i32
    %scan3A_252 = arith.constant 16 : i32
    %scan3A_253 = arith.addi %scan3A_251, %scan3A_252 : i32
    %scan3A_254 = arith.constant 1 : i32
    scf.for %scan3A_416 = %scan3A_251 to %scan3A_253 step %scan3A_254  : i32 {
      %scan3A_417 = arith.constant 0 : i32
      %scan3A_418 = arith.constant 64 : i32
      %scan3A_419 = arith.addi %scan3A_417, %scan3A_418 : i32
      %scan3A_420 = arith.constant 16 : i32
      scf.for %scan3A_422 = %scan3A_417 to %scan3A_419 step %scan3A_420  : i32 {
        %mul3A_423 = arith.constant 16 : i32
        %mul3A_424 = arith.muli %scan3A_422, %mul3A_423 : i32
        %get3A = arith.index_cast %scan3A_416 : i32 to index
        %get3A_425 = arith.index_cast %mul3A_424 : i32 to index
        %get3A_426 = tpu.vector_load %arg6[%get3A, %get3A_425] {strides = array<i32>} : memref<16x1024xf32, #tpu.memory_space<vmem>>, vector<1x16xf32>,
        %get3A_427 = vector.shape_cast %get3A_426 : vector<1x16xf32> to vector<16xf32>
        %mul3A_428 = arith.constant 3.125000e-02 : f32
        %mul3A_429 = vector.broadcast %mul3A_428 : f32 to vector<16xf32>
        %mul3A_430 = arith.mulf %get3A_427, %mul3A_429 : vector<16xf32>
        %swap3A = arith.index_cast %scan3A_416 : i32 to index
        %swap3A_431 = arith.index_cast %mul3A_424 : i32 to index
        %swap3A_432 = tpu.vector_load %arg6[%swap3A, %swap3A_431] {strides = array<i32>} : memref<16x1024xf32, #tpu.memory_space<vmem>>, vector<1x16xf32>,
        %swap3A_433 = vector.shape_cast %swap3A_432 : vector<1x16xf32> to vector<16xf32>
        %swap3A_434 = vector.shape_cast %mul3A_430 : vector<16xf32> to vector<1x16xf32>
        tpu.vector_store %arg6[%swap3A, %swap3A_431], %swap3A_434 {strides = array<i32>} : memref<16x1024xf32, #tpu.memory_space<vmem>>, vector<1x16xf32>,
        %scan3A_435 = arith.constant 1 : i32
        %scan3A_436 = arith.addi %scan3A_422, %scan3A_435 : i32
        %mul3A_437 = arith.constant 16 : i32
        %mul3A_438 = arith.muli %scan3A_436, %mul3A_437 : i32
        %get3A_439 = arith.index_cast %scan3A_416 : i32 to index
        %get3A_440 = arith.index_cast %mul3A_438 : i32 to index
        %get3A_441 = tpu.vector_load %arg6[%get3A_439, %get3A_440] {strides = array<i32>} : memref<16x1024xf32, #tpu.memory_space<vmem>>, vector<1x16xf32>,
        %get3A_442 = vector.shape_cast %get3A_441 : vector<1x16xf32> to vector<16xf32>
        %mul3A_443 = arith.constant 3.125000e-02 : f32
        %mul3A_444 = vector.broadcast %mul3A_443 : f32 to vector<16xf32>
        %mul3A_445 = arith.mulf %get3A_442, %mul3A_444 : vector<16xf32>
        %swap3A_446 = arith.index_cast %scan3A_416 : i32 to index
        %swap3A_447 = arith.index_cast %mul3A_438 : i32 to index
        %swap3A_448 = tpu.vector_load %arg6[%swap3A_446, %swap3A_447] {strides = array<i32>} : memref<16x1024xf32, #tpu.memory_space<vmem>>, vector<1x16xf32>,
        %swap3A_449 = vector.shape_cast %swap3A_448 : vector<1x16xf32> to vector<16xf32>
        %swap3A_450 = vector.shape_cast %mul3A_445 : vector<16xf32> to vector<1x16xf32>
        tpu.vector_store %arg6[%swap3A_446, %swap3A_447], %swap3A_450 {strides = array<i32>} : memref<16x1024xf32, #tpu.memory_space<vmem>>, vector<1x16xf32>,
        %scan3A_451 = arith.constant 2 : i32
        %scan3A_452 = arith.addi %scan3A_422, %scan3A_451 : i32
        %mul3A_453 = arith.constant 16 : i32
        %mul3A_454 = arith.muli %scan3A_452, %mul3A_453 : i32
        %get3A_455 = arith.index_cast %scan3A_416 : i32 to index
        %get3A_456 = arith.index_cast %mul3A_454 : i32 to index
        %get3A_457 = tpu.vector_load %arg6[%get3A_455, %get3A_456] {strides = array<i32>} : memref<16x1024xf32, #tpu.memory_space<vmem>>, vector<1x16xf32>,
        %get3A_458 = vector.shape_cast %get3A_457 : vector<1x16xf32> to vector<16xf32>
        %mul3A_459 = arith.constant 3.125000e-02 : f32
        %mul3A_460 = vector.broadcast %mul3A_459 : f32 to vector<16xf32>
        %mul3A_461 = arith.mulf %get3A_458, %mul3A_460 : vector<16xf32>
        %swap3A_462 = arith.index_cast %scan3A_416 : i32 to index
        %swap3A_463 = arith.index_cast %mul3A_454 : i32 to index
        %swap3A_464 = tpu.vector_load %arg6[%swap3A_462, %swap3A_463] {strides = array<i32>} : memref<16x1024xf32, #tpu.memory_space<vmem>>, vector<1x16xf32>,
        %swap3A_465 = vector.shape_cast %swap3A_464 : vector<1x16xf32> to vector<16xf32>
        %swap3A_466 = vector.shape_cast %mul3A_461 : vector<16xf32> to vector<1x16xf32>
        tpu.vector_store %arg6[%swap3A_462, %swap3A_463], %swap3A_466 {strides = array<i32>} : memref<16x1024xf32, #tpu.memory_space<vmem>>, vector<1x16xf32>,
        %scan3A_467 = arith.constant 3 : i32
        %scan3A_468 = arith.addi %scan3A_422, %scan3A_467 : i32
        %mul3A_469 = arith.constant 16 : i32
        %mul3A_470 = arith.muli %scan3A_468, %mul3A_469 : i32
        %get3A_471 = arith.index_cast %scan3A_416 : i32 to index
        %get3A_472 = arith.index_cast %mul3A_470 : i32 to index
        %get3A_473 = tpu.vector_load %arg6[%get3A_471, %get3A_472] {strides = array<i32>} : memref<16x1024xf32, #tpu.memory_space<vmem>>, vector<1x16xf32>,
        %get3A_474 = vector.shape_cast %get3A_473 : vector<1x16xf32> to vector<16xf32>
        %mul3A_475 = arith.constant 3.125000e-02 : f32
        %mul3A_476 = vector.broadcast %mul3A_475 : f32 to vector<16xf32>
        %mul3A_477 = arith.mulf %get3A_474, %mul3A_476 : vector<16xf32>
        %swap3A_478 = arith.index_cast %scan3A_416 : i32 to index
        %swap3A_479 = arith.index_cast %mul3A_470 : i32 to index
        %swap3A_480 = tpu.vector_load %arg6[%swap3A_478, %swap3A_479] {strides = array<i32>} : memref<16x1024xf32, #tpu.memory_space<vmem>>, vector<1x16xf32>,
        %swap3A_481 = vector.shape_cast %swap3A_480 : vector<1x16xf32> to vector<16xf32>
        %swap3A_482 = vector.shape_cast %mul3A_477 : vector<16xf32> to vector<1x16xf32>
        tpu.vector_store %arg6[%swap3A_478, %swap3A_479], %swap3A_482 {strides = array<i32>} : memref<16x1024xf32, #tpu.memory_space<vmem>>, vector<1x16xf32>,
        %scan3A_483 = arith.constant 4 : i32
        %scan3A_484 = arith.addi %scan3A_422, %scan3A_483 : i32
        %mul3A_485 = arith.constant 16 : i32
        %mul3A_486 = arith.muli %scan3A_484, %mul3A_485 : i32
        %get3A_487 = arith.index_cast %scan3A_416 : i32 to index
        %get3A_488 = arith.index_cast %mul3A_486 : i32 to index
        %get3A_489 = tpu.vector_load %arg6[%get3A_487, %get3A_488] {strides = array<i32>} : memref<16x1024xf32, #tpu.memory_space<vmem>>, vector<1x16xf32>,
        %get3A_490 = vector.shape_cast %get3A_489 : vector<1x16xf32> to vector<16xf32>
        %mul3A_491 = arith.constant 3.125000e-02 : f32
        %mul3A_492 = vector.broadcast %mul3A_491 : f32 to vector<16xf32>
        %mul3A_493 = arith.mulf %get3A_490, %mul3A_492 : vector<16xf32>
        %swap3A_494 = arith.index_cast %scan3A_416 : i32 to index
        %swap3A_495 = arith.index_cast %mul3A_486 : i32 to index
        %swap3A_496 = tpu.vector_load %arg6[%swap3A_494, %swap3A_495] {strides = array<i32>} : memref<16x1024xf32, #tpu.memory_space<vmem>>, vector<1x16xf32>,
        %swap3A_497 = vector.shape_cast %swap3A_496 : vector<1x16xf32> to vector<16xf32>
        %swap3A_498 = vector.shape_cast %mul3A_493 : vector<16xf32> to vector<1x16xf32>
        tpu.vector_store %arg6[%swap3A_494, %swap3A_495], %swap3A_498 {strides = array<i32>} : memref<16x1024xf32, #tpu.memory_space<vmem>>, vector<1x16xf32>,
        %scan3A_499 = arith.constant 5 : i32
        %scan3A_500 = arith.addi %scan3A_422, %scan3A_499 : i32
        %mul3A_501 = arith.constant 16 : i32
        %mul3A_502 = arith.muli %scan3A_500, %mul3A_501 : i32
        %get3A_503 = arith.index_cast %scan3A_416 : i32 to index
        %get3A_504 = arith.index_cast %mul3A_502 : i32 to index
        %get3A_505 = tpu.vector_load %arg6[%get3A_503, %get3A_504] {strides = array<i32>} : memref<16x1024xf32, #tpu.memory_space<vmem>>, vector<1x16xf32>,
        %get3A_506 = vector.shape_cast %get3A_505 : vector<1x16xf32> to vector<16xf32>
        %mul3A_507 = arith.constant 3.125000e-02 : f32
        %mul3A_508 = vector.broadcast %mul3A_507 : f32 to vector<16xf32>
        %mul3A_509 = arith.mulf %get3A_506, %mul3A_508 : vector<16xf32>
        %swap3A_510 = arith.index_cast %scan3A_416 : i32 to index
        %swap3A_511 = arith.index_cast %mul3A_502 : i32 to index
        %swap3A_512 = tpu.vector_load %arg6[%swap3A_510, %swap3A_511] {strides = array<i32>} : memref<16x1024xf32, #tpu.memory_space<vmem>>, vector<1x16xf32>,
        %swap3A_513 = vector.shape_cast %swap3A_512 : vector<1x16xf32> to vector<16xf32>
        %swap3A_514 = vector.shape_cast %mul3A_509 : vector<16xf32> to vector<1x16xf32>
        tpu.vector_store %arg6[%swap3A_510, %swap3A_511], %swap3A_514 {strides = array<i32>} : memref<16x1024xf32, #tpu.memory_space<vmem>>, vector<1x16xf32>,
        %scan3A_515 = arith.constant 6 : i32
        %scan3A_516 = arith.addi %scan3A_422, %scan3A_515 : i32
        %mul3A_517 = arith.constant 16 : i32
        %mul3A_518 = arith.muli %scan3A_516, %mul3A_517 : i32
        %get3A_519 = arith.index_cast %scan3A_416 : i32 to index
        %get3A_520 = arith.index_cast %mul3A_518 : i32 to index
        %get3A_521 = tpu.vector_load %arg6[%get3A_519, %get3A_520] {strides = array<i32>} : memref<16x1024xf32, #tpu.memory_space<vmem>>, vector<1x16xf32>,
        %get3A_522 = vector.shape_cast %get3A_521 : vector<1x16xf32> to vector<16xf32>
        %mul3A_523 = arith.constant 3.125000e-02 : f32
        %mul3A_524 = vector.broadcast %mul3A_523 : f32 to vector<16xf32>
        %mul3A_525 = arith.mulf %get3A_522, %mul3A_524 : vector<16xf32>
        %swap3A_526 = arith.index_cast %scan3A_416 : i32 to index
        %swap3A_527 = arith.index_cast %mul3A_518 : i32 to index
        %swap3A_528 = tpu.vector_load %arg6[%swap3A_526, %swap3A_527] {strides = array<i32>} : memref<16x1024xf32, #tpu.memory_space<vmem>>, vector<1x16xf32>,
        %swap3A_529 = vector.shape_cast %swap3A_528 : vector<1x16xf32> to vector<16xf32>
        %swap3A_530 = vector.shape_cast %mul3A_525 : vector<16xf32> to vector<1x16xf32>
        tpu.vector_store %arg6[%swap3A_526, %swap3A_527], %swap3A_530 {strides = array<i32>} : memref<16x1024xf32, #tpu.memory_space<vmem>>, vector<1x16xf32>,
        %scan3A_531 = arith.constant 7 : i32
        %scan3A_532 = arith.addi %scan3A_422, %scan3A_531 : i32
        %mul3A_533 = arith.constant 16 : i32
        %mul3A_534 = arith.muli %scan3A_532, %mul3A_533 : i32
        %get3A_535 = arith.index_cast %scan3A_416 : i32 to index
        %get3A_536 = arith.index_cast %mul3A_534 : i32 to index
        %get3A_537 = tpu.vector_load %arg6[%get3A_535, %get3A_536] {strides = array<i32>} : memref<16x1024xf32, #tpu.memory_space<vmem>>, vector<1x16xf32>,
        %get3A_538 = vector.shape_cast %get3A_537 : vector<1x16xf32> to vector<16xf32>
        %mul3A_539 = arith.constant 3.125000e-02 : f32
        %mul3A_540 = vector.broadcast %mul3A_539 : f32 to vector<16xf32>
        %mul3A_541 = arith.mulf %get3A_538, %mul3A_540 : vector<16xf32>
        %swap3A_542 = arith.index_cast %scan3A_416 : i32 to index
        %swap3A_543 = arith.index_cast %mul3A_534 : i32 to index
        %swap3A_544 = tpu.vector_load %arg6[%swap3A_542, %swap3A_543] {strides = array<i32>} : memref<16x1024xf32, #tpu.memory_space<vmem>>, vector<1x16xf32>,
        %swap3A_545 = vector.shape_cast %swap3A_544 : vector<1x16xf32> to vector<16xf32>
        %swap3A_546 = vector.shape_cast %mul3A_541 : vector<16xf32> to vector<1x16xf32>
        tpu.vector_store %arg6[%swap3A_542, %swap3A_543], %swap3A_546 {strides = array<i32>} : memref<16x1024xf32, #tpu.memory_space<vmem>>, vector<1x16xf32>,
        %scan3A_547 = arith.constant 8 : i32
        %scan3A_548 = arith.addi %scan3A_422, %scan3A_547 : i32
        %mul3A_549 = arith.constant 16 : i32
        %mul3A_550 = arith.muli %scan3A_548, %mul3A_549 : i32
        %get3A_551 = arith.index_cast %scan3A_416 : i32 to index
        %get3A_552 = arith.index_cast %mul3A_550 : i32 to index
        %get3A_553 = tpu.vector_load %arg6[%get3A_551, %get3A_552] {strides = array<i32>} : memref<16x1024xf32, #tpu.memory_space<vmem>>, vector<1x16xf32>,
        %get3A_554 = vector.shape_cast %get3A_553 : vector<1x16xf32> to vector<16xf32>
        %mul3A_555 = arith.constant 3.125000e-02 : f32
        %mul3A_556 = vector.broadcast %mul3A_555 : f32 to vector<16xf32>
        %mul3A_557 = arith.mulf %get3A_554, %mul3A_556 : vector<16xf32>
        %swap3A_558 = arith.index_cast %scan3A_416 : i32 to index
        %swap3A_559 = arith.index_cast %mul3A_550 : i32 to index
        %swap3A_560 = tpu.vector_load %arg6[%swap3A_558, %swap3A_559] {strides = array<i32>} : memref<16x1024xf32, #tpu.memory_space<vmem>>, vector<1x16xf32>,
        %swap3A_561 = vector.shape_cast %swap3A_560 : vector<1x16xf32> to vector<16xf32>
        %swap3A_562 = vector.shape_cast %mul3A_557 : vector<16xf32> to vector<1x16xf32>
        tpu.vector_store %arg6[%swap3A_558, %swap3A_559], %swap3A_562 {strides = array<i32>} : memref<16x1024xf32, #tpu.memory_space<vmem>>, vector<1x16xf32>,
        %scan3A_563 = arith.constant 9 : i32
        %scan3A_564 = arith.addi %scan3A_422, %scan3A_563 : i32
        %mul3A_565 = arith.constant 16 : i32
        %mul3A_566 = arith.muli %scan3A_564, %mul3A_565 : i32
        %get3A_567 = arith.index_cast %scan3A_416 : i32 to index
        %get3A_568 = arith.index_cast %mul3A_566 : i32 to index
        %get3A_569 = tpu.vector_load %arg6[%get3A_567, %get3A_568] {strides = array<i32>} : memref<16x1024xf32, #tpu.memory_space<vmem>>, vector<1x16xf32>,
        %get3A_570 = vector.shape_cast %get3A_569 : vector<1x16xf32> to vector<16xf32>
        %mul3A_571 = arith.constant 3.125000e-02 : f32
        %mul3A_572 = vector.broadcast %mul3A_571 : f32 to vector<16xf32>
        %mul3A_573 = arith.mulf %get3A_570, %mul3A_572 : vector<16xf32>
        %swap3A_574 = arith.index_cast %scan3A_416 : i32 to index
        %swap3A_575 = arith.index_cast %mul3A_566 : i32 to index
        %swap3A_576 = tpu.vector_load %arg6[%swap3A_574, %swap3A_575] {strides = array<i32>} : memref<16x1024xf32, #tpu.memory_space<vmem>>, vector<1x16xf32>,
        %swap3A_577 = vector.shape_cast %swap3A_576 : vector<1x16xf32> to vector<16xf32>
        %swap3A_578 = vector.shape_cast %mul3A_573 : vector<16xf32> to vector<1x16xf32>
        tpu.vector_store %arg6[%swap3A_574, %swap3A_575], %swap3A_578 {strides = array<i32>} : memref<16x1024xf32, #tpu.memory_space<vmem>>, vector<1x16xf32>,
        %scan3A_579 = arith.constant 10 : i32
        %scan3A_580 = arith.addi %scan3A_422, %scan3A_579 : i32
        %mul3A_581 = arith.constant 16 : i32
        %mul3A_582 = arith.muli %scan3A_580, %mul3A_581 : i32
        %get3A_583 = arith.index_cast %scan3A_416 : i32 to index
        %get3A_584 = arith.index_cast %mul3A_582 : i32 to index
        %get3A_585 = tpu.vector_load %arg6[%get3A_583, %get3A_584] {strides = array<i32>} : memref<16x1024xf32, #tpu.memory_space<vmem>>, vector<1x16xf32>,
        %get3A_586 = vector.shape_cast %get3A_585 : vector<1x16xf32> to vector<16xf32>
        %mul3A_587 = arith.constant 3.125000e-02 : f32
        %mul3A_588 = vector.broadcast %mul3A_587 : f32 to vector<16xf32>
        %mul3A_589 = arith.mulf %get3A_586, %mul3A_588 : vector<16xf32>
        %swap3A_590 = arith.index_cast %scan3A_416 : i32 to index
        %swap3A_591 = arith.index_cast %mul3A_582 : i32 to index
        %swap3A_592 = tpu.vector_load %arg6[%swap3A_590, %swap3A_591] {strides = array<i32>} : memref<16x1024xf32, #tpu.memory_space<vmem>>, vector<1x16xf32>,
        %swap3A_593 = vector.shape_cast %swap3A_592 : vector<1x16xf32> to vector<16xf32>
        %swap3A_594 = vector.shape_cast %mul3A_589 : vector<16xf32> to vector<1x16xf32>
        tpu.vector_store %arg6[%swap3A_590, %swap3A_591], %swap3A_594 {strides = array<i32>} : memref<16x1024xf32, #tpu.memory_space<vmem>>, vector<1x16xf32>,
        %scan3A_595 = arith.constant 11 : i32
        %scan3A_596 = arith.addi %scan3A_422, %scan3A_595 : i32
        %mul3A_597 = arith.constant 16 : i32
        %mul3A_598 = arith.muli %scan3A_596, %mul3A_597 : i32
        %get3A_599 = arith.index_cast %scan3A_416 : i32 to index
        %get3A_600 = arith.index_cast %mul3A_598 : i32 to index
        %get3A_601 = tpu.vector_load %arg6[%get3A_599, %get3A_600] {strides = array<i32>} : memref<16x1024xf32, #tpu.memory_space<vmem>>, vector<1x16xf32>,
        %get3A_602 = vector.shape_cast %get3A_601 : vector<1x16xf32> to vector<16xf32>
        %mul3A_603 = arith.constant 3.125000e-02 : f32
        %mul3A_604 = vector.broadcast %mul3A_603 : f32 to vector<16xf32>
        %mul3A_605 = arith.mulf %get3A_602, %mul3A_604 : vector<16xf32>
        %swap3A_606 = arith.index_cast %scan3A_416 : i32 to index
        %swap3A_607 = arith.index_cast %mul3A_598 : i32 to index
        %swap3A_608 = tpu.vector_load %arg6[%swap3A_606, %swap3A_607] {strides = array<i32>} : memref<16x1024xf32, #tpu.memory_space<vmem>>, vector<1x16xf32>,
        %swap3A_609 = vector.shape_cast %swap3A_608 : vector<1x16xf32> to vector<16xf32>
        %swap3A_610 = vector.shape_cast %mul3A_605 : vector<16xf32> to vector<1x16xf32>
        tpu.vector_store %arg6[%swap3A_606, %swap3A_607], %swap3A_610 {strides = array<i32>} : memref<16x1024xf32, #tpu.memory_space<vmem>>, vector<1x16xf32>,
        %scan3A_611 = arith.constant 12 : i32
        %scan3A_612 = arith.addi %scan3A_422, %scan3A_611 : i32
        %mul3A_613 = arith.constant 16 : i32
        %mul3A_614 = arith.muli %scan3A_612, %mul3A_613 : i32
        %get3A_615 = arith.index_cast %scan3A_416 : i32 to index
        %get3A_616 = arith.index_cast %mul3A_614 : i32 to index
        %get3A_617 = tpu.vector_load %arg6[%get3A_615, %get3A_616] {strides = array<i32>} : memref<16x1024xf32, #tpu.memory_space<vmem>>, vector<1x16xf32>,
        %get3A_618 = vector.shape_cast %get3A_617 : vector<1x16xf32> to vector<16xf32>
        %mul3A_619 = arith.constant 3.125000e-02 : f32
        %mul3A_620 = vector.broadcast %mul3A_619 : f32 to vector<16xf32>
        %mul3A_621 = arith.mulf %get3A_618, %mul3A_620 : vector<16xf32>
        %swap3A_622 = arith.index_cast %scan3A_416 : i32 to index
        %swap3A_623 = arith.index_cast %mul3A_614 : i32 to index
        %swap3A_624 = tpu.vector_load %arg6[%swap3A_622, %swap3A_623] {strides = array<i32>} : memref<16x1024xf32, #tpu.memory_space<vmem>>, vector<1x16xf32>,
        %swap3A_625 = vector.shape_cast %swap3A_624 : vector<1x16xf32> to vector<16xf32>
        %swap3A_626 = vector.shape_cast %mul3A_621 : vector<16xf32> to vector<1x16xf32>
        tpu.vector_store %arg6[%swap3A_622, %swap3A_623], %swap3A_626 {strides = array<i32>} : memref<16x1024xf32, #tpu.memory_space<vmem>>, vector<1x16xf32>,
        %scan3A_627 = arith.constant 13 : i32
        %scan3A_628 = arith.addi %scan3A_422, %scan3A_627 : i32
        %mul3A_629 = arith.constant 16 : i32
        %mul3A_630 = arith.muli %scan3A_628, %mul3A_629 : i32
        %get3A_631 = arith.index_cast %scan3A_416 : i32 to index
        %get3A_632 = arith.index_cast %mul3A_630 : i32 to index
        %get3A_633 = tpu.vector_load %arg6[%get3A_631, %get3A_632] {strides = array<i32>} : memref<16x1024xf32, #tpu.memory_space<vmem>>, vector<1x16xf32>,
        %get3A_634 = vector.shape_cast %get3A_633 : vector<1x16xf32> to vector<16xf32>
        %mul3A_635 = arith.constant 3.125000e-02 : f32
        %mul3A_636 = vector.broadcast %mul3A_635 : f32 to vector<16xf32>
        %mul3A_637 = arith.mulf %get3A_634, %mul3A_636 : vector<16xf32>
        %swap3A_638 = arith.index_cast %scan3A_416 : i32 to index
        %swap3A_639 = arith.index_cast %mul3A_630 : i32 to index
        %swap3A_640 = tpu.vector_load %arg6[%swap3A_638, %swap3A_639] {strides = array<i32>} : memref<16x1024xf32, #tpu.memory_space<vmem>>, vector<1x16xf32>,
        %swap3A_641 = vector.shape_cast %swap3A_640 : vector<1x16xf32> to vector<16xf32>
        %swap3A_642 = vector.shape_cast %mul3A_637 : vector<16xf32> to vector<1x16xf32>
        tpu.vector_store %arg6[%swap3A_638, %swap3A_639], %swap3A_642 {strides = array<i32>} : memref<16x1024xf32, #tpu.memory_space<vmem>>, vector<1x16xf32>,
        %scan3A_643 = arith.constant 14 : i32
        %scan3A_644 = arith.addi %scan3A_422, %scan3A_643 : i32
        %mul3A_645 = arith.constant 16 : i32
        %mul3A_646 = arith.muli %scan3A_644, %mul3A_645 : i32
        %get3A_647 = arith.index_cast %scan3A_416 : i32 to index
        %get3A_648 = arith.index_cast %mul3A_646 : i32 to index
        %get3A_649 = tpu.vector_load %arg6[%get3A_647, %get3A_648] {strides = array<i32>} : memref<16x1024xf32, #tpu.memory_space<vmem>>, vector<1x16xf32>,
        %get3A_650 = vector.shape_cast %get3A_649 : vector<1x16xf32> to vector<16xf32>
        %mul3A_651 = arith.constant 3.125000e-02 : f32
        %mul3A_652 = vector.broadcast %mul3A_651 : f32 to vector<16xf32>
        %mul3A_653 = arith.mulf %get3A_650, %mul3A_652 : vector<16xf32>
        %swap3A_654 = arith.index_cast %scan3A_416 : i32 to index
        %swap3A_655 = arith.index_cast %mul3A_646 : i32 to index
        %swap3A_656 = tpu.vector_load %arg6[%swap3A_654, %swap3A_655] {strides = array<i32>} : memref<16x1024xf32, #tpu.memory_space<vmem>>, vector<1x16xf32>,
        %swap3A_657 = vector.shape_cast %swap3A_656 : vector<1x16xf32> to vector<16xf32>
        %swap3A_658 = vector.shape_cast %mul3A_653 : vector<16xf32> to vector<1x16xf32>
        tpu.vector_store %arg6[%swap3A_654, %swap3A_655], %swap3A_658 {strides = array<i32>} : memref<16x1024xf32, #tpu.memory_space<vmem>>, vector<1x16xf32>,
        %scan3A_659 = arith.constant 15 : i32
        %scan3A_660 = arith.addi %scan3A_422, %scan3A_659 : i32
        %mul3A_661 = arith.constant 16 : i32
        %mul3A_662 = arith.muli %scan3A_660, %mul3A_661 : i32
        %get3A_663 = arith.index_cast %scan3A_416 : i32 to index
        %get3A_664 = arith.index_cast %mul3A_662 : i32 to index
        %get3A_665 = tpu.vector_load %arg6[%get3A_663, %get3A_664] {strides = array<i32>} : memref<16x1024xf32, #tpu.memory_space<vmem>>, vector<1x16xf32>,
        %get3A_666 = vector.shape_cast %get3A_665 : vector<1x16xf32> to vector<16xf32>
        %mul3A_667 = arith.constant 3.125000e-02 : f32
        %mul3A_668 = vector.broadcast %mul3A_667 : f32 to vector<16xf32>
        %mul3A_669 = arith.mulf %get3A_666, %mul3A_668 : vector<16xf32>
        %swap3A_670 = arith.index_cast %scan3A_416 : i32 to index
        %swap3A_671 = arith.index_cast %mul3A_662 : i32 to index
        %swap3A_672 = tpu.vector_load %arg6[%swap3A_670, %swap3A_671] {strides = array<i32>} : memref<16x1024xf32, #tpu.memory_space<vmem>>, vector<1x16xf32>,
        %swap3A_673 = vector.shape_cast %swap3A_672 : vector<1x16xf32> to vector<16xf32>
        %swap3A_674 = vector.shape_cast %mul3A_669 : vector<16xf32> to vector<1x16xf32>
        tpu.vector_store %arg6[%swap3A_670, %swap3A_671], %swap3A_674 {strides = array<i32>} : memref<16x1024xf32, #tpu.memory_space<vmem>>, vector<1x16xf32>,
      }
      %scan3A_421 = arith.constant 64 : i32
    }
    %scan3A_255 = arith.constant 16 : i32
    %add3A_256 = arith.constant 144 : i32
    %add3A_257 = arith.addi %mul3A_2, %add3A_256 : i32
    %dma_start3A_258 = arith.constant 0 : i32
    %dma_start3A_259 = tpu.memref_slice %arg3[%add3A_257, %dma_start3A_258] : memref<8192x1024xf32, #tpu.memory_space<hbm>> -> memref<16x1024xf32, #tpu.memory_space<hbm>>
    %dma_start3A_260 = arith.constant 0 : i32
    %dma_start3A_261 = tpu.memref_slice %arg3[%add3A_257, %dma_start3A_260] : memref<8192x1024xf32, #tpu.memory_space<hbm>> -> memref<16x1024xf32, #tpu.memory_space<hbm>>
    tpu.enqueue_dma source(%arg6 : memref<16x1024xf32, #tpu.memory_space<vmem>>) target(%dma_start3A_261 : memref<16x1024xf32, #tpu.memory_space<hbm>>) target_semaphore(%arg20 : memref<!tpu.dma_semaphore, #tpu.memory_space<semaphore_mem>>)
    %dma_wait3A_262 = arith.constant 0 : i32
    %dma_wait3A_263 = tpu.memref_slice %arg3[%add3A_179, %dma_wait3A_262] : memref<8192x1024xf32, #tpu.memory_space<hbm>> -> memref<16x1024xf32, #tpu.memory_space<hbm>>
    %dma_wait3A_264 = arith.constant 0 : i32
    %dma_wait3A_265 = tpu.memref_slice %arg3[%add3A_179, %dma_wait3A_264] : memref<8192x1024xf32, #tpu.memory_space<hbm>> -> memref<16x1024xf32, #tpu.memory_space<hbm>>
    tpu.wait_dma2 semaphore(%arg24 : memref<!tpu.dma_semaphore, #tpu.memory_space<semaphore_mem>>) src(%arg10 : memref<16x1024xf32, #tpu.memory_space<vmem>>) dst(%dma_wait3A_265 : memref<16x1024xf32, #tpu.memory_space<hbm>>)
    %add3A_266 = arith.constant 208 : i32
    %add3A_267 = arith.addi %mul3A_2, %add3A_266 : i32
    %dma_start3A_268 = arith.constant 0 : i32
    %dma_start3A_269 = tpu.memref_slice %arg2[%add3A_267, %dma_start3A_268] : memref<8192x1024xf32, #tpu.memory_space<hbm>> -> memref<16x1024xf32, #tpu.memory_space<hbm>>
    %dma_start3A_270 = arith.constant 0 : i32
    %dma_start3A_271 = tpu.memref_slice %arg2[%add3A_267, %dma_start3A_270] : memref<8192x1024xf32, #tpu.memory_space<hbm>> -> memref<16x1024xf32, #tpu.memory_space<hbm>>
    tpu.enqueue_dma source(%dma_start3A_271 : memref<16x1024xf32, #tpu.memory_space<hbm>>) target(%arg10 : memref<16x1024xf32, #tpu.memory_space<vmem>>) target_semaphore(%arg17 : memref<!tpu.dma_semaphore, #tpu.memory_space<semaphore_mem>>)
    %dma_wait3A_272 = arith.constant 0 : i32
    %dma_wait3A_273 = tpu.memref_slice %arg2[%add3A_189, %dma_wait3A_272] : memref<8192x1024xf32, #tpu.memory_space<hbm>> -> memref<16x1024xf32, #tpu.memory_space<hbm>>
    %dma_wait3A_274 = arith.constant 0 : i32
    %dma_wait3A_275 = tpu.memref_slice %arg2[%add3A_189, %dma_wait3A_274] : memref<8192x1024xf32, #tpu.memory_space<hbm>> -> memref<16x1024xf32, #tpu.memory_space<hbm>>
    tpu.wait_dma2 semaphore(%arg14 : memref<!tpu.dma_semaphore, #tpu.memory_space<semaphore_mem>>) src(%dma_wait3A_275 : memref<16x1024xf32, #tpu.memory_space<hbm>>) dst(%arg7 : memref<16x1024xf32, #tpu.memory_space<vmem>>)
    %scan3A_276 = arith.constant 0 : i32
    %scan3A_277 = arith.constant 0 : i32
    %scan3A_278 = arith.constant 16 : i32
    %scan3A_279 = arith.addi %scan3A_277, %scan3A_278 : i32
    %scan3A_280 = arith.constant 1 : i32
    scf.for %scan3A_416 = %scan3A_277 to %scan3A_279 step %scan3A_280  : i32 {
      %scan3A_417 = arith.constant 0 : i32
      %scan3A_418 = arith.constant 64 : i32
      %scan3A_419 = arith.addi %scan3A_417, %scan3A_418 : i32
      %scan3A_420 = arith.constant 16 : i32
      scf.for %scan3A_422 = %scan3A_417 to %scan3A_419 step %scan3A_420  : i32 {
        %mul3A_423 = arith.constant 16 : i32
        %mul3A_424 = arith.muli %scan3A_422, %mul3A_423 : i32
        %get3A = arith.index_cast %scan3A_416 : i32 to index
        %get3A_425 = arith.index_cast %mul3A_424 : i32 to index
        %get3A_426 = tpu.vector_load %arg7[%get3A, %get3A_425] {strides = array<i32>} : memref<16x1024xf32, #tpu.memory_space<vmem>>, vector<1x16xf32>,
        %get3A_427 = vector.shape_cast %get3A_426 : vector<1x16xf32> to vector<16xf32>
        %mul3A_428 = arith.constant 3.125000e-02 : f32
        %mul3A_429 = vector.broadcast %mul3A_428 : f32 to vector<16xf32>
        %mul3A_430 = arith.mulf %get3A_427, %mul3A_429 : vector<16xf32>
        %swap3A = arith.index_cast %scan3A_416 : i32 to index
        %swap3A_431 = arith.index_cast %mul3A_424 : i32 to index
        %swap3A_432 = tpu.vector_load %arg7[%swap3A, %swap3A_431] {strides = array<i32>} : memref<16x1024xf32, #tpu.memory_space<vmem>>, vector<1x16xf32>,
        %swap3A_433 = vector.shape_cast %swap3A_432 : vector<1x16xf32> to vector<16xf32>
        %swap3A_434 = vector.shape_cast %mul3A_430 : vector<16xf32> to vector<1x16xf32>
        tpu.vector_store %arg7[%swap3A, %swap3A_431], %swap3A_434 {strides = array<i32>} : memref<16x1024xf32, #tpu.memory_space<vmem>>, vector<1x16xf32>,
        %scan3A_435 = arith.constant 1 : i32
        %scan3A_436 = arith.addi %scan3A_422, %scan3A_435 : i32
        %mul3A_437 = arith.constant 16 : i32
        %mul3A_438 = arith.muli %scan3A_436, %mul3A_437 : i32
        %get3A_439 = arith.index_cast %scan3A_416 : i32 to index
        %get3A_440 = arith.index_cast %mul3A_438 : i32 to index
        %get3A_441 = tpu.vector_load %arg7[%get3A_439, %get3A_440] {strides = array<i32>} : memref<16x1024xf32, #tpu.memory_space<vmem>>, vector<1x16xf32>,
        %get3A_442 = vector.shape_cast %get3A_441 : vector<1x16xf32> to vector<16xf32>
        %mul3A_443 = arith.constant 3.125000e-02 : f32
        %mul3A_444 = vector.broadcast %mul3A_443 : f32 to vector<16xf32>
        %mul3A_445 = arith.mulf %get3A_442, %mul3A_444 : vector<16xf32>
        %swap3A_446 = arith.index_cast %scan3A_416 : i32 to index
        %swap3A_447 = arith.index_cast %mul3A_438 : i32 to index
        %swap3A_448 = tpu.vector_load %arg7[%swap3A_446, %swap3A_447] {strides = array<i32>} : memref<16x1024xf32, #tpu.memory_space<vmem>>, vector<1x16xf32>,
        %swap3A_449 = vector.shape_cast %swap3A_448 : vector<1x16xf32> to vector<16xf32>
        %swap3A_450 = vector.shape_cast %mul3A_445 : vector<16xf32> to vector<1x16xf32>
        tpu.vector_store %arg7[%swap3A_446, %swap3A_447], %swap3A_450 {strides = array<i32>} : memref<16x1024xf32, #tpu.memory_space<vmem>>, vector<1x16xf32>,
        %scan3A_451 = arith.constant 2 : i32
        %scan3A_452 = arith.addi %scan3A_422, %scan3A_451 : i32
        %mul3A_453 = arith.constant 16 : i32
        %mul3A_454 = arith.muli %scan3A_452, %mul3A_453 : i32
        %get3A_455 = arith.index_cast %scan3A_416 : i32 to index
        %get3A_456 = arith.index_cast %mul3A_454 : i32 to index
        %get3A_457 = tpu.vector_load %arg7[%get3A_455, %get3A_456] {strides = array<i32>} : memref<16x1024xf32, #tpu.memory_space<vmem>>, vector<1x16xf32>,
        %get3A_458 = vector.shape_cast %get3A_457 : vector<1x16xf32> to vector<16xf32>
        %mul3A_459 = arith.constant 3.125000e-02 : f32
        %mul3A_460 = vector.broadcast %mul3A_459 : f32 to vector<16xf32>
        %mul3A_461 = arith.mulf %get3A_458, %mul3A_460 : vector<16xf32>
        %swap3A_462 = arith.index_cast %scan3A_416 : i32 to index
        %swap3A_463 = arith.index_cast %mul3A_454 : i32 to index
        %swap3A_464 = tpu.vector_load %arg7[%swap3A_462, %swap3A_463] {strides = array<i32>} : memref<16x1024xf32, #tpu.memory_space<vmem>>, vector<1x16xf32>,
        %swap3A_465 = vector.shape_cast %swap3A_464 : vector<1x16xf32> to vector<16xf32>
        %swap3A_466 = vector.shape_cast %mul3A_461 : vector<16xf32> to vector<1x16xf32>
        tpu.vector_store %arg7[%swap3A_462, %swap3A_463], %swap3A_466 {strides = array<i32>} : memref<16x1024xf32, #tpu.memory_space<vmem>>, vector<1x16xf32>,
        %scan3A_467 = arith.constant 3 : i32
        %scan3A_468 = arith.addi %scan3A_422, %scan3A_467 : i32
        %mul3A_469 = arith.constant 16 : i32
        %mul3A_470 = arith.muli %scan3A_468, %mul3A_469 : i32
        %get3A_471 = arith.index_cast %scan3A_416 : i32 to index
        %get3A_472 = arith.index_cast %mul3A_470 : i32 to index
        %get3A_473 = tpu.vector_load %arg7[%get3A_471, %get3A_472] {strides = array<i32>} : memref<16x1024xf32, #tpu.memory_space<vmem>>, vector<1x16xf32>,
        %get3A_474 = vector.shape_cast %get3A_473 : vector<1x16xf32> to vector<16xf32>
        %mul3A_475 = arith.constant 3.125000e-02 : f32
        %mul3A_476 = vector.broadcast %mul3A_475 : f32 to vector<16xf32>
        %mul3A_477 = arith.mulf %get3A_474, %mul3A_476 : vector<16xf32>
        %swap3A_478 = arith.index_cast %scan3A_416 : i32 to index
        %swap3A_479 = arith.index_cast %mul3A_470 : i32 to index
        %swap3A_480 = tpu.vector_load %arg7[%swap3A_478, %swap3A_479] {strides = array<i32>} : memref<16x1024xf32, #tpu.memory_space<vmem>>, vector<1x16xf32>,
        %swap3A_481 = vector.shape_cast %swap3A_480 : vector<1x16xf32> to vector<16xf32>
        %swap3A_482 = vector.shape_cast %mul3A_477 : vector<16xf32> to vector<1x16xf32>
        tpu.vector_store %arg7[%swap3A_478, %swap3A_479], %swap3A_482 {strides = array<i32>} : memref<16x1024xf32, #tpu.memory_space<vmem>>, vector<1x16xf32>,
        %scan3A_483 = arith.constant 4 : i32
        %scan3A_484 = arith.addi %scan3A_422, %scan3A_483 : i32
        %mul3A_485 = arith.constant 16 : i32
        %mul3A_486 = arith.muli %scan3A_484, %mul3A_485 : i32
        %get3A_487 = arith.index_cast %scan3A_416 : i32 to index
        %get3A_488 = arith.index_cast %mul3A_486 : i32 to index
        %get3A_489 = tpu.vector_load %arg7[%get3A_487, %get3A_488] {strides = array<i32>} : memref<16x1024xf32, #tpu.memory_space<vmem>>, vector<1x16xf32>,
        %get3A_490 = vector.shape_cast %get3A_489 : vector<1x16xf32> to vector<16xf32>
        %mul3A_491 = arith.constant 3.125000e-02 : f32
        %mul3A_492 = vector.broadcast %mul3A_491 : f32 to vector<16xf32>
        %mul3A_493 = arith.mulf %get3A_490, %mul3A_492 : vector<16xf32>
        %swap3A_494 = arith.index_cast %scan3A_416 : i32 to index
        %swap3A_495 = arith.index_cast %mul3A_486 : i32 to index
        %swap3A_496 = tpu.vector_load %arg7[%swap3A_494, %swap3A_495] {strides = array<i32>} : memref<16x1024xf32, #tpu.memory_space<vmem>>, vector<1x16xf32>,
        %swap3A_497 = vector.shape_cast %swap3A_496 : vector<1x16xf32> to vector<16xf32>
        %swap3A_498 = vector.shape_cast %mul3A_493 : vector<16xf32> to vector<1x16xf32>
        tpu.vector_store %arg7[%swap3A_494, %swap3A_495], %swap3A_498 {strides = array<i32>} : memref<16x1024xf32, #tpu.memory_space<vmem>>, vector<1x16xf32>,
        %scan3A_499 = arith.constant 5 : i32
        %scan3A_500 = arith.addi %scan3A_422, %scan3A_499 : i32
        %mul3A_501 = arith.constant 16 : i32
        %mul3A_502 = arith.muli %scan3A_500, %mul3A_501 : i32
        %get3A_503 = arith.index_cast %scan3A_416 : i32 to index
        %get3A_504 = arith.index_cast %mul3A_502 : i32 to index
        %get3A_505 = tpu.vector_load %arg7[%get3A_503, %get3A_504] {strides = array<i32>} : memref<16x1024xf32, #tpu.memory_space<vmem>>, vector<1x16xf32>,
        %get3A_506 = vector.shape_cast %get3A_505 : vector<1x16xf32> to vector<16xf32>
        %mul3A_507 = arith.constant 3.125000e-02 : f32
        %mul3A_508 = vector.broadcast %mul3A_507 : f32 to vector<16xf32>
        %mul3A_509 = arith.mulf %get3A_506, %mul3A_508 : vector<16xf32>
        %swap3A_510 = arith.index_cast %scan3A_416 : i32 to index
        %swap3A_511 = arith.index_cast %mul3A_502 : i32 to index
        %swap3A_512 = tpu.vector_load %arg7[%swap3A_510, %swap3A_511] {strides = array<i32>} : memref<16x1024xf32, #tpu.memory_space<vmem>>, vector<1x16xf32>,
        %swap3A_513 = vector.shape_cast %swap3A_512 : vector<1x16xf32> to vector<16xf32>
        %swap3A_514 = vector.shape_cast %mul3A_509 : vector<16xf32> to vector<1x16xf32>
        tpu.vector_store %arg7[%swap3A_510, %swap3A_511], %swap3A_514 {strides = array<i32>} : memref<16x1024xf32, #tpu.memory_space<vmem>>, vector<1x16xf32>,
        %scan3A_515 = arith.constant 6 : i32
        %scan3A_516 = arith.addi %scan3A_422, %scan3A_515 : i32
        %mul3A_517 = arith.constant 16 : i32
        %mul3A_518 = arith.muli %scan3A_516, %mul3A_517 : i32
        %get3A_519 = arith.index_cast %scan3A_416 : i32 to index
        %get3A_520 = arith.index_cast %mul3A_518 : i32 to index
        %get3A_521 = tpu.vector_load %arg7[%get3A_519, %get3A_520] {strides = array<i32>} : memref<16x1024xf32, #tpu.memory_space<vmem>>, vector<1x16xf32>,
        %get3A_522 = vector.shape_cast %get3A_521 : vector<1x16xf32> to vector<16xf32>
        %mul3A_523 = arith.constant 3.125000e-02 : f32
        %mul3A_524 = vector.broadcast %mul3A_523 : f32 to vector<16xf32>
        %mul3A_525 = arith.mulf %get3A_522, %mul3A_524 : vector<16xf32>
        %swap3A_526 = arith.index_cast %scan3A_416 : i32 to index
        %swap3A_527 = arith.index_cast %mul3A_518 : i32 to index
        %swap3A_528 = tpu.vector_load %arg7[%swap3A_526, %swap3A_527] {strides = array<i32>} : memref<16x1024xf32, #tpu.memory_space<vmem>>, vector<1x16xf32>,
        %swap3A_529 = vector.shape_cast %swap3A_528 : vector<1x16xf32> to vector<16xf32>
        %swap3A_530 = vector.shape_cast %mul3A_525 : vector<16xf32> to vector<1x16xf32>
        tpu.vector_store %arg7[%swap3A_526, %swap3A_527], %swap3A_530 {strides = array<i32>} : memref<16x1024xf32, #tpu.memory_space<vmem>>, vector<1x16xf32>,
        %scan3A_531 = arith.constant 7 : i32
        %scan3A_532 = arith.addi %scan3A_422, %scan3A_531 : i32
        %mul3A_533 = arith.constant 16 : i32
        %mul3A_534 = arith.muli %scan3A_532, %mul3A_533 : i32
        %get3A_535 = arith.index_cast %scan3A_416 : i32 to index
        %get3A_536 = arith.index_cast %mul3A_534 : i32 to index
        %get3A_537 = tpu.vector_load %arg7[%get3A_535, %get3A_536] {strides = array<i32>} : memref<16x1024xf32, #tpu.memory_space<vmem>>, vector<1x16xf32>,
        %get3A_538 = vector.shape_cast %get3A_537 : vector<1x16xf32> to vector<16xf32>
        %mul3A_539 = arith.constant 3.125000e-02 : f32
        %mul3A_540 = vector.broadcast %mul3A_539 : f32 to vector<16xf32>
        %mul3A_541 = arith.mulf %get3A_538, %mul3A_540 : vector<16xf32>
        %swap3A_542 = arith.index_cast %scan3A_416 : i32 to index
        %swap3A_543 = arith.index_cast %mul3A_534 : i32 to index
        %swap3A_544 = tpu.vector_load %arg7[%swap3A_542, %swap3A_543] {strides = array<i32>} : memref<16x1024xf32, #tpu.memory_space<vmem>>, vector<1x16xf32>,
        %swap3A_545 = vector.shape_cast %swap3A_544 : vector<1x16xf32> to vector<16xf32>
        %swap3A_546 = vector.shape_cast %mul3A_541 : vector<16xf32> to vector<1x16xf32>
        tpu.vector_store %arg7[%swap3A_542, %swap3A_543], %swap3A_546 {strides = array<i32>} : memref<16x1024xf32, #tpu.memory_space<vmem>>, vector<1x16xf32>,
        %scan3A_547 = arith.constant 8 : i32
        %scan3A_548 = arith.addi %scan3A_422, %scan3A_547 : i32
        %mul3A_549 = arith.constant 16 : i32
        %mul3A_550 = arith.muli %scan3A_548, %mul3A_549 : i32
        %get3A_551 = arith.index_cast %scan3A_416 : i32 to index
        %get3A_552 = arith.index_cast %mul3A_550 : i32 to index
        %get3A_553 = tpu.vector_load %arg7[%get3A_551, %get3A_552] {strides = array<i32>} : memref<16x1024xf32, #tpu.memory_space<vmem>>, vector<1x16xf32>,
        %get3A_554 = vector.shape_cast %get3A_553 : vector<1x16xf32> to vector<16xf32>
        %mul3A_555 = arith.constant 3.125000e-02 : f32
        %mul3A_556 = vector.broadcast %mul3A_555 : f32 to vector<16xf32>
        %mul3A_557 = arith.mulf %get3A_554, %mul3A_556 : vector<16xf32>
        %swap3A_558 = arith.index_cast %scan3A_416 : i32 to index
        %swap3A_559 = arith.index_cast %mul3A_550 : i32 to index
        %swap3A_560 = tpu.vector_load %arg7[%swap3A_558, %swap3A_559] {strides = array<i32>} : memref<16x1024xf32, #tpu.memory_space<vmem>>, vector<1x16xf32>,
        %swap3A_561 = vector.shape_cast %swap3A_560 : vector<1x16xf32> to vector<16xf32>
        %swap3A_562 = vector.shape_cast %mul3A_557 : vector<16xf32> to vector<1x16xf32>
        tpu.vector_store %arg7[%swap3A_558, %swap3A_559], %swap3A_562 {strides = array<i32>} : memref<16x1024xf32, #tpu.memory_space<vmem>>, vector<1x16xf32>,
        %scan3A_563 = arith.constant 9 : i32
        %scan3A_564 = arith.addi %scan3A_422, %scan3A_563 : i32
        %mul3A_565 = arith.constant 16 : i32
        %mul3A_566 = arith.muli %scan3A_564, %mul3A_565 : i32
        %get3A_567 = arith.index_cast %scan3A_416 : i32 to index
        %get3A_568 = arith.index_cast %mul3A_566 : i32 to index
        %get3A_569 = tpu.vector_load %arg7[%get3A_567, %get3A_568] {strides = array<i32>} : memref<16x1024xf32, #tpu.memory_space<vmem>>, vector<1x16xf32>,
        %get3A_570 = vector.shape_cast %get3A_569 : vector<1x16xf32> to vector<16xf32>
        %mul3A_571 = arith.constant 3.125000e-02 : f32
        %mul3A_572 = vector.broadcast %mul3A_571 : f32 to vector<16xf32>
        %mul3A_573 = arith.mulf %get3A_570, %mul3A_572 : vector<16xf32>
        %swap3A_574 = arith.index_cast %scan3A_416 : i32 to index
        %swap3A_575 = arith.index_cast %mul3A_566 : i32 to index
        %swap3A_576 = tpu.vector_load %arg7[%swap3A_574, %swap3A_575] {strides = array<i32>} : memref<16x1024xf32, #tpu.memory_space<vmem>>, vector<1x16xf32>,
        %swap3A_577 = vector.shape_cast %swap3A_576 : vector<1x16xf32> to vector<16xf32>
        %swap3A_578 = vector.shape_cast %mul3A_573 : vector<16xf32> to vector<1x16xf32>
        tpu.vector_store %arg7[%swap3A_574, %swap3A_575], %swap3A_578 {strides = array<i32>} : memref<16x1024xf32, #tpu.memory_space<vmem>>, vector<1x16xf32>,
        %scan3A_579 = arith.constant 10 : i32
        %scan3A_580 = arith.addi %scan3A_422, %scan3A_579 : i32
        %mul3A_581 = arith.constant 16 : i32
        %mul3A_582 = arith.muli %scan3A_580, %mul3A_581 : i32
        %get3A_583 = arith.index_cast %scan3A_416 : i32 to index
        %get3A_584 = arith.index_cast %mul3A_582 : i32 to index
        %get3A_585 = tpu.vector_load %arg7[%get3A_583, %get3A_584] {strides = array<i32>} : memref<16x1024xf32, #tpu.memory_space<vmem>>, vector<1x16xf32>,
        %get3A_586 = vector.shape_cast %get3A_585 : vector<1x16xf32> to vector<16xf32>
        %mul3A_587 = arith.constant 3.125000e-02 : f32
        %mul3A_588 = vector.broadcast %mul3A_587 : f32 to vector<16xf32>
        %mul3A_589 = arith.mulf %get3A_586, %mul3A_588 : vector<16xf32>
        %swap3A_590 = arith.index_cast %scan3A_416 : i32 to index
        %swap3A_591 = arith.index_cast %mul3A_582 : i32 to index
        %swap3A_592 = tpu.vector_load %arg7[%swap3A_590, %swap3A_591] {strides = array<i32>} : memref<16x1024xf32, #tpu.memory_space<vmem>>, vector<1x16xf32>,
        %swap3A_593 = vector.shape_cast %swap3A_592 : vector<1x16xf32> to vector<16xf32>
        %swap3A_594 = vector.shape_cast %mul3A_589 : vector<16xf32> to vector<1x16xf32>
        tpu.vector_store %arg7[%swap3A_590, %swap3A_591], %swap3A_594 {strides = array<i32>} : memref<16x1024xf32, #tpu.memory_space<vmem>>, vector<1x16xf32>,
        %scan3A_595 = arith.constant 11 : i32
        %scan3A_596 = arith.addi %scan3A_422, %scan3A_595 : i32
        %mul3A_597 = arith.constant 16 : i32
        %mul3A_598 = arith.muli %scan3A_596, %mul3A_597 : i32
        %get3A_599 = arith.index_cast %scan3A_416 : i32 to index
        %get3A_600 = arith.index_cast %mul3A_598 : i32 to index
        %get3A_601 = tpu.vector_load %arg7[%get3A_599, %get3A_600] {strides = array<i32>} : memref<16x1024xf32, #tpu.memory_space<vmem>>, vector<1x16xf32>,
        %get3A_602 = vector.shape_cast %get3A_601 : vector<1x16xf32> to vector<16xf32>
        %mul3A_603 = arith.constant 3.125000e-02 : f32
        %mul3A_604 = vector.broadcast %mul3A_603 : f32 to vector<16xf32>
        %mul3A_605 = arith.mulf %get3A_602, %mul3A_604 : vector<16xf32>
        %swap3A_606 = arith.index_cast %scan3A_416 : i32 to index
        %swap3A_607 = arith.index_cast %mul3A_598 : i32 to index
        %swap3A_608 = tpu.vector_load %arg7[%swap3A_606, %swap3A_607] {strides = array<i32>} : memref<16x1024xf32, #tpu.memory_space<vmem>>, vector<1x16xf32>,
        %swap3A_609 = vector.shape_cast %swap3A_608 : vector<1x16xf32> to vector<16xf32>
        %swap3A_610 = vector.shape_cast %mul3A_605 : vector<16xf32> to vector<1x16xf32>
        tpu.vector_store %arg7[%swap3A_606, %swap3A_607], %swap3A_610 {strides = array<i32>} : memref<16x1024xf32, #tpu.memory_space<vmem>>, vector<1x16xf32>,
        %scan3A_611 = arith.constant 12 : i32
        %scan3A_612 = arith.addi %scan3A_422, %scan3A_611 : i32
        %mul3A_613 = arith.constant 16 : i32
        %mul3A_614 = arith.muli %scan3A_612, %mul3A_613 : i32
        %get3A_615 = arith.index_cast %scan3A_416 : i32 to index
        %get3A_616 = arith.index_cast %mul3A_614 : i32 to index
        %get3A_617 = tpu.vector_load %arg7[%get3A_615, %get3A_616] {strides = array<i32>} : memref<16x1024xf32, #tpu.memory_space<vmem>>, vector<1x16xf32>,
        %get3A_618 = vector.shape_cast %get3A_617 : vector<1x16xf32> to vector<16xf32>
        %mul3A_619 = arith.constant 3.125000e-02 : f32
        %mul3A_620 = vector.broadcast %mul3A_619 : f32 to vector<16xf32>
        %mul3A_621 = arith.mulf %get3A_618, %mul3A_620 : vector<16xf32>
        %swap3A_622 = arith.index_cast %scan3A_416 : i32 to index
        %swap3A_623 = arith.index_cast %mul3A_614 : i32 to index
        %swap3A_624 = tpu.vector_load %arg7[%swap3A_622, %swap3A_623] {strides = array<i32>} : memref<16x1024xf32, #tpu.memory_space<vmem>>, vector<1x16xf32>,
        %swap3A_625 = vector.shape_cast %swap3A_624 : vector<1x16xf32> to vector<16xf32>
        %swap3A_626 = vector.shape_cast %mul3A_621 : vector<16xf32> to vector<1x16xf32>
        tpu.vector_store %arg7[%swap3A_622, %swap3A_623], %swap3A_626 {strides = array<i32>} : memref<16x1024xf32, #tpu.memory_space<vmem>>, vector<1x16xf32>,
        %scan3A_627 = arith.constant 13 : i32
        %scan3A_628 = arith.addi %scan3A_422, %scan3A_627 : i32
        %mul3A_629 = arith.constant 16 : i32
        %mul3A_630 = arith.muli %scan3A_628, %mul3A_629 : i32
        %get3A_631 = arith.index_cast %scan3A_416 : i32 to index
        %get3A_632 = arith.index_cast %mul3A_630 : i32 to index
        %get3A_633 = tpu.vector_load %arg7[%get3A_631, %get3A_632] {strides = array<i32>} : memref<16x1024xf32, #tpu.memory_space<vmem>>, vector<1x16xf32>,
        %get3A_634 = vector.shape_cast %get3A_633 : vector<1x16xf32> to vector<16xf32>
        %mul3A_635 = arith.constant 3.125000e-02 : f32
        %mul3A_636 = vector.broadcast %mul3A_635 : f32 to vector<16xf32>
        %mul3A_637 = arith.mulf %get3A_634, %mul3A_636 : vector<16xf32>
        %swap3A_638 = arith.index_cast %scan3A_416 : i32 to index
        %swap3A_639 = arith.index_cast %mul3A_630 : i32 to index
        %swap3A_640 = tpu.vector_load %arg7[%swap3A_638, %swap3A_639] {strides = array<i32>} : memref<16x1024xf32, #tpu.memory_space<vmem>>, vector<1x16xf32>,
        %swap3A_641 = vector.shape_cast %swap3A_640 : vector<1x16xf32> to vector<16xf32>
        %swap3A_642 = vector.shape_cast %mul3A_637 : vector<16xf32> to vector<1x16xf32>
        tpu.vector_store %arg7[%swap3A_638, %swap3A_639], %swap3A_642 {strides = array<i32>} : memref<16x1024xf32, #tpu.memory_space<vmem>>, vector<1x16xf32>,
        %scan3A_643 = arith.constant 14 : i32
        %scan3A_644 = arith.addi %scan3A_422, %scan3A_643 : i32
        %mul3A_645 = arith.constant 16 : i32
        %mul3A_646 = arith.muli %scan3A_644, %mul3A_645 : i32
        %get3A_647 = arith.index_cast %scan3A_416 : i32 to index
        %get3A_648 = arith.index_cast %mul3A_646 : i32 to index
        %get3A_649 = tpu.vector_load %arg7[%get3A_647, %get3A_648] {strides = array<i32>} : memref<16x1024xf32, #tpu.memory_space<vmem>>, vector<1x16xf32>,
        %get3A_650 = vector.shape_cast %get3A_649 : vector<1x16xf32> to vector<16xf32>
        %mul3A_651 = arith.constant 3.125000e-02 : f32
        %mul3A_652 = vector.broadcast %mul3A_651 : f32 to vector<16xf32>
        %mul3A_653 = arith.mulf %get3A_650, %mul3A_652 : vector<16xf32>
        %swap3A_654 = arith.index_cast %scan3A_416 : i32 to index
        %swap3A_655 = arith.index_cast %mul3A_646 : i32 to index
        %swap3A_656 = tpu.vector_load %arg7[%swap3A_654, %swap3A_655] {strides = array<i32>} : memref<16x1024xf32, #tpu.memory_space<vmem>>, vector<1x16xf32>,
        %swap3A_657 = vector.shape_cast %swap3A_656 : vector<1x16xf32> to vector<16xf32>
        %swap3A_658 = vector.shape_cast %mul3A_653 : vector<16xf32> to vector<1x16xf32>
        tpu.vector_store %arg7[%swap3A_654, %swap3A_655], %swap3A_658 {strides = array<i32>} : memref<16x1024xf32, #tpu.memory_space<vmem>>, vector<1x16xf32>,
        %scan3A_659 = arith.constant 15 : i32
        %scan3A_660 = arith.addi %scan3A_422, %scan3A_659 : i32
        %mul3A_661 = arith.constant 16 : i32
        %mul3A_662 = arith.muli %scan3A_660, %mul3A_661 : i32
        %get3A_663 = arith.index_cast %scan3A_416 : i32 to index
        %get3A_664 = arith.index_cast %mul3A_662 : i32 to index
        %get3A_665 = tpu.vector_load %arg7[%get3A_663, %get3A_664] {strides = array<i32>} : memref<16x1024xf32, #tpu.memory_space<vmem>>, vector<1x16xf32>,
        %get3A_666 = vector.shape_cast %get3A_665 : vector<1x16xf32> to vector<16xf32>
        %mul3A_667 = arith.constant 3.125000e-02 : f32
        %mul3A_668 = vector.broadcast %mul3A_667 : f32 to vector<16xf32>
        %mul3A_669 = arith.mulf %get3A_666, %mul3A_668 : vector<16xf32>
        %swap3A_670 = arith.index_cast %scan3A_416 : i32 to index
        %swap3A_671 = arith.index_cast %mul3A_662 : i32 to index
        %swap3A_672 = tpu.vector_load %arg7[%swap3A_670, %swap3A_671] {strides = array<i32>} : memref<16x1024xf32, #tpu.memory_space<vmem>>, vector<1x16xf32>,
        %swap3A_673 = vector.shape_cast %swap3A_672 : vector<1x16xf32> to vector<16xf32>
        %swap3A_674 = vector.shape_cast %mul3A_669 : vector<16xf32> to vector<1x16xf32>
        tpu.vector_store %arg7[%swap3A_670, %swap3A_671], %swap3A_674 {strides = array<i32>} : memref<16x1024xf32, #tpu.memory_space<vmem>>, vector<1x16xf32>,
      }
      %scan3A_421 = arith.constant 64 : i32
    }
    %scan3A_281 = arith.constant 16 : i32
    %add3A_282 = arith.constant 160 : i32
    %add3A_283 = arith.addi %mul3A_2, %add3A_282 : i32
    %dma_start3A_284 = arith.constant 0 : i32
    %dma_start3A_285 = tpu.memref_slice %arg3[%add3A_283, %dma_start3A_284] : memref<8192x1024xf32, #tpu.memory_space<hbm>> -> memref<16x1024xf32, #tpu.memory_space<hbm>>
    %dma_start3A_286 = arith.constant 0 : i32
    %dma_start3A_287 = tpu.memref_slice %arg3[%add3A_283, %dma_start3A_286] : memref<8192x1024xf32, #tpu.memory_space<hbm>> -> memref<16x1024xf32, #tpu.memory_space<hbm>>
    tpu.enqueue_dma source(%arg7 : memref<16x1024xf32, #tpu.memory_space<vmem>>) target(%dma_start3A_287 : memref<16x1024xf32, #tpu.memory_space<hbm>>) target_semaphore(%arg21 : memref<!tpu.dma_semaphore, #tpu.memory_space<semaphore_mem>>)
    %dma_wait3A_288 = arith.constant 0 : i32
    %dma_wait3A_289 = tpu.memref_slice %arg3[%add3A_205, %dma_wait3A_288] : memref<8192x1024xf32, #tpu.memory_space<hbm>> -> memref<16x1024xf32, #tpu.memory_space<hbm>>
    %dma_wait3A_290 = arith.constant 0 : i32
    %dma_wait3A_291 = tpu.memref_slice %arg3[%add3A_205, %dma_wait3A_290] : memref<8192x1024xf32, #tpu.memory_space<hbm>> -> memref<16x1024xf32, #tpu.memory_space<hbm>>
    tpu.wait_dma2 semaphore(%arg18 : memref<!tpu.dma_semaphore, #tpu.memory_space<semaphore_mem>>) src(%arg4 : memref<16x1024xf32, #tpu.memory_space<vmem>>) dst(%dma_wait3A_291 : memref<16x1024xf32, #tpu.memory_space<hbm>>)
    %add3A_292 = arith.constant 224 : i32
    %add3A_293 = arith.addi %mul3A_2, %add3A_292 : i32
    %dma_start3A_294 = arith.constant 0 : i32
    %dma_start3A_295 = tpu.memref_slice %arg2[%add3A_293, %dma_start3A_294] : memref<8192x1024xf32, #tpu.memory_space<hbm>> -> memref<16x1024xf32, #tpu.memory_space<hbm>>
    %dma_start3A_296 = arith.constant 0 : i32
    %dma_start3A_297 = tpu.memref_slice %arg2[%add3A_293, %dma_start3A_296] : memref<8192x1024xf32, #tpu.memory_space<hbm>> -> memref<16x1024xf32, #tpu.memory_space<hbm>>
    tpu.enqueue_dma source(%dma_start3A_297 : memref<16x1024xf32, #tpu.memory_space<hbm>>) target(%arg4 : memref<16x1024xf32, #tpu.memory_space<vmem>>) target_semaphore(%arg11 : memref<!tpu.dma_semaphore, #tpu.memory_space<semaphore_mem>>)
    %dma_wait3A_298 = arith.constant 0 : i32
    %dma_wait3A_299 = tpu.memref_slice %arg2[%add3A_215, %dma_wait3A_298] : memref<8192x1024xf32, #tpu.memory_space<hbm>> -> memref<16x1024xf32, #tpu.memory_space<hbm>>
    %dma_wait3A_300 = arith.constant 0 : i32
    %dma_wait3A_301 = tpu.memref_slice %arg2[%add3A_215, %dma_wait3A_300] : memref<8192x1024xf32, #tpu.memory_space<hbm>> -> memref<16x1024xf32, #tpu.memory_space<hbm>>
    tpu.wait_dma2 semaphore(%arg15 : memref<!tpu.dma_semaphore, #tpu.memory_space<semaphore_mem>>) src(%dma_wait3A_301 : memref<16x1024xf32, #tpu.memory_space<hbm>>) dst(%arg8 : memref<16x1024xf32, #tpu.memory_space<vmem>>)
    %scan3A_302 = arith.constant 0 : i32
    %scan3A_303 = arith.constant 0 : i32
    %scan3A_304 = arith.constant 16 : i32
    %scan3A_305 = arith.addi %scan3A_303, %scan3A_304 : i32
    %scan3A_306 = arith.constant 1 : i32
    scf.for %scan3A_416 = %scan3A_303 to %scan3A_305 step %scan3A_306  : i32 {
      %scan3A_417 = arith.constant 0 : i32
      %scan3A_418 = arith.constant 64 : i32
      %scan3A_419 = arith.addi %scan3A_417, %scan3A_418 : i32
      %scan3A_420 = arith.constant 16 : i32
      scf.for %scan3A_422 = %scan3A_417 to %scan3A_419 step %scan3A_420  : i32 {
        %mul3A_423 = arith.constant 16 : i32
        %mul3A_424 = arith.muli %scan3A_422, %mul3A_423 : i32
        %get3A = arith.index_cast %scan3A_416 : i32 to index
        %get3A_425 = arith.index_cast %mul3A_424 : i32 to index
        %get3A_426 = tpu.vector_load %arg8[%get3A, %get3A_425] {strides = array<i32>} : memref<16x1024xf32, #tpu.memory_space<vmem>>, vector<1x16xf32>,
        %get3A_427 = vector.shape_cast %get3A_426 : vector<1x16xf32> to vector<16xf32>
        %mul3A_428 = arith.constant 3.125000e-02 : f32
        %mul3A_429 = vector.broadcast %mul3A_428 : f32 to vector<16xf32>
        %mul3A_430 = arith.mulf %get3A_427, %mul3A_429 : vector<16xf32>
        %swap3A = arith.index_cast %scan3A_416 : i32 to index
        %swap3A_431 = arith.index_cast %mul3A_424 : i32 to index
        %swap3A_432 = tpu.vector_load %arg8[%swap3A, %swap3A_431] {strides = array<i32>} : memref<16x1024xf32, #tpu.memory_space<vmem>>, vector<1x16xf32>,
        %swap3A_433 = vector.shape_cast %swap3A_432 : vector<1x16xf32> to vector<16xf32>
        %swap3A_434 = vector.shape_cast %mul3A_430 : vector<16xf32> to vector<1x16xf32>
        tpu.vector_store %arg8[%swap3A, %swap3A_431], %swap3A_434 {strides = array<i32>} : memref<16x1024xf32, #tpu.memory_space<vmem>>, vector<1x16xf32>,
        %scan3A_435 = arith.constant 1 : i32
        %scan3A_436 = arith.addi %scan3A_422, %scan3A_435 : i32
        %mul3A_437 = arith.constant 16 : i32
        %mul3A_438 = arith.muli %scan3A_436, %mul3A_437 : i32
        %get3A_439 = arith.index_cast %scan3A_416 : i32 to index
        %get3A_440 = arith.index_cast %mul3A_438 : i32 to index
        %get3A_441 = tpu.vector_load %arg8[%get3A_439, %get3A_440] {strides = array<i32>} : memref<16x1024xf32, #tpu.memory_space<vmem>>, vector<1x16xf32>,
        %get3A_442 = vector.shape_cast %get3A_441 : vector<1x16xf32> to vector<16xf32>
        %mul3A_443 = arith.constant 3.125000e-02 : f32
        %mul3A_444 = vector.broadcast %mul3A_443 : f32 to vector<16xf32>
        %mul3A_445 = arith.mulf %get3A_442, %mul3A_444 : vector<16xf32>
        %swap3A_446 = arith.index_cast %scan3A_416 : i32 to index
        %swap3A_447 = arith.index_cast %mul3A_438 : i32 to index
        %swap3A_448 = tpu.vector_load %arg8[%swap3A_446, %swap3A_447] {strides = array<i32>} : memref<16x1024xf32, #tpu.memory_space<vmem>>, vector<1x16xf32>,
        %swap3A_449 = vector.shape_cast %swap3A_448 : vector<1x16xf32> to vector<16xf32>
        %swap3A_450 = vector.shape_cast %mul3A_445 : vector<16xf32> to vector<1x16xf32>
        tpu.vector_store %arg8[%swap3A_446, %swap3A_447], %swap3A_450 {strides = array<i32>} : memref<16x1024xf32, #tpu.memory_space<vmem>>, vector<1x16xf32>,
        %scan3A_451 = arith.constant 2 : i32
        %scan3A_452 = arith.addi %scan3A_422, %scan3A_451 : i32
        %mul3A_453 = arith.constant 16 : i32
        %mul3A_454 = arith.muli %scan3A_452, %mul3A_453 : i32
        %get3A_455 = arith.index_cast %scan3A_416 : i32 to index
        %get3A_456 = arith.index_cast %mul3A_454 : i32 to index
        %get3A_457 = tpu.vector_load %arg8[%get3A_455, %get3A_456] {strides = array<i32>} : memref<16x1024xf32, #tpu.memory_space<vmem>>, vector<1x16xf32>,
        %get3A_458 = vector.shape_cast %get3A_457 : vector<1x16xf32> to vector<16xf32>
        %mul3A_459 = arith.constant 3.125000e-02 : f32
        %mul3A_460 = vector.broadcast %mul3A_459 : f32 to vector<16xf32>
        %mul3A_461 = arith.mulf %get3A_458, %mul3A_460 : vector<16xf32>
        %swap3A_462 = arith.index_cast %scan3A_416 : i32 to index
        %swap3A_463 = arith.index_cast %mul3A_454 : i32 to index
        %swap3A_464 = tpu.vector_load %arg8[%swap3A_462, %swap3A_463] {strides = array<i32>} : memref<16x1024xf32, #tpu.memory_space<vmem>>, vector<1x16xf32>,
        %swap3A_465 = vector.shape_cast %swap3A_464 : vector<1x16xf32> to vector<16xf32>
        %swap3A_466 = vector.shape_cast %mul3A_461 : vector<16xf32> to vector<1x16xf32>
        tpu.vector_store %arg8[%swap3A_462, %swap3A_463], %swap3A_466 {strides = array<i32>} : memref<16x1024xf32, #tpu.memory_space<vmem>>, vector<1x16xf32>,
        %scan3A_467 = arith.constant 3 : i32
        %scan3A_468 = arith.addi %scan3A_422, %scan3A_467 : i32
        %mul3A_469 = arith.constant 16 : i32
        %mul3A_470 = arith.muli %scan3A_468, %mul3A_469 : i32
        %get3A_471 = arith.index_cast %scan3A_416 : i32 to index
        %get3A_472 = arith.index_cast %mul3A_470 : i32 to index
        %get3A_473 = tpu.vector_load %arg8[%get3A_471, %get3A_472] {strides = array<i32>} : memref<16x1024xf32, #tpu.memory_space<vmem>>, vector<1x16xf32>,
        %get3A_474 = vector.shape_cast %get3A_473 : vector<1x16xf32> to vector<16xf32>
        %mul3A_475 = arith.constant 3.125000e-02 : f32
        %mul3A_476 = vector.broadcast %mul3A_475 : f32 to vector<16xf32>
        %mul3A_477 = arith.mulf %get3A_474, %mul3A_476 : vector<16xf32>
        %swap3A_478 = arith.index_cast %scan3A_416 : i32 to index
        %swap3A_479 = arith.index_cast %mul3A_470 : i32 to index
        %swap3A_480 = tpu.vector_load %arg8[%swap3A_478, %swap3A_479] {strides = array<i32>} : memref<16x1024xf32, #tpu.memory_space<vmem>>, vector<1x16xf32>,
        %swap3A_481 = vector.shape_cast %swap3A_480 : vector<1x16xf32> to vector<16xf32>
        %swap3A_482 = vector.shape_cast %mul3A_477 : vector<16xf32> to vector<1x16xf32>
        tpu.vector_store %arg8[%swap3A_478, %swap3A_479], %swap3A_482 {strides = array<i32>} : memref<16x1024xf32, #tpu.memory_space<vmem>>, vector<1x16xf32>,
        %scan3A_483 = arith.constant 4 : i32
        %scan3A_484 = arith.addi %scan3A_422, %scan3A_483 : i32
        %mul3A_485 = arith.constant 16 : i32
        %mul3A_486 = arith.muli %scan3A_484, %mul3A_485 : i32
        %get3A_487 = arith.index_cast %scan3A_416 : i32 to index
        %get3A_488 = arith.index_cast %mul3A_486 : i32 to index
        %get3A_489 = tpu.vector_load %arg8[%get3A_487, %get3A_488] {strides = array<i32>} : memref<16x1024xf32, #tpu.memory_space<vmem>>, vector<1x16xf32>,
        %get3A_490 = vector.shape_cast %get3A_489 : vector<1x16xf32> to vector<16xf32>
        %mul3A_491 = arith.constant 3.125000e-02 : f32
        %mul3A_492 = vector.broadcast %mul3A_491 : f32 to vector<16xf32>
        %mul3A_493 = arith.mulf %get3A_490, %mul3A_492 : vector<16xf32>
        %swap3A_494 = arith.index_cast %scan3A_416 : i32 to index
        %swap3A_495 = arith.index_cast %mul3A_486 : i32 to index
        %swap3A_496 = tpu.vector_load %arg8[%swap3A_494, %swap3A_495] {strides = array<i32>} : memref<16x1024xf32, #tpu.memory_space<vmem>>, vector<1x16xf32>,
        %swap3A_497 = vector.shape_cast %swap3A_496 : vector<1x16xf32> to vector<16xf32>
        %swap3A_498 = vector.shape_cast %mul3A_493 : vector<16xf32> to vector<1x16xf32>
        tpu.vector_store %arg8[%swap3A_494, %swap3A_495], %swap3A_498 {strides = array<i32>} : memref<16x1024xf32, #tpu.memory_space<vmem>>, vector<1x16xf32>,
        %scan3A_499 = arith.constant 5 : i32
        %scan3A_500 = arith.addi %scan3A_422, %scan3A_499 : i32
        %mul3A_501 = arith.constant 16 : i32
        %mul3A_502 = arith.muli %scan3A_500, %mul3A_501 : i32
        %get3A_503 = arith.index_cast %scan3A_416 : i32 to index
        %get3A_504 = arith.index_cast %mul3A_502 : i32 to index
        %get3A_505 = tpu.vector_load %arg8[%get3A_503, %get3A_504] {strides = array<i32>} : memref<16x1024xf32, #tpu.memory_space<vmem>>, vector<1x16xf32>,
        %get3A_506 = vector.shape_cast %get3A_505 : vector<1x16xf32> to vector<16xf32>
        %mul3A_507 = arith.constant 3.125000e-02 : f32
        %mul3A_508 = vector.broadcast %mul3A_507 : f32 to vector<16xf32>
        %mul3A_509 = arith.mulf %get3A_506, %mul3A_508 : vector<16xf32>
        %swap3A_510 = arith.index_cast %scan3A_416 : i32 to index
        %swap3A_511 = arith.index_cast %mul3A_502 : i32 to index
        %swap3A_512 = tpu.vector_load %arg8[%swap3A_510, %swap3A_511] {strides = array<i32>} : memref<16x1024xf32, #tpu.memory_space<vmem>>, vector<1x16xf32>,
        %swap3A_513 = vector.shape_cast %swap3A_512 : vector<1x16xf32> to vector<16xf32>
        %swap3A_514 = vector.shape_cast %mul3A_509 : vector<16xf32> to vector<1x16xf32>
        tpu.vector_store %arg8[%swap3A_510, %swap3A_511], %swap3A_514 {strides = array<i32>} : memref<16x1024xf32, #tpu.memory_space<vmem>>, vector<1x16xf32>,
        %scan3A_515 = arith.constant 6 : i32
        %scan3A_516 = arith.addi %scan3A_422, %scan3A_515 : i32
        %mul3A_517 = arith.constant 16 : i32
        %mul3A_518 = arith.muli %scan3A_516, %mul3A_517 : i32
        %get3A_519 = arith.index_cast %scan3A_416 : i32 to index
        %get3A_520 = arith.index_cast %mul3A_518 : i32 to index
        %get3A_521 = tpu.vector_load %arg8[%get3A_519, %get3A_520] {strides = array<i32>} : memref<16x1024xf32, #tpu.memory_space<vmem>>, vector<1x16xf32>,
        %get3A_522 = vector.shape_cast %get3A_521 : vector<1x16xf32> to vector<16xf32>
        %mul3A_523 = arith.constant 3.125000e-02 : f32
        %mul3A_524 = vector.broadcast %mul3A_523 : f32 to vector<16xf32>
        %mul3A_525 = arith.mulf %get3A_522, %mul3A_524 : vector<16xf32>
        %swap3A_526 = arith.index_cast %scan3A_416 : i32 to index
        %swap3A_527 = arith.index_cast %mul3A_518 : i32 to index
        %swap3A_528 = tpu.vector_load %arg8[%swap3A_526, %swap3A_527] {strides = array<i32>} : memref<16x1024xf32, #tpu.memory_space<vmem>>, vector<1x16xf32>,
        %swap3A_529 = vector.shape_cast %swap3A_528 : vector<1x16xf32> to vector<16xf32>
        %swap3A_530 = vector.shape_cast %mul3A_525 : vector<16xf32> to vector<1x16xf32>
        tpu.vector_store %arg8[%swap3A_526, %swap3A_527], %swap3A_530 {strides = array<i32>} : memref<16x1024xf32, #tpu.memory_space<vmem>>, vector<1x16xf32>,
        %scan3A_531 = arith.constant 7 : i32
        %scan3A_532 = arith.addi %scan3A_422, %scan3A_531 : i32
        %mul3A_533 = arith.constant 16 : i32
        %mul3A_534 = arith.muli %scan3A_532, %mul3A_533 : i32
        %get3A_535 = arith.index_cast %scan3A_416 : i32 to index
        %get3A_536 = arith.index_cast %mul3A_534 : i32 to index
        %get3A_537 = tpu.vector_load %arg8[%get3A_535, %get3A_536] {strides = array<i32>} : memref<16x1024xf32, #tpu.memory_space<vmem>>, vector<1x16xf32>,
        %get3A_538 = vector.shape_cast %get3A_537 : vector<1x16xf32> to vector<16xf32>
        %mul3A_539 = arith.constant 3.125000e-02 : f32
        %mul3A_540 = vector.broadcast %mul3A_539 : f32 to vector<16xf32>
        %mul3A_541 = arith.mulf %get3A_538, %mul3A_540 : vector<16xf32>
        %swap3A_542 = arith.index_cast %scan3A_416 : i32 to index
        %swap3A_543 = arith.index_cast %mul3A_534 : i32 to index
        %swap3A_544 = tpu.vector_load %arg8[%swap3A_542, %swap3A_543] {strides = array<i32>} : memref<16x1024xf32, #tpu.memory_space<vmem>>, vector<1x16xf32>,
        %swap3A_545 = vector.shape_cast %swap3A_544 : vector<1x16xf32> to vector<16xf32>
        %swap3A_546 = vector.shape_cast %mul3A_541 : vector<16xf32> to vector<1x16xf32>
        tpu.vector_store %arg8[%swap3A_542, %swap3A_543], %swap3A_546 {strides = array<i32>} : memref<16x1024xf32, #tpu.memory_space<vmem>>, vector<1x16xf32>,
        %scan3A_547 = arith.constant 8 : i32
        %scan3A_548 = arith.addi %scan3A_422, %scan3A_547 : i32
        %mul3A_549 = arith.constant 16 : i32
        %mul3A_550 = arith.muli %scan3A_548, %mul3A_549 : i32
        %get3A_551 = arith.index_cast %scan3A_416 : i32 to index
        %get3A_552 = arith.index_cast %mul3A_550 : i32 to index
        %get3A_553 = tpu.vector_load %arg8[%get3A_551, %get3A_552] {strides = array<i32>} : memref<16x1024xf32, #tpu.memory_space<vmem>>, vector<1x16xf32>,
        %get3A_554 = vector.shape_cast %get3A_553 : vector<1x16xf32> to vector<16xf32>
        %mul3A_555 = arith.constant 3.125000e-02 : f32
        %mul3A_556 = vector.broadcast %mul3A_555 : f32 to vector<16xf32>
        %mul3A_557 = arith.mulf %get3A_554, %mul3A_556 : vector<16xf32>
        %swap3A_558 = arith.index_cast %scan3A_416 : i32 to index
        %swap3A_559 = arith.index_cast %mul3A_550 : i32 to index
        %swap3A_560 = tpu.vector_load %arg8[%swap3A_558, %swap3A_559] {strides = array<i32>} : memref<16x1024xf32, #tpu.memory_space<vmem>>, vector<1x16xf32>,
        %swap3A_561 = vector.shape_cast %swap3A_560 : vector<1x16xf32> to vector<16xf32>
        %swap3A_562 = vector.shape_cast %mul3A_557 : vector<16xf32> to vector<1x16xf32>
        tpu.vector_store %arg8[%swap3A_558, %swap3A_559], %swap3A_562 {strides = array<i32>} : memref<16x1024xf32, #tpu.memory_space<vmem>>, vector<1x16xf32>,
        %scan3A_563 = arith.constant 9 : i32
        %scan3A_564 = arith.addi %scan3A_422, %scan3A_563 : i32
        %mul3A_565 = arith.constant 16 : i32
        %mul3A_566 = arith.muli %scan3A_564, %mul3A_565 : i32
        %get3A_567 = arith.index_cast %scan3A_416 : i32 to index
        %get3A_568 = arith.index_cast %mul3A_566 : i32 to index
        %get3A_569 = tpu.vector_load %arg8[%get3A_567, %get3A_568] {strides = array<i32>} : memref<16x1024xf32, #tpu.memory_space<vmem>>, vector<1x16xf32>,
        %get3A_570 = vector.shape_cast %get3A_569 : vector<1x16xf32> to vector<16xf32>
        %mul3A_571 = arith.constant 3.125000e-02 : f32
        %mul3A_572 = vector.broadcast %mul3A_571 : f32 to vector<16xf32>
        %mul3A_573 = arith.mulf %get3A_570, %mul3A_572 : vector<16xf32>
        %swap3A_574 = arith.index_cast %scan3A_416 : i32 to index
        %swap3A_575 = arith.index_cast %mul3A_566 : i32 to index
        %swap3A_576 = tpu.vector_load %arg8[%swap3A_574, %swap3A_575] {strides = array<i32>} : memref<16x1024xf32, #tpu.memory_space<vmem>>, vector<1x16xf32>,
        %swap3A_577 = vector.shape_cast %swap3A_576 : vector<1x16xf32> to vector<16xf32>
        %swap3A_578 = vector.shape_cast %mul3A_573 : vector<16xf32> to vector<1x16xf32>
        tpu.vector_store %arg8[%swap3A_574, %swap3A_575], %swap3A_578 {strides = array<i32>} : memref<16x1024xf32, #tpu.memory_space<vmem>>, vector<1x16xf32>,
        %scan3A_579 = arith.constant 10 : i32
        %scan3A_580 = arith.addi %scan3A_422, %scan3A_579 : i32
        %mul3A_581 = arith.constant 16 : i32
        %mul3A_582 = arith.muli %scan3A_580, %mul3A_581 : i32
        %get3A_583 = arith.index_cast %scan3A_416 : i32 to index
        %get3A_584 = arith.index_cast %mul3A_582 : i32 to index
        %get3A_585 = tpu.vector_load %arg8[%get3A_583, %get3A_584] {strides = array<i32>} : memref<16x1024xf32, #tpu.memory_space<vmem>>, vector<1x16xf32>,
        %get3A_586 = vector.shape_cast %get3A_585 : vector<1x16xf32> to vector<16xf32>
        %mul3A_587 = arith.constant 3.125000e-02 : f32
        %mul3A_588 = vector.broadcast %mul3A_587 : f32 to vector<16xf32>
        %mul3A_589 = arith.mulf %get3A_586, %mul3A_588 : vector<16xf32>
        %swap3A_590 = arith.index_cast %scan3A_416 : i32 to index
        %swap3A_591 = arith.index_cast %mul3A_582 : i32 to index
        %swap3A_592 = tpu.vector_load %arg8[%swap3A_590, %swap3A_591] {strides = array<i32>} : memref<16x1024xf32, #tpu.memory_space<vmem>>, vector<1x16xf32>,
        %swap3A_593 = vector.shape_cast %swap3A_592 : vector<1x16xf32> to vector<16xf32>
        %swap3A_594 = vector.shape_cast %mul3A_589 : vector<16xf32> to vector<1x16xf32>
        tpu.vector_store %arg8[%swap3A_590, %swap3A_591], %swap3A_594 {strides = array<i32>} : memref<16x1024xf32, #tpu.memory_space<vmem>>, vector<1x16xf32>,
        %scan3A_595 = arith.constant 11 : i32
        %scan3A_596 = arith.addi %scan3A_422, %scan3A_595 : i32
        %mul3A_597 = arith.constant 16 : i32
        %mul3A_598 = arith.muli %scan3A_596, %mul3A_597 : i32
        %get3A_599 = arith.index_cast %scan3A_416 : i32 to index
        %get3A_600 = arith.index_cast %mul3A_598 : i32 to index
        %get3A_601 = tpu.vector_load %arg8[%get3A_599, %get3A_600] {strides = array<i32>} : memref<16x1024xf32, #tpu.memory_space<vmem>>, vector<1x16xf32>,
        %get3A_602 = vector.shape_cast %get3A_601 : vector<1x16xf32> to vector<16xf32>
        %mul3A_603 = arith.constant 3.125000e-02 : f32
        %mul3A_604 = vector.broadcast %mul3A_603 : f32 to vector<16xf32>
        %mul3A_605 = arith.mulf %get3A_602, %mul3A_604 : vector<16xf32>
        %swap3A_606 = arith.index_cast %scan3A_416 : i32 to index
        %swap3A_607 = arith.index_cast %mul3A_598 : i32 to index
        %swap3A_608 = tpu.vector_load %arg8[%swap3A_606, %swap3A_607] {strides = array<i32>} : memref<16x1024xf32, #tpu.memory_space<vmem>>, vector<1x16xf32>,
        %swap3A_609 = vector.shape_cast %swap3A_608 : vector<1x16xf32> to vector<16xf32>
        %swap3A_610 = vector.shape_cast %mul3A_605 : vector<16xf32> to vector<1x16xf32>
        tpu.vector_store %arg8[%swap3A_606, %swap3A_607], %swap3A_610 {strides = array<i32>} : memref<16x1024xf32, #tpu.memory_space<vmem>>, vector<1x16xf32>,
        %scan3A_611 = arith.constant 12 : i32
        %scan3A_612 = arith.addi %scan3A_422, %scan3A_611 : i32
        %mul3A_613 = arith.constant 16 : i32
        %mul3A_614 = arith.muli %scan3A_612, %mul3A_613 : i32
        %get3A_615 = arith.index_cast %scan3A_416 : i32 to index
        %get3A_616 = arith.index_cast %mul3A_614 : i32 to index
        %get3A_617 = tpu.vector_load %arg8[%get3A_615, %get3A_616] {strides = array<i32>} : memref<16x1024xf32, #tpu.memory_space<vmem>>, vector<1x16xf32>,
        %get3A_618 = vector.shape_cast %get3A_617 : vector<1x16xf32> to vector<16xf32>
        %mul3A_619 = arith.constant 3.125000e-02 : f32
        %mul3A_620 = vector.broadcast %mul3A_619 : f32 to vector<16xf32>
        %mul3A_621 = arith.mulf %get3A_618, %mul3A_620 : vector<16xf32>
        %swap3A_622 = arith.index_cast %scan3A_416 : i32 to index
        %swap3A_623 = arith.index_cast %mul3A_614 : i32 to index
        %swap3A_624 = tpu.vector_load %arg8[%swap3A_622, %swap3A_623] {strides = array<i32>} : memref<16x1024xf32, #tpu.memory_space<vmem>>, vector<1x16xf32>,
        %swap3A_625 = vector.shape_cast %swap3A_624 : vector<1x16xf32> to vector<16xf32>
        %swap3A_626 = vector.shape_cast %mul3A_621 : vector<16xf32> to vector<1x16xf32>
        tpu.vector_store %arg8[%swap3A_622, %swap3A_623], %swap3A_626 {strides = array<i32>} : memref<16x1024xf32, #tpu.memory_space<vmem>>, vector<1x16xf32>,
        %scan3A_627 = arith.constant 13 : i32
        %scan3A_628 = arith.addi %scan3A_422, %scan3A_627 : i32
        %mul3A_629 = arith.constant 16 : i32
        %mul3A_630 = arith.muli %scan3A_628, %mul3A_629 : i32
        %get3A_631 = arith.index_cast %scan3A_416 : i32 to index
        %get3A_632 = arith.index_cast %mul3A_630 : i32 to index
        %get3A_633 = tpu.vector_load %arg8[%get3A_631, %get3A_632] {strides = array<i32>} : memref<16x1024xf32, #tpu.memory_space<vmem>>, vector<1x16xf32>,
        %get3A_634 = vector.shape_cast %get3A_633 : vector<1x16xf32> to vector<16xf32>
        %mul3A_635 = arith.constant 3.125000e-02 : f32
        %mul3A_636 = vector.broadcast %mul3A_635 : f32 to vector<16xf32>
        %mul3A_637 = arith.mulf %get3A_634, %mul3A_636 : vector<16xf32>
        %swap3A_638 = arith.index_cast %scan3A_416 : i32 to index
        %swap3A_639 = arith.index_cast %mul3A_630 : i32 to index
        %swap3A_640 = tpu.vector_load %arg8[%swap3A_638, %swap3A_639] {strides = array<i32>} : memref<16x1024xf32, #tpu.memory_space<vmem>>, vector<1x16xf32>,
        %swap3A_641 = vector.shape_cast %swap3A_640 : vector<1x16xf32> to vector<16xf32>
        %swap3A_642 = vector.shape_cast %mul3A_637 : vector<16xf32> to vector<1x16xf32>
        tpu.vector_store %arg8[%swap3A_638, %swap3A_639], %swap3A_642 {strides = array<i32>} : memref<16x1024xf32, #tpu.memory_space<vmem>>, vector<1x16xf32>,
        %scan3A_643 = arith.constant 14 : i32
        %scan3A_644 = arith.addi %scan3A_422, %scan3A_643 : i32
        %mul3A_645 = arith.constant 16 : i32
        %mul3A_646 = arith.muli %scan3A_644, %mul3A_645 : i32
        %get3A_647 = arith.index_cast %scan3A_416 : i32 to index
        %get3A_648 = arith.index_cast %mul3A_646 : i32 to index
        %get3A_649 = tpu.vector_load %arg8[%get3A_647, %get3A_648] {strides = array<i32>} : memref<16x1024xf32, #tpu.memory_space<vmem>>, vector<1x16xf32>,
        %get3A_650 = vector.shape_cast %get3A_649 : vector<1x16xf32> to vector<16xf32>
        %mul3A_651 = arith.constant 3.125000e-02 : f32
        %mul3A_652 = vector.broadcast %mul3A_651 : f32 to vector<16xf32>
        %mul3A_653 = arith.mulf %get3A_650, %mul3A_652 : vector<16xf32>
        %swap3A_654 = arith.index_cast %scan3A_416 : i32 to index
        %swap3A_655 = arith.index_cast %mul3A_646 : i32 to index
        %swap3A_656 = tpu.vector_load %arg8[%swap3A_654, %swap3A_655] {strides = array<i32>} : memref<16x1024xf32, #tpu.memory_space<vmem>>, vector<1x16xf32>,
        %swap3A_657 = vector.shape_cast %swap3A_656 : vector<1x16xf32> to vector<16xf32>
        %swap3A_658 = vector.shape_cast %mul3A_653 : vector<16xf32> to vector<1x16xf32>
        tpu.vector_store %arg8[%swap3A_654, %swap3A_655], %swap3A_658 {strides = array<i32>} : memref<16x1024xf32, #tpu.memory_space<vmem>>, vector<1x16xf32>,
        %scan3A_659 = arith.constant 15 : i32
        %scan3A_660 = arith.addi %scan3A_422, %scan3A_659 : i32
        %mul3A_661 = arith.constant 16 : i32
        %mul3A_662 = arith.muli %scan3A_660, %mul3A_661 : i32
        %get3A_663 = arith.index_cast %scan3A_416 : i32 to index
        %get3A_664 = arith.index_cast %mul3A_662 : i32 to index
        %get3A_665 = tpu.vector_load %arg8[%get3A_663, %get3A_664] {strides = array<i32>} : memref<16x1024xf32, #tpu.memory_space<vmem>>, vector<1x16xf32>,
        %get3A_666 = vector.shape_cast %get3A_665 : vector<1x16xf32> to vector<16xf32>
        %mul3A_667 = arith.constant 3.125000e-02 : f32
        %mul3A_668 = vector.broadcast %mul3A_667 : f32 to vector<16xf32>
        %mul3A_669 = arith.mulf %get3A_666, %mul3A_668 : vector<16xf32>
        %swap3A_670 = arith.index_cast %scan3A_416 : i32 to index
        %swap3A_671 = arith.index_cast %mul3A_662 : i32 to index
        %swap3A_672 = tpu.vector_load %arg8[%swap3A_670, %swap3A_671] {strides = array<i32>} : memref<16x1024xf32, #tpu.memory_space<vmem>>, vector<1x16xf32>,
        %swap3A_673 = vector.shape_cast %swap3A_672 : vector<1x16xf32> to vector<16xf32>
        %swap3A_674 = vector.shape_cast %mul3A_669 : vector<16xf32> to vector<1x16xf32>
        tpu.vector_store %arg8[%swap3A_670, %swap3A_671], %swap3A_674 {strides = array<i32>} : memref<16x1024xf32, #tpu.memory_space<vmem>>, vector<1x16xf32>,
      }
      %scan3A_421 = arith.constant 64 : i32
    }
    %scan3A_307 = arith.constant 16 : i32
    %add3A_308 = arith.constant 176 : i32
    %add3A_309 = arith.addi %mul3A_2, %add3A_308 : i32
    %dma_start3A_310 = arith.constant 0 : i32
    %dma_start3A_311 = tpu.memref_slice %arg3[%add3A_309, %dma_start3A_310] : memref<8192x1024xf32, #tpu.memory_space<hbm>> -> memref<16x1024xf32, #tpu.memory_space<hbm>>
    %dma_start3A_312 = arith.constant 0 : i32
    %dma_start3A_313 = tpu.memref_slice %arg3[%add3A_309, %dma_start3A_312] : memref<8192x1024xf32, #tpu.memory_space<hbm>> -> memref<16x1024xf32, #tpu.memory_space<hbm>>
    tpu.enqueue_dma source(%arg8 : memref<16x1024xf32, #tpu.memory_space<vmem>>) target(%dma_start3A_313 : memref<16x1024xf32, #tpu.memory_space<hbm>>) target_semaphore(%arg22 : memref<!tpu.dma_semaphore, #tpu.memory_space<semaphore_mem>>)
    %dma_wait3A_314 = arith.constant 0 : i32
    %dma_wait3A_315 = tpu.memref_slice %arg3[%add3A_231, %dma_wait3A_314] : memref<8192x1024xf32, #tpu.memory_space<hbm>> -> memref<16x1024xf32, #tpu.memory_space<hbm>>
    %dma_wait3A_316 = arith.constant 0 : i32
    %dma_wait3A_317 = tpu.memref_slice %arg3[%add3A_231, %dma_wait3A_316] : memref<8192x1024xf32, #tpu.memory_space<hbm>> -> memref<16x1024xf32, #tpu.memory_space<hbm>>
    tpu.wait_dma2 semaphore(%arg19 : memref<!tpu.dma_semaphore, #tpu.memory_space<semaphore_mem>>) src(%arg5 : memref<16x1024xf32, #tpu.memory_space<vmem>>) dst(%dma_wait3A_317 : memref<16x1024xf32, #tpu.memory_space<hbm>>)
    %add3A_318 = arith.constant 240 : i32
    %add3A_319 = arith.addi %mul3A_2, %add3A_318 : i32
    %dma_start3A_320 = arith.constant 0 : i32
    %dma_start3A_321 = tpu.memref_slice %arg2[%add3A_319, %dma_start3A_320] : memref<8192x1024xf32, #tpu.memory_space<hbm>> -> memref<16x1024xf32, #tpu.memory_space<hbm>>
    %dma_start3A_322 = arith.constant 0 : i32
    %dma_start3A_323 = tpu.memref_slice %arg2[%add3A_319, %dma_start3A_322] : memref<8192x1024xf32, #tpu.memory_space<hbm>> -> memref<16x1024xf32, #tpu.memory_space<hbm>>
    tpu.enqueue_dma source(%dma_start3A_323 : memref<16x1024xf32, #tpu.memory_space<hbm>>) target(%arg5 : memref<16x1024xf32, #tpu.memory_space<vmem>>) target_semaphore(%arg12 : memref<!tpu.dma_semaphore, #tpu.memory_space<semaphore_mem>>)
    %dma_wait3A_324 = arith.constant 0 : i32
    %dma_wait3A_325 = tpu.memref_slice %arg2[%add3A_241, %dma_wait3A_324] : memref<8192x1024xf32, #tpu.memory_space<hbm>> -> memref<16x1024xf32, #tpu.memory_space<hbm>>
    %dma_wait3A_326 = arith.constant 0 : i32
    %dma_wait3A_327 = tpu.memref_slice %arg2[%add3A_241, %dma_wait3A_326] : memref<8192x1024xf32, #tpu.memory_space<hbm>> -> memref<16x1024xf32, #tpu.memory_space<hbm>>
    tpu.wait_dma2 semaphore(%arg16 : memref<!tpu.dma_semaphore, #tpu.memory_space<semaphore_mem>>) src(%dma_wait3A_327 : memref<16x1024xf32, #tpu.memory_space<hbm>>) dst(%arg9 : memref<16x1024xf32, #tpu.memory_space<vmem>>)
    %scan3A_328 = arith.constant 0 : i32
    %scan3A_329 = arith.constant 0 : i32
    %scan3A_330 = arith.constant 16 : i32
    %scan3A_331 = arith.addi %scan3A_329, %scan3A_330 : i32
    %scan3A_332 = arith.constant 1 : i32
    scf.for %scan3A_416 = %scan3A_329 to %scan3A_331 step %scan3A_332  : i32 {
      %scan3A_417 = arith.constant 0 : i32
      %scan3A_418 = arith.constant 64 : i32
      %scan3A_419 = arith.addi %scan3A_417, %scan3A_418 : i32
      %scan3A_420 = arith.constant 16 : i32
      scf.for %scan3A_422 = %scan3A_417 to %scan3A_419 step %scan3A_420  : i32 {
        %mul3A_423 = arith.constant 16 : i32
        %mul3A_424 = arith.muli %scan3A_422, %mul3A_423 : i32
        %get3A = arith.index_cast %scan3A_416 : i32 to index
        %get3A_425 = arith.index_cast %mul3A_424 : i32 to index
        %get3A_426 = tpu.vector_load %arg9[%get3A, %get3A_425] {strides = array<i32>} : memref<16x1024xf32, #tpu.memory_space<vmem>>, vector<1x16xf32>,
        %get3A_427 = vector.shape_cast %get3A_426 : vector<1x16xf32> to vector<16xf32>
        %mul3A_428 = arith.constant 3.125000e-02 : f32
        %mul3A_429 = vector.broadcast %mul3A_428 : f32 to vector<16xf32>
        %mul3A_430 = arith.mulf %get3A_427, %mul3A_429 : vector<16xf32>
        %swap3A = arith.index_cast %scan3A_416 : i32 to index
        %swap3A_431 = arith.index_cast %mul3A_424 : i32 to index
        %swap3A_432 = tpu.vector_load %arg9[%swap3A, %swap3A_431] {strides = array<i32>} : memref<16x1024xf32, #tpu.memory_space<vmem>>, vector<1x16xf32>,
        %swap3A_433 = vector.shape_cast %swap3A_432 : vector<1x16xf32> to vector<16xf32>
        %swap3A_434 = vector.shape_cast %mul3A_430 : vector<16xf32> to vector<1x16xf32>
        tpu.vector_store %arg9[%swap3A, %swap3A_431], %swap3A_434 {strides = array<i32>} : memref<16x1024xf32, #tpu.memory_space<vmem>>, vector<1x16xf32>,
        %scan3A_435 = arith.constant 1 : i32
        %scan3A_436 = arith.addi %scan3A_422, %scan3A_435 : i32
        %mul3A_437 = arith.constant 16 : i32
        %mul3A_438 = arith.muli %scan3A_436, %mul3A_437 : i32
        %get3A_439 = arith.index_cast %scan3A_416 : i32 to index
        %get3A_440 = arith.index_cast %mul3A_438 : i32 to index
        %get3A_441 = tpu.vector_load %arg9[%get3A_439, %get3A_440] {strides = array<i32>} : memref<16x1024xf32, #tpu.memory_space<vmem>>, vector<1x16xf32>,
        %get3A_442 = vector.shape_cast %get3A_441 : vector<1x16xf32> to vector<16xf32>
        %mul3A_443 = arith.constant 3.125000e-02 : f32
        %mul3A_444 = vector.broadcast %mul3A_443 : f32 to vector<16xf32>
        %mul3A_445 = arith.mulf %get3A_442, %mul3A_444 : vector<16xf32>
        %swap3A_446 = arith.index_cast %scan3A_416 : i32 to index
        %swap3A_447 = arith.index_cast %mul3A_438 : i32 to index
        %swap3A_448 = tpu.vector_load %arg9[%swap3A_446, %swap3A_447] {strides = array<i32>} : memref<16x1024xf32, #tpu.memory_space<vmem>>, vector<1x16xf32>,
        %swap3A_449 = vector.shape_cast %swap3A_448 : vector<1x16xf32> to vector<16xf32>
        %swap3A_450 = vector.shape_cast %mul3A_445 : vector<16xf32> to vector<1x16xf32>
        tpu.vector_store %arg9[%swap3A_446, %swap3A_447], %swap3A_450 {strides = array<i32>} : memref<16x1024xf32, #tpu.memory_space<vmem>>, vector<1x16xf32>,
        %scan3A_451 = arith.constant 2 : i32
        %scan3A_452 = arith.addi %scan3A_422, %scan3A_451 : i32
        %mul3A_453 = arith.constant 16 : i32
        %mul3A_454 = arith.muli %scan3A_452, %mul3A_453 : i32
        %get3A_455 = arith.index_cast %scan3A_416 : i32 to index
        %get3A_456 = arith.index_cast %mul3A_454 : i32 to index
        %get3A_457 = tpu.vector_load %arg9[%get3A_455, %get3A_456] {strides = array<i32>} : memref<16x1024xf32, #tpu.memory_space<vmem>>, vector<1x16xf32>,
        %get3A_458 = vector.shape_cast %get3A_457 : vector<1x16xf32> to vector<16xf32>
        %mul3A_459 = arith.constant 3.125000e-02 : f32
        %mul3A_460 = vector.broadcast %mul3A_459 : f32 to vector<16xf32>
        %mul3A_461 = arith.mulf %get3A_458, %mul3A_460 : vector<16xf32>
        %swap3A_462 = arith.index_cast %scan3A_416 : i32 to index
        %swap3A_463 = arith.index_cast %mul3A_454 : i32 to index
        %swap3A_464 = tpu.vector_load %arg9[%swap3A_462, %swap3A_463] {strides = array<i32>} : memref<16x1024xf32, #tpu.memory_space<vmem>>, vector<1x16xf32>,
        %swap3A_465 = vector.shape_cast %swap3A_464 : vector<1x16xf32> to vector<16xf32>
        %swap3A_466 = vector.shape_cast %mul3A_461 : vector<16xf32> to vector<1x16xf32>
        tpu.vector_store %arg9[%swap3A_462, %swap3A_463], %swap3A_466 {strides = array<i32>} : memref<16x1024xf32, #tpu.memory_space<vmem>>, vector<1x16xf32>,
        %scan3A_467 = arith.constant 3 : i32
        %scan3A_468 = arith.addi %scan3A_422, %scan3A_467 : i32
        %mul3A_469 = arith.constant 16 : i32
        %mul3A_470 = arith.muli %scan3A_468, %mul3A_469 : i32
        %get3A_471 = arith.index_cast %scan3A_416 : i32 to index
        %get3A_472 = arith.index_cast %mul3A_470 : i32 to index
        %get3A_473 = tpu.vector_load %arg9[%get3A_471, %get3A_472] {strides = array<i32>} : memref<16x1024xf32, #tpu.memory_space<vmem>>, vector<1x16xf32>,
        %get3A_474 = vector.shape_cast %get3A_473 : vector<1x16xf32> to vector<16xf32>
        %mul3A_475 = arith.constant 3.125000e-02 : f32
        %mul3A_476 = vector.broadcast %mul3A_475 : f32 to vector<16xf32>
        %mul3A_477 = arith.mulf %get3A_474, %mul3A_476 : vector<16xf32>
        %swap3A_478 = arith.index_cast %scan3A_416 : i32 to index
        %swap3A_479 = arith.index_cast %mul3A_470 : i32 to index
        %swap3A_480 = tpu.vector_load %arg9[%swap3A_478, %swap3A_479] {strides = array<i32>} : memref<16x1024xf32, #tpu.memory_space<vmem>>, vector<1x16xf32>,
        %swap3A_481 = vector.shape_cast %swap3A_480 : vector<1x16xf32> to vector<16xf32>
        %swap3A_482 = vector.shape_cast %mul3A_477 : vector<16xf32> to vector<1x16xf32>
        tpu.vector_store %arg9[%swap3A_478, %swap3A_479], %swap3A_482 {strides = array<i32>} : memref<16x1024xf32, #tpu.memory_space<vmem>>, vector<1x16xf32>,
        %scan3A_483 = arith.constant 4 : i32
        %scan3A_484 = arith.addi %scan3A_422, %scan3A_483 : i32
        %mul3A_485 = arith.constant 16 : i32
        %mul3A_486 = arith.muli %scan3A_484, %mul3A_485 : i32
        %get3A_487 = arith.index_cast %scan3A_416 : i32 to index
        %get3A_488 = arith.index_cast %mul3A_486 : i32 to index
        %get3A_489 = tpu.vector_load %arg9[%get3A_487, %get3A_488] {strides = array<i32>} : memref<16x1024xf32, #tpu.memory_space<vmem>>, vector<1x16xf32>,
        %get3A_490 = vector.shape_cast %get3A_489 : vector<1x16xf32> to vector<16xf32>
        %mul3A_491 = arith.constant 3.125000e-02 : f32
        %mul3A_492 = vector.broadcast %mul3A_491 : f32 to vector<16xf32>
        %mul3A_493 = arith.mulf %get3A_490, %mul3A_492 : vector<16xf32>
        %swap3A_494 = arith.index_cast %scan3A_416 : i32 to index
        %swap3A_495 = arith.index_cast %mul3A_486 : i32 to index
        %swap3A_496 = tpu.vector_load %arg9[%swap3A_494, %swap3A_495] {strides = array<i32>} : memref<16x1024xf32, #tpu.memory_space<vmem>>, vector<1x16xf32>,
        %swap3A_497 = vector.shape_cast %swap3A_496 : vector<1x16xf32> to vector<16xf32>
        %swap3A_498 = vector.shape_cast %mul3A_493 : vector<16xf32> to vector<1x16xf32>
        tpu.vector_store %arg9[%swap3A_494, %swap3A_495], %swap3A_498 {strides = array<i32>} : memref<16x1024xf32, #tpu.memory_space<vmem>>, vector<1x16xf32>,
        %scan3A_499 = arith.constant 5 : i32
        %scan3A_500 = arith.addi %scan3A_422, %scan3A_499 : i32
        %mul3A_501 = arith.constant 16 : i32
        %mul3A_502 = arith.muli %scan3A_500, %mul3A_501 : i32
        %get3A_503 = arith.index_cast %scan3A_416 : i32 to index
        %get3A_504 = arith.index_cast %mul3A_502 : i32 to index
        %get3A_505 = tpu.vector_load %arg9[%get3A_503, %get3A_504] {strides = array<i32>} : memref<16x1024xf32, #tpu.memory_space<vmem>>, vector<1x16xf32>,
        %get3A_506 = vector.shape_cast %get3A_505 : vector<1x16xf32> to vector<16xf32>
        %mul3A_507 = arith.constant 3.125000e-02 : f32
        %mul3A_508 = vector.broadcast %mul3A_507 : f32 to vector<16xf32>
        %mul3A_509 = arith.mulf %get3A_506, %mul3A_508 : vector<16xf32>
        %swap3A_510 = arith.index_cast %scan3A_416 : i32 to index
        %swap3A_511 = arith.index_cast %mul3A_502 : i32 to index
        %swap3A_512 = tpu.vector_load %arg9[%swap3A_510, %swap3A_511] {strides = array<i32>} : memref<16x1024xf32, #tpu.memory_space<vmem>>, vector<1x16xf32>,
        %swap3A_513 = vector.shape_cast %swap3A_512 : vector<1x16xf32> to vector<16xf32>
        %swap3A_514 = vector.shape_cast %mul3A_509 : vector<16xf32> to vector<1x16xf32>
        tpu.vector_store %arg9[%swap3A_510, %swap3A_511], %swap3A_514 {strides = array<i32>} : memref<16x1024xf32, #tpu.memory_space<vmem>>, vector<1x16xf32>,
        %scan3A_515 = arith.constant 6 : i32
        %scan3A_516 = arith.addi %scan3A_422, %scan3A_515 : i32
        %mul3A_517 = arith.constant 16 : i32
        %mul3A_518 = arith.muli %scan3A_516, %mul3A_517 : i32
        %get3A_519 = arith.index_cast %scan3A_416 : i32 to index
        %get3A_520 = arith.index_cast %mul3A_518 : i32 to index
        %get3A_521 = tpu.vector_load %arg9[%get3A_519, %get3A_520] {strides = array<i32>} : memref<16x1024xf32, #tpu.memory_space<vmem>>, vector<1x16xf32>,
        %get3A_522 = vector.shape_cast %get3A_521 : vector<1x16xf32> to vector<16xf32>
        %mul3A_523 = arith.constant 3.125000e-02 : f32
        %mul3A_524 = vector.broadcast %mul3A_523 : f32 to vector<16xf32>
        %mul3A_525 = arith.mulf %get3A_522, %mul3A_524 : vector<16xf32>
        %swap3A_526 = arith.index_cast %scan3A_416 : i32 to index
        %swap3A_527 = arith.index_cast %mul3A_518 : i32 to index
        %swap3A_528 = tpu.vector_load %arg9[%swap3A_526, %swap3A_527] {strides = array<i32>} : memref<16x1024xf32, #tpu.memory_space<vmem>>, vector<1x16xf32>,
        %swap3A_529 = vector.shape_cast %swap3A_528 : vector<1x16xf32> to vector<16xf32>
        %swap3A_530 = vector.shape_cast %mul3A_525 : vector<16xf32> to vector<1x16xf32>
        tpu.vector_store %arg9[%swap3A_526, %swap3A_527], %swap3A_530 {strides = array<i32>} : memref<16x1024xf32, #tpu.memory_space<vmem>>, vector<1x16xf32>,
        %scan3A_531 = arith.constant 7 : i32
        %scan3A_532 = arith.addi %scan3A_422, %scan3A_531 : i32
        %mul3A_533 = arith.constant 16 : i32
        %mul3A_534 = arith.muli %scan3A_532, %mul3A_533 : i32
        %get3A_535 = arith.index_cast %scan3A_416 : i32 to index
        %get3A_536 = arith.index_cast %mul3A_534 : i32 to index
        %get3A_537 = tpu.vector_load %arg9[%get3A_535, %get3A_536] {strides = array<i32>} : memref<16x1024xf32, #tpu.memory_space<vmem>>, vector<1x16xf32>,
        %get3A_538 = vector.shape_cast %get3A_537 : vector<1x16xf32> to vector<16xf32>
        %mul3A_539 = arith.constant 3.125000e-02 : f32
        %mul3A_540 = vector.broadcast %mul3A_539 : f32 to vector<16xf32>
        %mul3A_541 = arith.mulf %get3A_538, %mul3A_540 : vector<16xf32>
        %swap3A_542 = arith.index_cast %scan3A_416 : i32 to index
        %swap3A_543 = arith.index_cast %mul3A_534 : i32 to index
        %swap3A_544 = tpu.vector_load %arg9[%swap3A_542, %swap3A_543] {strides = array<i32>} : memref<16x1024xf32, #tpu.memory_space<vmem>>, vector<1x16xf32>,
        %swap3A_545 = vector.shape_cast %swap3A_544 : vector<1x16xf32> to vector<16xf32>
        %swap3A_546 = vector.shape_cast %mul3A_541 : vector<16xf32> to vector<1x16xf32>
        tpu.vector_store %arg9[%swap3A_542, %swap3A_543], %swap3A_546 {strides = array<i32>} : memref<16x1024xf32, #tpu.memory_space<vmem>>, vector<1x16xf32>,
        %scan3A_547 = arith.constant 8 : i32
        %scan3A_548 = arith.addi %scan3A_422, %scan3A_547 : i32
        %mul3A_549 = arith.constant 16 : i32
        %mul3A_550 = arith.muli %scan3A_548, %mul3A_549 : i32
        %get3A_551 = arith.index_cast %scan3A_416 : i32 to index
        %get3A_552 = arith.index_cast %mul3A_550 : i32 to index
        %get3A_553 = tpu.vector_load %arg9[%get3A_551, %get3A_552] {strides = array<i32>} : memref<16x1024xf32, #tpu.memory_space<vmem>>, vector<1x16xf32>,
        %get3A_554 = vector.shape_cast %get3A_553 : vector<1x16xf32> to vector<16xf32>
        %mul3A_555 = arith.constant 3.125000e-02 : f32
        %mul3A_556 = vector.broadcast %mul3A_555 : f32 to vector<16xf32>
        %mul3A_557 = arith.mulf %get3A_554, %mul3A_556 : vector<16xf32>
        %swap3A_558 = arith.index_cast %scan3A_416 : i32 to index
        %swap3A_559 = arith.index_cast %mul3A_550 : i32 to index
        %swap3A_560 = tpu.vector_load %arg9[%swap3A_558, %swap3A_559] {strides = array<i32>} : memref<16x1024xf32, #tpu.memory_space<vmem>>, vector<1x16xf32>,
        %swap3A_561 = vector.shape_cast %swap3A_560 : vector<1x16xf32> to vector<16xf32>
        %swap3A_562 = vector.shape_cast %mul3A_557 : vector<16xf32> to vector<1x16xf32>
        tpu.vector_store %arg9[%swap3A_558, %swap3A_559], %swap3A_562 {strides = array<i32>} : memref<16x1024xf32, #tpu.memory_space<vmem>>, vector<1x16xf32>,
        %scan3A_563 = arith.constant 9 : i32
        %scan3A_564 = arith.addi %scan3A_422, %scan3A_563 : i32
        %mul3A_565 = arith.constant 16 : i32
        %mul3A_566 = arith.muli %scan3A_564, %mul3A_565 : i32
        %get3A_567 = arith.index_cast %scan3A_416 : i32 to index
        %get3A_568 = arith.index_cast %mul3A_566 : i32 to index
        %get3A_569 = tpu.vector_load %arg9[%get3A_567, %get3A_568] {strides = array<i32>} : memref<16x1024xf32, #tpu.memory_space<vmem>>, vector<1x16xf32>,
        %get3A_570 = vector.shape_cast %get3A_569 : vector<1x16xf32> to vector<16xf32>
        %mul3A_571 = arith.constant 3.125000e-02 : f32
        %mul3A_572 = vector.broadcast %mul3A_571 : f32 to vector<16xf32>
        %mul3A_573 = arith.mulf %get3A_570, %mul3A_572 : vector<16xf32>
        %swap3A_574 = arith.index_cast %scan3A_416 : i32 to index
        %swap3A_575 = arith.index_cast %mul3A_566 : i32 to index
        %swap3A_576 = tpu.vector_load %arg9[%swap3A_574, %swap3A_575] {strides = array<i32>} : memref<16x1024xf32, #tpu.memory_space<vmem>>, vector<1x16xf32>,
        %swap3A_577 = vector.shape_cast %swap3A_576 : vector<1x16xf32> to vector<16xf32>
        %swap3A_578 = vector.shape_cast %mul3A_573 : vector<16xf32> to vector<1x16xf32>
        tpu.vector_store %arg9[%swap3A_574, %swap3A_575], %swap3A_578 {strides = array<i32>} : memref<16x1024xf32, #tpu.memory_space<vmem>>, vector<1x16xf32>,
        %scan3A_579 = arith.constant 10 : i32
        %scan3A_580 = arith.addi %scan3A_422, %scan3A_579 : i32
        %mul3A_581 = arith.constant 16 : i32
        %mul3A_582 = arith.muli %scan3A_580, %mul3A_581 : i32
        %get3A_583 = arith.index_cast %scan3A_416 : i32 to index
        %get3A_584 = arith.index_cast %mul3A_582 : i32 to index
        %get3A_585 = tpu.vector_load %arg9[%get3A_583, %get3A_584] {strides = array<i32>} : memref<16x1024xf32, #tpu.memory_space<vmem>>, vector<1x16xf32>,
        %get3A_586 = vector.shape_cast %get3A_585 : vector<1x16xf32> to vector<16xf32>
        %mul3A_587 = arith.constant 3.125000e-02 : f32
        %mul3A_588 = vector.broadcast %mul3A_587 : f32 to vector<16xf32>
        %mul3A_589 = arith.mulf %get3A_586, %mul3A_588 : vector<16xf32>
        %swap3A_590 = arith.index_cast %scan3A_416 : i32 to index
        %swap3A_591 = arith.index_cast %mul3A_582 : i32 to index
        %swap3A_592 = tpu.vector_load %arg9[%swap3A_590, %swap3A_591] {strides = array<i32>} : memref<16x1024xf32, #tpu.memory_space<vmem>>, vector<1x16xf32>,
        %swap3A_593 = vector.shape_cast %swap3A_592 : vector<1x16xf32> to vector<16xf32>
        %swap3A_594 = vector.shape_cast %mul3A_589 : vector<16xf32> to vector<1x16xf32>
        tpu.vector_store %arg9[%swap3A_590, %swap3A_591], %swap3A_594 {strides = array<i32>} : memref<16x1024xf32, #tpu.memory_space<vmem>>, vector<1x16xf32>,
        %scan3A_595 = arith.constant 11 : i32
        %scan3A_596 = arith.addi %scan3A_422, %scan3A_595 : i32
        %mul3A_597 = arith.constant 16 : i32
        %mul3A_598 = arith.muli %scan3A_596, %mul3A_597 : i32
        %get3A_599 = arith.index_cast %scan3A_416 : i32 to index
        %get3A_600 = arith.index_cast %mul3A_598 : i32 to index
        %get3A_601 = tpu.vector_load %arg9[%get3A_599, %get3A_600] {strides = array<i32>} : memref<16x1024xf32, #tpu.memory_space<vmem>>, vector<1x16xf32>,
        %get3A_602 = vector.shape_cast %get3A_601 : vector<1x16xf32> to vector<16xf32>
        %mul3A_603 = arith.constant 3.125000e-02 : f32
        %mul3A_604 = vector.broadcast %mul3A_603 : f32 to vector<16xf32>
        %mul3A_605 = arith.mulf %get3A_602, %mul3A_604 : vector<16xf32>
        %swap3A_606 = arith.index_cast %scan3A_416 : i32 to index
        %swap3A_607 = arith.index_cast %mul3A_598 : i32 to index
        %swap3A_608 = tpu.vector_load %arg9[%swap3A_606, %swap3A_607] {strides = array<i32>} : memref<16x1024xf32, #tpu.memory_space<vmem>>, vector<1x16xf32>,
        %swap3A_609 = vector.shape_cast %swap3A_608 : vector<1x16xf32> to vector<16xf32>
        %swap3A_610 = vector.shape_cast %mul3A_605 : vector<16xf32> to vector<1x16xf32>
        tpu.vector_store %arg9[%swap3A_606, %swap3A_607], %swap3A_610 {strides = array<i32>} : memref<16x1024xf32, #tpu.memory_space<vmem>>, vector<1x16xf32>,
        %scan3A_611 = arith.constant 12 : i32
        %scan3A_612 = arith.addi %scan3A_422, %scan3A_611 : i32
        %mul3A_613 = arith.constant 16 : i32
        %mul3A_614 = arith.muli %scan3A_612, %mul3A_613 : i32
        %get3A_615 = arith.index_cast %scan3A_416 : i32 to index
        %get3A_616 = arith.index_cast %mul3A_614 : i32 to index
        %get3A_617 = tpu.vector_load %arg9[%get3A_615, %get3A_616] {strides = array<i32>} : memref<16x1024xf32, #tpu.memory_space<vmem>>, vector<1x16xf32>,
        %get3A_618 = vector.shape_cast %get3A_617 : vector<1x16xf32> to vector<16xf32>
        %mul3A_619 = arith.constant 3.125000e-02 : f32
        %mul3A_620 = vector.broadcast %mul3A_619 : f32 to vector<16xf32>
        %mul3A_621 = arith.mulf %get3A_618, %mul3A_620 : vector<16xf32>
        %swap3A_622 = arith.index_cast %scan3A_416 : i32 to index
        %swap3A_623 = arith.index_cast %mul3A_614 : i32 to index
        %swap3A_624 = tpu.vector_load %arg9[%swap3A_622, %swap3A_623] {strides = array<i32>} : memref<16x1024xf32, #tpu.memory_space<vmem>>, vector<1x16xf32>,
        %swap3A_625 = vector.shape_cast %swap3A_624 : vector<1x16xf32> to vector<16xf32>
        %swap3A_626 = vector.shape_cast %mul3A_621 : vector<16xf32> to vector<1x16xf32>
        tpu.vector_store %arg9[%swap3A_622, %swap3A_623], %swap3A_626 {strides = array<i32>} : memref<16x1024xf32, #tpu.memory_space<vmem>>, vector<1x16xf32>,
        %scan3A_627 = arith.constant 13 : i32
        %scan3A_628 = arith.addi %scan3A_422, %scan3A_627 : i32
        %mul3A_629 = arith.constant 16 : i32
        %mul3A_630 = arith.muli %scan3A_628, %mul3A_629 : i32
        %get3A_631 = arith.index_cast %scan3A_416 : i32 to index
        %get3A_632 = arith.index_cast %mul3A_630 : i32 to index
        %get3A_633 = tpu.vector_load %arg9[%get3A_631, %get3A_632] {strides = array<i32>} : memref<16x1024xf32, #tpu.memory_space<vmem>>, vector<1x16xf32>,
        %get3A_634 = vector.shape_cast %get3A_633 : vector<1x16xf32> to vector<16xf32>
        %mul3A_635 = arith.constant 3.125000e-02 : f32
        %mul3A_636 = vector.broadcast %mul3A_635 : f32 to vector<16xf32>
        %mul3A_637 = arith.mulf %get3A_634, %mul3A_636 : vector<16xf32>
        %swap3A_638 = arith.index_cast %scan3A_416 : i32 to index
        %swap3A_639 = arith.index_cast %mul3A_630 : i32 to index
        %swap3A_640 = tpu.vector_load %arg9[%swap3A_638, %swap3A_639] {strides = array<i32>} : memref<16x1024xf32, #tpu.memory_space<vmem>>, vector<1x16xf32>,
        %swap3A_641 = vector.shape_cast %swap3A_640 : vector<1x16xf32> to vector<16xf32>
        %swap3A_642 = vector.shape_cast %mul3A_637 : vector<16xf32> to vector<1x16xf32>
        tpu.vector_store %arg9[%swap3A_638, %swap3A_639], %swap3A_642 {strides = array<i32>} : memref<16x1024xf32, #tpu.memory_space<vmem>>, vector<1x16xf32>,
        %scan3A_643 = arith.constant 14 : i32
        %scan3A_644 = arith.addi %scan3A_422, %scan3A_643 : i32
        %mul3A_645 = arith.constant 16 : i32
        %mul3A_646 = arith.muli %scan3A_644, %mul3A_645 : i32
        %get3A_647 = arith.index_cast %scan3A_416 : i32 to index
        %get3A_648 = arith.index_cast %mul3A_646 : i32 to index
        %get3A_649 = tpu.vector_load %arg9[%get3A_647, %get3A_648] {strides = array<i32>} : memref<16x1024xf32, #tpu.memory_space<vmem>>, vector<1x16xf32>,
        %get3A_650 = vector.shape_cast %get3A_649 : vector<1x16xf32> to vector<16xf32>
        %mul3A_651 = arith.constant 3.125000e-02 : f32
        %mul3A_652 = vector.broadcast %mul3A_651 : f32 to vector<16xf32>
        %mul3A_653 = arith.mulf %get3A_650, %mul3A_652 : vector<16xf32>
        %swap3A_654 = arith.index_cast %scan3A_416 : i32 to index
        %swap3A_655 = arith.index_cast %mul3A_646 : i32 to index
        %swap3A_656 = tpu.vector_load %arg9[%swap3A_654, %swap3A_655] {strides = array<i32>} : memref<16x1024xf32, #tpu.memory_space<vmem>>, vector<1x16xf32>,
        %swap3A_657 = vector.shape_cast %swap3A_656 : vector<1x16xf32> to vector<16xf32>
        %swap3A_658 = vector.shape_cast %mul3A_653 : vector<16xf32> to vector<1x16xf32>
        tpu.vector_store %arg9[%swap3A_654, %swap3A_655], %swap3A_658 {strides = array<i32>} : memref<16x1024xf32, #tpu.memory_space<vmem>>, vector<1x16xf32>,
        %scan3A_659 = arith.constant 15 : i32
        %scan3A_660 = arith.addi %scan3A_422, %scan3A_659 : i32
        %mul3A_661 = arith.constant 16 : i32
        %mul3A_662 = arith.muli %scan3A_660, %mul3A_661 : i32
        %get3A_663 = arith.index_cast %scan3A_416 : i32 to index
        %get3A_664 = arith.index_cast %mul3A_662 : i32 to index
        %get3A_665 = tpu.vector_load %arg9[%get3A_663, %get3A_664] {strides = array<i32>} : memref<16x1024xf32, #tpu.memory_space<vmem>>, vector<1x16xf32>,
        %get3A_666 = vector.shape_cast %get3A_665 : vector<1x16xf32> to vector<16xf32>
        %mul3A_667 = arith.constant 3.125000e-02 : f32
        %mul3A_668 = vector.broadcast %mul3A_667 : f32 to vector<16xf32>
        %mul3A_669 = arith.mulf %get3A_666, %mul3A_668 : vector<16xf32>
        %swap3A_670 = arith.index_cast %scan3A_416 : i32 to index
        %swap3A_671 = arith.index_cast %mul3A_662 : i32 to index
        %swap3A_672 = tpu.vector_load %arg9[%swap3A_670, %swap3A_671] {strides = array<i32>} : memref<16x1024xf32, #tpu.memory_space<vmem>>, vector<1x16xf32>,
        %swap3A_673 = vector.shape_cast %swap3A_672 : vector<1x16xf32> to vector<16xf32>
        %swap3A_674 = vector.shape_cast %mul3A_669 : vector<16xf32> to vector<1x16xf32>
        tpu.vector_store %arg9[%swap3A_670, %swap3A_671], %swap3A_674 {strides = array<i32>} : memref<16x1024xf32, #tpu.memory_space<vmem>>, vector<1x16xf32>,
      }
      %scan3A_421 = arith.constant 64 : i32
    }
    %scan3A_333 = arith.constant 16 : i32
    %add3A_334 = arith.constant 192 : i32
    %add3A_335 = arith.addi %mul3A_2, %add3A_334 : i32
    %dma_start3A_336 = arith.constant 0 : i32
    %dma_start3A_337 = tpu.memref_slice %arg3[%add3A_335, %dma_start3A_336] : memref<8192x1024xf32, #tpu.memory_space<hbm>> -> memref<16x1024xf32, #tpu.memory_space<hbm>>
    %dma_start3A_338 = arith.constant 0 : i32
    %dma_start3A_339 = tpu.memref_slice %arg3[%add3A_335, %dma_start3A_338] : memref<8192x1024xf32, #tpu.memory_space<hbm>> -> memref<16x1024xf32, #tpu.memory_space<hbm>>
    tpu.enqueue_dma source(%arg9 : memref<16x1024xf32, #tpu.memory_space<vmem>>) target(%dma_start3A_339 : memref<16x1024xf32, #tpu.memory_space<hbm>>) target_semaphore(%arg23 : memref<!tpu.dma_semaphore, #tpu.memory_space<semaphore_mem>>)
    %dma_wait3A_340 = arith.constant 0 : i32
    %dma_wait3A_341 = tpu.memref_slice %arg2[%add3A_267, %dma_wait3A_340] : memref<8192x1024xf32, #tpu.memory_space<hbm>> -> memref<16x1024xf32, #tpu.memory_space<hbm>>
    %dma_wait3A_342 = arith.constant 0 : i32
    %dma_wait3A_343 = tpu.memref_slice %arg2[%add3A_267, %dma_wait3A_342] : memref<8192x1024xf32, #tpu.memory_space<hbm>> -> memref<16x1024xf32, #tpu.memory_space<hbm>>
    tpu.wait_dma2 semaphore(%arg17 : memref<!tpu.dma_semaphore, #tpu.memory_space<semaphore_mem>>) src(%dma_wait3A_343 : memref<16x1024xf32, #tpu.memory_space<hbm>>) dst(%arg10 : memref<16x1024xf32, #tpu.memory_space<vmem>>)
    %scan3A_344 = arith.constant 0 : i32
    %scan3A_345 = arith.constant 0 : i32
    %scan3A_346 = arith.constant 16 : i32
    %scan3A_347 = arith.addi %scan3A_345, %scan3A_346 : i32
    %scan3A_348 = arith.constant 1 : i32
    scf.for %scan3A_416 = %scan3A_345 to %scan3A_347 step %scan3A_348  : i32 {
      %scan3A_417 = arith.constant 0 : i32
      %scan3A_418 = arith.constant 64 : i32
      %scan3A_419 = arith.addi %scan3A_417, %scan3A_418 : i32
      %scan3A_420 = arith.constant 16 : i32
      scf.for %scan3A_422 = %scan3A_417 to %scan3A_419 step %scan3A_420  : i32 {
        %mul3A_423 = arith.constant 16 : i32
        %mul3A_424 = arith.muli %scan3A_422, %mul3A_423 : i32
        %get3A = arith.index_cast %scan3A_416 : i32 to index
        %get3A_425 = arith.index_cast %mul3A_424 : i32 to index
        %get3A_426 = tpu.vector_load %arg10[%get3A, %get3A_425] {strides = array<i32>} : memref<16x1024xf32, #tpu.memory_space<vmem>>, vector<1x16xf32>,
        %get3A_427 = vector.shape_cast %get3A_426 : vector<1x16xf32> to vector<16xf32>
        %mul3A_428 = arith.constant 3.125000e-02 : f32
        %mul3A_429 = vector.broadcast %mul3A_428 : f32 to vector<16xf32>
        %mul3A_430 = arith.mulf %get3A_427, %mul3A_429 : vector<16xf32>
        %swap3A = arith.index_cast %scan3A_416 : i32 to index
        %swap3A_431 = arith.index_cast %mul3A_424 : i32 to index
        %swap3A_432 = tpu.vector_load %arg10[%swap3A, %swap3A_431] {strides = array<i32>} : memref<16x1024xf32, #tpu.memory_space<vmem>>, vector<1x16xf32>,
        %swap3A_433 = vector.shape_cast %swap3A_432 : vector<1x16xf32> to vector<16xf32>
        %swap3A_434 = vector.shape_cast %mul3A_430 : vector<16xf32> to vector<1x16xf32>
        tpu.vector_store %arg10[%swap3A, %swap3A_431], %swap3A_434 {strides = array<i32>} : memref<16x1024xf32, #tpu.memory_space<vmem>>, vector<1x16xf32>,
        %scan3A_435 = arith.constant 1 : i32
        %scan3A_436 = arith.addi %scan3A_422, %scan3A_435 : i32
        %mul3A_437 = arith.constant 16 : i32
        %mul3A_438 = arith.muli %scan3A_436, %mul3A_437 : i32
        %get3A_439 = arith.index_cast %scan3A_416 : i32 to index
        %get3A_440 = arith.index_cast %mul3A_438 : i32 to index
        %get3A_441 = tpu.vector_load %arg10[%get3A_439, %get3A_440] {strides = array<i32>} : memref<16x1024xf32, #tpu.memory_space<vmem>>, vector<1x16xf32>,
        %get3A_442 = vector.shape_cast %get3A_441 : vector<1x16xf32> to vector<16xf32>
        %mul3A_443 = arith.constant 3.125000e-02 : f32
        %mul3A_444 = vector.broadcast %mul3A_443 : f32 to vector<16xf32>
        %mul3A_445 = arith.mulf %get3A_442, %mul3A_444 : vector<16xf32>
        %swap3A_446 = arith.index_cast %scan3A_416 : i32 to index
        %swap3A_447 = arith.index_cast %mul3A_438 : i32 to index
        %swap3A_448 = tpu.vector_load %arg10[%swap3A_446, %swap3A_447] {strides = array<i32>} : memref<16x1024xf32, #tpu.memory_space<vmem>>, vector<1x16xf32>,
        %swap3A_449 = vector.shape_cast %swap3A_448 : vector<1x16xf32> to vector<16xf32>
        %swap3A_450 = vector.shape_cast %mul3A_445 : vector<16xf32> to vector<1x16xf32>
        tpu.vector_store %arg10[%swap3A_446, %swap3A_447], %swap3A_450 {strides = array<i32>} : memref<16x1024xf32, #tpu.memory_space<vmem>>, vector<1x16xf32>,
        %scan3A_451 = arith.constant 2 : i32
        %scan3A_452 = arith.addi %scan3A_422, %scan3A_451 : i32
        %mul3A_453 = arith.constant 16 : i32
        %mul3A_454 = arith.muli %scan3A_452, %mul3A_453 : i32
        %get3A_455 = arith.index_cast %scan3A_416 : i32 to index
        %get3A_456 = arith.index_cast %mul3A_454 : i32 to index
        %get3A_457 = tpu.vector_load %arg10[%get3A_455, %get3A_456] {strides = array<i32>} : memref<16x1024xf32, #tpu.memory_space<vmem>>, vector<1x16xf32>,
        %get3A_458 = vector.shape_cast %get3A_457 : vector<1x16xf32> to vector<16xf32>
        %mul3A_459 = arith.constant 3.125000e-02 : f32
        %mul3A_460 = vector.broadcast %mul3A_459 : f32 to vector<16xf32>
        %mul3A_461 = arith.mulf %get3A_458, %mul3A_460 : vector<16xf32>
        %swap3A_462 = arith.index_cast %scan3A_416 : i32 to index
        %swap3A_463 = arith.index_cast %mul3A_454 : i32 to index
        %swap3A_464 = tpu.vector_load %arg10[%swap3A_462, %swap3A_463] {strides = array<i32>} : memref<16x1024xf32, #tpu.memory_space<vmem>>, vector<1x16xf32>,
        %swap3A_465 = vector.shape_cast %swap3A_464 : vector<1x16xf32> to vector<16xf32>
        %swap3A_466 = vector.shape_cast %mul3A_461 : vector<16xf32> to vector<1x16xf32>
        tpu.vector_store %arg10[%swap3A_462, %swap3A_463], %swap3A_466 {strides = array<i32>} : memref<16x1024xf32, #tpu.memory_space<vmem>>, vector<1x16xf32>,
        %scan3A_467 = arith.constant 3 : i32
        %scan3A_468 = arith.addi %scan3A_422, %scan3A_467 : i32
        %mul3A_469 = arith.constant 16 : i32
        %mul3A_470 = arith.muli %scan3A_468, %mul3A_469 : i32
        %get3A_471 = arith.index_cast %scan3A_416 : i32 to index
        %get3A_472 = arith.index_cast %mul3A_470 : i32 to index
        %get3A_473 = tpu.vector_load %arg10[%get3A_471, %get3A_472] {strides = array<i32>} : memref<16x1024xf32, #tpu.memory_space<vmem>>, vector<1x16xf32>,
        %get3A_474 = vector.shape_cast %get3A_473 : vector<1x16xf32> to vector<16xf32>
        %mul3A_475 = arith.constant 3.125000e-02 : f32
        %mul3A_476 = vector.broadcast %mul3A_475 : f32 to vector<16xf32>
        %mul3A_477 = arith.mulf %get3A_474, %mul3A_476 : vector<16xf32>
        %swap3A_478 = arith.index_cast %scan3A_416 : i32 to index
        %swap3A_479 = arith.index_cast %mul3A_470 : i32 to index
        %swap3A_480 = tpu.vector_load %arg10[%swap3A_478, %swap3A_479] {strides = array<i32>} : memref<16x1024xf32, #tpu.memory_space<vmem>>, vector<1x16xf32>,
        %swap3A_481 = vector.shape_cast %swap3A_480 : vector<1x16xf32> to vector<16xf32>
        %swap3A_482 = vector.shape_cast %mul3A_477 : vector<16xf32> to vector<1x16xf32>
        tpu.vector_store %arg10[%swap3A_478, %swap3A_479], %swap3A_482 {strides = array<i32>} : memref<16x1024xf32, #tpu.memory_space<vmem>>, vector<1x16xf32>,
        %scan3A_483 = arith.constant 4 : i32
        %scan3A_484 = arith.addi %scan3A_422, %scan3A_483 : i32
        %mul3A_485 = arith.constant 16 : i32
        %mul3A_486 = arith.muli %scan3A_484, %mul3A_485 : i32
        %get3A_487 = arith.index_cast %scan3A_416 : i32 to index
        %get3A_488 = arith.index_cast %mul3A_486 : i32 to index
        %get3A_489 = tpu.vector_load %arg10[%get3A_487, %get3A_488] {strides = array<i32>} : memref<16x1024xf32, #tpu.memory_space<vmem>>, vector<1x16xf32>,
        %get3A_490 = vector.shape_cast %get3A_489 : vector<1x16xf32> to vector<16xf32>
        %mul3A_491 = arith.constant 3.125000e-02 : f32
        %mul3A_492 = vector.broadcast %mul3A_491 : f32 to vector<16xf32>
        %mul3A_493 = arith.mulf %get3A_490, %mul3A_492 : vector<16xf32>
        %swap3A_494 = arith.index_cast %scan3A_416 : i32 to index
        %swap3A_495 = arith.index_cast %mul3A_486 : i32 to index
        %swap3A_496 = tpu.vector_load %arg10[%swap3A_494, %swap3A_495] {strides = array<i32>} : memref<16x1024xf32, #tpu.memory_space<vmem>>, vector<1x16xf32>,
        %swap3A_497 = vector.shape_cast %swap3A_496 : vector<1x16xf32> to vector<16xf32>
        %swap3A_498 = vector.shape_cast %mul3A_493 : vector<16xf32> to vector<1x16xf32>
        tpu.vector_store %arg10[%swap3A_494, %swap3A_495], %swap3A_498 {strides = array<i32>} : memref<16x1024xf32, #tpu.memory_space<vmem>>, vector<1x16xf32>,
        %scan3A_499 = arith.constant 5 : i32
        %scan3A_500 = arith.addi %scan3A_422, %scan3A_499 : i32
        %mul3A_501 = arith.constant 16 : i32
        %mul3A_502 = arith.muli %scan3A_500, %mul3A_501 : i32
        %get3A_503 = arith.index_cast %scan3A_416 : i32 to index
        %get3A_504 = arith.index_cast %mul3A_502 : i32 to index
        %get3A_505 = tpu.vector_load %arg10[%get3A_503, %get3A_504] {strides = array<i32>} : memref<16x1024xf32, #tpu.memory_space<vmem>>, vector<1x16xf32>,
        %get3A_506 = vector.shape_cast %get3A_505 : vector<1x16xf32> to vector<16xf32>
        %mul3A_507 = arith.constant 3.125000e-02 : f32
        %mul3A_508 = vector.broadcast %mul3A_507 : f32 to vector<16xf32>
        %mul3A_509 = arith.mulf %get3A_506, %mul3A_508 : vector<16xf32>
        %swap3A_510 = arith.index_cast %scan3A_416 : i32 to index
        %swap3A_511 = arith.index_cast %mul3A_502 : i32 to index
        %swap3A_512 = tpu.vector_load %arg10[%swap3A_510, %swap3A_511] {strides = array<i32>} : memref<16x1024xf32, #tpu.memory_space<vmem>>, vector<1x16xf32>,
        %swap3A_513 = vector.shape_cast %swap3A_512 : vector<1x16xf32> to vector<16xf32>
        %swap3A_514 = vector.shape_cast %mul3A_509 : vector<16xf32> to vector<1x16xf32>
        tpu.vector_store %arg10[%swap3A_510, %swap3A_511], %swap3A_514 {strides = array<i32>} : memref<16x1024xf32, #tpu.memory_space<vmem>>, vector<1x16xf32>,
        %scan3A_515 = arith.constant 6 : i32
        %scan3A_516 = arith.addi %scan3A_422, %scan3A_515 : i32
        %mul3A_517 = arith.constant 16 : i32
        %mul3A_518 = arith.muli %scan3A_516, %mul3A_517 : i32
        %get3A_519 = arith.index_cast %scan3A_416 : i32 to index
        %get3A_520 = arith.index_cast %mul3A_518 : i32 to index
        %get3A_521 = tpu.vector_load %arg10[%get3A_519, %get3A_520] {strides = array<i32>} : memref<16x1024xf32, #tpu.memory_space<vmem>>, vector<1x16xf32>,
        %get3A_522 = vector.shape_cast %get3A_521 : vector<1x16xf32> to vector<16xf32>
        %mul3A_523 = arith.constant 3.125000e-02 : f32
        %mul3A_524 = vector.broadcast %mul3A_523 : f32 to vector<16xf32>
        %mul3A_525 = arith.mulf %get3A_522, %mul3A_524 : vector<16xf32>
        %swap3A_526 = arith.index_cast %scan3A_416 : i32 to index
        %swap3A_527 = arith.index_cast %mul3A_518 : i32 to index
        %swap3A_528 = tpu.vector_load %arg10[%swap3A_526, %swap3A_527] {strides = array<i32>} : memref<16x1024xf32, #tpu.memory_space<vmem>>, vector<1x16xf32>,
        %swap3A_529 = vector.shape_cast %swap3A_528 : vector<1x16xf32> to vector<16xf32>
        %swap3A_530 = vector.shape_cast %mul3A_525 : vector<16xf32> to vector<1x16xf32>
        tpu.vector_store %arg10[%swap3A_526, %swap3A_527], %swap3A_530 {strides = array<i32>} : memref<16x1024xf32, #tpu.memory_space<vmem>>, vector<1x16xf32>,
        %scan3A_531 = arith.constant 7 : i32
        %scan3A_532 = arith.addi %scan3A_422, %scan3A_531 : i32
        %mul3A_533 = arith.constant 16 : i32
        %mul3A_534 = arith.muli %scan3A_532, %mul3A_533 : i32
        %get3A_535 = arith.index_cast %scan3A_416 : i32 to index
        %get3A_536 = arith.index_cast %mul3A_534 : i32 to index
        %get3A_537 = tpu.vector_load %arg10[%get3A_535, %get3A_536] {strides = array<i32>} : memref<16x1024xf32, #tpu.memory_space<vmem>>, vector<1x16xf32>,
        %get3A_538 = vector.shape_cast %get3A_537 : vector<1x16xf32> to vector<16xf32>
        %mul3A_539 = arith.constant 3.125000e-02 : f32
        %mul3A_540 = vector.broadcast %mul3A_539 : f32 to vector<16xf32>
        %mul3A_541 = arith.mulf %get3A_538, %mul3A_540 : vector<16xf32>
        %swap3A_542 = arith.index_cast %scan3A_416 : i32 to index
        %swap3A_543 = arith.index_cast %mul3A_534 : i32 to index
        %swap3A_544 = tpu.vector_load %arg10[%swap3A_542, %swap3A_543] {strides = array<i32>} : memref<16x1024xf32, #tpu.memory_space<vmem>>, vector<1x16xf32>,
        %swap3A_545 = vector.shape_cast %swap3A_544 : vector<1x16xf32> to vector<16xf32>
        %swap3A_546 = vector.shape_cast %mul3A_541 : vector<16xf32> to vector<1x16xf32>
        tpu.vector_store %arg10[%swap3A_542, %swap3A_543], %swap3A_546 {strides = array<i32>} : memref<16x1024xf32, #tpu.memory_space<vmem>>, vector<1x16xf32>,
        %scan3A_547 = arith.constant 8 : i32
        %scan3A_548 = arith.addi %scan3A_422, %scan3A_547 : i32
        %mul3A_549 = arith.constant 16 : i32
        %mul3A_550 = arith.muli %scan3A_548, %mul3A_549 : i32
        %get3A_551 = arith.index_cast %scan3A_416 : i32 to index
        %get3A_552 = arith.index_cast %mul3A_550 : i32 to index
        %get3A_553 = tpu.vector_load %arg10[%get3A_551, %get3A_552] {strides = array<i32>} : memref<16x1024xf32, #tpu.memory_space<vmem>>, vector<1x16xf32>,
        %get3A_554 = vector.shape_cast %get3A_553 : vector<1x16xf32> to vector<16xf32>
        %mul3A_555 = arith.constant 3.125000e-02 : f32
        %mul3A_556 = vector.broadcast %mul3A_555 : f32 to vector<16xf32>
        %mul3A_557 = arith.mulf %get3A_554, %mul3A_556 : vector<16xf32>
        %swap3A_558 = arith.index_cast %scan3A_416 : i32 to index
        %swap3A_559 = arith.index_cast %mul3A_550 : i32 to index
        %swap3A_560 = tpu.vector_load %arg10[%swap3A_558, %swap3A_559] {strides = array<i32>} : memref<16x1024xf32, #tpu.memory_space<vmem>>, vector<1x16xf32>,
        %swap3A_561 = vector.shape_cast %swap3A_560 : vector<1x16xf32> to vector<16xf32>
        %swap3A_562 = vector.shape_cast %mul3A_557 : vector<16xf32> to vector<1x16xf32>
        tpu.vector_store %arg10[%swap3A_558, %swap3A_559], %swap3A_562 {strides = array<i32>} : memref<16x1024xf32, #tpu.memory_space<vmem>>, vector<1x16xf32>,
        %scan3A_563 = arith.constant 9 : i32
        %scan3A_564 = arith.addi %scan3A_422, %scan3A_563 : i32
        %mul3A_565 = arith.constant 16 : i32
        %mul3A_566 = arith.muli %scan3A_564, %mul3A_565 : i32
        %get3A_567 = arith.index_cast %scan3A_416 : i32 to index
        %get3A_568 = arith.index_cast %mul3A_566 : i32 to index
        %get3A_569 = tpu.vector_load %arg10[%get3A_567, %get3A_568] {strides = array<i32>} : memref<16x1024xf32, #tpu.memory_space<vmem>>, vector<1x16xf32>,
        %get3A_570 = vector.shape_cast %get3A_569 : vector<1x16xf32> to vector<16xf32>
        %mul3A_571 = arith.constant 3.125000e-02 : f32
        %mul3A_572 = vector.broadcast %mul3A_571 : f32 to vector<16xf32>
        %mul3A_573 = arith.mulf %get3A_570, %mul3A_572 : vector<16xf32>
        %swap3A_574 = arith.index_cast %scan3A_416 : i32 to index
        %swap3A_575 = arith.index_cast %mul3A_566 : i32 to index
        %swap3A_576 = tpu.vector_load %arg10[%swap3A_574, %swap3A_575] {strides = array<i32>} : memref<16x1024xf32, #tpu.memory_space<vmem>>, vector<1x16xf32>,
        %swap3A_577 = vector.shape_cast %swap3A_576 : vector<1x16xf32> to vector<16xf32>
        %swap3A_578 = vector.shape_cast %mul3A_573 : vector<16xf32> to vector<1x16xf32>
        tpu.vector_store %arg10[%swap3A_574, %swap3A_575], %swap3A_578 {strides = array<i32>} : memref<16x1024xf32, #tpu.memory_space<vmem>>, vector<1x16xf32>,
        %scan3A_579 = arith.constant 10 : i32
        %scan3A_580 = arith.addi %scan3A_422, %scan3A_579 : i32
        %mul3A_581 = arith.constant 16 : i32
        %mul3A_582 = arith.muli %scan3A_580, %mul3A_581 : i32
        %get3A_583 = arith.index_cast %scan3A_416 : i32 to index
        %get3A_584 = arith.index_cast %mul3A_582 : i32 to index
        %get3A_585 = tpu.vector_load %arg10[%get3A_583, %get3A_584] {strides = array<i32>} : memref<16x1024xf32, #tpu.memory_space<vmem>>, vector<1x16xf32>,
        %get3A_586 = vector.shape_cast %get3A_585 : vector<1x16xf32> to vector<16xf32>
        %mul3A_587 = arith.constant 3.125000e-02 : f32
        %mul3A_588 = vector.broadcast %mul3A_587 : f32 to vector<16xf32>
        %mul3A_589 = arith.mulf %get3A_586, %mul3A_588 : vector<16xf32>
        %swap3A_590 = arith.index_cast %scan3A_416 : i32 to index
        %swap3A_591 = arith.index_cast %mul3A_582 : i32 to index
        %swap3A_592 = tpu.vector_load %arg10[%swap3A_590, %swap3A_591] {strides = array<i32>} : memref<16x1024xf32, #tpu.memory_space<vmem>>, vector<1x16xf32>,
        %swap3A_593 = vector.shape_cast %swap3A_592 : vector<1x16xf32> to vector<16xf32>
        %swap3A_594 = vector.shape_cast %mul3A_589 : vector<16xf32> to vector<1x16xf32>
        tpu.vector_store %arg10[%swap3A_590, %swap3A_591], %swap3A_594 {strides = array<i32>} : memref<16x1024xf32, #tpu.memory_space<vmem>>, vector<1x16xf32>,
        %scan3A_595 = arith.constant 11 : i32
        %scan3A_596 = arith.addi %scan3A_422, %scan3A_595 : i32
        %mul3A_597 = arith.constant 16 : i32
        %mul3A_598 = arith.muli %scan3A_596, %mul3A_597 : i32
        %get3A_599 = arith.index_cast %scan3A_416 : i32 to index
        %get3A_600 = arith.index_cast %mul3A_598 : i32 to index
        %get3A_601 = tpu.vector_load %arg10[%get3A_599, %get3A_600] {strides = array<i32>} : memref<16x1024xf32, #tpu.memory_space<vmem>>, vector<1x16xf32>,
        %get3A_602 = vector.shape_cast %get3A_601 : vector<1x16xf32> to vector<16xf32>
        %mul3A_603 = arith.constant 3.125000e-02 : f32
        %mul3A_604 = vector.broadcast %mul3A_603 : f32 to vector<16xf32>
        %mul3A_605 = arith.mulf %get3A_602, %mul3A_604 : vector<16xf32>
        %swap3A_606 = arith.index_cast %scan3A_416 : i32 to index
        %swap3A_607 = arith.index_cast %mul3A_598 : i32 to index
        %swap3A_608 = tpu.vector_load %arg10[%swap3A_606, %swap3A_607] {strides = array<i32>} : memref<16x1024xf32, #tpu.memory_space<vmem>>, vector<1x16xf32>,
        %swap3A_609 = vector.shape_cast %swap3A_608 : vector<1x16xf32> to vector<16xf32>
        %swap3A_610 = vector.shape_cast %mul3A_605 : vector<16xf32> to vector<1x16xf32>
        tpu.vector_store %arg10[%swap3A_606, %swap3A_607], %swap3A_610 {strides = array<i32>} : memref<16x1024xf32, #tpu.memory_space<vmem>>, vector<1x16xf32>,
        %scan3A_611 = arith.constant 12 : i32
        %scan3A_612 = arith.addi %scan3A_422, %scan3A_611 : i32
        %mul3A_613 = arith.constant 16 : i32
        %mul3A_614 = arith.muli %scan3A_612, %mul3A_613 : i32
        %get3A_615 = arith.index_cast %scan3A_416 : i32 to index
        %get3A_616 = arith.index_cast %mul3A_614 : i32 to index
        %get3A_617 = tpu.vector_load %arg10[%get3A_615, %get3A_616] {strides = array<i32>} : memref<16x1024xf32, #tpu.memory_space<vmem>>, vector<1x16xf32>,
        %get3A_618 = vector.shape_cast %get3A_617 : vector<1x16xf32> to vector<16xf32>
        %mul3A_619 = arith.constant 3.125000e-02 : f32
        %mul3A_620 = vector.broadcast %mul3A_619 : f32 to vector<16xf32>
        %mul3A_621 = arith.mulf %get3A_618, %mul3A_620 : vector<16xf32>
        %swap3A_622 = arith.index_cast %scan3A_416 : i32 to index
        %swap3A_623 = arith.index_cast %mul3A_614 : i32 to index
        %swap3A_624 = tpu.vector_load %arg10[%swap3A_622, %swap3A_623] {strides = array<i32>} : memref<16x1024xf32, #tpu.memory_space<vmem>>, vector<1x16xf32>,
        %swap3A_625 = vector.shape_cast %swap3A_624 : vector<1x16xf32> to vector<16xf32>
        %swap3A_626 = vector.shape_cast %mul3A_621 : vector<16xf32> to vector<1x16xf32>
        tpu.vector_store %arg10[%swap3A_622, %swap3A_623], %swap3A_626 {strides = array<i32>} : memref<16x1024xf32, #tpu.memory_space<vmem>>, vector<1x16xf32>,
        %scan3A_627 = arith.constant 13 : i32
        %scan3A_628 = arith.addi %scan3A_422, %scan3A_627 : i32
        %mul3A_629 = arith.constant 16 : i32
        %mul3A_630 = arith.muli %scan3A_628, %mul3A_629 : i32
        %get3A_631 = arith.index_cast %scan3A_416 : i32 to index
        %get3A_632 = arith.index_cast %mul3A_630 : i32 to index
        %get3A_633 = tpu.vector_load %arg10[%get3A_631, %get3A_632] {strides = array<i32>} : memref<16x1024xf32, #tpu.memory_space<vmem>>, vector<1x16xf32>,
        %get3A_634 = vector.shape_cast %get3A_633 : vector<1x16xf32> to vector<16xf32>
        %mul3A_635 = arith.constant 3.125000e-02 : f32
        %mul3A_636 = vector.broadcast %mul3A_635 : f32 to vector<16xf32>
        %mul3A_637 = arith.mulf %get3A_634, %mul3A_636 : vector<16xf32>
        %swap3A_638 = arith.index_cast %scan3A_416 : i32 to index
        %swap3A_639 = arith.index_cast %mul3A_630 : i32 to index
        %swap3A_640 = tpu.vector_load %arg10[%swap3A_638, %swap3A_639] {strides = array<i32>} : memref<16x1024xf32, #tpu.memory_space<vmem>>, vector<1x16xf32>,
        %swap3A_641 = vector.shape_cast %swap3A_640 : vector<1x16xf32> to vector<16xf32>
        %swap3A_642 = vector.shape_cast %mul3A_637 : vector<16xf32> to vector<1x16xf32>
        tpu.vector_store %arg10[%swap3A_638, %swap3A_639], %swap3A_642 {strides = array<i32>} : memref<16x1024xf32, #tpu.memory_space<vmem>>, vector<1x16xf32>,
        %scan3A_643 = arith.constant 14 : i32
        %scan3A_644 = arith.addi %scan3A_422, %scan3A_643 : i32
        %mul3A_645 = arith.constant 16 : i32
        %mul3A_646 = arith.muli %scan3A_644, %mul3A_645 : i32
        %get3A_647 = arith.index_cast %scan3A_416 : i32 to index
        %get3A_648 = arith.index_cast %mul3A_646 : i32 to index
        %get3A_649 = tpu.vector_load %arg10[%get3A_647, %get3A_648] {strides = array<i32>} : memref<16x1024xf32, #tpu.memory_space<vmem>>, vector<1x16xf32>,
        %get3A_650 = vector.shape_cast %get3A_649 : vector<1x16xf32> to vector<16xf32>
        %mul3A_651 = arith.constant 3.125000e-02 : f32
        %mul3A_652 = vector.broadcast %mul3A_651 : f32 to vector<16xf32>
        %mul3A_653 = arith.mulf %get3A_650, %mul3A_652 : vector<16xf32>
        %swap3A_654 = arith.index_cast %scan3A_416 : i32 to index
        %swap3A_655 = arith.index_cast %mul3A_646 : i32 to index
        %swap3A_656 = tpu.vector_load %arg10[%swap3A_654, %swap3A_655] {strides = array<i32>} : memref<16x1024xf32, #tpu.memory_space<vmem>>, vector<1x16xf32>,
        %swap3A_657 = vector.shape_cast %swap3A_656 : vector<1x16xf32> to vector<16xf32>
        %swap3A_658 = vector.shape_cast %mul3A_653 : vector<16xf32> to vector<1x16xf32>
        tpu.vector_store %arg10[%swap3A_654, %swap3A_655], %swap3A_658 {strides = array<i32>} : memref<16x1024xf32, #tpu.memory_space<vmem>>, vector<1x16xf32>,
        %scan3A_659 = arith.constant 15 : i32
        %scan3A_660 = arith.addi %scan3A_422, %scan3A_659 : i32
        %mul3A_661 = arith.constant 16 : i32
        %mul3A_662 = arith.muli %scan3A_660, %mul3A_661 : i32
        %get3A_663 = arith.index_cast %scan3A_416 : i32 to index
        %get3A_664 = arith.index_cast %mul3A_662 : i32 to index
        %get3A_665 = tpu.vector_load %arg10[%get3A_663, %get3A_664] {strides = array<i32>} : memref<16x1024xf32, #tpu.memory_space<vmem>>, vector<1x16xf32>,
        %get3A_666 = vector.shape_cast %get3A_665 : vector<1x16xf32> to vector<16xf32>
        %mul3A_667 = arith.constant 3.125000e-02 : f32
        %mul3A_668 = vector.broadcast %mul3A_667 : f32 to vector<16xf32>
        %mul3A_669 = arith.mulf %get3A_666, %mul3A_668 : vector<16xf32>
        %swap3A_670 = arith.index_cast %scan3A_416 : i32 to index
        %swap3A_671 = arith.index_cast %mul3A_662 : i32 to index
        %swap3A_672 = tpu.vector_load %arg10[%swap3A_670, %swap3A_671] {strides = array<i32>} : memref<16x1024xf32, #tpu.memory_space<vmem>>, vector<1x16xf32>,
        %swap3A_673 = vector.shape_cast %swap3A_672 : vector<1x16xf32> to vector<16xf32>
        %swap3A_674 = vector.shape_cast %mul3A_669 : vector<16xf32> to vector<1x16xf32>
        tpu.vector_store %arg10[%swap3A_670, %swap3A_671], %swap3A_674 {strides = array<i32>} : memref<16x1024xf32, #tpu.memory_space<vmem>>, vector<1x16xf32>,
      }
      %scan3A_421 = arith.constant 64 : i32
    }
    %scan3A_349 = arith.constant 16 : i32
    %add3A_350 = arith.constant 208 : i32
    %add3A_351 = arith.addi %mul3A_2, %add3A_350 : i32
    %dma_start3A_352 = arith.constant 0 : i32
    %dma_start3A_353 = tpu.memref_slice %arg3[%add3A_351, %dma_start3A_352] : memref<8192x1024xf32, #tpu.memory_space<hbm>> -> memref<16x1024xf32, #tpu.memory_space<hbm>>
    %dma_start3A_354 = arith.constant 0 : i32
    %dma_start3A_355 = tpu.memref_slice %arg3[%add3A_351, %dma_start3A_354] : memref<8192x1024xf32, #tpu.memory_space<hbm>> -> memref<16x1024xf32, #tpu.memory_space<hbm>>
    tpu.enqueue_dma source(%arg10 : memref<16x1024xf32, #tpu.memory_space<vmem>>) target(%dma_start3A_355 : memref<16x1024xf32, #tpu.memory_space<hbm>>) target_semaphore(%arg24 : memref<!tpu.dma_semaphore, #tpu.memory_space<semaphore_mem>>)
    %dma_wait3A_356 = arith.constant 0 : i32
    %dma_wait3A_357 = tpu.memref_slice %arg2[%add3A_293, %dma_wait3A_356] : memref<8192x1024xf32, #tpu.memory_space<hbm>> -> memref<16x1024xf32, #tpu.memory_space<hbm>>
    %dma_wait3A_358 = arith.constant 0 : i32
    %dma_wait3A_359 = tpu.memref_slice %arg2[%add3A_293, %dma_wait3A_358] : memref<8192x1024xf32, #tpu.memory_space<hbm>> -> memref<16x1024xf32, #tpu.memory_space<hbm>>
    tpu.wait_dma2 semaphore(%arg11 : memref<!tpu.dma_semaphore, #tpu.memory_space<semaphore_mem>>) src(%dma_wait3A_359 : memref<16x1024xf32, #tpu.memory_space<hbm>>) dst(%arg4 : memref<16x1024xf32, #tpu.memory_space<vmem>>)
    %scan3A_360 = arith.constant 0 : i32
    %scan3A_361 = arith.constant 0 : i32
    %scan3A_362 = arith.constant 16 : i32
    %scan3A_363 = arith.addi %scan3A_361, %scan3A_362 : i32
    %scan3A_364 = arith.constant 1 : i32
    scf.for %scan3A_416 = %scan3A_361 to %scan3A_363 step %scan3A_364  : i32 {
      %scan3A_417 = arith.constant 0 : i32
      %scan3A_418 = arith.constant 64 : i32
      %scan3A_419 = arith.addi %scan3A_417, %scan3A_418 : i32
      %scan3A_420 = arith.constant 16 : i32
      scf.for %scan3A_422 = %scan3A_417 to %scan3A_419 step %scan3A_420  : i32 {
        %mul3A_423 = arith.constant 16 : i32
        %mul3A_424 = arith.muli %scan3A_422, %mul3A_423 : i32
        %get3A = arith.index_cast %scan3A_416 : i32 to index
        %get3A_425 = arith.index_cast %mul3A_424 : i32 to index
        %get3A_426 = tpu.vector_load %arg4[%get3A, %get3A_425] {strides = array<i32>} : memref<16x1024xf32, #tpu.memory_space<vmem>>, vector<1x16xf32>,
        %get3A_427 = vector.shape_cast %get3A_426 : vector<1x16xf32> to vector<16xf32>
        %mul3A_428 = arith.constant 3.125000e-02 : f32
        %mul3A_429 = vector.broadcast %mul3A_428 : f32 to vector<16xf32>
        %mul3A_430 = arith.mulf %get3A_427, %mul3A_429 : vector<16xf32>
        %swap3A = arith.index_cast %scan3A_416 : i32 to index
        %swap3A_431 = arith.index_cast %mul3A_424 : i32 to index
        %swap3A_432 = tpu.vector_load %arg4[%swap3A, %swap3A_431] {strides = array<i32>} : memref<16x1024xf32, #tpu.memory_space<vmem>>, vector<1x16xf32>,
        %swap3A_433 = vector.shape_cast %swap3A_432 : vector<1x16xf32> to vector<16xf32>
        %swap3A_434 = vector.shape_cast %mul3A_430 : vector<16xf32> to vector<1x16xf32>
        tpu.vector_store %arg4[%swap3A, %swap3A_431], %swap3A_434 {strides = array<i32>} : memref<16x1024xf32, #tpu.memory_space<vmem>>, vector<1x16xf32>,
        %scan3A_435 = arith.constant 1 : i32
        %scan3A_436 = arith.addi %scan3A_422, %scan3A_435 : i32
        %mul3A_437 = arith.constant 16 : i32
        %mul3A_438 = arith.muli %scan3A_436, %mul3A_437 : i32
        %get3A_439 = arith.index_cast %scan3A_416 : i32 to index
        %get3A_440 = arith.index_cast %mul3A_438 : i32 to index
        %get3A_441 = tpu.vector_load %arg4[%get3A_439, %get3A_440] {strides = array<i32>} : memref<16x1024xf32, #tpu.memory_space<vmem>>, vector<1x16xf32>,
        %get3A_442 = vector.shape_cast %get3A_441 : vector<1x16xf32> to vector<16xf32>
        %mul3A_443 = arith.constant 3.125000e-02 : f32
        %mul3A_444 = vector.broadcast %mul3A_443 : f32 to vector<16xf32>
        %mul3A_445 = arith.mulf %get3A_442, %mul3A_444 : vector<16xf32>
        %swap3A_446 = arith.index_cast %scan3A_416 : i32 to index
        %swap3A_447 = arith.index_cast %mul3A_438 : i32 to index
        %swap3A_448 = tpu.vector_load %arg4[%swap3A_446, %swap3A_447] {strides = array<i32>} : memref<16x1024xf32, #tpu.memory_space<vmem>>, vector<1x16xf32>,
        %swap3A_449 = vector.shape_cast %swap3A_448 : vector<1x16xf32> to vector<16xf32>
        %swap3A_450 = vector.shape_cast %mul3A_445 : vector<16xf32> to vector<1x16xf32>
        tpu.vector_store %arg4[%swap3A_446, %swap3A_447], %swap3A_450 {strides = array<i32>} : memref<16x1024xf32, #tpu.memory_space<vmem>>, vector<1x16xf32>,
        %scan3A_451 = arith.constant 2 : i32
        %scan3A_452 = arith.addi %scan3A_422, %scan3A_451 : i32
        %mul3A_453 = arith.constant 16 : i32
        %mul3A_454 = arith.muli %scan3A_452, %mul3A_453 : i32
        %get3A_455 = arith.index_cast %scan3A_416 : i32 to index
        %get3A_456 = arith.index_cast %mul3A_454 : i32 to index
        %get3A_457 = tpu.vector_load %arg4[%get3A_455, %get3A_456] {strides = array<i32>} : memref<16x1024xf32, #tpu.memory_space<vmem>>, vector<1x16xf32>,
        %get3A_458 = vector.shape_cast %get3A_457 : vector<1x16xf32> to vector<16xf32>
        %mul3A_459 = arith.constant 3.125000e-02 : f32
        %mul3A_460 = vector.broadcast %mul3A_459 : f32 to vector<16xf32>
        %mul3A_461 = arith.mulf %get3A_458, %mul3A_460 : vector<16xf32>
        %swap3A_462 = arith.index_cast %scan3A_416 : i32 to index
        %swap3A_463 = arith.index_cast %mul3A_454 : i32 to index
        %swap3A_464 = tpu.vector_load %arg4[%swap3A_462, %swap3A_463] {strides = array<i32>} : memref<16x1024xf32, #tpu.memory_space<vmem>>, vector<1x16xf32>,
        %swap3A_465 = vector.shape_cast %swap3A_464 : vector<1x16xf32> to vector<16xf32>
        %swap3A_466 = vector.shape_cast %mul3A_461 : vector<16xf32> to vector<1x16xf32>
        tpu.vector_store %arg4[%swap3A_462, %swap3A_463], %swap3A_466 {strides = array<i32>} : memref<16x1024xf32, #tpu.memory_space<vmem>>, vector<1x16xf32>,
        %scan3A_467 = arith.constant 3 : i32
        %scan3A_468 = arith.addi %scan3A_422, %scan3A_467 : i32
        %mul3A_469 = arith.constant 16 : i32
        %mul3A_470 = arith.muli %scan3A_468, %mul3A_469 : i32
        %get3A_471 = arith.index_cast %scan3A_416 : i32 to index
        %get3A_472 = arith.index_cast %mul3A_470 : i32 to index
        %get3A_473 = tpu.vector_load %arg4[%get3A_471, %get3A_472] {strides = array<i32>} : memref<16x1024xf32, #tpu.memory_space<vmem>>, vector<1x16xf32>,
        %get3A_474 = vector.shape_cast %get3A_473 : vector<1x16xf32> to vector<16xf32>
        %mul3A_475 = arith.constant 3.125000e-02 : f32
        %mul3A_476 = vector.broadcast %mul3A_475 : f32 to vector<16xf32>
        %mul3A_477 = arith.mulf %get3A_474, %mul3A_476 : vector<16xf32>
        %swap3A_478 = arith.index_cast %scan3A_416 : i32 to index
        %swap3A_479 = arith.index_cast %mul3A_470 : i32 to index
        %swap3A_480 = tpu.vector_load %arg4[%swap3A_478, %swap3A_479] {strides = array<i32>} : memref<16x1024xf32, #tpu.memory_space<vmem>>, vector<1x16xf32>,
        %swap3A_481 = vector.shape_cast %swap3A_480 : vector<1x16xf32> to vector<16xf32>
        %swap3A_482 = vector.shape_cast %mul3A_477 : vector<16xf32> to vector<1x16xf32>
        tpu.vector_store %arg4[%swap3A_478, %swap3A_479], %swap3A_482 {strides = array<i32>} : memref<16x1024xf32, #tpu.memory_space<vmem>>, vector<1x16xf32>,
        %scan3A_483 = arith.constant 4 : i32
        %scan3A_484 = arith.addi %scan3A_422, %scan3A_483 : i32
        %mul3A_485 = arith.constant 16 : i32
        %mul3A_486 = arith.muli %scan3A_484, %mul3A_485 : i32
        %get3A_487 = arith.index_cast %scan3A_416 : i32 to index
        %get3A_488 = arith.index_cast %mul3A_486 : i32 to index
        %get3A_489 = tpu.vector_load %arg4[%get3A_487, %get3A_488] {strides = array<i32>} : memref<16x1024xf32, #tpu.memory_space<vmem>>, vector<1x16xf32>,
        %get3A_490 = vector.shape_cast %get3A_489 : vector<1x16xf32> to vector<16xf32>
        %mul3A_491 = arith.constant 3.125000e-02 : f32
        %mul3A_492 = vector.broadcast %mul3A_491 : f32 to vector<16xf32>
        %mul3A_493 = arith.mulf %get3A_490, %mul3A_492 : vector<16xf32>
        %swap3A_494 = arith.index_cast %scan3A_416 : i32 to index
        %swap3A_495 = arith.index_cast %mul3A_486 : i32 to index
        %swap3A_496 = tpu.vector_load %arg4[%swap3A_494, %swap3A_495] {strides = array<i32>} : memref<16x1024xf32, #tpu.memory_space<vmem>>, vector<1x16xf32>,
        %swap3A_497 = vector.shape_cast %swap3A_496 : vector<1x16xf32> to vector<16xf32>
        %swap3A_498 = vector.shape_cast %mul3A_493 : vector<16xf32> to vector<1x16xf32>
        tpu.vector_store %arg4[%swap3A_494, %swap3A_495], %swap3A_498 {strides = array<i32>} : memref<16x1024xf32, #tpu.memory_space<vmem>>, vector<1x16xf32>,
        %scan3A_499 = arith.constant 5 : i32
        %scan3A_500 = arith.addi %scan3A_422, %scan3A_499 : i32
        %mul3A_501 = arith.constant 16 : i32
        %mul3A_502 = arith.muli %scan3A_500, %mul3A_501 : i32
        %get3A_503 = arith.index_cast %scan3A_416 : i32 to index
        %get3A_504 = arith.index_cast %mul3A_502 : i32 to index
        %get3A_505 = tpu.vector_load %arg4[%get3A_503, %get3A_504] {strides = array<i32>} : memref<16x1024xf32, #tpu.memory_space<vmem>>, vector<1x16xf32>,
        %get3A_506 = vector.shape_cast %get3A_505 : vector<1x16xf32> to vector<16xf32>
        %mul3A_507 = arith.constant 3.125000e-02 : f32
        %mul3A_508 = vector.broadcast %mul3A_507 : f32 to vector<16xf32>
        %mul3A_509 = arith.mulf %get3A_506, %mul3A_508 : vector<16xf32>
        %swap3A_510 = arith.index_cast %scan3A_416 : i32 to index
        %swap3A_511 = arith.index_cast %mul3A_502 : i32 to index
        %swap3A_512 = tpu.vector_load %arg4[%swap3A_510, %swap3A_511] {strides = array<i32>} : memref<16x1024xf32, #tpu.memory_space<vmem>>, vector<1x16xf32>,
        %swap3A_513 = vector.shape_cast %swap3A_512 : vector<1x16xf32> to vector<16xf32>
        %swap3A_514 = vector.shape_cast %mul3A_509 : vector<16xf32> to vector<1x16xf32>
        tpu.vector_store %arg4[%swap3A_510, %swap3A_511], %swap3A_514 {strides = array<i32>} : memref<16x1024xf32, #tpu.memory_space<vmem>>, vector<1x16xf32>,
        %scan3A_515 = arith.constant 6 : i32
        %scan3A_516 = arith.addi %scan3A_422, %scan3A_515 : i32
        %mul3A_517 = arith.constant 16 : i32
        %mul3A_518 = arith.muli %scan3A_516, %mul3A_517 : i32
        %get3A_519 = arith.index_cast %scan3A_416 : i32 to index
        %get3A_520 = arith.index_cast %mul3A_518 : i32 to index
        %get3A_521 = tpu.vector_load %arg4[%get3A_519, %get3A_520] {strides = array<i32>} : memref<16x1024xf32, #tpu.memory_space<vmem>>, vector<1x16xf32>,
        %get3A_522 = vector.shape_cast %get3A_521 : vector<1x16xf32> to vector<16xf32>
        %mul3A_523 = arith.constant 3.125000e-02 : f32
        %mul3A_524 = vector.broadcast %mul3A_523 : f32 to vector<16xf32>
        %mul3A_525 = arith.mulf %get3A_522, %mul3A_524 : vector<16xf32>
        %swap3A_526 = arith.index_cast %scan3A_416 : i32 to index
        %swap3A_527 = arith.index_cast %mul3A_518 : i32 to index
        %swap3A_528 = tpu.vector_load %arg4[%swap3A_526, %swap3A_527] {strides = array<i32>} : memref<16x1024xf32, #tpu.memory_space<vmem>>, vector<1x16xf32>,
        %swap3A_529 = vector.shape_cast %swap3A_528 : vector<1x16xf32> to vector<16xf32>
        %swap3A_530 = vector.shape_cast %mul3A_525 : vector<16xf32> to vector<1x16xf32>
        tpu.vector_store %arg4[%swap3A_526, %swap3A_527], %swap3A_530 {strides = array<i32>} : memref<16x1024xf32, #tpu.memory_space<vmem>>, vector<1x16xf32>,
        %scan3A_531 = arith.constant 7 : i32
        %scan3A_532 = arith.addi %scan3A_422, %scan3A_531 : i32
        %mul3A_533 = arith.constant 16 : i32
        %mul3A_534 = arith.muli %scan3A_532, %mul3A_533 : i32
        %get3A_535 = arith.index_cast %scan3A_416 : i32 to index
        %get3A_536 = arith.index_cast %mul3A_534 : i32 to index
        %get3A_537 = tpu.vector_load %arg4[%get3A_535, %get3A_536] {strides = array<i32>} : memref<16x1024xf32, #tpu.memory_space<vmem>>, vector<1x16xf32>,
        %get3A_538 = vector.shape_cast %get3A_537 : vector<1x16xf32> to vector<16xf32>
        %mul3A_539 = arith.constant 3.125000e-02 : f32
        %mul3A_540 = vector.broadcast %mul3A_539 : f32 to vector<16xf32>
        %mul3A_541 = arith.mulf %get3A_538, %mul3A_540 : vector<16xf32>
        %swap3A_542 = arith.index_cast %scan3A_416 : i32 to index
        %swap3A_543 = arith.index_cast %mul3A_534 : i32 to index
        %swap3A_544 = tpu.vector_load %arg4[%swap3A_542, %swap3A_543] {strides = array<i32>} : memref<16x1024xf32, #tpu.memory_space<vmem>>, vector<1x16xf32>,
        %swap3A_545 = vector.shape_cast %swap3A_544 : vector<1x16xf32> to vector<16xf32>
        %swap3A_546 = vector.shape_cast %mul3A_541 : vector<16xf32> to vector<1x16xf32>
        tpu.vector_store %arg4[%swap3A_542, %swap3A_543], %swap3A_546 {strides = array<i32>} : memref<16x1024xf32, #tpu.memory_space<vmem>>, vector<1x16xf32>,
        %scan3A_547 = arith.constant 8 : i32
        %scan3A_548 = arith.addi %scan3A_422, %scan3A_547 : i32
        %mul3A_549 = arith.constant 16 : i32
        %mul3A_550 = arith.muli %scan3A_548, %mul3A_549 : i32
        %get3A_551 = arith.index_cast %scan3A_416 : i32 to index
        %get3A_552 = arith.index_cast %mul3A_550 : i32 to index
        %get3A_553 = tpu.vector_load %arg4[%get3A_551, %get3A_552] {strides = array<i32>} : memref<16x1024xf32, #tpu.memory_space<vmem>>, vector<1x16xf32>,
        %get3A_554 = vector.shape_cast %get3A_553 : vector<1x16xf32> to vector<16xf32>
        %mul3A_555 = arith.constant 3.125000e-02 : f32
        %mul3A_556 = vector.broadcast %mul3A_555 : f32 to vector<16xf32>
        %mul3A_557 = arith.mulf %get3A_554, %mul3A_556 : vector<16xf32>
        %swap3A_558 = arith.index_cast %scan3A_416 : i32 to index
        %swap3A_559 = arith.index_cast %mul3A_550 : i32 to index
        %swap3A_560 = tpu.vector_load %arg4[%swap3A_558, %swap3A_559] {strides = array<i32>} : memref<16x1024xf32, #tpu.memory_space<vmem>>, vector<1x16xf32>,
        %swap3A_561 = vector.shape_cast %swap3A_560 : vector<1x16xf32> to vector<16xf32>
        %swap3A_562 = vector.shape_cast %mul3A_557 : vector<16xf32> to vector<1x16xf32>
        tpu.vector_store %arg4[%swap3A_558, %swap3A_559], %swap3A_562 {strides = array<i32>} : memref<16x1024xf32, #tpu.memory_space<vmem>>, vector<1x16xf32>,
        %scan3A_563 = arith.constant 9 : i32
        %scan3A_564 = arith.addi %scan3A_422, %scan3A_563 : i32
        %mul3A_565 = arith.constant 16 : i32
        %mul3A_566 = arith.muli %scan3A_564, %mul3A_565 : i32
        %get3A_567 = arith.index_cast %scan3A_416 : i32 to index
        %get3A_568 = arith.index_cast %mul3A_566 : i32 to index
        %get3A_569 = tpu.vector_load %arg4[%get3A_567, %get3A_568] {strides = array<i32>} : memref<16x1024xf32, #tpu.memory_space<vmem>>, vector<1x16xf32>,
        %get3A_570 = vector.shape_cast %get3A_569 : vector<1x16xf32> to vector<16xf32>
        %mul3A_571 = arith.constant 3.125000e-02 : f32
        %mul3A_572 = vector.broadcast %mul3A_571 : f32 to vector<16xf32>
        %mul3A_573 = arith.mulf %get3A_570, %mul3A_572 : vector<16xf32>
        %swap3A_574 = arith.index_cast %scan3A_416 : i32 to index
        %swap3A_575 = arith.index_cast %mul3A_566 : i32 to index
        %swap3A_576 = tpu.vector_load %arg4[%swap3A_574, %swap3A_575] {strides = array<i32>} : memref<16x1024xf32, #tpu.memory_space<vmem>>, vector<1x16xf32>,
        %swap3A_577 = vector.shape_cast %swap3A_576 : vector<1x16xf32> to vector<16xf32>
        %swap3A_578 = vector.shape_cast %mul3A_573 : vector<16xf32> to vector<1x16xf32>
        tpu.vector_store %arg4[%swap3A_574, %swap3A_575], %swap3A_578 {strides = array<i32>} : memref<16x1024xf32, #tpu.memory_space<vmem>>, vector<1x16xf32>,
        %scan3A_579 = arith.constant 10 : i32
        %scan3A_580 = arith.addi %scan3A_422, %scan3A_579 : i32
        %mul3A_581 = arith.constant 16 : i32
        %mul3A_582 = arith.muli %scan3A_580, %mul3A_581 : i32
        %get3A_583 = arith.index_cast %scan3A_416 : i32 to index
        %get3A_584 = arith.index_cast %mul3A_582 : i32 to index
        %get3A_585 = tpu.vector_load %arg4[%get3A_583, %get3A_584] {strides = array<i32>} : memref<16x1024xf32, #tpu.memory_space<vmem>>, vector<1x16xf32>,
        %get3A_586 = vector.shape_cast %get3A_585 : vector<1x16xf32> to vector<16xf32>
        %mul3A_587 = arith.constant 3.125000e-02 : f32
        %mul3A_588 = vector.broadcast %mul3A_587 : f32 to vector<16xf32>
        %mul3A_589 = arith.mulf %get3A_586, %mul3A_588 : vector<16xf32>
        %swap3A_590 = arith.index_cast %scan3A_416 : i32 to index
        %swap3A_591 = arith.index_cast %mul3A_582 : i32 to index
        %swap3A_592 = tpu.vector_load %arg4[%swap3A_590, %swap3A_591] {strides = array<i32>} : memref<16x1024xf32, #tpu.memory_space<vmem>>, vector<1x16xf32>,
        %swap3A_593 = vector.shape_cast %swap3A_592 : vector<1x16xf32> to vector<16xf32>
        %swap3A_594 = vector.shape_cast %mul3A_589 : vector<16xf32> to vector<1x16xf32>
        tpu.vector_store %arg4[%swap3A_590, %swap3A_591], %swap3A_594 {strides = array<i32>} : memref<16x1024xf32, #tpu.memory_space<vmem>>, vector<1x16xf32>,
        %scan3A_595 = arith.constant 11 : i32
        %scan3A_596 = arith.addi %scan3A_422, %scan3A_595 : i32
        %mul3A_597 = arith.constant 16 : i32
        %mul3A_598 = arith.muli %scan3A_596, %mul3A_597 : i32
        %get3A_599 = arith.index_cast %scan3A_416 : i32 to index
        %get3A_600 = arith.index_cast %mul3A_598 : i32 to index
        %get3A_601 = tpu.vector_load %arg4[%get3A_599, %get3A_600] {strides = array<i32>} : memref<16x1024xf32, #tpu.memory_space<vmem>>, vector<1x16xf32>,
        %get3A_602 = vector.shape_cast %get3A_601 : vector<1x16xf32> to vector<16xf32>
        %mul3A_603 = arith.constant 3.125000e-02 : f32
        %mul3A_604 = vector.broadcast %mul3A_603 : f32 to vector<16xf32>
        %mul3A_605 = arith.mulf %get3A_602, %mul3A_604 : vector<16xf32>
        %swap3A_606 = arith.index_cast %scan3A_416 : i32 to index
        %swap3A_607 = arith.index_cast %mul3A_598 : i32 to index
        %swap3A_608 = tpu.vector_load %arg4[%swap3A_606, %swap3A_607] {strides = array<i32>} : memref<16x1024xf32, #tpu.memory_space<vmem>>, vector<1x16xf32>,
        %swap3A_609 = vector.shape_cast %swap3A_608 : vector<1x16xf32> to vector<16xf32>
        %swap3A_610 = vector.shape_cast %mul3A_605 : vector<16xf32> to vector<1x16xf32>
        tpu.vector_store %arg4[%swap3A_606, %swap3A_607], %swap3A_610 {strides = array<i32>} : memref<16x1024xf32, #tpu.memory_space<vmem>>, vector<1x16xf32>,
        %scan3A_611 = arith.constant 12 : i32
        %scan3A_612 = arith.addi %scan3A_422, %scan3A_611 : i32
        %mul3A_613 = arith.constant 16 : i32
        %mul3A_614 = arith.muli %scan3A_612, %mul3A_613 : i32
        %get3A_615 = arith.index_cast %scan3A_416 : i32 to index
        %get3A_616 = arith.index_cast %mul3A_614 : i32 to index
        %get3A_617 = tpu.vector_load %arg4[%get3A_615, %get3A_616] {strides = array<i32>} : memref<16x1024xf32, #tpu.memory_space<vmem>>, vector<1x16xf32>,
        %get3A_618 = vector.shape_cast %get3A_617 : vector<1x16xf32> to vector<16xf32>
        %mul3A_619 = arith.constant 3.125000e-02 : f32
        %mul3A_620 = vector.broadcast %mul3A_619 : f32 to vector<16xf32>
        %mul3A_621 = arith.mulf %get3A_618, %mul3A_620 : vector<16xf32>
        %swap3A_622 = arith.index_cast %scan3A_416 : i32 to index
        %swap3A_623 = arith.index_cast %mul3A_614 : i32 to index
        %swap3A_624 = tpu.vector_load %arg4[%swap3A_622, %swap3A_623] {strides = array<i32>} : memref<16x1024xf32, #tpu.memory_space<vmem>>, vector<1x16xf32>,
        %swap3A_625 = vector.shape_cast %swap3A_624 : vector<1x16xf32> to vector<16xf32>
        %swap3A_626 = vector.shape_cast %mul3A_621 : vector<16xf32> to vector<1x16xf32>
        tpu.vector_store %arg4[%swap3A_622, %swap3A_623], %swap3A_626 {strides = array<i32>} : memref<16x1024xf32, #tpu.memory_space<vmem>>, vector<1x16xf32>,
        %scan3A_627 = arith.constant 13 : i32
        %scan3A_628 = arith.addi %scan3A_422, %scan3A_627 : i32
        %mul3A_629 = arith.constant 16 : i32
        %mul3A_630 = arith.muli %scan3A_628, %mul3A_629 : i32
        %get3A_631 = arith.index_cast %scan3A_416 : i32 to index
        %get3A_632 = arith.index_cast %mul3A_630 : i32 to index
        %get3A_633 = tpu.vector_load %arg4[%get3A_631, %get3A_632] {strides = array<i32>} : memref<16x1024xf32, #tpu.memory_space<vmem>>, vector<1x16xf32>,
        %get3A_634 = vector.shape_cast %get3A_633 : vector<1x16xf32> to vector<16xf32>
        %mul3A_635 = arith.constant 3.125000e-02 : f32
        %mul3A_636 = vector.broadcast %mul3A_635 : f32 to vector<16xf32>
        %mul3A_637 = arith.mulf %get3A_634, %mul3A_636 : vector<16xf32>
        %swap3A_638 = arith.index_cast %scan3A_416 : i32 to index
        %swap3A_639 = arith.index_cast %mul3A_630 : i32 to index
        %swap3A_640 = tpu.vector_load %arg4[%swap3A_638, %swap3A_639] {strides = array<i32>} : memref<16x1024xf32, #tpu.memory_space<vmem>>, vector<1x16xf32>,
        %swap3A_641 = vector.shape_cast %swap3A_640 : vector<1x16xf32> to vector<16xf32>
        %swap3A_642 = vector.shape_cast %mul3A_637 : vector<16xf32> to vector<1x16xf32>
        tpu.vector_store %arg4[%swap3A_638, %swap3A_639], %swap3A_642 {strides = array<i32>} : memref<16x1024xf32, #tpu.memory_space<vmem>>, vector<1x16xf32>,
        %scan3A_643 = arith.constant 14 : i32
        %scan3A_644 = arith.addi %scan3A_422, %scan3A_643 : i32
        %mul3A_645 = arith.constant 16 : i32
        %mul3A_646 = arith.muli %scan3A_644, %mul3A_645 : i32
        %get3A_647 = arith.index_cast %scan3A_416 : i32 to index
        %get3A_648 = arith.index_cast %mul3A_646 : i32 to index
        %get3A_649 = tpu.vector_load %arg4[%get3A_647, %get3A_648] {strides = array<i32>} : memref<16x1024xf32, #tpu.memory_space<vmem>>, vector<1x16xf32>,
        %get3A_650 = vector.shape_cast %get3A_649 : vector<1x16xf32> to vector<16xf32>
        %mul3A_651 = arith.constant 3.125000e-02 : f32
        %mul3A_652 = vector.broadcast %mul3A_651 : f32 to vector<16xf32>
        %mul3A_653 = arith.mulf %get3A_650, %mul3A_652 : vector<16xf32>
        %swap3A_654 = arith.index_cast %scan3A_416 : i32 to index
        %swap3A_655 = arith.index_cast %mul3A_646 : i32 to index
        %swap3A_656 = tpu.vector_load %arg4[%swap3A_654, %swap3A_655] {strides = array<i32>} : memref<16x1024xf32, #tpu.memory_space<vmem>>, vector<1x16xf32>,
        %swap3A_657 = vector.shape_cast %swap3A_656 : vector<1x16xf32> to vector<16xf32>
        %swap3A_658 = vector.shape_cast %mul3A_653 : vector<16xf32> to vector<1x16xf32>
        tpu.vector_store %arg4[%swap3A_654, %swap3A_655], %swap3A_658 {strides = array<i32>} : memref<16x1024xf32, #tpu.memory_space<vmem>>, vector<1x16xf32>,
        %scan3A_659 = arith.constant 15 : i32
        %scan3A_660 = arith.addi %scan3A_422, %scan3A_659 : i32
        %mul3A_661 = arith.constant 16 : i32
        %mul3A_662 = arith.muli %scan3A_660, %mul3A_661 : i32
        %get3A_663 = arith.index_cast %scan3A_416 : i32 to index
        %get3A_664 = arith.index_cast %mul3A_662 : i32 to index
        %get3A_665 = tpu.vector_load %arg4[%get3A_663, %get3A_664] {strides = array<i32>} : memref<16x1024xf32, #tpu.memory_space<vmem>>, vector<1x16xf32>,
        %get3A_666 = vector.shape_cast %get3A_665 : vector<1x16xf32> to vector<16xf32>
        %mul3A_667 = arith.constant 3.125000e-02 : f32
        %mul3A_668 = vector.broadcast %mul3A_667 : f32 to vector<16xf32>
        %mul3A_669 = arith.mulf %get3A_666, %mul3A_668 : vector<16xf32>
        %swap3A_670 = arith.index_cast %scan3A_416 : i32 to index
        %swap3A_671 = arith.index_cast %mul3A_662 : i32 to index
        %swap3A_672 = tpu.vector_load %arg4[%swap3A_670, %swap3A_671] {strides = array<i32>} : memref<16x1024xf32, #tpu.memory_space<vmem>>, vector<1x16xf32>,
        %swap3A_673 = vector.shape_cast %swap3A_672 : vector<1x16xf32> to vector<16xf32>
        %swap3A_674 = vector.shape_cast %mul3A_669 : vector<16xf32> to vector<1x16xf32>
        tpu.vector_store %arg4[%swap3A_670, %swap3A_671], %swap3A_674 {strides = array<i32>} : memref<16x1024xf32, #tpu.memory_space<vmem>>, vector<1x16xf32>,
      }
      %scan3A_421 = arith.constant 64 : i32
    }
    %scan3A_365 = arith.constant 16 : i32
    %add3A_366 = arith.constant 224 : i32
    %add3A_367 = arith.addi %mul3A_2, %add3A_366 : i32
    %dma_start3A_368 = arith.constant 0 : i32
    %dma_start3A_369 = tpu.memref_slice %arg3[%add3A_367, %dma_start3A_368] : memref<8192x1024xf32, #tpu.memory_space<hbm>> -> memref<16x1024xf32, #tpu.memory_space<hbm>>
    %dma_start3A_370 = arith.constant 0 : i32
    %dma_start3A_371 = tpu.memref_slice %arg3[%add3A_367, %dma_start3A_370] : memref<8192x1024xf32, #tpu.memory_space<hbm>> -> memref<16x1024xf32, #tpu.memory_space<hbm>>
    tpu.enqueue_dma source(%arg4 : memref<16x1024xf32, #tpu.memory_space<vmem>>) target(%dma_start3A_371 : memref<16x1024xf32, #tpu.memory_space<hbm>>) target_semaphore(%arg18 : memref<!tpu.dma_semaphore, #tpu.memory_space<semaphore_mem>>)
    %dma_wait3A_372 = arith.constant 0 : i32
    %dma_wait3A_373 = tpu.memref_slice %arg2[%add3A_319, %dma_wait3A_372] : memref<8192x1024xf32, #tpu.memory_space<hbm>> -> memref<16x1024xf32, #tpu.memory_space<hbm>>
    %dma_wait3A_374 = arith.constant 0 : i32
    %dma_wait3A_375 = tpu.memref_slice %arg2[%add3A_319, %dma_wait3A_374] : memref<8192x1024xf32, #tpu.memory_space<hbm>> -> memref<16x1024xf32, #tpu.memory_space<hbm>>
    tpu.wait_dma2 semaphore(%arg12 : memref<!tpu.dma_semaphore, #tpu.memory_space<semaphore_mem>>) src(%dma_wait3A_375 : memref<16x1024xf32, #tpu.memory_space<hbm>>) dst(%arg5 : memref<16x1024xf32, #tpu.memory_space<vmem>>)
    %scan3A_376 = arith.constant 0 : i32
    %scan3A_377 = arith.constant 0 : i32
    %scan3A_378 = arith.constant 16 : i32
    %scan3A_379 = arith.addi %scan3A_377, %scan3A_378 : i32
    %scan3A_380 = arith.constant 1 : i32
    scf.for %scan3A_416 = %scan3A_377 to %scan3A_379 step %scan3A_380  : i32 {
      %scan3A_417 = arith.constant 0 : i32
      %scan3A_418 = arith.constant 64 : i32
      %scan3A_419 = arith.addi %scan3A_417, %scan3A_418 : i32
      %scan3A_420 = arith.constant 16 : i32
      scf.for %scan3A_422 = %scan3A_417 to %scan3A_419 step %scan3A_420  : i32 {
        %mul3A_423 = arith.constant 16 : i32
        %mul3A_424 = arith.muli %scan3A_422, %mul3A_423 : i32
        %get3A = arith.index_cast %scan3A_416 : i32 to index
        %get3A_425 = arith.index_cast %mul3A_424 : i32 to index
        %get3A_426 = tpu.vector_load %arg5[%get3A, %get3A_425] {strides = array<i32>} : memref<16x1024xf32, #tpu.memory_space<vmem>>, vector<1x16xf32>,
        %get3A_427 = vector.shape_cast %get3A_426 : vector<1x16xf32> to vector<16xf32>
        %mul3A_428 = arith.constant 3.125000e-02 : f32
        %mul3A_429 = vector.broadcast %mul3A_428 : f32 to vector<16xf32>
        %mul3A_430 = arith.mulf %get3A_427, %mul3A_429 : vector<16xf32>
        %swap3A = arith.index_cast %scan3A_416 : i32 to index
        %swap3A_431 = arith.index_cast %mul3A_424 : i32 to index
        %swap3A_432 = tpu.vector_load %arg5[%swap3A, %swap3A_431] {strides = array<i32>} : memref<16x1024xf32, #tpu.memory_space<vmem>>, vector<1x16xf32>,
        %swap3A_433 = vector.shape_cast %swap3A_432 : vector<1x16xf32> to vector<16xf32>
        %swap3A_434 = vector.shape_cast %mul3A_430 : vector<16xf32> to vector<1x16xf32>
        tpu.vector_store %arg5[%swap3A, %swap3A_431], %swap3A_434 {strides = array<i32>} : memref<16x1024xf32, #tpu.memory_space<vmem>>, vector<1x16xf32>,
        %scan3A_435 = arith.constant 1 : i32
        %scan3A_436 = arith.addi %scan3A_422, %scan3A_435 : i32
        %mul3A_437 = arith.constant 16 : i32
        %mul3A_438 = arith.muli %scan3A_436, %mul3A_437 : i32
        %get3A_439 = arith.index_cast %scan3A_416 : i32 to index
        %get3A_440 = arith.index_cast %mul3A_438 : i32 to index
        %get3A_441 = tpu.vector_load %arg5[%get3A_439, %get3A_440] {strides = array<i32>} : memref<16x1024xf32, #tpu.memory_space<vmem>>, vector<1x16xf32>,
        %get3A_442 = vector.shape_cast %get3A_441 : vector<1x16xf32> to vector<16xf32>
        %mul3A_443 = arith.constant 3.125000e-02 : f32
        %mul3A_444 = vector.broadcast %mul3A_443 : f32 to vector<16xf32>
        %mul3A_445 = arith.mulf %get3A_442, %mul3A_444 : vector<16xf32>
        %swap3A_446 = arith.index_cast %scan3A_416 : i32 to index
        %swap3A_447 = arith.index_cast %mul3A_438 : i32 to index
        %swap3A_448 = tpu.vector_load %arg5[%swap3A_446, %swap3A_447] {strides = array<i32>} : memref<16x1024xf32, #tpu.memory_space<vmem>>, vector<1x16xf32>,
        %swap3A_449 = vector.shape_cast %swap3A_448 : vector<1x16xf32> to vector<16xf32>
        %swap3A_450 = vector.shape_cast %mul3A_445 : vector<16xf32> to vector<1x16xf32>
        tpu.vector_store %arg5[%swap3A_446, %swap3A_447], %swap3A_450 {strides = array<i32>} : memref<16x1024xf32, #tpu.memory_space<vmem>>, vector<1x16xf32>,
        %scan3A_451 = arith.constant 2 : i32
        %scan3A_452 = arith.addi %scan3A_422, %scan3A_451 : i32
        %mul3A_453 = arith.constant 16 : i32
        %mul3A_454 = arith.muli %scan3A_452, %mul3A_453 : i32
        %get3A_455 = arith.index_cast %scan3A_416 : i32 to index
        %get3A_456 = arith.index_cast %mul3A_454 : i32 to index
        %get3A_457 = tpu.vector_load %arg5[%get3A_455, %get3A_456] {strides = array<i32>} : memref<16x1024xf32, #tpu.memory_space<vmem>>, vector<1x16xf32>,
        %get3A_458 = vector.shape_cast %get3A_457 : vector<1x16xf32> to vector<16xf32>
        %mul3A_459 = arith.constant 3.125000e-02 : f32
        %mul3A_460 = vector.broadcast %mul3A_459 : f32 to vector<16xf32>
        %mul3A_461 = arith.mulf %get3A_458, %mul3A_460 : vector<16xf32>
        %swap3A_462 = arith.index_cast %scan3A_416 : i32 to index
        %swap3A_463 = arith.index_cast %mul3A_454 : i32 to index
        %swap3A_464 = tpu.vector_load %arg5[%swap3A_462, %swap3A_463] {strides = array<i32>} : memref<16x1024xf32, #tpu.memory_space<vmem>>, vector<1x16xf32>,
        %swap3A_465 = vector.shape_cast %swap3A_464 : vector<1x16xf32> to vector<16xf32>
        %swap3A_466 = vector.shape_cast %mul3A_461 : vector<16xf32> to vector<1x16xf32>
        tpu.vector_store %arg5[%swap3A_462, %swap3A_463], %swap3A_466 {strides = array<i32>} : memref<16x1024xf32, #tpu.memory_space<vmem>>, vector<1x16xf32>,
        %scan3A_467 = arith.constant 3 : i32
        %scan3A_468 = arith.addi %scan3A_422, %scan3A_467 : i32
        %mul3A_469 = arith.constant 16 : i32
        %mul3A_470 = arith.muli %scan3A_468, %mul3A_469 : i32
        %get3A_471 = arith.index_cast %scan3A_416 : i32 to index
        %get3A_472 = arith.index_cast %mul3A_470 : i32 to index
        %get3A_473 = tpu.vector_load %arg5[%get3A_471, %get3A_472] {strides = array<i32>} : memref<16x1024xf32, #tpu.memory_space<vmem>>, vector<1x16xf32>,
        %get3A_474 = vector.shape_cast %get3A_473 : vector<1x16xf32> to vector<16xf32>
        %mul3A_475 = arith.constant 3.125000e-02 : f32
        %mul3A_476 = vector.broadcast %mul3A_475 : f32 to vector<16xf32>
        %mul3A_477 = arith.mulf %get3A_474, %mul3A_476 : vector<16xf32>
        %swap3A_478 = arith.index_cast %scan3A_416 : i32 to index
        %swap3A_479 = arith.index_cast %mul3A_470 : i32 to index
        %swap3A_480 = tpu.vector_load %arg5[%swap3A_478, %swap3A_479] {strides = array<i32>} : memref<16x1024xf32, #tpu.memory_space<vmem>>, vector<1x16xf32>,
        %swap3A_481 = vector.shape_cast %swap3A_480 : vector<1x16xf32> to vector<16xf32>
        %swap3A_482 = vector.shape_cast %mul3A_477 : vector<16xf32> to vector<1x16xf32>
        tpu.vector_store %arg5[%swap3A_478, %swap3A_479], %swap3A_482 {strides = array<i32>} : memref<16x1024xf32, #tpu.memory_space<vmem>>, vector<1x16xf32>,
        %scan3A_483 = arith.constant 4 : i32
        %scan3A_484 = arith.addi %scan3A_422, %scan3A_483 : i32
        %mul3A_485 = arith.constant 16 : i32
        %mul3A_486 = arith.muli %scan3A_484, %mul3A_485 : i32
        %get3A_487 = arith.index_cast %scan3A_416 : i32 to index
        %get3A_488 = arith.index_cast %mul3A_486 : i32 to index
        %get3A_489 = tpu.vector_load %arg5[%get3A_487, %get3A_488] {strides = array<i32>} : memref<16x1024xf32, #tpu.memory_space<vmem>>, vector<1x16xf32>,
        %get3A_490 = vector.shape_cast %get3A_489 : vector<1x16xf32> to vector<16xf32>
        %mul3A_491 = arith.constant 3.125000e-02 : f32
        %mul3A_492 = vector.broadcast %mul3A_491 : f32 to vector<16xf32>
        %mul3A_493 = arith.mulf %get3A_490, %mul3A_492 : vector<16xf32>
        %swap3A_494 = arith.index_cast %scan3A_416 : i32 to index
        %swap3A_495 = arith.index_cast %mul3A_486 : i32 to index
        %swap3A_496 = tpu.vector_load %arg5[%swap3A_494, %swap3A_495] {strides = array<i32>} : memref<16x1024xf32, #tpu.memory_space<vmem>>, vector<1x16xf32>,
        %swap3A_497 = vector.shape_cast %swap3A_496 : vector<1x16xf32> to vector<16xf32>
        %swap3A_498 = vector.shape_cast %mul3A_493 : vector<16xf32> to vector<1x16xf32>
        tpu.vector_store %arg5[%swap3A_494, %swap3A_495], %swap3A_498 {strides = array<i32>} : memref<16x1024xf32, #tpu.memory_space<vmem>>, vector<1x16xf32>,
        %scan3A_499 = arith.constant 5 : i32
        %scan3A_500 = arith.addi %scan3A_422, %scan3A_499 : i32
        %mul3A_501 = arith.constant 16 : i32
        %mul3A_502 = arith.muli %scan3A_500, %mul3A_501 : i32
        %get3A_503 = arith.index_cast %scan3A_416 : i32 to index
        %get3A_504 = arith.index_cast %mul3A_502 : i32 to index
        %get3A_505 = tpu.vector_load %arg5[%get3A_503, %get3A_504] {strides = array<i32>} : memref<16x1024xf32, #tpu.memory_space<vmem>>, vector<1x16xf32>,
        %get3A_506 = vector.shape_cast %get3A_505 : vector<1x16xf32> to vector<16xf32>
        %mul3A_507 = arith.constant 3.125000e-02 : f32
        %mul3A_508 = vector.broadcast %mul3A_507 : f32 to vector<16xf32>
        %mul3A_509 = arith.mulf %get3A_506, %mul3A_508 : vector<16xf32>
        %swap3A_510 = arith.index_cast %scan3A_416 : i32 to index
        %swap3A_511 = arith.index_cast %mul3A_502 : i32 to index
        %swap3A_512 = tpu.vector_load %arg5[%swap3A_510, %swap3A_511] {strides = array<i32>} : memref<16x1024xf32, #tpu.memory_space<vmem>>, vector<1x16xf32>,
        %swap3A_513 = vector.shape_cast %swap3A_512 : vector<1x16xf32> to vector<16xf32>
        %swap3A_514 = vector.shape_cast %mul3A_509 : vector<16xf32> to vector<1x16xf32>
        tpu.vector_store %arg5[%swap3A_510, %swap3A_511], %swap3A_514 {strides = array<i32>} : memref<16x1024xf32, #tpu.memory_space<vmem>>, vector<1x16xf32>,
        %scan3A_515 = arith.constant 6 : i32
        %scan3A_516 = arith.addi %scan3A_422, %scan3A_515 : i32
        %mul3A_517 = arith.constant 16 : i32
        %mul3A_518 = arith.muli %scan3A_516, %mul3A_517 : i32
        %get3A_519 = arith.index_cast %scan3A_416 : i32 to index
        %get3A_520 = arith.index_cast %mul3A_518 : i32 to index
        %get3A_521 = tpu.vector_load %arg5[%get3A_519, %get3A_520] {strides = array<i32>} : memref<16x1024xf32, #tpu.memory_space<vmem>>, vector<1x16xf32>,
        %get3A_522 = vector.shape_cast %get3A_521 : vector<1x16xf32> to vector<16xf32>
        %mul3A_523 = arith.constant 3.125000e-02 : f32
        %mul3A_524 = vector.broadcast %mul3A_523 : f32 to vector<16xf32>
        %mul3A_525 = arith.mulf %get3A_522, %mul3A_524 : vector<16xf32>
        %swap3A_526 = arith.index_cast %scan3A_416 : i32 to index
        %swap3A_527 = arith.index_cast %mul3A_518 : i32 to index
        %swap3A_528 = tpu.vector_load %arg5[%swap3A_526, %swap3A_527] {strides = array<i32>} : memref<16x1024xf32, #tpu.memory_space<vmem>>, vector<1x16xf32>,
        %swap3A_529 = vector.shape_cast %swap3A_528 : vector<1x16xf32> to vector<16xf32>
        %swap3A_530 = vector.shape_cast %mul3A_525 : vector<16xf32> to vector<1x16xf32>
        tpu.vector_store %arg5[%swap3A_526, %swap3A_527], %swap3A_530 {strides = array<i32>} : memref<16x1024xf32, #tpu.memory_space<vmem>>, vector<1x16xf32>,
        %scan3A_531 = arith.constant 7 : i32
        %scan3A_532 = arith.addi %scan3A_422, %scan3A_531 : i32
        %mul3A_533 = arith.constant 16 : i32
        %mul3A_534 = arith.muli %scan3A_532, %mul3A_533 : i32
        %get3A_535 = arith.index_cast %scan3A_416 : i32 to index
        %get3A_536 = arith.index_cast %mul3A_534 : i32 to index
        %get3A_537 = tpu.vector_load %arg5[%get3A_535, %get3A_536] {strides = array<i32>} : memref<16x1024xf32, #tpu.memory_space<vmem>>, vector<1x16xf32>,
        %get3A_538 = vector.shape_cast %get3A_537 : vector<1x16xf32> to vector<16xf32>
        %mul3A_539 = arith.constant 3.125000e-02 : f32
        %mul3A_540 = vector.broadcast %mul3A_539 : f32 to vector<16xf32>
        %mul3A_541 = arith.mulf %get3A_538, %mul3A_540 : vector<16xf32>
        %swap3A_542 = arith.index_cast %scan3A_416 : i32 to index
        %swap3A_543 = arith.index_cast %mul3A_534 : i32 to index
        %swap3A_544 = tpu.vector_load %arg5[%swap3A_542, %swap3A_543] {strides = array<i32>} : memref<16x1024xf32, #tpu.memory_space<vmem>>, vector<1x16xf32>,
        %swap3A_545 = vector.shape_cast %swap3A_544 : vector<1x16xf32> to vector<16xf32>
        %swap3A_546 = vector.shape_cast %mul3A_541 : vector<16xf32> to vector<1x16xf32>
        tpu.vector_store %arg5[%swap3A_542, %swap3A_543], %swap3A_546 {strides = array<i32>} : memref<16x1024xf32, #tpu.memory_space<vmem>>, vector<1x16xf32>,
        %scan3A_547 = arith.constant 8 : i32
        %scan3A_548 = arith.addi %scan3A_422, %scan3A_547 : i32
        %mul3A_549 = arith.constant 16 : i32
        %mul3A_550 = arith.muli %scan3A_548, %mul3A_549 : i32
        %get3A_551 = arith.index_cast %scan3A_416 : i32 to index
        %get3A_552 = arith.index_cast %mul3A_550 : i32 to index
        %get3A_553 = tpu.vector_load %arg5[%get3A_551, %get3A_552] {strides = array<i32>} : memref<16x1024xf32, #tpu.memory_space<vmem>>, vector<1x16xf32>,
        %get3A_554 = vector.shape_cast %get3A_553 : vector<1x16xf32> to vector<16xf32>
        %mul3A_555 = arith.constant 3.125000e-02 : f32
        %mul3A_556 = vector.broadcast %mul3A_555 : f32 to vector<16xf32>
        %mul3A_557 = arith.mulf %get3A_554, %mul3A_556 : vector<16xf32>
        %swap3A_558 = arith.index_cast %scan3A_416 : i32 to index
        %swap3A_559 = arith.index_cast %mul3A_550 : i32 to index
        %swap3A_560 = tpu.vector_load %arg5[%swap3A_558, %swap3A_559] {strides = array<i32>} : memref<16x1024xf32, #tpu.memory_space<vmem>>, vector<1x16xf32>,
        %swap3A_561 = vector.shape_cast %swap3A_560 : vector<1x16xf32> to vector<16xf32>
        %swap3A_562 = vector.shape_cast %mul3A_557 : vector<16xf32> to vector<1x16xf32>
        tpu.vector_store %arg5[%swap3A_558, %swap3A_559], %swap3A_562 {strides = array<i32>} : memref<16x1024xf32, #tpu.memory_space<vmem>>, vector<1x16xf32>,
        %scan3A_563 = arith.constant 9 : i32
        %scan3A_564 = arith.addi %scan3A_422, %scan3A_563 : i32
        %mul3A_565 = arith.constant 16 : i32
        %mul3A_566 = arith.muli %scan3A_564, %mul3A_565 : i32
        %get3A_567 = arith.index_cast %scan3A_416 : i32 to index
        %get3A_568 = arith.index_cast %mul3A_566 : i32 to index
        %get3A_569 = tpu.vector_load %arg5[%get3A_567, %get3A_568] {strides = array<i32>} : memref<16x1024xf32, #tpu.memory_space<vmem>>, vector<1x16xf32>,
        %get3A_570 = vector.shape_cast %get3A_569 : vector<1x16xf32> to vector<16xf32>
        %mul3A_571 = arith.constant 3.125000e-02 : f32
        %mul3A_572 = vector.broadcast %mul3A_571 : f32 to vector<16xf32>
        %mul3A_573 = arith.mulf %get3A_570, %mul3A_572 : vector<16xf32>
        %swap3A_574 = arith.index_cast %scan3A_416 : i32 to index
        %swap3A_575 = arith.index_cast %mul3A_566 : i32 to index
        %swap3A_576 = tpu.vector_load %arg5[%swap3A_574, %swap3A_575] {strides = array<i32>} : memref<16x1024xf32, #tpu.memory_space<vmem>>, vector<1x16xf32>,
        %swap3A_577 = vector.shape_cast %swap3A_576 : vector<1x16xf32> to vector<16xf32>
        %swap3A_578 = vector.shape_cast %mul3A_573 : vector<16xf32> to vector<1x16xf32>
        tpu.vector_store %arg5[%swap3A_574, %swap3A_575], %swap3A_578 {strides = array<i32>} : memref<16x1024xf32, #tpu.memory_space<vmem>>, vector<1x16xf32>,
        %scan3A_579 = arith.constant 10 : i32
        %scan3A_580 = arith.addi %scan3A_422, %scan3A_579 : i32
        %mul3A_581 = arith.constant 16 : i32
        %mul3A_582 = arith.muli %scan3A_580, %mul3A_581 : i32
        %get3A_583 = arith.index_cast %scan3A_416 : i32 to index
        %get3A_584 = arith.index_cast %mul3A_582 : i32 to index
        %get3A_585 = tpu.vector_load %arg5[%get3A_583, %get3A_584] {strides = array<i32>} : memref<16x1024xf32, #tpu.memory_space<vmem>>, vector<1x16xf32>,
        %get3A_586 = vector.shape_cast %get3A_585 : vector<1x16xf32> to vector<16xf32>
        %mul3A_587 = arith.constant 3.125000e-02 : f32
        %mul3A_588 = vector.broadcast %mul3A_587 : f32 to vector<16xf32>
        %mul3A_589 = arith.mulf %get3A_586, %mul3A_588 : vector<16xf32>
        %swap3A_590 = arith.index_cast %scan3A_416 : i32 to index
        %swap3A_591 = arith.index_cast %mul3A_582 : i32 to index
        %swap3A_592 = tpu.vector_load %arg5[%swap3A_590, %swap3A_591] {strides = array<i32>} : memref<16x1024xf32, #tpu.memory_space<vmem>>, vector<1x16xf32>,
        %swap3A_593 = vector.shape_cast %swap3A_592 : vector<1x16xf32> to vector<16xf32>
        %swap3A_594 = vector.shape_cast %mul3A_589 : vector<16xf32> to vector<1x16xf32>
        tpu.vector_store %arg5[%swap3A_590, %swap3A_591], %swap3A_594 {strides = array<i32>} : memref<16x1024xf32, #tpu.memory_space<vmem>>, vector<1x16xf32>,
        %scan3A_595 = arith.constant 11 : i32
        %scan3A_596 = arith.addi %scan3A_422, %scan3A_595 : i32
        %mul3A_597 = arith.constant 16 : i32
        %mul3A_598 = arith.muli %scan3A_596, %mul3A_597 : i32
        %get3A_599 = arith.index_cast %scan3A_416 : i32 to index
        %get3A_600 = arith.index_cast %mul3A_598 : i32 to index
        %get3A_601 = tpu.vector_load %arg5[%get3A_599, %get3A_600] {strides = array<i32>} : memref<16x1024xf32, #tpu.memory_space<vmem>>, vector<1x16xf32>,
        %get3A_602 = vector.shape_cast %get3A_601 : vector<1x16xf32> to vector<16xf32>
        %mul3A_603 = arith.constant 3.125000e-02 : f32
        %mul3A_604 = vector.broadcast %mul3A_603 : f32 to vector<16xf32>
        %mul3A_605 = arith.mulf %get3A_602, %mul3A_604 : vector<16xf32>
        %swap3A_606 = arith.index_cast %scan3A_416 : i32 to index
        %swap3A_607 = arith.index_cast %mul3A_598 : i32 to index
        %swap3A_608 = tpu.vector_load %arg5[%swap3A_606, %swap3A_607] {strides = array<i32>} : memref<16x1024xf32, #tpu.memory_space<vmem>>, vector<1x16xf32>,
        %swap3A_609 = vector.shape_cast %swap3A_608 : vector<1x16xf32> to vector<16xf32>
        %swap3A_610 = vector.shape_cast %mul3A_605 : vector<16xf32> to vector<1x16xf32>
        tpu.vector_store %arg5[%swap3A_606, %swap3A_607], %swap3A_610 {strides = array<i32>} : memref<16x1024xf32, #tpu.memory_space<vmem>>, vector<1x16xf32>,
        %scan3A_611 = arith.constant 12 : i32
        %scan3A_612 = arith.addi %scan3A_422, %scan3A_611 : i32
        %mul3A_613 = arith.constant 16 : i32
        %mul3A_614 = arith.muli %scan3A_612, %mul3A_613 : i32
        %get3A_615 = arith.index_cast %scan3A_416 : i32 to index
        %get3A_616 = arith.index_cast %mul3A_614 : i32 to index
        %get3A_617 = tpu.vector_load %arg5[%get3A_615, %get3A_616] {strides = array<i32>} : memref<16x1024xf32, #tpu.memory_space<vmem>>, vector<1x16xf32>,
        %get3A_618 = vector.shape_cast %get3A_617 : vector<1x16xf32> to vector<16xf32>
        %mul3A_619 = arith.constant 3.125000e-02 : f32
        %mul3A_620 = vector.broadcast %mul3A_619 : f32 to vector<16xf32>
        %mul3A_621 = arith.mulf %get3A_618, %mul3A_620 : vector<16xf32>
        %swap3A_622 = arith.index_cast %scan3A_416 : i32 to index
        %swap3A_623 = arith.index_cast %mul3A_614 : i32 to index
        %swap3A_624 = tpu.vector_load %arg5[%swap3A_622, %swap3A_623] {strides = array<i32>} : memref<16x1024xf32, #tpu.memory_space<vmem>>, vector<1x16xf32>,
        %swap3A_625 = vector.shape_cast %swap3A_624 : vector<1x16xf32> to vector<16xf32>
        %swap3A_626 = vector.shape_cast %mul3A_621 : vector<16xf32> to vector<1x16xf32>
        tpu.vector_store %arg5[%swap3A_622, %swap3A_623], %swap3A_626 {strides = array<i32>} : memref<16x1024xf32, #tpu.memory_space<vmem>>, vector<1x16xf32>,
        %scan3A_627 = arith.constant 13 : i32
        %scan3A_628 = arith.addi %scan3A_422, %scan3A_627 : i32
        %mul3A_629 = arith.constant 16 : i32
        %mul3A_630 = arith.muli %scan3A_628, %mul3A_629 : i32
        %get3A_631 = arith.index_cast %scan3A_416 : i32 to index
        %get3A_632 = arith.index_cast %mul3A_630 : i32 to index
        %get3A_633 = tpu.vector_load %arg5[%get3A_631, %get3A_632] {strides = array<i32>} : memref<16x1024xf32, #tpu.memory_space<vmem>>, vector<1x16xf32>,
        %get3A_634 = vector.shape_cast %get3A_633 : vector<1x16xf32> to vector<16xf32>
        %mul3A_635 = arith.constant 3.125000e-02 : f32
        %mul3A_636 = vector.broadcast %mul3A_635 : f32 to vector<16xf32>
        %mul3A_637 = arith.mulf %get3A_634, %mul3A_636 : vector<16xf32>
        %swap3A_638 = arith.index_cast %scan3A_416 : i32 to index
        %swap3A_639 = arith.index_cast %mul3A_630 : i32 to index
        %swap3A_640 = tpu.vector_load %arg5[%swap3A_638, %swap3A_639] {strides = array<i32>} : memref<16x1024xf32, #tpu.memory_space<vmem>>, vector<1x16xf32>,
        %swap3A_641 = vector.shape_cast %swap3A_640 : vector<1x16xf32> to vector<16xf32>
        %swap3A_642 = vector.shape_cast %mul3A_637 : vector<16xf32> to vector<1x16xf32>
        tpu.vector_store %arg5[%swap3A_638, %swap3A_639], %swap3A_642 {strides = array<i32>} : memref<16x1024xf32, #tpu.memory_space<vmem>>, vector<1x16xf32>,
        %scan3A_643 = arith.constant 14 : i32
        %scan3A_644 = arith.addi %scan3A_422, %scan3A_643 : i32
        %mul3A_645 = arith.constant 16 : i32
        %mul3A_646 = arith.muli %scan3A_644, %mul3A_645 : i32
        %get3A_647 = arith.index_cast %scan3A_416 : i32 to index
        %get3A_648 = arith.index_cast %mul3A_646 : i32 to index
        %get3A_649 = tpu.vector_load %arg5[%get3A_647, %get3A_648] {strides = array<i32>} : memref<16x1024xf32, #tpu.memory_space<vmem>>, vector<1x16xf32>,
        %get3A_650 = vector.shape_cast %get3A_649 : vector<1x16xf32> to vector<16xf32>
        %mul3A_651 = arith.constant 3.125000e-02 : f32
        %mul3A_652 = vector.broadcast %mul3A_651 : f32 to vector<16xf32>
        %mul3A_653 = arith.mulf %get3A_650, %mul3A_652 : vector<16xf32>
        %swap3A_654 = arith.index_cast %scan3A_416 : i32 to index
        %swap3A_655 = arith.index_cast %mul3A_646 : i32 to index
        %swap3A_656 = tpu.vector_load %arg5[%swap3A_654, %swap3A_655] {strides = array<i32>} : memref<16x1024xf32, #tpu.memory_space<vmem>>, vector<1x16xf32>,
        %swap3A_657 = vector.shape_cast %swap3A_656 : vector<1x16xf32> to vector<16xf32>
        %swap3A_658 = vector.shape_cast %mul3A_653 : vector<16xf32> to vector<1x16xf32>
        tpu.vector_store %arg5[%swap3A_654, %swap3A_655], %swap3A_658 {strides = array<i32>} : memref<16x1024xf32, #tpu.memory_space<vmem>>, vector<1x16xf32>,
        %scan3A_659 = arith.constant 15 : i32
        %scan3A_660 = arith.addi %scan3A_422, %scan3A_659 : i32
        %mul3A_661 = arith.constant 16 : i32
        %mul3A_662 = arith.muli %scan3A_660, %mul3A_661 : i32
        %get3A_663 = arith.index_cast %scan3A_416 : i32 to index
        %get3A_664 = arith.index_cast %mul3A_662 : i32 to index
        %get3A_665 = tpu.vector_load %arg5[%get3A_663, %get3A_664] {strides = array<i32>} : memref<16x1024xf32, #tpu.memory_space<vmem>>, vector<1x16xf32>,
        %get3A_666 = vector.shape_cast %get3A_665 : vector<1x16xf32> to vector<16xf32>
        %mul3A_667 = arith.constant 3.125000e-02 : f32
        %mul3A_668 = vector.broadcast %mul3A_667 : f32 to vector<16xf32>
        %mul3A_669 = arith.mulf %get3A_666, %mul3A_668 : vector<16xf32>
        %swap3A_670 = arith.index_cast %scan3A_416 : i32 to index
        %swap3A_671 = arith.index_cast %mul3A_662 : i32 to index
        %swap3A_672 = tpu.vector_load %arg5[%swap3A_670, %swap3A_671] {strides = array<i32>} : memref<16x1024xf32, #tpu.memory_space<vmem>>, vector<1x16xf32>,
        %swap3A_673 = vector.shape_cast %swap3A_672 : vector<1x16xf32> to vector<16xf32>
        %swap3A_674 = vector.shape_cast %mul3A_669 : vector<16xf32> to vector<1x16xf32>
        tpu.vector_store %arg5[%swap3A_670, %swap3A_671], %swap3A_674 {strides = array<i32>} : memref<16x1024xf32, #tpu.memory_space<vmem>>, vector<1x16xf32>,
      }
      %scan3A_421 = arith.constant 64 : i32
    }
    %scan3A_381 = arith.constant 16 : i32
    %add3A_382 = arith.constant 240 : i32
    %add3A_383 = arith.addi %mul3A_2, %add3A_382 : i32
    %dma_start3A_384 = arith.constant 0 : i32
    %dma_start3A_385 = tpu.memref_slice %arg3[%add3A_383, %dma_start3A_384] : memref<8192x1024xf32, #tpu.memory_space<hbm>> -> memref<16x1024xf32, #tpu.memory_space<hbm>>
    %dma_start3A_386 = arith.constant 0 : i32
    %dma_start3A_387 = tpu.memref_slice %arg3[%add3A_383, %dma_start3A_386] : memref<8192x1024xf32, #tpu.memory_space<hbm>> -> memref<16x1024xf32, #tpu.memory_space<hbm>>
    tpu.enqueue_dma source(%arg5 : memref<16x1024xf32, #tpu.memory_space<vmem>>) target(%dma_start3A_387 : memref<16x1024xf32, #tpu.memory_space<hbm>>) target_semaphore(%arg19 : memref<!tpu.dma_semaphore, #tpu.memory_space<semaphore_mem>>)
    %dma_wait3A_388 = arith.constant 0 : i32
    %dma_wait3A_389 = tpu.memref_slice %arg3[%add3A_257, %dma_wait3A_388] : memref<8192x1024xf32, #tpu.memory_space<hbm>> -> memref<16x1024xf32, #tpu.memory_space<hbm>>
    %dma_wait3A_390 = arith.constant 0 : i32
    %dma_wait3A_391 = tpu.memref_slice %arg3[%add3A_257, %dma_wait3A_390] : memref<8192x1024xf32, #tpu.memory_space<hbm>> -> memref<16x1024xf32, #tpu.memory_space<hbm>>
    tpu.wait_dma2 semaphore(%arg20 : memref<!tpu.dma_semaphore, #tpu.memory_space<semaphore_mem>>) src(%arg6 : memref<16x1024xf32, #tpu.memory_space<vmem>>) dst(%dma_wait3A_391 : memref<16x1024xf32, #tpu.memory_space<hbm>>)
    %dma_wait3A_392 = arith.constant 0 : i32
    %dma_wait3A_393 = tpu.memref_slice %arg3[%add3A_283, %dma_wait3A_392] : memref<8192x1024xf32, #tpu.memory_space<hbm>> -> memref<16x1024xf32, #tpu.memory_space<hbm>>
    %dma_wait3A_394 = arith.constant 0 : i32
    %dma_wait3A_395 = tpu.memref_slice %arg3[%add3A_283, %dma_wait3A_394] : memref<8192x1024xf32, #tpu.memory_space<hbm>> -> memref<16x1024xf32, #tpu.memory_space<hbm>>
    tpu.wait_dma2 semaphore(%arg21 : memref<!tpu.dma_semaphore, #tpu.memory_space<semaphore_mem>>) src(%arg7 : memref<16x1024xf32, #tpu.memory_space<vmem>>) dst(%dma_wait3A_395 : memref<16x1024xf32, #tpu.memory_space<hbm>>)
    %dma_wait3A_396 = arith.constant 0 : i32
    %dma_wait3A_397 = tpu.memref_slice %arg3[%add3A_309, %dma_wait3A_396] : memref<8192x1024xf32, #tpu.memory_space<hbm>> -> memref<16x1024xf32, #tpu.memory_space<hbm>>
    %dma_wait3A_398 = arith.constant 0 : i32
    %dma_wait3A_399 = tpu.memref_slice %arg3[%add3A_309, %dma_wait3A_398] : memref<8192x1024xf32, #tpu.memory_space<hbm>> -> memref<16x1024xf32, #tpu.memory_space<hbm>>
    tpu.wait_dma2 semaphore(%arg22 : memref<!tpu.dma_semaphore, #tpu.memory_space<semaphore_mem>>) src(%arg8 : memref<16x1024xf32, #tpu.memory_space<vmem>>) dst(%dma_wait3A_399 : memref<16x1024xf32, #tpu.memory_space<hbm>>)
    %dma_wait3A_400 = arith.constant 0 : i32
    %dma_wait3A_401 = tpu.memref_slice %arg3[%add3A_335, %dma_wait3A_400] : memref<8192x1024xf32, #tpu.memory_space<hbm>> -> memref<16x1024xf32, #tpu.memory_space<hbm>>
    %dma_wait3A_402 = arith.constant 0 : i32
    %dma_wait3A_403 = tpu.memref_slice %arg3[%add3A_335, %dma_wait3A_402] : memref<8192x1024xf32, #tpu.memory_space<hbm>> -> memref<16x1024xf32, #tpu.memory_space<hbm>>
    tpu.wait_dma2 semaphore(%arg23 : memref<!tpu.dma_semaphore, #tpu.memory_space<semaphore_mem>>) src(%arg9 : memref<16x1024xf32, #tpu.memory_space<vmem>>) dst(%dma_wait3A_403 : memref<16x1024xf32, #tpu.memory_space<hbm>>)
    %dma_wait3A_404 = arith.constant 0 : i32
    %dma_wait3A_405 = tpu.memref_slice %arg3[%add3A_351, %dma_wait3A_404] : memref<8192x1024xf32, #tpu.memory_space<hbm>> -> memref<16x1024xf32, #tpu.memory_space<hbm>>
    %dma_wait3A_406 = arith.constant 0 : i32
    %dma_wait3A_407 = tpu.memref_slice %arg3[%add3A_351, %dma_wait3A_406] : memref<8192x1024xf32, #tpu.memory_space<hbm>> -> memref<16x1024xf32, #tpu.memory_space<hbm>>
    tpu.wait_dma2 semaphore(%arg24 : memref<!tpu.dma_semaphore, #tpu.memory_space<semaphore_mem>>) src(%arg10 : memref<16x1024xf32, #tpu.memory_space<vmem>>) dst(%dma_wait3A_407 : memref<16x1024xf32, #tpu.memory_space<hbm>>)
    %dma_wait3A_408 = arith.constant 0 : i32
    %dma_wait3A_409 = tpu.memref_slice %arg3[%add3A_367, %dma_wait3A_408] : memref<8192x1024xf32, #tpu.memory_space<hbm>> -> memref<16x1024xf32, #tpu.memory_space<hbm>>
    %dma_wait3A_410 = arith.constant 0 : i32
    %dma_wait3A_411 = tpu.memref_slice %arg3[%add3A_367, %dma_wait3A_410] : memref<8192x1024xf32, #tpu.memory_space<hbm>> -> memref<16x1024xf32, #tpu.memory_space<hbm>>
    tpu.wait_dma2 semaphore(%arg18 : memref<!tpu.dma_semaphore, #tpu.memory_space<semaphore_mem>>) src(%arg4 : memref<16x1024xf32, #tpu.memory_space<vmem>>) dst(%dma_wait3A_411 : memref<16x1024xf32, #tpu.memory_space<hbm>>)
    %dma_wait3A_412 = arith.constant 0 : i32
    %dma_wait3A_413 = tpu.memref_slice %arg3[%add3A_383, %dma_wait3A_412] : memref<8192x1024xf32, #tpu.memory_space<hbm>> -> memref<16x1024xf32, #tpu.memory_space<hbm>>
    %dma_wait3A_414 = arith.constant 0 : i32
    %dma_wait3A_415 = tpu.memref_slice %arg3[%add3A_383, %dma_wait3A_414] : memref<8192x1024xf32, #tpu.memory_space<hbm>> -> memref<16x1024xf32, #tpu.memory_space<hbm>>
    tpu.wait_dma2 semaphore(%arg19 : memref<!tpu.dma_semaphore, #tpu.memory_space<semaphore_mem>>) src(%arg5 : memref<16x1024xf32, #tpu.memory_space<vmem>>) dst(%dma_wait3A_415 : memref<16x1024xf32, #tpu.memory_space<hbm>>)
    return
  }
}

</mosaic_0001>

<sc_bundles>
// kernel: _scaled_copy.3.cloned.1.call-start
scs
__scs_entry_jumppad:
0x0: {  	(pc) =	sbr.rel $0x88, $3  }
0x1: {  	(tag) =	ssettag $0x0;
	lr =	simm.s32 $0x1  }
0x2: {  	[smem:$0x3FA0] =	sst lr;
	_ =	strace $0xD0000000  }
0x3: {  	_ = 	snop  }
0x4: {  	_ = 	snop  }
0x5: {  	_ = 	snop  }
0x6: {  	_ = 	snop  }
0x7: {  	_ = 	snop  }
__scs_overlays_trampoline_lowered:
0x8: {  	[smem:$0x3FAF] =	sst s0  }
0x9: {  	[smem:$0x3FB0] =	sst s1  }
0xa: {  	[smem:$0x3FB1] =	sst s2  }
0xb: {  	[smem:$0x3FB2] =	sst s3  }
0xc: {  	[smem:$0x3FB3] =	sst s4  }
0xd: {  	[smem:$0x3FB4] =	sst s5  }
0xe: {  	[smem:$0x3FB5] =	sst s6  }
0xf: {  	[smem:$0x3FB6] =	sst s7  }
0x10: {  	[smem:$0x3FB7] =	sst s8  }
0x11: {  	[smem:$0x3FB8] =	sst s9;
	s0 =	simm.s32 @!p0 $0x0  }
0x12: {  	s1 =	sld [smem:$0x3F9E];
	s0 =	simm.s32 @p0 $0x1  }
0x13: {  	[smem:$0x3FB9] =	sst s0;
	s0 =	simm.s32 @!p1 $0x0  }
0x14: {  	s2 =	sld [smem:$0x3F9D];
	s0 =	simm.s32 @p1 $0x1  }
0x15: {  	[smem:$0x3FBA] =	sst s0;
	s0 =	simm.s32 @!p2 $0x0  }
0x16: {  	s3 =	sld [smem:$0x3FDB];
	s0 =	simm.s32 @p2 $0x1  }
0x17: {  	s4 =	simm.s32 $0x1BF5;
	[smem:$0x3FBC] =	sst s0  }
0x18: {  	s0 =	sld [smem:$0x3F9F];
	_ =	swait.ge [sflag:s4], $0x0  }
0x19: {  	s7 =	sld [smem:$0x3FA0]  }
0x1a: {  	s8 =	sadd.s32 $0xFFFFE003, lr  }
0x1b: {  	s9 =	sadd.s32 $0xFFFFFEF7, lr;
	s5 =	simm.s32 $0xFFFFFFFF;
	p2 =	slt.u32 s8, $0xFFFFF086  }
0x1c: {  	p1 =	slt.u32 s9, $0xF7A;
	s5 =	simm.s32 @!p2 $0x0  }
0x1d: {  	s5 =	simm.s32 @p1 $0x1;
	p0 =	seq.s32 s7, s2  }
0x1e: {  	s7 =	smul.u32 @!p0 $0xF7A, s2;
	p2 =	seq.s32 @!p0 s5, $0x0  }
0x1f: {  	s9 =	smul.u32 $0xF7A, s1;
	s8 =	simm.s32 @!p0 $0x1BF5;
	p2 =	por !p2, p0  }
0x20: {  	[sflag:s8] =	ssyncset.s32 @!p0 $0xFFFFF086;
	s6 =	sadd.s32 @!p0 s3, s7;
	s7 =	simm.s32 @!p0 $0x108  }
0x21: {  	s3 =	sadd.s32 s3, s9;
	s6 =	sadd.s32 @!p0 $0x88, s6;
	s7 =	simm.s32 @p2 $0x1082  }
0x22: {  	[simem:s7], [sflag:s8] =	dma.local @!p0 [hbm:s6], $0xF7A  }
0x23: {  	s9 =	sor.u32 $0xD0000000, s2;
	s6 =	simm.s32 $0x108;
	_ =	swait.ge @!p0 [sflag:s8], $0x0  }
0x24: {  	s3 =	sadd.s32 $0x88, s3;
	s6 =	simm.s32 @!p1 $0x1082;
	[sflag:s4] =	ssyncset.s32 $0xFFFFF086  }
0x25: {  	[simem:s6], [sflag:s4] =	dma.local [hbm:s3], $0xF7A  }
0x26: {  	[smem:$0x3FA0] =	sst s1;
	(tag) =	ssettag s2;
	_ =	strace s9  }
0x27: {  	s1 =	sld [smem:$0x3FB0]  }
0x28: {  	s2 =	sld [smem:$0x3FB1]  }
0x29: {  	s4 =	sld [smem:$0x3FB3]  }
0x2a: {  	p0 =	seq.s32 s5, $0x0;
	s5 =	sld [smem:$0x3FB4]  }
0x2b: {  	s6 =	sld [smem:$0x3FB5]  }
0x2c: {  	s7 =	sld [smem:$0x3FB6]  }
0x2d: {  	s3 =	simm.s32 $0x108;
	s8 =	sld [smem:$0x3FB7]  }
0x2e: {  	s3 =	simm.s32 @!p0 $0x1082;
	s9 =	sld [smem:$0x3FB8]  }
0x2f: {  	lr =	sadd.s32 s0, s3;
	s0 =	sld [smem:$0x3FAF]  }
0x30: {  	s3 =	sld [smem:$0x3FB2]  }
0x31: {  	[smem:$0x3FBB] =	sst s10  }
0x32: {  	s10 =	sld [smem:$0x3FB9];
	_ =	sdelay $0x3  }
0x33: {  	p0 =	seq.s32 s10, $0x1;
	s10 =	sld [smem:$0x3FBB];
	_ =	sdelay $0x3  }
0x34: {  	[smem:$0x3FBB] =	sst s10  }
0x35: {  	s10 =	sld [smem:$0x3FBA];
	_ =	sdelay $0x3  }
0x36: {  	p1 =	seq.s32 s10, $0x1;
	s10 =	sld [smem:$0x3FBB];
	_ =	sdelay $0x3  }
0x37: {  	[smem:$0x3FBB] =	sst s10  }
0x38: {  	s10 =	sld [smem:$0x3FBC]  }
0x39: {  	_ = 	snop;
	(pc) =	sbr.ind lr, $3  }
0x3a: {  	_ = 	snop  }
0x3b: {  	_ = 	snop  }
0x3c: {  	p2 =	seq.s32 s10, $0x1;
	s10 =	sld [smem:$0x3FBB]  }
0x3d: {  	_ =	shalt  }
0x3e: {  	_ =	shalt  }
0x3f: {  	_ =	shalt  }
0x40: {  	_ =	shalt  }
0x41: {  	_ =	shalt  }
0x42: {  	_ =	shalt  }
0x43: {  	_ =	shalt  }
0x44: {  	_ =	shalt  }
0x45: {  	_ =	shalt  }
0x46: {  	_ =	shalt  }
0x47: {  	_ =	shalt  }
0x48: {  	_ =	shalt  }
0x49: {  	_ =	shalt  }
0x4a: {  	_ =	shalt  }
0x4b: {  	_ =	shalt  }
0x4c: {  	_ =	shalt  }
0x4d: {  	_ =	shalt  }
0x4e: {  	_ =	shalt  }
0x4f: {  	_ =	shalt  }
0x50: {  	_ =	shalt  }
0x51: {  	_ =	shalt  }
0x52: {  	_ =	shalt  }
0x53: {  	_ =	shalt  }
0x54: {  	_ =	shalt  }
0x55: {  	_ =	shalt  }
0x56: {  	_ =	shalt  }
0x57: {  	_ =	shalt  }
0x58: {  	_ =	shalt  }
0x59: {  	_ =	shalt  }
0x5a: {  	_ =	shalt  }
0x5b: {  	_ =	shalt  }
0x5c: {  	_ =	shalt  }
0x5d: {  	_ =	shalt  }
0x5e: {  	_ =	shalt  }
0x5f: {  	_ =	shalt  }
0x60: {  	_ =	shalt  }
0x61: {  	_ =	shalt  }
0x62: {  	_ =	shalt  }
0x63: {  	_ =	shalt  }
0x64: {  	_ =	shalt  }
0x65: {  	_ =	shalt  }
0x66: {  	_ =	shalt  }
0x67: {  	_ =	shalt  }
0x68: {  	_ =	shalt  }
0x69: {  	_ =	shalt  }
0x6a: {  	_ =	shalt  }
0x6b: {  	_ =	shalt  }
0x6c: {  	_ =	shalt  }
0x6d: {  	_ =	shalt  }
0x6e: {  	_ =	shalt  }
0x6f: {  	_ =	shalt  }
0x70: {  	_ =	shalt  }
0x71: {  	_ =	shalt  }
0x72: {  	_ =	shalt  }
0x73: {  	_ =	shalt  }
0x74: {  	_ =	shalt  }
0x75: {  	_ =	shalt  }
0x76: {  	_ =	shalt  }
0x77: {  	_ =	shalt  }
0x78: {  	_ =	shalt  }
0x79: {  	_ =	shalt  }
0x7a: {  	_ =	shalt  }
0x7b: {  	_ =	shalt  }
0x7c: {  	_ =	shalt  }
0x7d: {  	_ =	shalt  }
0x7e: {  	_ =	shalt  }
0x7f: {  	_ =	shalt  }
0x80: {  	_ =	shalt  }
0x81: {  	_ =	shalt  }
0x82: {  	_ =	shalt  }
0x83: {  	_ =	shalt  }
0x84: {  	_ =	shalt  }
0x85: {  	_ =	shalt  }
0x86: {  	_ =	shalt  }
0x87: {  	_ =	shalt  }
.Lfunc_end0:
.L_simem_size_0:
called_computation_lowered:
.L_overlay_start_0:
0x88: {  	s2 =	sld [smem:$0x3FD9]  }
0x89: {  	s3 =	sld [smem:$0x3FFE];
	_ =	sdelay $0x1  }
0x8a: {  	s1 =	srdreg.scid  }
0x8b: {  	s0 =	sand.u32 $0x1, s1  }
0x8c: {  	s18 =	sshll.u32 s0, $0xA;
	s2 =	sadd.s32 s3, s2  }
0x8d: {  	s2 =	sadd.s32 s2, s18  }
0x8e: {  	[smem:$0x3FC7] =	sst s2  }
0x8f: {  	_ = 	snop  }
0x90: {  	s2 =	sld [smem:$0x3FC9]  }
0x91: {  	s19 =	sld [smem:$0x3FD0];
	(tm) =	ssettm $0x1  }
0x92: {  	s4 =	sld [smem:$0x3FFB];
	_ =	sdelay $0x3  }
0x93: {  	_ =	strace s4  }
0x94: {  	s4 =	sld [smem:$0x3FFC];
	_ =	sdelay $0x3  }
0x95: {  	_ =	strace s4  }
0x96: {  	s4 =	sld [smem:$0x3FFD];
	_ =	sdelay $0x3  }
0x97: {  	_ =	strace s4  }
0x98: {  	_ =	strace $0x8FFFFFFF  }
0x99: {  	s20 =	sld [smem:$0x3FDB];
	_ =	sdelay $0x1  }
0x9a: {  	s5 =	simm.s32 $_scs_section_size  }
0x9b: {  	s6 =	simm.s32 $_size__tile_overlayer_lowered;
	s7 =	simm.s32 $_tile_overlayer_lowered  }
0x9c: {  	s23 =	simm.s32 $0x1BFF;
	s22 =	sshll.u32 s7, $0x1;
	s4 =	sadd.s32 s5, s20  }
0x9d: {  	s8 =	simm.s32 $0x0;
	s21 =	sshll.u32 s6, $0x1;
	s6 =	sadd.s32 s22, s4  }
0x9e: {  	[timem:s8], [sflag:s23] =	dma.local [hbm:s6], s21  }
0x9f: {  	_ =	swait.ge [sflag:s23], s21  }
0xa0: {  	s5 =	ssub.s32 $0x0, s21;
	[sflag:s23] =	ssyncset.done $0x0  }
0xa1: {  	[sflag:s23] =	ssyncadd.s32 s5;
	_ =	sdelay $0x1  }
0xa2: {  	s24 =	simm.s32 $0x1B8B  }
0xa3: {  	_ =	swait.ge [sflag:s24], $0x1  }
0xa4: {  	[sflag:s24] =	ssyncset.done $0x0  }
0xa5: {  	s25 =	simm.s32 $0x1B8E;
	[sflag:s24] =	ssyncadd.s32 $0xFFFFFFFF  }
0xa6: {  	s26 =	simm.s32 $execute0_lowered;
	[smem:$0x3FD2] =	sst s25  }
0xa7: {  	s5 =	sshll.u32 s26, $0x1;
	_ =	strace $0x80000046;
	[dreg:$0x1] =	wrdreg $0xFFFFFFFF  }
0xa8: {  	s28 =	simm.s32 $_size_execute0_lowered;
	s4 =	sadd.s32 s4, s5;
	[dreg:$0x0] =	wrdreg $0x0  }
0xa9: {  	s5 =	sshll.u32 s28, $0x1;
	[dreg:$0x2] =	wrdreg s4  }
0xaa: {  	[dreg:$0x3] =	wrdreg s5  }
0xab: {  	[dreg:$0x4] =	wrdreg $0xC0  }
0xac: {  	_ =	task [dreg:s8], $0x5FFFF  }
0xad: {  	[dreg:$0x1] =	wrdreg $0xFFFFFFFF  }
0xae: {  	[dreg:$0x0] =	wrdreg $0x60  }
0xaf: {  	[dreg:$0x2] =	wrdreg s2  }
0xb0: {  	[dreg:$0x3] =	wrdreg s19  }
0xb1: {  	[dreg:$0x4] =	wrdreg $0x9  }
0xb2: {  	_ =	task.clear_ibuf [dreg:s8], $0x5FFFF;
	_ =	strace $0x90000046  }
0xb3: {  	s29 =	simm.s32 $0x9;
	_ =	strace $0x80000048  }
0xb4: {  	_ =	swait.ge [sflag:s29], $0x1  }
0xb5: {  	[sflag:s29] =	ssyncadd.s32 $0xFFFFFFFF  }
0xb6: {  	_ =	strace $0x90000048  }
0xb7: {  	_ =	sfence  }
0xb8: {  	s30 =	sld [smem:$0x0];
	_ =	sdelay $0x2  }
0xb9: {  	s31 =	sshll.u32 s1, $0xD;
	s1 =	sshrl.u32 s1, $0x2  }
0xba: {  	s3 =	sand.u32 $0x4000, s31;
	s1 =	sadd.s32 s1, s30  }
0xbb: {  	s0 =	sor.u32 s3, s0;
	s1 =	sshll.u32 s1, $0x11  }
0xbc: {  	s0 =	sor.u32 s1, s0  }
0xbd: {  	s0 =	sadd.s32 $0x8F2B, s0  }
0xbe: {  	[sflag:s0] =	ssyncadd.remote.s32 $0x1  }
0xbf: {  	_ =	sfence.sel $0xFFFF  }
0xc0: {  	[dreg:$0x0] =	wrdreg $0xFFFFFFFF;
	(pc) =	sbr.abs _section_cstart, $3  }
0xc1: {  	[dreg:$0x1] =	wrdreg $0xFFFFFFFF  }
0xc2: {  	_ =	task.clear_ibuf [dreg:s8], $0x2FFFF;
	_ =	strace $0x9FFFFFFF  }
0xc3: {  	(tm) =	ssettm $0x7FFFFFFF  }
tec
execute0_lowered:
.L_overlay_start_1:
0x0: {  	(tag) =	ssettag $0x1  }
0x1: {  	s2 =	srdreg.scid  }
0x2: {  	s5 =	stileid.u32;
	s2 =	sand.u32 $0x1, s2  }
0x3: {  	s5 =	sshll.u32 s5, $0x10;
	s4 =	ssub.s32 $0x2, s2;
	s2 =	sshll.u32 s2, $0xF  }
0x4: {  	s0 =	rddreg [dreg:$0x0];
	s2 =	sor.u32 s2, s5  }
0x5: {  	s3 =	rddreg [dreg:$0x1];
	s1 =	simm.s32 $0x0;
	s5 =	sor.u32 $0x800, s2  }
0x6: {  	[smem:$0x7FF] =	sst s1;
	s20 =	sor.u32 $0x1000, s2;
	s7 =	sadd.s32 s0, s5  }
0x7: {  	s22 =	sor.u32 $0x1800, s2;
	s21 =	sadd.s32 s0, s20;
	[dreg:$0x3] =	wrdreg s7  }
0x8: {  	s23 =	sor.u32 $0x2000, s2;
	s8 =	sadd.s32 s0, s22;
	[dreg:$0x4] =	wrdreg s21  }
0x9: {  	s6 =	sshrl.u32 s4, $0x1;
	s10 =	sadd.s32 s0, s23;
	[dreg:$0x5] =	wrdreg s8  }
0xa: {  	s9 =	sor.u32 $0x2800, s2;
	s5 =	sadd.s32 s3, s5;
	[dreg:$0x6] =	wrdreg s10  }
0xb: {  	s4 =	ssub.s32 s4, s6;
	s24 =	sadd.s32 s0, s9;
	[dreg:$0x7] =	wrdreg s5  }
0xc: {  	s26 =	sor.u32 $0x3000, s2;
	s25 =	sadd.s32 s3, s20;
	[dreg:$0x8] =	wrdreg s24  }
0xd: {  	s28 =	sor.u32 $0x3800, s2;
	s29 =	sadd.s32 s0, s26;
	[dreg:$0x9] =	wrdreg s25  }
0xe: {  	s11 =	sor.u32 $0x4800, s2;
	s30 =	sadd.s32 s0, s28;
	[dreg:$0xa] =	wrdreg s29  }
0xf: {  	s14 =	sor.u32 $0x5000, s2;
	s31 =	sadd.s32 s3, s23;
	[dreg:$0xc] =	wrdreg s30  }
0x10: {  	s15 =	sor.u32 $0x5800, s2;
	s9 =	sadd.s32 s3, s9;
	[dreg:$0xd] =	wrdreg s31  }
0x11: {  	s13 =	sadd.s32 s0, s11;
	s6 =	sadd.s32 s3, s28;
	[dreg:$0xf] =	wrdreg s9  }
0x12: {  	s16 =	sadd.s32 s3, s11;
	s17 =	sadd.s32 s0, s14;
	[dreg:$0x10] =	wrdreg s13  }
0x13: {  	s18 =	sadd.s32 s0, s15;
	s19 =	sadd.s32 s3, s15;
	[dreg:$0x12] =	wrdreg s6  }
0x14: {  	s20 =	sadd.s32 s0, s2;
	s23 =	sor.u32 $0x6800, s2;
	[dreg:$0x14] =	wrdreg s16  }
0x15: {  	s4 =	smax.u32 s4, $0x1;
	s11 =	simm.s32 $0x14000;
	[dreg:$0x15] =	wrdreg s17  }
0x16: {  	s15 =	simm.s32 $0x8;
	s7 =	sadd.s32 s3, s22;
	[dreg:$0x17] =	wrdreg s18  }
0x17: {  	s8 =	sor.u32 $0x4000, s2;
	s5 =	sadd.s32 s3, s26;
	[dreg:$0x18] =	wrdreg s19  }
0x18: {  	[dreg:$0x19] =	wrdreg s20;
	s21 =	sadd.s32 s3, s2;
	s22 =	sor.u32 $0x6000, s2  }
0x19: {  	s24 =	sor.u32 $0x7000, s2;
	s25 =	sor.u32 $0x7800, s2;
	s28 =	sadd.s32 s0, s23  }
0x1a: {  	s31 =	sadd.s32 s3, s23;
	s6 =	simm.s32 $0x8000;
	s9 =	simm.s32 $0x10000  }
0x1b: {  	s10 =	simm.s32 $0x2;
	s13 =	simm.s32 $0x18000;
	[dreg:$0xb] =	wrdreg s7  }
0x1c: {  	s16 =	simm.s32 $0x5;
	s17 =	simm.s32 $0x9;
	[dreg:$0x11] =	wrdreg s5  }
0x1d: {  	s18 =	simm.s32 $0x6;
	s19 =	simm.s32 $0xA;
	[dreg:$0x1a] =	wrdreg s21  }
0x1e: {  	s20 =	simm.s32 $0x7;
	s23 =	simm.s32 $0xD;
	[dreg:$0x1c] =	wrdreg s28  }
0x1f: {  	s12 =	sadd.s32 s0, s8;
	s7 =	sadd.s32 s3, s8;
	[smem:$0x7FD] =	sst s31  }
0x20: {  	s5 =	sadd.s32 s3, s14;
	s26 =	sadd.s32 s0, s22;
	[dreg:$0xe] =	wrdreg s12  }
0x21: {  	s29 =	sadd.s32 s0, s24;
	s0 =	sadd.s32 s0, s25;
	[dreg:$0x13] =	wrdreg s7  }
0x22: {  	s30 =	sadd.s32 s3, s22;
	s2 =	sadd.s32 s3, s24;
	[dreg:$0x16] =	wrdreg s5  }
0x23: {  	s3 =	sadd.s32 s3, s25;
	s8 =	simm.s32 $0x1;
	[dreg:$0x1b] =	wrdreg s26  }
0x24: {  	s14 =	simm.s32 $0x4;
	s21 =	simm.s32 $0xB;
	[dreg:$0x1d] =	wrdreg s29  }
0x25: {  	s22 =	simm.s32 $0xC;
	s24 =	simm.s32 $0xE;
	[dreg:$0x1e] =	wrdreg s0  }
0x26: {  	s25 =	simm.s32 $0x0;
	[dreg:$0x1f] =	wrdreg s30;
	s5 =	simm.s32 $0x4000  }
0x27: {  	s7 =	simm.s32 $0xC000;
	s12 =	simm.s32 $0x3;
	_ =	strace $0x80000047  }
.LBB2_1:
0x28: {  	s0 =	rddreg [dreg:$0x19]  }
0x29: {  	[tilespmem:s1], [sflag:$0x1] =	stream.linear.gather [hbm4b:s0+s1], $0x4000, $0x38;
	[tilespmem:$0x1C000] =	vst v63  }
0x2a: {  	s26 =	rddreg [dreg:$0x3]  }
0x2b: {  	[tilespmem:s5], [sflag:$0x2] =	stream.linear.gather [hbm4b:s26+s1], $0x4000, $0x38;
	[tilespmem:$0x1C000] =	vst v63  }
0x2c: {  	s28 =	rddreg [dreg:$0x4]  }
0x2d: {  	[tilespmem:s6], [sflag:$0x3] =	stream.linear.gather [hbm4b:s28+s1], $0x4000, $0x38;
	[tilespmem:$0x1C000] =	vst v63  }
0x2e: {  	s31 =	rddreg [dreg:$0x5]  }
0x2f: {  	[tilespmem:s7], [sflag:$0x4] =	stream.linear.gather [hbm4b:s31+s1], $0x4000, $0x38;
	[tilespmem:$0x1C000] =	vst v63  }
0x30: {  	_ =	swait.ge [sflag:s8], $0x4000  }
0x31: {  	s29 =	simm.s32 $0x0;
	[sflag:s8] =	ssyncset.done $0x0  }
0x32: {  	s30 =	simm.s32 $0x0;
	s26 =	simm.s32 $0x0;
	[sflag:s8] =	ssyncadd.s32 $0xFFFFC000  }
.LBB2_2:
0x33: {  	s0 =	sshll.u32 s29, $0x2;
	s28 =	sand.u32 $0x7, s26  }
0x34: {  	s0 =	sand.u32 $0xFFFF8000, s0;
	s28 =	sshll.u32 s28, $0x9  }
0x35: {  	s0 =	sor.u32 s28, s0  }
0x36: {  	s0 =	sshrl.u32 s0, $0x2  }
0x37: {  	s31 =	sor.u32 $0x400, s0  }
0x38: {  	v1 =	vld [tilespmem:s31+$0x20]  }
0x39: {  	v2 =	vld [tilespmem:s31+$0xFFFFFC40]  }
0x3a: {  	v3 =	vld [tilespmem:s31+$0x60]  }
0x3b: {  	v4 =	vld [tilespmem:s31+$0x50]  }
0x3c: {  	v5 =	vld [tilespmem:s31+$0xFFFFFC20]  }
0x3d: {  	v0 =	vld [tilespmem:s31+$0x10]  }
0x3e: {  	v8 =	vld [tilespmem:s31+$0x40]  }
0x3f: {  	v7 =	vld [tilespmem:s31+$0xFFFFFC10]  }
0x40: {  	v9 =	vld [tilespmem:s31+$0xFFFFFC00];
	v1 =	vmul.f32 $3.125000000e-02, v1  }
0x41: {  	v11 =	vld [tilespmem:s31+$0xFFFFFC50];
	v4 =	vmul.f32 $3.125000000e-02, v4  }
0x42: {  	v10 =	vld [tilespmem:s31+$0x30];
	v12 =	vmul.f32 $3.125000000e-02, v5;
	[tilespmem:s31+$0x20] =	vst v1  }
0x43: {  	v6 =	vld [tilespmem:s31+$0x70];
	v13 =	vmul.f32 $3.125000000e-02, v8;
	[tilespmem:s31+$0x50] =	vst v4  }
0x44: {  	v1 =	vmul.f32 $3.125000000e-02, v2;
	v2 =	vmul.f32 $3.125000000e-02, v3;
	v3 =	vld [tilespmem:s31+$0x0];
	[tilespmem:s31+$0xFFFFFC20] =	vst v12  }
0x45: {  	v4 =	vld [tilespmem:s31+$0xFFFFFC70];
	[tilespmem:s31+$0x40] =	vst v13  }
0x46: {  	v8 =	vmul.f32 $3.125000000e-02, v9;
	v5 =	vld [tilespmem:s31+$0xFFFFFC60];
	v9 =	vmul.f32 $3.125000000e-02, v11;
	[tilespmem:s31+$0xFFFFFC40] =	vst v1  }
0x47: {  	s28 =	simm.s32 $0x0;
	s0 =	sadd.s32 $0x800, s31;
	[tilespmem:s31+$0x60] =	vst v2;
	v1 =	vmul.f32 $3.125000000e-02, v7;
	v7 =	vld [tilespmem:s31+$0xFFFFFC30];
	v2 =	vmul.f32 $3.125000000e-02, v10  }
.LBB2_3:
0x48: {  	v10 =	vld [tilespmem:s0+$0x20];
	s28 =	sadd.s32 $0x10, s28;
	[tilespmem:s31+$0xFFFFFC00] =	vst v8;
	v0 =	vmul.f32 $3.125000000e-02, v0;
	v6 =	vmul.f32 $3.125000000e-02, v6  }
0x49: {  	v8 =	vld [tilespmem:s0+$0xFFFFFC40];
	p0 =	slt.u32 s28, $0x30;
	[tilespmem:s31+$0xFFFFFC50] =	vst v9;
	v3 =	vmul.f32 $3.125000000e-02, v3  }
0x4a: {  	v9 =	vld [tilespmem:s0+$0x60];
	v4 =	vmul.f32 $3.125000000e-02, v4;
	[tilespmem:s31+$0x70] =	vst v6  }
0x4b: {  	v11 =	vld [tilespmem:s0+$0xFFFFFC20];
	v5 =	vmul.f32 $3.125000000e-02, v5;
	[tilespmem:s31+$0x0] =	vst v3  }
0x4c: {  	v3 =	vld [tilespmem:s0+$0x50];
	v6 =	vmul.f32 $3.125000000e-02, v7;
	[tilespmem:s31+$0x10] =	vst v0  }
0x4d: {  	v0 =	vld [tilespmem:s0+$0x10];
	v7 =	vmul.f32 $3.125000000e-02, v10;
	[tilespmem:s31+$0xFFFFFC10] =	vst v1  }
0x4e: {  	v1 =	vld [tilespmem:s0+$0xFFFFFC10];
	[tilespmem:s31+$0xFFFFFC30] =	vst v6  }
0x4f: {  	v10 =	vld [tilespmem:s0+$0x40];
	v9 =	vmul.f32 $3.125000000e-02, v9;
	[tilespmem:s31+$0x30] =	vst v2  }
0x50: {  	v2 =	vld [tilespmem:s0+$0xFFFFFC00];
	[tilespmem:s31+$0xFFFFFC70] =	vst v4  }
0x51: {  	v12 =	vld [tilespmem:s0+$0x30];
	v3 =	vmul.f32 $3.125000000e-02, v3;
	[tilespmem:s31+$0xFFFFFC60] =	vst v5;
	s31 =	smov.u32 s0  }
0x52: {  	v13 =	vld [tilespmem:s0+$0xFFFFFC50];
	[tilespmem:s0+$0x20] =	vst v7  }
.Ltmp0:
0x53: {  	v4 =	vmul.f32 $3.125000000e-02, v8;
	[tilespmem:s0+$0x50] =	vst v3;
	v6 =	vld [tilespmem:s0+$0x70];
	(pc) =	sbr.rel @p0 .LBB2_3-.Ltmp0, $4  }
0x54: {  	v3 =	vld [tilespmem:s0+$0x0];
	v7 =	vmul.f32 $3.125000000e-02, v10;
	[tilespmem:s0+$0x60] =	vst v9  }
0x55: {  	v9 =	vmul.f32 $3.125000000e-02, v11;
	[tilespmem:s0+$0xFFFFFC40] =	vst v4;
	v4 =	vld [tilespmem:s0+$0xFFFFFC70]  }
0x56: {  	v1 =	vmul.f32 $3.125000000e-02, v1;
	v8 =	vmul.f32 $3.125000000e-02, v2;
	v5 =	vld [tilespmem:s0+$0xFFFFFC60];
	[tilespmem:s0+$0x40] =	vst v7  }
0x57: {  	v2 =	vmul.f32 $3.125000000e-02, v12;
	s0 =	sadd.s32 $0x800, s0;
	[tilespmem:s31+$0xFFFFFC20] =	vst v9;
	v7 =	vld [tilespmem:s31+$0xFFFFFC30];
	v9 =	vmul.f32 $3.125000000e-02, v13  }
0x58: {  	[tilespmem:s31+$0xFFFFFC00] =	vst v8  }
0x59: {  	[tilespmem:s31+$0xFFFFFC10] =	vst v1  }
0x5a: {  	v6 =	vmul.f32 $3.125000000e-02, v6;
	[tilespmem:s31+$0xFFFFFC50] =	vst v9  }
0x5b: {  	v0 =	vmul.f32 $3.125000000e-02, v0;
	s30 =	sadd.s32 $0x1, s30;
	[tilespmem:s31+$0x30] =	vst v2  }
0x5c: {  	v3 =	vmul.f32 $3.125000000e-02, v3;
	p0 =	sne.s32 s30, $0x10;
	[tilespmem:s31+$0x70] =	vst v6  }
.Ltmp1:
0x5d: {  	[tilespmem:s31+$0x10] =	vst v0;
	v62 =	vmul.f32 $3.125000000e-02, v4;
	(pc) =	sbr.rel @p0 .LBB2_2-.Ltmp1, $4  }
0x5e: {  	[tilespmem:s31+$0x0] =	vst v3;
	v63 =	vmul.f32 $3.125000000e-02, v5  }
0x5f: {  	v61 =	vmul.f32 $3.125000000e-02, v7;
	[tilespmem:s31+$0xFFFFFC70] =	vst v62  }
0x60: {  	[tilespmem:s31+$0xFFFFFC60] =	vst v63  }
0x61: {  	s29 =	sadd.s32 $0x400, s29;
	s26 =	sadd.s32 $0x1, s26;
	[tilespmem:s31+$0xFFFFFC30] =	vst v61  }
0x62: {  	s26 =	simm.s32 $0x0;
	s0 =	rddreg [dreg:$0x1a]  }
0x63: {  	[hbm4b:s0+s26] =	stream.linear.scatter [tilespmem:s26], [sflag:$0x8], $0x4000, $0x38;
	[tilespmem:$0x1C000] =	vst v63  }
0x64: {  	s31 =	rddreg [dreg:$0x6]  }
0x65: {  	[tilespmem:s9], [sflag:$0x5] =	stream.linear.gather [hbm4b:s31+s26], $0x4000, $0x38;
	[tilespmem:$0x1C000] =	vst v63  }
0x66: {  	_ =	swait.ge [sflag:s10], $0x4000  }
0x67: {  	[sflag:s10] =	ssyncset.done $0x0  }
0x68: {  	s29 =	simm.s32 $0x0;
	s30 =	simm.s32 $0x0;
	[sflag:s10] =	ssyncadd.s32 $0xFFFFC000  }
.LBB2_6:
0x69: {  	s0 =	sshll.u32 s29, $0x2;
	s28 =	sand.u32 $0x7, s26  }
0x6a: {  	s0 =	sand.u32 $0xFFFF8000, s0;
	s28 =	sshll.u32 s28, $0x9  }
0x6b: {  	s0 =	sor.u32 s28, s0  }
0x6c: {  	s0 =	sshrl.u32 s0, $0x2  }
0x6d: {  	s31 =	sadd.s32 $0x4400, s0  }
0x6e: {  	v1 =	vld [tilespmem:s31+$0x20]  }
0x6f: {  	v2 =	vld [tilespmem:s31+$0xFFFFFC40]  }
0x70: {  	v3 =	vld [tilespmem:s31+$0x60]  }
0x71: {  	v4 =	vld [tilespmem:s31+$0x50]  }
0x72: {  	v5 =	vld [tilespmem:s31+$0xFFFFFC20]  }
0x73: {  	v0 =	vld [tilespmem:s31+$0x10]  }
0x74: {  	v8 =	vld [tilespmem:s31+$0x40]  }
0x75: {  	v7 =	vld [tilespmem:s31+$0xFFFFFC10]  }
0x76: {  	v9 =	vld [tilespmem:s31+$0xFFFFFC00];
	v1 =	vmul.f32 $3.125000000e-02, v1  }
0x77: {  	v11 =	vld [tilespmem:s31+$0xFFFFFC50];
	v4 =	vmul.f32 $3.125000000e-02, v4  }
0x78: {  	v10 =	vld [tilespmem:s31+$0x30];
	v12 =	vmul.f32 $3.125000000e-02, v5;
	[tilespmem:s31+$0x20] =	vst v1  }
0x79: {  	v6 =	vld [tilespmem:s31+$0x70];
	v13 =	vmul.f32 $3.125000000e-02, v8;
	[tilespmem:s31+$0x50] =	vst v4  }
0x7a: {  	v1 =	vmul.f32 $3.125000000e-02, v2;
	v2 =	vmul.f32 $3.125000000e-02, v3;
	v3 =	vld [tilespmem:s31+$0x0];
	[tilespmem:s31+$0xFFFFFC20] =	vst v12  }
0x7b: {  	v4 =	vld [tilespmem:s31+$0xFFFFFC70];
	[tilespmem:s31+$0x40] =	vst v13  }
0x7c: {  	v8 =	vmul.f32 $3.125000000e-02, v9;
	v5 =	vld [tilespmem:s31+$0xFFFFFC60];
	v9 =	vmul.f32 $3.125000000e-02, v11;
	[tilespmem:s31+$0xFFFFFC40] =	vst v1  }
0x7d: {  	s28 =	simm.s32 $0x0;
	s0 =	sadd.s32 $0x800, s31;
	[tilespmem:s31+$0x60] =	vst v2;
	v1 =	vmul.f32 $3.125000000e-02, v7;
	v7 =	vld [tilespmem:s31+$0xFFFFFC30];
	v2 =	vmul.f32 $3.125000000e-02, v10  }
.LBB2_7:
0x7e: {  	v10 =	vld [tilespmem:s0+$0x20];
	s28 =	sadd.s32 $0x10, s28;
	[tilespmem:s31+$0xFFFFFC00] =	vst v8;
	v0 =	vmul.f32 $3.125000000e-02, v0;
	v6 =	vmul.f32 $3.125000000e-02, v6  }
0x7f: {  	v8 =	vld [tilespmem:s0+$0xFFFFFC40];
	p0 =	slt.u32 s28, $0x30;
	[tilespmem:s31+$0xFFFFFC50] =	vst v9;
	v3 =	vmul.f32 $3.125000000e-02, v3  }
0x80: {  	v9 =	vld [tilespmem:s0+$0x60];
	v4 =	vmul.f32 $3.125000000e-02, v4;
	[tilespmem:s31+$0x70] =	vst v6  }
0x81: {  	v11 =	vld [tilespmem:s0+$0xFFFFFC20];
	v5 =	vmul.f32 $3.125000000e-02, v5;
	[tilespmem:s31+$0x0] =	vst v3  }
0x82: {  	v3 =	vld [tilespmem:s0+$0x50];
	v6 =	vmul.f32 $3.125000000e-02, v7;
	[tilespmem:s31+$0x10] =	vst v0  }
0x83: {  	v0 =	vld [tilespmem:s0+$0x10];
	v7 =	vmul.f32 $3.125000000e-02, v10;
	[tilespmem:s31+$0xFFFFFC10] =	vst v1  }
0x84: {  	v1 =	vld [tilespmem:s0+$0xFFFFFC10];
	[tilespmem:s31+$0xFFFFFC30] =	vst v6  }
0x85: {  	v10 =	vld [tilespmem:s0+$0x40];
	v9 =	vmul.f32 $3.125000000e-02, v9;
	[tilespmem:s31+$0x30] =	vst v2  }
0x86: {  	v2 =	vld [tilespmem:s0+$0xFFFFFC00];
	[tilespmem:s31+$0xFFFFFC70] =	vst v4  }
0x87: {  	v12 =	vld [tilespmem:s0+$0x30];
	v3 =	vmul.f32 $3.125000000e-02, v3;
	[tilespmem:s31+$0xFFFFFC60] =	vst v5;
	s31 =	smov.u32 s0  }
0x88: {  	v13 =	vld [tilespmem:s0+$0xFFFFFC50];
	[tilespmem:s0+$0x20] =	vst v7  }
.Ltmp2:
0x89: {  	v4 =	vmul.f32 $3.125000000e-02, v8;
	[tilespmem:s0+$0x50] =	vst v3;
	v6 =	vld [tilespmem:s0+$0x70];
	(pc) =	sbr.rel @p0 .LBB2_7-.Ltmp2, $4  }
0x8a: {  	v3 =	vld [tilespmem:s0+$0x0];
	v7 =	vmul.f32 $3.125000000e-02, v10;
	[tilespmem:s0+$0x60] =	vst v9  }
0x8b: {  	v9 =	vmul.f32 $3.125000000e-02, v11;
	[tilespmem:s0+$0xFFFFFC40] =	vst v4;
	v4 =	vld [tilespmem:s0+$0xFFFFFC70]  }
0x8c: {  	v1 =	vmul.f32 $3.125000000e-02, v1;
	v8 =	vmul.f32 $3.125000000e-02, v2;
	v5 =	vld [tilespmem:s0+$0xFFFFFC60];
	[tilespmem:s0+$0x40] =	vst v7  }
0x8d: {  	v2 =	vmul.f32 $3.125000000e-02, v12;
	s0 =	sadd.s32 $0x800, s0;
	[tilespmem:s31+$0xFFFFFC20] =	vst v9;
	v7 =	vld [tilespmem:s31+$0xFFFFFC30];
	v9 =	vmul.f32 $3.125000000e-02, v13  }
0x8e: {  	[tilespmem:s31+$0xFFFFFC00] =	vst v8  }
0x8f: {  	[tilespmem:s31+$0xFFFFFC10] =	vst v1  }
0x90: {  	v6 =	vmul.f32 $3.125000000e-02, v6;
	[tilespmem:s31+$0xFFFFFC50] =	vst v9  }
0x91: {  	v0 =	vmul.f32 $3.125000000e-02, v0;
	s30 =	sadd.s32 $0x1, s30;
	[tilespmem:s31+$0x30] =	vst v2  }
0x92: {  	v3 =	vmul.f32 $3.125000000e-02, v3;
	p0 =	sne.s32 s30, $0x10;
	[tilespmem:s31+$0x70] =	vst v6  }
.Ltmp3:
0x93: {  	[tilespmem:s31+$0x10] =	vst v0;
	v62 =	vmul.f32 $3.125000000e-02, v4;
	(pc) =	sbr.rel @p0 .LBB2_6-.Ltmp3, $4  }
0x94: {  	[tilespmem:s31+$0x0] =	vst v3;
	v63 =	vmul.f32 $3.125000000e-02, v5  }
0x95: {  	v61 =	vmul.f32 $3.125000000e-02, v7;
	[tilespmem:s31+$0xFFFFFC70] =	vst v62  }
0x96: {  	[tilespmem:s31+$0xFFFFFC60] =	vst v63  }
0x97: {  	s29 =	sadd.s32 $0x400, s29;
	s26 =	sadd.s32 $0x1, s26;
	[tilespmem:s31+$0xFFFFFC30] =	vst v61  }
0x98: {  	s26 =	simm.s32 $0x0;
	s0 =	rddreg [dreg:$0x7]  }
0x99: {  	[hbm4b:s0+s26] =	stream.linear.scatter [tilespmem:s5], [sflag:$0x9], $0x4000, $0x38;
	[tilespmem:$0x1C000] =	vst v63  }
0x9a: {  	s31 =	rddreg [dreg:$0x8]  }
0x9b: {  	[tilespmem:s11], [sflag:$0x6] =	stream.linear.gather [hbm4b:s31+s26], $0x4000, $0x38;
	[tilespmem:$0x1C000] =	vst v63  }
0x9c: {  	_ =	swait.ge [sflag:s12], $0x4000  }
0x9d: {  	[sflag:s12] =	ssyncset.done $0x0  }
0x9e: {  	s29 =	simm.s32 $0x0;
	s30 =	simm.s32 $0x0;
	[sflag:s12] =	ssyncadd.s32 $0xFFFFC000  }
.LBB2_10:
0x9f: {  	s0 =	sshll.u32 s29, $0x2;
	s28 =	sand.u32 $0x7, s26  }
0xa0: {  	s0 =	sand.u32 $0xFFFF8000, s0;
	s28 =	sshll.u32 s28, $0x9  }
0xa1: {  	s0 =	sor.u32 s28, s0  }
0xa2: {  	s0 =	sshrl.u32 s0, $0x2  }
0xa3: {  	s31 =	sadd.s32 $0x8400, s0  }
0xa4: {  	v1 =	vld [tilespmem:s31+$0x20]  }
0xa5: {  	v2 =	vld [tilespmem:s31+$0xFFFFFC40]  }
0xa6: {  	v3 =	vld [tilespmem:s31+$0x60]  }
0xa7: {  	v4 =	vld [tilespmem:s31+$0x50]  }
0xa8: {  	v5 =	vld [tilespmem:s31+$0xFFFFFC20]  }
0xa9: {  	v0 =	vld [tilespmem:s31+$0x10]  }
0xaa: {  	v8 =	vld [tilespmem:s31+$0x40]  }
0xab: {  	v7 =	vld [tilespmem:s31+$0xFFFFFC10]  }
0xac: {  	v9 =	vld [tilespmem:s31+$0xFFFFFC00];
	v1 =	vmul.f32 $3.125000000e-02, v1  }
0xad: {  	v11 =	vld [tilespmem:s31+$0xFFFFFC50];
	v4 =	vmul.f32 $3.125000000e-02, v4  }
0xae: {  	v10 =	vld [tilespmem:s31+$0x30];
	v12 =	vmul.f32 $3.125000000e-02, v5;
	[tilespmem:s31+$0x20] =	vst v1  }
0xaf: {  	v6 =	vld [tilespmem:s31+$0x70];
	v13 =	vmul.f32 $3.125000000e-02, v8;
	[tilespmem:s31+$0x50] =	vst v4  }
0xb0: {  	v1 =	vmul.f32 $3.125000000e-02, v2;
	v2 =	vmul.f32 $3.125000000e-02, v3;
	v3 =	vld [tilespmem:s31+$0x0];
	[tilespmem:s31+$0xFFFFFC20] =	vst v12  }
0xb1: {  	v4 =	vld [tilespmem:s31+$0xFFFFFC70];
	[tilespmem:s31+$0x40] =	vst v13  }
0xb2: {  	v8 =	vmul.f32 $3.125000000e-02, v9;
	v5 =	vld [tilespmem:s31+$0xFFFFFC60];
	v9 =	vmul.f32 $3.125000000e-02, v11;
	[tilespmem:s31+$0xFFFFFC40] =	vst v1  }
0xb3: {  	s28 =	simm.s32 $0x0;
	s0 =	sadd.s32 $0x800, s31;
	[tilespmem:s31+$0x60] =	vst v2;
	v1 =	vmul.f32 $3.125000000e-02, v7;
	v7 =	vld [tilespmem:s31+$0xFFFFFC30];
	v2 =	vmul.f32 $3.125000000e-02, v10  }
.LBB2_11:
0xb4: {  	v10 =	vld [tilespmem:s0+$0x20];
	s28 =	sadd.s32 $0x10, s28;
	[tilespmem:s31+$0xFFFFFC00] =	vst v8;
	v0 =	vmul.f32 $3.125000000e-02, v0;
	v6 =	vmul.f32 $3.125000000e-02, v6  }
0xb5: {  	v8 =	vld [tilespmem:s0+$0xFFFFFC40];
	p0 =	slt.u32 s28, $0x30;
	[tilespmem:s31+$0xFFFFFC50] =	vst v9;
	v3 =	vmul.f32 $3.125000000e-02, v3  }
0xb6: {  	v9 =	vld [tilespmem:s0+$0x60];
	v4 =	vmul.f32 $3.125000000e-02, v4;
	[tilespmem:s31+$0x70] =	vst v6  }
0xb7: {  	v11 =	vld [tilespmem:s0+$0xFFFFFC20];
	v5 =	vmul.f32 $3.125000000e-02, v5;
	[tilespmem:s31+$0x0] =	vst v3  }
0xb8: {  	v3 =	vld [tilespmem:s0+$0x50];
	v6 =	vmul.f32 $3.125000000e-02, v7;
	[tilespmem:s31+$0x10] =	vst v0  }
0xb9: {  	v0 =	vld [tilespmem:s0+$0x10];
	v7 =	vmul.f32 $3.125000000e-02, v10;
	[tilespmem:s31+$0xFFFFFC10] =	vst v1  }
0xba: {  	v1 =	vld [tilespmem:s0+$0xFFFFFC10];
	[tilespmem:s31+$0xFFFFFC30] =	vst v6  }
0xbb: {  	v10 =	vld [tilespmem:s0+$0x40];
	v9 =	vmul.f32 $3.125000000e-02, v9;
	[tilespmem:s31+$0x30] =	vst v2  }
0xbc: {  	v2 =	vld [tilespmem:s0+$0xFFFFFC00];
	[tilespmem:s31+$0xFFFFFC70] =	vst v4  }
0xbd: {  	v12 =	vld [tilespmem:s0+$0x30];
	v3 =	vmul.f32 $3.125000000e-02, v3;
	[tilespmem:s31+$0xFFFFFC60] =	vst v5;
	s31 =	smov.u32 s0  }
0xbe: {  	v13 =	vld [tilespmem:s0+$0xFFFFFC50];
	[tilespmem:s0+$0x20] =	vst v7  }
.Ltmp4:
0xbf: {  	v4 =	vmul.f32 $3.125000000e-02, v8;
	[tilespmem:s0+$0x50] =	vst v3;
	v6 =	vld [tilespmem:s0+$0x70];
	(pc) =	sbr.rel @p0 .LBB2_11-.Ltmp4, $4  }
0xc0: {  	v3 =	vld [tilespmem:s0+$0x0];
	v7 =	vmul.f32 $3.125000000e-02, v10;
	[tilespmem:s0+$0x60] =	vst v9  }
0xc1: {  	v9 =	vmul.f32 $3.125000000e-02, v11;
	[tilespmem:s0+$0xFFFFFC40] =	vst v4;
	v4 =	vld [tilespmem:s0+$0xFFFFFC70]  }
0xc2: {  	v1 =	vmul.f32 $3.125000000e-02, v1;
	v8 =	vmul.f32 $3.125000000e-02, v2;
	v5 =	vld [tilespmem:s0+$0xFFFFFC60];
	[tilespmem:s0+$0x40] =	vst v7  }
0xc3: {  	v2 =	vmul.f32 $3.125000000e-02, v12;
	s0 =	sadd.s32 $0x800, s0;
	[tilespmem:s31+$0xFFFFFC20] =	vst v9;
	v7 =	vld [tilespmem:s31+$0xFFFFFC30];
	v9 =	vmul.f32 $3.125000000e-02, v13  }
0xc4: {  	[tilespmem:s31+$0xFFFFFC00] =	vst v8  }
0xc5: {  	[tilespmem:s31+$0xFFFFFC10] =	vst v1  }
0xc6: {  	v6 =	vmul.f32 $3.125000000e-02, v6;
	[tilespmem:s31+$0xFFFFFC50] =	vst v9  }
0xc7: {  	v0 =	vmul.f32 $3.125000000e-02, v0;
	s30 =	sadd.s32 $0x1, s30;
	[tilespmem:s31+$0x30] =	vst v2  }
0xc8: {  	v3 =	vmul.f32 $3.125000000e-02, v3;
	p0 =	sne.s32 s30, $0x10;
	[tilespmem:s31+$0x70] =	vst v6  }
.Ltmp5:
0xc9: {  	[tilespmem:s31+$0x10] =	vst v0;
	v62 =	vmul.f32 $3.125000000e-02, v4;
	(pc) =	sbr.rel @p0 .LBB2_10-.Ltmp5, $4  }
0xca: {  	[tilespmem:s31+$0x0] =	vst v3;
	v63 =	vmul.f32 $3.125000000e-02, v5  }
0xcb: {  	v61 =	vmul.f32 $3.125000000e-02, v7;
	[tilespmem:s31+$0xFFFFFC70] =	vst v62  }
0xcc: {  	[tilespmem:s31+$0xFFFFFC60] =	vst v63  }
0xcd: {  	s29 =	sadd.s32 $0x400, s29;
	s26 =	sadd.s32 $0x1, s26;
	[tilespmem:s31+$0xFFFFFC30] =	vst v61  }
0xce: {  	s26 =	simm.s32 $0x0;
	s0 =	rddreg [dreg:$0x9]  }
0xcf: {  	[hbm4b:s0+s26] =	stream.linear.scatter [tilespmem:s6], [sflag:$0xA], $0x4000, $0x38;
	[tilespmem:$0x1C000] =	vst v63  }
0xd0: {  	s31 =	rddreg [dreg:$0xa]  }
0xd1: {  	[tilespmem:s13], [sflag:$0x7] =	stream.linear.gather [hbm4b:s31+s26], $0x4000, $0x38;
	[tilespmem:$0x1C000] =	vst v63  }
0xd2: {  	_ =	swait.ge [sflag:s14], $0x4000  }
0xd3: {  	[sflag:s14] =	ssyncset.done $0x0  }
0xd4: {  	s29 =	simm.s32 $0x0;
	s30 =	simm.s32 $0x0;
	[sflag:s14] =	ssyncadd.s32 $0xFFFFC000  }
.LBB2_14:
0xd5: {  	s0 =	sshll.u32 s29, $0x2;
	s28 =	sand.u32 $0x7, s26  }
0xd6: {  	s0 =	sand.u32 $0xFFFF8000, s0;
	s28 =	sshll.u32 s28, $0x9  }
0xd7: {  	s0 =	sor.u32 s28, s0  }
0xd8: {  	s0 =	sshrl.u32 s0, $0x2  }
0xd9: {  	s31 =	sadd.s32 $0xC400, s0  }
0xda: {  	v1 =	vld [tilespmem:s31+$0x20]  }
0xdb: {  	v2 =	vld [tilespmem:s31+$0xFFFFFC40]  }
0xdc: {  	v3 =	vld [tilespmem:s31+$0x60]  }
0xdd: {  	v4 =	vld [tilespmem:s31+$0x50]  }
0xde: {  	v5 =	vld [tilespmem:s31+$0xFFFFFC20]  }
0xdf: {  	v0 =	vld [tilespmem:s31+$0x10]  }
0xe0: {  	v8 =	vld [tilespmem:s31+$0x40]  }
0xe1: {  	v7 =	vld [tilespmem:s31+$0xFFFFFC10]  }
0xe2: {  	v9 =	vld [tilespmem:s31+$0xFFFFFC00];
	v1 =	vmul.f32 $3.125000000e-02, v1  }
0xe3: {  	v11 =	vld [tilespmem:s31+$0xFFFFFC50];
	v4 =	vmul.f32 $3.125000000e-02, v4  }
0xe4: {  	v10 =	vld [tilespmem:s31+$0x30];
	v12 =	vmul.f32 $3.125000000e-02, v5;
	[tilespmem:s31+$0x20] =	vst v1  }
0xe5: {  	v6 =	vld [tilespmem:s31+$0x70];
	v13 =	vmul.f32 $3.125000000e-02, v8;
	[tilespmem:s31+$0x50] =	vst v4  }
0xe6: {  	v1 =	vmul.f32 $3.125000000e-02, v2;
	v2 =	vmul.f32 $3.125000000e-02, v3;
	v3 =	vld [tilespmem:s31+$0x0];
	[tilespmem:s31+$0xFFFFFC20] =	vst v12  }
0xe7: {  	v4 =	vld [tilespmem:s31+$0xFFFFFC70];
	[tilespmem:s31+$0x40] =	vst v13  }
0xe8: {  	v8 =	vmul.f32 $3.125000000e-02, v9;
	v5 =	vld [tilespmem:s31+$0xFFFFFC60];
	v9 =	vmul.f32 $3.125000000e-02, v11;
	[tilespmem:s31+$0xFFFFFC40] =	vst v1  }
0xe9: {  	s28 =	simm.s32 $0x0;
	s0 =	sadd.s32 $0x800, s31;
	[tilespmem:s31+$0x60] =	vst v2;
	v1 =	vmul.f32 $3.125000000e-02, v7;
	v7 =	vld [tilespmem:s31+$0xFFFFFC30];
	v2 =	vmul.f32 $3.125000000e-02, v10  }
.LBB2_15:
0xea: {  	v10 =	vld [tilespmem:s0+$0x20];
	s28 =	sadd.s32 $0x10, s28;
	[tilespmem:s31+$0xFFFFFC00] =	vst v8;
	v0 =	vmul.f32 $3.125000000e-02, v0;
	v6 =	vmul.f32 $3.125000000e-02, v6  }
0xeb: {  	v8 =	vld [tilespmem:s0+$0xFFFFFC40];
	p0 =	slt.u32 s28, $0x30;
	[tilespmem:s31+$0xFFFFFC50] =	vst v9;
	v3 =	vmul.f32 $3.125000000e-02, v3  }
0xec: {  	v9 =	vld [tilespmem:s0+$0x60];
	v4 =	vmul.f32 $3.125000000e-02, v4;
	[tilespmem:s31+$0x70] =	vst v6  }
0xed: {  	v11 =	vld [tilespmem:s0+$0xFFFFFC20];
	v5 =	vmul.f32 $3.125000000e-02, v5;
	[tilespmem:s31+$0x0] =	vst v3  }
0xee: {  	v3 =	vld [tilespmem:s0+$0x50];
	v6 =	vmul.f32 $3.125000000e-02, v7;
	[tilespmem:s31+$0x10] =	vst v0  }
0xef: {  	v0 =	vld [tilespmem:s0+$0x10];
	v7 =	vmul.f32 $3.125000000e-02, v10;
	[tilespmem:s31+$0xFFFFFC10] =	vst v1  }
0xf0: {  	v1 =	vld [tilespmem:s0+$0xFFFFFC10];
	[tilespmem:s31+$0xFFFFFC30] =	vst v6  }
0xf1: {  	v10 =	vld [tilespmem:s0+$0x40];
	v9 =	vmul.f32 $3.125000000e-02, v9;
	[tilespmem:s31+$0x30] =	vst v2  }
0xf2: {  	v2 =	vld [tilespmem:s0+$0xFFFFFC00];
	[tilespmem:s31+$0xFFFFFC70] =	vst v4  }
0xf3: {  	v12 =	vld [tilespmem:s0+$0x30];
	v3 =	vmul.f32 $3.125000000e-02, v3;
	[tilespmem:s31+$0xFFFFFC60] =	vst v5;
	s31 =	smov.u32 s0  }
0xf4: {  	v13 =	vld [tilespmem:s0+$0xFFFFFC50];
	[tilespmem:s0+$0x20] =	vst v7  }
.Ltmp6:
0xf5: {  	v4 =	vmul.f32 $3.125000000e-02, v8;
	[tilespmem:s0+$0x50] =	vst v3;
	v6 =	vld [tilespmem:s0+$0x70];
	(pc) =	sbr.rel @p0 .LBB2_15-.Ltmp6, $4  }
0xf6: {  	v3 =	vld [tilespmem:s0+$0x0];
	v7 =	vmul.f32 $3.125000000e-02, v10;
	[tilespmem:s0+$0x60] =	vst v9  }
0xf7: {  	v9 =	vmul.f32 $3.125000000e-02, v11;
	[tilespmem:s0+$0xFFFFFC40] =	vst v4;
	v4 =	vld [tilespmem:s0+$0xFFFFFC70]  }
0xf8: {  	v1 =	vmul.f32 $3.125000000e-02, v1;
	v8 =	vmul.f32 $3.125000000e-02, v2;
	v5 =	vld [tilespmem:s0+$0xFFFFFC60];
	[tilespmem:s0+$0x40] =	vst v7  }
0xf9: {  	v2 =	vmul.f32 $3.125000000e-02, v12;
	s0 =	sadd.s32 $0x800, s0;
	[tilespmem:s31+$0xFFFFFC20] =	vst v9;
	v7 =	vld [tilespmem:s31+$0xFFFFFC30];
	v9 =	vmul.f32 $3.125000000e-02, v13  }
0xfa: {  	[tilespmem:s31+$0xFFFFFC00] =	vst v8  }
0xfb: {  	[tilespmem:s31+$0xFFFFFC10] =	vst v1  }
0xfc: {  	v6 =	vmul.f32 $3.125000000e-02, v6;
	[tilespmem:s31+$0xFFFFFC50] =	vst v9  }
0xfd: {  	v0 =	vmul.f32 $3.125000000e-02, v0;
	s30 =	sadd.s32 $0x1, s30;
	[tilespmem:s31+$0x30] =	vst v2  }
0xfe: {  	v3 =	vmul.f32 $3.125000000e-02, v3;
	p0 =	sne.s32 s30, $0x10;
	[tilespmem:s31+$0x70] =	vst v6  }
.Ltmp7:
0xff: {  	[tilespmem:s31+$0x10] =	vst v0;
	v62 =	vmul.f32 $3.125000000e-02, v4;
	(pc) =	sbr.rel @p0 .LBB2_14-.Ltmp7, $4  }
0x100: {  	[tilespmem:s31+$0x0] =	vst v3;
	v63 =	vmul.f32 $3.125000000e-02, v5  }
0x101: {  	v61 =	vmul.f32 $3.125000000e-02, v7;
	[tilespmem:s31+$0xFFFFFC70] =	vst v62  }
0x102: {  	[tilespmem:s31+$0xFFFFFC60] =	vst v63  }
0x103: {  	s29 =	sadd.s32 $0x400, s29;
	s26 =	sadd.s32 $0x1, s26;
	[tilespmem:s31+$0xFFFFFC30] =	vst v61  }
0x104: {  	s26 =	simm.s32 $0x0;
	s0 =	rddreg [dreg:$0xb]  }
0x105: {  	[hbm4b:s0+s26] =	stream.linear.scatter [tilespmem:s7], [sflag:$0xB], $0x4000, $0x38;
	[tilespmem:$0x1C000] =	vst v63  }
0x106: {  	_ =	swait.ge [sflag:s15], $0x4000  }
0x107: {  	[sflag:s15] =	ssyncset.done $0x0  }
0x108: {  	s31 =	rddreg [dreg:$0xc];
	[sflag:s15] =	ssyncadd.s32 $0xFFFFC000  }
0x109: {  	[tilespmem:s26], [sflag:$0x1] =	stream.linear.gather [hbm4b:s31+s26], $0x4000, $0x38;
	[tilespmem:$0x1C000] =	vst v63  }
0x10a: {  	_ =	swait.ge [sflag:s16], $0x4000  }
0x10b: {  	[sflag:s16] =	ssyncset.done $0x0  }
0x10c: {  	s29 =	simm.s32 $0x0;
	s30 =	simm.s32 $0x0;
	[sflag:s16] =	ssyncadd.s32 $0xFFFFC000  }
.LBB2_18:
0x10d: {  	s0 =	sshll.u32 s29, $0x2;
	s28 =	sand.u32 $0x7, s26  }
0x10e: {  	s0 =	sand.u32 $0xFFFF8000, s0;
	s28 =	sshll.u32 s28, $0x9  }
0x10f: {  	s0 =	sor.u32 s28, s0  }
0x110: {  	s0 =	sshrl.u32 s0, $0x2  }
0x111: {  	s31 =	sadd.s32 $0x10400, s0  }
0x112: {  	v1 =	vld [tilespmem:s31+$0x20]  }
0x113: {  	v2 =	vld [tilespmem:s31+$0xFFFFFC40]  }
0x114: {  	v3 =	vld [tilespmem:s31+$0x60]  }
0x115: {  	v4 =	vld [tilespmem:s31+$0x50]  }
0x116: {  	v5 =	vld [tilespmem:s31+$0xFFFFFC20]  }
0x117: {  	v0 =	vld [tilespmem:s31+$0x10]  }
0x118: {  	v8 =	vld [tilespmem:s31+$0x40]  }
0x119: {  	v7 =	vld [tilespmem:s31+$0xFFFFFC10]  }
0x11a: {  	v9 =	vld [tilespmem:s31+$0xFFFFFC00];
	v1 =	vmul.f32 $3.125000000e-02, v1  }
0x11b: {  	v11 =	vld [tilespmem:s31+$0xFFFFFC50];
	v4 =	vmul.f32 $3.125000000e-02, v4  }
0x11c: {  	v10 =	vld [tilespmem:s31+$0x30];
	v12 =	vmul.f32 $3.125000000e-02, v5;
	[tilespmem:s31+$0x20] =	vst v1  }
0x11d: {  	v6 =	vld [tilespmem:s31+$0x70];
	v13 =	vmul.f32 $3.125000000e-02, v8;
	[tilespmem:s31+$0x50] =	vst v4  }
0x11e: {  	v1 =	vmul.f32 $3.125000000e-02, v2;
	v2 =	vmul.f32 $3.125000000e-02, v3;
	v3 =	vld [tilespmem:s31+$0x0];
	[tilespmem:s31+$0xFFFFFC20] =	vst v12  }
0x11f: {  	v4 =	vld [tilespmem:s31+$0xFFFFFC70];
	[tilespmem:s31+$0x40] =	vst v13  }
0x120: {  	v8 =	vmul.f32 $3.125000000e-02, v9;
	v5 =	vld [tilespmem:s31+$0xFFFFFC60];
	v9 =	vmul.f32 $3.125000000e-02, v11;
	[tilespmem:s31+$0xFFFFFC40] =	vst v1  }
0x121: {  	s28 =	simm.s32 $0x0;
	s0 =	sadd.s32 $0x800, s31;
	[tilespmem:s31+$0x60] =	vst v2;
	v1 =	vmul.f32 $3.125000000e-02, v7;
	v7 =	vld [tilespmem:s31+$0xFFFFFC30];
	v2 =	vmul.f32 $3.125000000e-02, v10  }
.LBB2_19:
0x122: {  	v10 =	vld [tilespmem:s0+$0x20];
	s28 =	sadd.s32 $0x10, s28;
	[tilespmem:s31+$0xFFFFFC00] =	vst v8;
	v0 =	vmul.f32 $3.125000000e-02, v0;
	v6 =	vmul.f32 $3.125000000e-02, v6  }
0x123: {  	v8 =	vld [tilespmem:s0+$0xFFFFFC40];
	p0 =	slt.u32 s28, $0x30;
	[tilespmem:s31+$0xFFFFFC50] =	vst v9;
	v3 =	vmul.f32 $3.125000000e-02, v3  }
0x124: {  	v9 =	vld [tilespmem:s0+$0x60];
	v4 =	vmul.f32 $3.125000000e-02, v4;
	[tilespmem:s31+$0x70] =	vst v6  }
0x125: {  	v11 =	vld [tilespmem:s0+$0xFFFFFC20];
	v5 =	vmul.f32 $3.125000000e-02, v5;
	[tilespmem:s31+$0x0] =	vst v3  }
0x126: {  	v3 =	vld [tilespmem:s0+$0x50];
	v6 =	vmul.f32 $3.125000000e-02, v7;
	[tilespmem:s31+$0x10] =	vst v0  }
0x127: {  	v0 =	vld [tilespmem:s0+$0x10];
	v7 =	vmul.f32 $3.125000000e-02, v10;
	[tilespmem:s31+$0xFFFFFC10] =	vst v1  }
0x128: {  	v1 =	vld [tilespmem:s0+$0xFFFFFC10];
	[tilespmem:s31+$0xFFFFFC30] =	vst v6  }
0x129: {  	v10 =	vld [tilespmem:s0+$0x40];
	v9 =	vmul.f32 $3.125000000e-02, v9;
	[tilespmem:s31+$0x30] =	vst v2  }
0x12a: {  	v2 =	vld [tilespmem:s0+$0xFFFFFC00];
	[tilespmem:s31+$0xFFFFFC70] =	vst v4  }
0x12b: {  	v12 =	vld [tilespmem:s0+$0x30];
	v3 =	vmul.f32 $3.125000000e-02, v3;
	[tilespmem:s31+$0xFFFFFC60] =	vst v5;
	s31 =	smov.u32 s0  }
0x12c: {  	v13 =	vld [tilespmem:s0+$0xFFFFFC50];
	[tilespmem:s0+$0x20] =	vst v7  }
.Ltmp8:
0x12d: {  	v4 =	vmul.f32 $3.125000000e-02, v8;
	[tilespmem:s0+$0x50] =	vst v3;
	v6 =	vld [tilespmem:s0+$0x70];
	(pc) =	sbr.rel @p0 .LBB2_19-.Ltmp8, $4  }
0x12e: {  	v3 =	vld [tilespmem:s0+$0x0];
	v7 =	vmul.f32 $3.125000000e-02, v10;
	[tilespmem:s0+$0x60] =	vst v9  }
0x12f: {  	v9 =	vmul.f32 $3.125000000e-02, v11;
	[tilespmem:s0+$0xFFFFFC40] =	vst v4;
	v4 =	vld [tilespmem:s0+$0xFFFFFC70]  }
0x130: {  	v1 =	vmul.f32 $3.125000000e-02, v1;
	v8 =	vmul.f32 $3.125000000e-02, v2;
	v5 =	vld [tilespmem:s0+$0xFFFFFC60];
	[tilespmem:s0+$0x40] =	vst v7  }
0x131: {  	v2 =	vmul.f32 $3.125000000e-02, v12;
	s0 =	sadd.s32 $0x800, s0;
	[tilespmem:s31+$0xFFFFFC20] =	vst v9;
	v7 =	vld [tilespmem:s31+$0xFFFFFC30];
	v9 =	vmul.f32 $3.125000000e-02, v13  }
0x132: {  	[tilespmem:s31+$0xFFFFFC00] =	vst v8  }
0x133: {  	[tilespmem:s31+$0xFFFFFC10] =	vst v1  }
0x134: {  	v6 =	vmul.f32 $3.125000000e-02, v6;
	[tilespmem:s31+$0xFFFFFC50] =	vst v9  }
0x135: {  	v0 =	vmul.f32 $3.125000000e-02, v0;
	s30 =	sadd.s32 $0x1, s30;
	[tilespmem:s31+$0x30] =	vst v2  }
0x136: {  	v3 =	vmul.f32 $3.125000000e-02, v3;
	p0 =	sne.s32 s30, $0x10;
	[tilespmem:s31+$0x70] =	vst v6  }
.Ltmp9:
0x137: {  	[tilespmem:s31+$0x10] =	vst v0;
	v62 =	vmul.f32 $3.125000000e-02, v4;
	(pc) =	sbr.rel @p0 .LBB2_18-.Ltmp9, $4  }
0x138: {  	[tilespmem:s31+$0x0] =	vst v3;
	v63 =	vmul.f32 $3.125000000e-02, v5  }
0x139: {  	v61 =	vmul.f32 $3.125000000e-02, v7;
	[tilespmem:s31+$0xFFFFFC70] =	vst v62  }
0x13a: {  	[tilespmem:s31+$0xFFFFFC60] =	vst v63  }
0x13b: {  	s29 =	sadd.s32 $0x400, s29;
	s26 =	sadd.s32 $0x1, s26;
	[tilespmem:s31+$0xFFFFFC30] =	vst v61  }
0x13c: {  	s26 =	simm.s32 $0x0;
	s0 =	rddreg [dreg:$0xd]  }
0x13d: {  	[hbm4b:s0+s26] =	stream.linear.scatter [tilespmem:s9], [sflag:$0xC], $0x4000, $0x38;
	[tilespmem:$0x1C000] =	vst v63  }
0x13e: {  	_ =	swait.ge [sflag:s17], $0x4000  }
0x13f: {  	[sflag:s17] =	ssyncset.done $0x0  }
0x140: {  	s31 =	rddreg [dreg:$0xe];
	[sflag:s17] =	ssyncadd.s32 $0xFFFFC000  }
0x141: {  	[tilespmem:s5], [sflag:$0x2] =	stream.linear.gather [hbm4b:s31+s26], $0x4000, $0x38;
	[tilespmem:$0x1C000] =	vst v63  }
0x142: {  	_ =	swait.ge [sflag:s18], $0x4000  }
0x143: {  	[sflag:s18] =	ssyncset.done $0x0  }
0x144: {  	s29 =	simm.s32 $0x0;
	s30 =	simm.s32 $0x0;
	[sflag:s18] =	ssyncadd.s32 $0xFFFFC000  }
.LBB2_22:
0x145: {  	s0 =	sshll.u32 s29, $0x2;
	s28 =	sand.u32 $0x7, s26  }
0x146: {  	s0 =	sand.u32 $0xFFFF8000, s0;
	s28 =	sshll.u32 s28, $0x9  }
0x147: {  	s0 =	sor.u32 s28, s0  }
0x148: {  	s0 =	sshrl.u32 s0, $0x2  }
0x149: {  	s31 =	sadd.s32 $0x14400, s0  }
0x14a: {  	v1 =	vld [tilespmem:s31+$0x20]  }
0x14b: {  	v2 =	vld [tilespmem:s31+$0xFFFFFC40]  }
0x14c: {  	v3 =	vld [tilespmem:s31+$0x60]  }
0x14d: {  	v4 =	vld [tilespmem:s31+$0x50]  }
0x14e: {  	v5 =	vld [tilespmem:s31+$0xFFFFFC20]  }
0x14f: {  	v0 =	vld [tilespmem:s31+$0x10]  }
0x150: {  	v8 =	vld [tilespmem:s31+$0x40]  }
0x151: {  	v7 =	vld [tilespmem:s31+$0xFFFFFC10]  }
0x152: {  	v9 =	vld [tilespmem:s31+$0xFFFFFC00];
	v1 =	vmul.f32 $3.125000000e-02, v1  }
0x153: {  	v11 =	vld [tilespmem:s31+$0xFFFFFC50];
	v4 =	vmul.f32 $3.125000000e-02, v4  }
0x154: {  	v10 =	vld [tilespmem:s31+$0x30];
	v12 =	vmul.f32 $3.125000000e-02, v5;
	[tilespmem:s31+$0x20] =	vst v1  }
0x155: {  	v6 =	vld [tilespmem:s31+$0x70];
	v13 =	vmul.f32 $3.125000000e-02, v8;
	[tilespmem:s31+$0x50] =	vst v4  }
0x156: {  	v1 =	vmul.f32 $3.125000000e-02, v2;
	v2 =	vmul.f32 $3.125000000e-02, v3;
	v3 =	vld [tilespmem:s31+$0x0];
	[tilespmem:s31+$0xFFFFFC20] =	vst v12  }
0x157: {  	v4 =	vld [tilespmem:s31+$0xFFFFFC70];
	[tilespmem:s31+$0x40] =	vst v13  }
0x158: {  	v8 =	vmul.f32 $3.125000000e-02, v9;
	v5 =	vld [tilespmem:s31+$0xFFFFFC60];
	v9 =	vmul.f32 $3.125000000e-02, v11;
	[tilespmem:s31+$0xFFFFFC40] =	vst v1  }
0x159: {  	s28 =	simm.s32 $0x0;
	s0 =	sadd.s32 $0x800, s31;
	[tilespmem:s31+$0x60] =	vst v2;
	v1 =	vmul.f32 $3.125000000e-02, v7;
	v7 =	vld [tilespmem:s31+$0xFFFFFC30];
	v2 =	vmul.f32 $3.125000000e-02, v10  }
.LBB2_23:
0x15a: {  	v10 =	vld [tilespmem:s0+$0x20];
	s28 =	sadd.s32 $0x10, s28;
	[tilespmem:s31+$0xFFFFFC00] =	vst v8;
	v0 =	vmul.f32 $3.125000000e-02, v0;
	v6 =	vmul.f32 $3.125000000e-02, v6  }
0x15b: {  	v8 =	vld [tilespmem:s0+$0xFFFFFC40];
	p0 =	slt.u32 s28, $0x30;
	[tilespmem:s31+$0xFFFFFC50] =	vst v9;
	v3 =	vmul.f32 $3.125000000e-02, v3  }
0x15c: {  	v9 =	vld [tilespmem:s0+$0x60];
	v4 =	vmul.f32 $3.125000000e-02, v4;
	[tilespmem:s31+$0x70] =	vst v6  }
0x15d: {  	v11 =	vld [tilespmem:s0+$0xFFFFFC20];
	v5 =	vmul.f32 $3.125000000e-02, v5;
	[tilespmem:s31+$0x0] =	vst v3  }
0x15e: {  	v3 =	vld [tilespmem:s0+$0x50];
	v6 =	vmul.f32 $3.125000000e-02, v7;
	[tilespmem:s31+$0x10] =	vst v0  }
0x15f: {  	v0 =	vld [tilespmem:s0+$0x10];
	v7 =	vmul.f32 $3.125000000e-02, v10;
	[tilespmem:s31+$0xFFFFFC10] =	vst v1  }
0x160: {  	v1 =	vld [tilespmem:s0+$0xFFFFFC10];
	[tilespmem:s31+$0xFFFFFC30] =	vst v6  }
0x161: {  	v10 =	vld [tilespmem:s0+$0x40];
	v9 =	vmul.f32 $3.125000000e-02, v9;
	[tilespmem:s31+$0x30] =	vst v2  }
0x162: {  	v2 =	vld [tilespmem:s0+$0xFFFFFC00];
	[tilespmem:s31+$0xFFFFFC70] =	vst v4  }
0x163: {  	v12 =	vld [tilespmem:s0+$0x30];
	v3 =	vmul.f32 $3.125000000e-02, v3;
	[tilespmem:s31+$0xFFFFFC60] =	vst v5;
	s31 =	smov.u32 s0  }
0x164: {  	v13 =	vld [tilespmem:s0+$0xFFFFFC50];
	[tilespmem:s0+$0x20] =	vst v7  }
.Ltmp10:
0x165: {  	v4 =	vmul.f32 $3.125000000e-02, v8;
	[tilespmem:s0+$0x50] =	vst v3;
	v6 =	vld [tilespmem:s0+$0x70];
	(pc) =	sbr.rel @p0 .LBB2_23-.Ltmp10, $4  }
0x166: {  	v3 =	vld [tilespmem:s0+$0x0];
	v7 =	vmul.f32 $3.125000000e-02, v10;
	[tilespmem:s0+$0x60] =	vst v9  }
0x167: {  	v9 =	vmul.f32 $3.125000000e-02, v11;
	[tilespmem:s0+$0xFFFFFC40] =	vst v4;
	v4 =	vld [tilespmem:s0+$0xFFFFFC70]  }
0x168: {  	v1 =	vmul.f32 $3.125000000e-02, v1;
	v8 =	vmul.f32 $3.125000000e-02, v2;
	v5 =	vld [tilespmem:s0+$0xFFFFFC60];
	[tilespmem:s0+$0x40] =	vst v7  }
0x169: {  	v2 =	vmul.f32 $3.125000000e-02, v12;
	s0 =	sadd.s32 $0x800, s0;
	[tilespmem:s31+$0xFFFFFC20] =	vst v9;
	v7 =	vld [tilespmem:s31+$0xFFFFFC30];
	v9 =	vmul.f32 $3.125000000e-02, v13  }
0x16a: {  	[tilespmem:s31+$0xFFFFFC00] =	vst v8  }
0x16b: {  	[tilespmem:s31+$0xFFFFFC10] =	vst v1  }
0x16c: {  	v6 =	vmul.f32 $3.125000000e-02, v6;
	[tilespmem:s31+$0xFFFFFC50] =	vst v9  }
0x16d: {  	v0 =	vmul.f32 $3.125000000e-02, v0;
	s30 =	sadd.s32 $0x1, s30;
	[tilespmem:s31+$0x30] =	vst v2  }
0x16e: {  	v3 =	vmul.f32 $3.125000000e-02, v3;
	p0 =	sne.s32 s30, $0x10;
	[tilespmem:s31+$0x70] =	vst v6  }
.Ltmp11:
0x16f: {  	[tilespmem:s31+$0x10] =	vst v0;
	v62 =	vmul.f32 $3.125000000e-02, v4;
	(pc) =	sbr.rel @p0 .LBB2_22-.Ltmp11, $4  }
0x170: {  	[tilespmem:s31+$0x0] =	vst v3;
	v63 =	vmul.f32 $3.125000000e-02, v5  }
0x171: {  	v61 =	vmul.f32 $3.125000000e-02, v7;
	[tilespmem:s31+$0xFFFFFC70] =	vst v62  }
0x172: {  	[tilespmem:s31+$0xFFFFFC60] =	vst v63  }
0x173: {  	s29 =	sadd.s32 $0x400, s29;
	s26 =	sadd.s32 $0x1, s26;
	[tilespmem:s31+$0xFFFFFC30] =	vst v61  }
0x174: {  	s26 =	simm.s32 $0x0;
	s0 =	rddreg [dreg:$0xf]  }
0x175: {  	[hbm4b:s0+s26] =	stream.linear.scatter [tilespmem:s11], [sflag:$0xD], $0x4000, $0x38;
	[tilespmem:$0x1C000] =	vst v63  }
0x176: {  	_ =	swait.ge [sflag:s19], $0x4000  }
0x177: {  	[sflag:s19] =	ssyncset.done $0x0  }
0x178: {  	s31 =	rddreg [dreg:$0x10];
	[sflag:s19] =	ssyncadd.s32 $0xFFFFC000  }
0x179: {  	[tilespmem:s6], [sflag:$0x3] =	stream.linear.gather [hbm4b:s31+s26], $0x4000, $0x38;
	[tilespmem:$0x1C000] =	vst v63  }
0x17a: {  	_ =	swait.ge [sflag:s20], $0x4000  }
0x17b: {  	[sflag:s20] =	ssyncset.done $0x0  }
0x17c: {  	s29 =	simm.s32 $0x0;
	s30 =	simm.s32 $0x0;
	[sflag:s20] =	ssyncadd.s32 $0xFFFFC000  }
.LBB2_26:
0x17d: {  	s0 =	sshll.u32 s29, $0x2;
	s28 =	sand.u32 $0x7, s26  }
0x17e: {  	s0 =	sand.u32 $0xFFFF8000, s0;
	s28 =	sshll.u32 s28, $0x9  }
0x17f: {  	s0 =	sor.u32 s28, s0  }
0x180: {  	s0 =	sshrl.u32 s0, $0x2  }
0x181: {  	s31 =	sadd.s32 $0x18400, s0  }
0x182: {  	v1 =	vld [tilespmem:s31+$0x20]  }
0x183: {  	v2 =	vld [tilespmem:s31+$0xFFFFFC40]  }
0x184: {  	v3 =	vld [tilespmem:s31+$0x60]  }
0x185: {  	v4 =	vld [tilespmem:s31+$0x50]  }
0x186: {  	v5 =	vld [tilespmem:s31+$0xFFFFFC20]  }
0x187: {  	v0 =	vld [tilespmem:s31+$0x10]  }
0x188: {  	v8 =	vld [tilespmem:s31+$0x40]  }
0x189: {  	v7 =	vld [tilespmem:s31+$0xFFFFFC10]  }
0x18a: {  	v9 =	vld [tilespmem:s31+$0xFFFFFC00];
	v1 =	vmul.f32 $3.125000000e-02, v1  }
0x18b: {  	v11 =	vld [tilespmem:s31+$0xFFFFFC50];
	v4 =	vmul.f32 $3.125000000e-02, v4  }
0x18c: {  	v10 =	vld [tilespmem:s31+$0x30];
	v12 =	vmul.f32 $3.125000000e-02, v5;
	[tilespmem:s31+$0x20] =	vst v1  }
0x18d: {  	v6 =	vld [tilespmem:s31+$0x70];
	v13 =	vmul.f32 $3.125000000e-02, v8;
	[tilespmem:s31+$0x50] =	vst v4  }
0x18e: {  	v1 =	vmul.f32 $3.125000000e-02, v2;
	v2 =	vmul.f32 $3.125000000e-02, v3;
	v3 =	vld [tilespmem:s31+$0x0];
	[tilespmem:s31+$0xFFFFFC20] =	vst v12  }
0x18f: {  	v4 =	vld [tilespmem:s31+$0xFFFFFC70];
	[tilespmem:s31+$0x40] =	vst v13  }
0x190: {  	v8 =	vmul.f32 $3.125000000e-02, v9;
	v5 =	vld [tilespmem:s31+$0xFFFFFC60];
	v9 =	vmul.f32 $3.125000000e-02, v11;
	[tilespmem:s31+$0xFFFFFC40] =	vst v1  }
0x191: {  	s28 =	simm.s32 $0x0;
	s0 =	sadd.s32 $0x800, s31;
	[tilespmem:s31+$0x60] =	vst v2;
	v1 =	vmul.f32 $3.125000000e-02, v7;
	v7 =	vld [tilespmem:s31+$0xFFFFFC30];
	v2 =	vmul.f32 $3.125000000e-02, v10  }
.LBB2_27:
0x192: {  	v10 =	vld [tilespmem:s0+$0x20];
	s28 =	sadd.s32 $0x10, s28;
	[tilespmem:s31+$0xFFFFFC00] =	vst v8;
	v0 =	vmul.f32 $3.125000000e-02, v0;
	v6 =	vmul.f32 $3.125000000e-02, v6  }
0x193: {  	v8 =	vld [tilespmem:s0+$0xFFFFFC40];
	p0 =	slt.u32 s28, $0x30;
	[tilespmem:s31+$0xFFFFFC50] =	vst v9;
	v3 =	vmul.f32 $3.125000000e-02, v3  }
0x194: {  	v9 =	vld [tilespmem:s0+$0x60];
	v4 =	vmul.f32 $3.125000000e-02, v4;
	[tilespmem:s31+$0x70] =	vst v6  }
0x195: {  	v11 =	vld [tilespmem:s0+$0xFFFFFC20];
	v5 =	vmul.f32 $3.125000000e-02, v5;
	[tilespmem:s31+$0x0] =	vst v3  }
0x196: {  	v3 =	vld [tilespmem:s0+$0x50];
	v6 =	vmul.f32 $3.125000000e-02, v7;
	[tilespmem:s31+$0x10] =	vst v0  }
0x197: {  	v0 =	vld [tilespmem:s0+$0x10];
	v7 =	vmul.f32 $3.125000000e-02, v10;
	[tilespmem:s31+$0xFFFFFC10] =	vst v1  }
0x198: {  	v1 =	vld [tilespmem:s0+$0xFFFFFC10];
	[tilespmem:s31+$0xFFFFFC30] =	vst v6  }
0x199: {  	v10 =	vld [tilespmem:s0+$0x40];
	v9 =	vmul.f32 $3.125000000e-02, v9;
	[tilespmem:s31+$0x30] =	vst v2  }
0x19a: {  	v2 =	vld [tilespmem:s0+$0xFFFFFC00];
	[tilespmem:s31+$0xFFFFFC70] =	vst v4  }
0x19b: {  	v12 =	vld [tilespmem:s0+$0x30];
	v3 =	vmul.f32 $3.125000000e-02, v3;
	[tilespmem:s31+$0xFFFFFC60] =	vst v5;
	s31 =	smov.u32 s0  }
0x19c: {  	v13 =	vld [tilespmem:s0+$0xFFFFFC50];
	[tilespmem:s0+$0x20] =	vst v7  }
.Ltmp12:
0x19d: {  	v4 =	vmul.f32 $3.125000000e-02, v8;
	[tilespmem:s0+$0x50] =	vst v3;
	v6 =	vld [tilespmem:s0+$0x70];
	(pc) =	sbr.rel @p0 .LBB2_27-.Ltmp12, $4  }
0x19e: {  	v3 =	vld [tilespmem:s0+$0x0];
	v7 =	vmul.f32 $3.125000000e-02, v10;
	[tilespmem:s0+$0x60] =	vst v9  }
0x19f: {  	v9 =	vmul.f32 $3.125000000e-02, v11;
	[tilespmem:s0+$0xFFFFFC40] =	vst v4;
	v4 =	vld [tilespmem:s0+$0xFFFFFC70]  }
0x1a0: {  	v1 =	vmul.f32 $3.125000000e-02, v1;
	v8 =	vmul.f32 $3.125000000e-02, v2;
	v5 =	vld [tilespmem:s0+$0xFFFFFC60];
	[tilespmem:s0+$0x40] =	vst v7  }
0x1a1: {  	v2 =	vmul.f32 $3.125000000e-02, v12;
	s0 =	sadd.s32 $0x800, s0;
	[tilespmem:s31+$0xFFFFFC20] =	vst v9;
	v7 =	vld [tilespmem:s31+$0xFFFFFC30];
	v9 =	vmul.f32 $3.125000000e-02, v13  }
0x1a2: {  	[tilespmem:s31+$0xFFFFFC00] =	vst v8  }
0x1a3: {  	[tilespmem:s31+$0xFFFFFC10] =	vst v1  }
0x1a4: {  	v6 =	vmul.f32 $3.125000000e-02, v6;
	[tilespmem:s31+$0xFFFFFC50] =	vst v9  }
0x1a5: {  	v0 =	vmul.f32 $3.125000000e-02, v0;
	s30 =	sadd.s32 $0x1, s30;
	[tilespmem:s31+$0x30] =	vst v2  }
0x1a6: {  	v3 =	vmul.f32 $3.125000000e-02, v3;
	p0 =	sne.s32 s30, $0x10;
	[tilespmem:s31+$0x70] =	vst v6  }
.Ltmp13:
0x1a7: {  	[tilespmem:s31+$0x10] =	vst v0;
	v62 =	vmul.f32 $3.125000000e-02, v4;
	(pc) =	sbr.rel @p0 .LBB2_26-.Ltmp13, $4  }
0x1a8: {  	[tilespmem:s31+$0x0] =	vst v3;
	v63 =	vmul.f32 $3.125000000e-02, v5  }
0x1a9: {  	v61 =	vmul.f32 $3.125000000e-02, v7;
	[tilespmem:s31+$0xFFFFFC70] =	vst v62  }
0x1aa: {  	[tilespmem:s31+$0xFFFFFC60] =	vst v63  }
0x1ab: {  	s29 =	sadd.s32 $0x400, s29;
	s26 =	sadd.s32 $0x1, s26;
	[tilespmem:s31+$0xFFFFFC30] =	vst v61  }
0x1ac: {  	s26 =	simm.s32 $0x0;
	s0 =	rddreg [dreg:$0x11]  }
0x1ad: {  	[hbm4b:s0+s26] =	stream.linear.scatter [tilespmem:s13], [sflag:$0xE], $0x4000, $0x38;
	[tilespmem:$0x1C000] =	vst v63  }
0x1ae: {  	_ =	swait.ge [sflag:s21], $0x4000  }
0x1af: {  	[sflag:s21] =	ssyncset.done $0x0  }
0x1b0: {  	s31 =	rddreg [dreg:$0x15];
	[sflag:s21] =	ssyncadd.s32 $0xFFFFC000  }
0x1b1: {  	[tilespmem:s7], [sflag:$0x4] =	stream.linear.gather [hbm4b:s31+s26], $0x4000, $0x38;
	[tilespmem:$0x1C000] =	vst v63  }
0x1b2: {  	_ =	swait.ge [sflag:s8], $0x4000  }
0x1b3: {  	[sflag:s8] =	ssyncset.done $0x0  }
0x1b4: {  	s29 =	simm.s32 $0x0;
	s30 =	simm.s32 $0x0;
	[sflag:s8] =	ssyncadd.s32 $0xFFFFC000  }
.LBB2_30:
0x1b5: {  	s0 =	sshll.u32 s29, $0x2;
	s28 =	sand.u32 $0x7, s26  }
0x1b6: {  	s0 =	sand.u32 $0xFFFF8000, s0;
	s28 =	sshll.u32 s28, $0x9  }
0x1b7: {  	s0 =	sor.u32 s28, s0  }
0x1b8: {  	s0 =	sshrl.u32 s0, $0x2  }
0x1b9: {  	s31 =	sor.u32 $0x400, s0  }
0x1ba: {  	v1 =	vld [tilespmem:s31+$0x20]  }
0x1bb: {  	v2 =	vld [tilespmem:s31+$0xFFFFFC40]  }
0x1bc: {  	v3 =	vld [tilespmem:s31+$0x60]  }
0x1bd: {  	v4 =	vld [tilespmem:s31+$0x50]  }
0x1be: {  	v5 =	vld [tilespmem:s31+$0xFFFFFC20]  }
0x1bf: {  	v0 =	vld [tilespmem:s31+$0x10]  }
0x1c0: {  	v8 =	vld [tilespmem:s31+$0x40]  }
0x1c1: {  	v7 =	vld [tilespmem:s31+$0xFFFFFC10]  }
0x1c2: {  	v9 =	vld [tilespmem:s31+$0xFFFFFC00];
	v1 =	vmul.f32 $3.125000000e-02, v1  }
0x1c3: {  	v11 =	vld [tilespmem:s31+$0xFFFFFC50];
	v4 =	vmul.f32 $3.125000000e-02, v4  }
0x1c4: {  	v10 =	vld [tilespmem:s31+$0x30];
	v12 =	vmul.f32 $3.125000000e-02, v5;
	[tilespmem:s31+$0x20] =	vst v1  }
0x1c5: {  	v6 =	vld [tilespmem:s31+$0x70];
	v13 =	vmul.f32 $3.125000000e-02, v8;
	[tilespmem:s31+$0x50] =	vst v4  }
0x1c6: {  	v1 =	vmul.f32 $3.125000000e-02, v2;
	v2 =	vmul.f32 $3.125000000e-02, v3;
	v3 =	vld [tilespmem:s31+$0x0];
	[tilespmem:s31+$0xFFFFFC20] =	vst v12  }
0x1c7: {  	v4 =	vld [tilespmem:s31+$0xFFFFFC70];
	[tilespmem:s31+$0x40] =	vst v13  }
0x1c8: {  	v8 =	vmul.f32 $3.125000000e-02, v9;
	v5 =	vld [tilespmem:s31+$0xFFFFFC60];
	v9 =	vmul.f32 $3.125000000e-02, v11;
	[tilespmem:s31+$0xFFFFFC40] =	vst v1  }
0x1c9: {  	s28 =	simm.s32 $0x0;
	s0 =	sadd.s32 $0x800, s31;
	[tilespmem:s31+$0x60] =	vst v2;
	v1 =	vmul.f32 $3.125000000e-02, v7;
	v7 =	vld [tilespmem:s31+$0xFFFFFC30];
	v2 =	vmul.f32 $3.125000000e-02, v10  }
.LBB2_31:
0x1ca: {  	v10 =	vld [tilespmem:s0+$0x20];
	s28 =	sadd.s32 $0x10, s28;
	[tilespmem:s31+$0xFFFFFC00] =	vst v8;
	v0 =	vmul.f32 $3.125000000e-02, v0;
	v6 =	vmul.f32 $3.125000000e-02, v6  }
0x1cb: {  	v8 =	vld [tilespmem:s0+$0xFFFFFC40];
	p0 =	slt.u32 s28, $0x30;
	[tilespmem:s31+$0xFFFFFC50] =	vst v9;
	v3 =	vmul.f32 $3.125000000e-02, v3  }
0x1cc: {  	v9 =	vld [tilespmem:s0+$0x60];
	v4 =	vmul.f32 $3.125000000e-02, v4;
	[tilespmem:s31+$0x70] =	vst v6  }
0x1cd: {  	v11 =	vld [tilespmem:s0+$0xFFFFFC20];
	v5 =	vmul.f32 $3.125000000e-02, v5;
	[tilespmem:s31+$0x0] =	vst v3  }
0x1ce: {  	v3 =	vld [tilespmem:s0+$0x50];
	v6 =	vmul.f32 $3.125000000e-02, v7;
	[tilespmem:s31+$0x10] =	vst v0  }
0x1cf: {  	v0 =	vld [tilespmem:s0+$0x10];
	v7 =	vmul.f32 $3.125000000e-02, v10;
	[tilespmem:s31+$0xFFFFFC10] =	vst v1  }
0x1d0: {  	v1 =	vld [tilespmem:s0+$0xFFFFFC10];
	[tilespmem:s31+$0xFFFFFC30] =	vst v6  }
0x1d1: {  	v10 =	vld [tilespmem:s0+$0x40];
	v9 =	vmul.f32 $3.125000000e-02, v9;
	[tilespmem:s31+$0x30] =	vst v2  }
0x1d2: {  	v2 =	vld [tilespmem:s0+$0xFFFFFC00];
	[tilespmem:s31+$0xFFFFFC70] =	vst v4  }
0x1d3: {  	v12 =	vld [tilespmem:s0+$0x30];
	v3 =	vmul.f32 $3.125000000e-02, v3;
	[tilespmem:s31+$0xFFFFFC60] =	vst v5;
	s31 =	smov.u32 s0  }
0x1d4: {  	v13 =	vld [tilespmem:s0+$0xFFFFFC50];
	[tilespmem:s0+$0x20] =	vst v7  }
.Ltmp14:
0x1d5: {  	v4 =	vmul.f32 $3.125000000e-02, v8;
	[tilespmem:s0+$0x50] =	vst v3;
	v6 =	vld [tilespmem:s0+$0x70];
	(pc) =	sbr.rel @p0 .LBB2_31-.Ltmp14, $4  }
0x1d6: {  	v3 =	vld [tilespmem:s0+$0x0];
	v7 =	vmul.f32 $3.125000000e-02, v10;
	[tilespmem:s0+$0x60] =	vst v9  }
0x1d7: {  	v9 =	vmul.f32 $3.125000000e-02, v11;
	[tilespmem:s0+$0xFFFFFC40] =	vst v4;
	v4 =	vld [tilespmem:s0+$0xFFFFFC70]  }
0x1d8: {  	v1 =	vmul.f32 $3.125000000e-02, v1;
	v8 =	vmul.f32 $3.125000000e-02, v2;
	v5 =	vld [tilespmem:s0+$0xFFFFFC60];
	[tilespmem:s0+$0x40] =	vst v7  }
0x1d9: {  	v2 =	vmul.f32 $3.125000000e-02, v12;
	s0 =	sadd.s32 $0x800, s0;
	[tilespmem:s31+$0xFFFFFC20] =	vst v9;
	v7 =	vld [tilespmem:s31+$0xFFFFFC30];
	v9 =	vmul.f32 $3.125000000e-02, v13  }
0x1da: {  	[tilespmem:s31+$0xFFFFFC00] =	vst v8  }
0x1db: {  	[tilespmem:s31+$0xFFFFFC10] =	vst v1  }
0x1dc: {  	v6 =	vmul.f32 $3.125000000e-02, v6;
	[tilespmem:s31+$0xFFFFFC50] =	vst v9  }
0x1dd: {  	v0 =	vmul.f32 $3.125000000e-02, v0;
	s30 =	sadd.s32 $0x1, s30;
	[tilespmem:s31+$0x30] =	vst v2  }
0x1de: {  	v3 =	vmul.f32 $3.125000000e-02, v3;
	p0 =	sne.s32 s30, $0x10;
	[tilespmem:s31+$0x70] =	vst v6  }
.Ltmp15:
0x1df: {  	[tilespmem:s31+$0x10] =	vst v0;
	v62 =	vmul.f32 $3.125000000e-02, v4;
	(pc) =	sbr.rel @p0 .LBB2_30-.Ltmp15, $4  }
0x1e0: {  	[tilespmem:s31+$0x0] =	vst v3;
	v63 =	vmul.f32 $3.125000000e-02, v5  }
0x1e1: {  	v61 =	vmul.f32 $3.125000000e-02, v7;
	[tilespmem:s31+$0xFFFFFC70] =	vst v62  }
0x1e2: {  	[tilespmem:s31+$0xFFFFFC60] =	vst v63  }
0x1e3: {  	s29 =	sadd.s32 $0x400, s29;
	s26 =	sadd.s32 $0x1, s26;
	[tilespmem:s31+$0xFFFFFC30] =	vst v61  }
0x1e4: {  	s26 =	simm.s32 $0x0;
	s0 =	rddreg [dreg:$0x12]  }
0x1e5: {  	[hbm4b:s0+s26] =	stream.linear.scatter [tilespmem:s26], [sflag:$0x8], $0x4000, $0x38;
	[tilespmem:$0x1C000] =	vst v63  }
0x1e6: {  	_ =	swait.ge [sflag:s22], $0x4000  }
0x1e7: {  	[sflag:s22] =	ssyncset.done $0x0  }
0x1e8: {  	s31 =	rddreg [dreg:$0x17];
	[sflag:s22] =	ssyncadd.s32 $0xFFFFC000  }
0x1e9: {  	[tilespmem:s9], [sflag:$0x5] =	stream.linear.gather [hbm4b:s31+s26], $0x4000, $0x38;
	[tilespmem:$0x1C000] =	vst v63  }
0x1ea: {  	_ =	swait.ge [sflag:s10], $0x4000  }
0x1eb: {  	[sflag:s10] =	ssyncset.done $0x0  }
0x1ec: {  	s29 =	simm.s32 $0x0;
	s30 =	simm.s32 $0x0;
	[sflag:s10] =	ssyncadd.s32 $0xFFFFC000  }
.LBB2_34:
0x1ed: {  	s0 =	sshll.u32 s29, $0x2;
	s28 =	sand.u32 $0x7, s26  }
0x1ee: {  	s0 =	sand.u32 $0xFFFF8000, s0;
	s28 =	sshll.u32 s28, $0x9  }
0x1ef: {  	s0 =	sor.u32 s28, s0  }
0x1f0: {  	s0 =	sshrl.u32 s0, $0x2  }
0x1f1: {  	s31 =	sadd.s32 $0x4400, s0  }
0x1f2: {  	v1 =	vld [tilespmem:s31+$0x20]  }
0x1f3: {  	v2 =	vld [tilespmem:s31+$0xFFFFFC40]  }
0x1f4: {  	v3 =	vld [tilespmem:s31+$0x60]  }
0x1f5: {  	v4 =	vld [tilespmem:s31+$0x50]  }
0x1f6: {  	v5 =	vld [tilespmem:s31+$0xFFFFFC20]  }
0x1f7: {  	v0 =	vld [tilespmem:s31+$0x10]  }
0x1f8: {  	v8 =	vld [tilespmem:s31+$0x40]  }
0x1f9: {  	v7 =	vld [tilespmem:s31+$0xFFFFFC10]  }
0x1fa: {  	v9 =	vld [tilespmem:s31+$0xFFFFFC00];
	v1 =	vmul.f32 $3.125000000e-02, v1  }
0x1fb: {  	v11 =	vld [tilespmem:s31+$0xFFFFFC50];
	v4 =	vmul.f32 $3.125000000e-02, v4  }
0x1fc: {  	v10 =	vld [tilespmem:s31+$0x30];
	v12 =	vmul.f32 $3.125000000e-02, v5;
	[tilespmem:s31+$0x20] =	vst v1  }
0x1fd: {  	v6 =	vld [tilespmem:s31+$0x70];
	v13 =	vmul.f32 $3.125000000e-02, v8;
	[tilespmem:s31+$0x50] =	vst v4  }
0x1fe: {  	v1 =	vmul.f32 $3.125000000e-02, v2;
	v2 =	vmul.f32 $3.125000000e-02, v3;
	v3 =	vld [tilespmem:s31+$0x0];
	[tilespmem:s31+$0xFFFFFC20] =	vst v12  }
0x1ff: {  	v4 =	vld [tilespmem:s31+$0xFFFFFC70];
	[tilespmem:s31+$0x40] =	vst v13  }
0x200: {  	v8 =	vmul.f32 $3.125000000e-02, v9;
	v5 =	vld [tilespmem:s31+$0xFFFFFC60];
	v9 =	vmul.f32 $3.125000000e-02, v11;
	[tilespmem:s31+$0xFFFFFC40] =	vst v1  }
0x201: {  	s28 =	simm.s32 $0x0;
	s0 =	sadd.s32 $0x800, s31;
	[tilespmem:s31+$0x60] =	vst v2;
	v1 =	vmul.f32 $3.125000000e-02, v7;
	v7 =	vld [tilespmem:s31+$0xFFFFFC30];
	v2 =	vmul.f32 $3.125000000e-02, v10  }
.LBB2_35:
0x202: {  	v10 =	vld [tilespmem:s0+$0x20];
	s28 =	sadd.s32 $0x10, s28;
	[tilespmem:s31+$0xFFFFFC00] =	vst v8;
	v0 =	vmul.f32 $3.125000000e-02, v0;
	v6 =	vmul.f32 $3.125000000e-02, v6  }
0x203: {  	v8 =	vld [tilespmem:s0+$0xFFFFFC40];
	p0 =	slt.u32 s28, $0x30;
	[tilespmem:s31+$0xFFFFFC50] =	vst v9;
	v3 =	vmul.f32 $3.125000000e-02, v3  }
0x204: {  	v9 =	vld [tilespmem:s0+$0x60];
	v4 =	vmul.f32 $3.125000000e-02, v4;
	[tilespmem:s31+$0x70] =	vst v6  }
0x205: {  	v11 =	vld [tilespmem:s0+$0xFFFFFC20];
	v5 =	vmul.f32 $3.125000000e-02, v5;
	[tilespmem:s31+$0x0] =	vst v3  }
0x206: {  	v3 =	vld [tilespmem:s0+$0x50];
	v6 =	vmul.f32 $3.125000000e-02, v7;
	[tilespmem:s31+$0x10] =	vst v0  }
0x207: {  	v0 =	vld [tilespmem:s0+$0x10];
	v7 =	vmul.f32 $3.125000000e-02, v10;
	[tilespmem:s31+$0xFFFFFC10] =	vst v1  }
0x208: {  	v1 =	vld [tilespmem:s0+$0xFFFFFC10];
	[tilespmem:s31+$0xFFFFFC30] =	vst v6  }
0x209: {  	v10 =	vld [tilespmem:s0+$0x40];
	v9 =	vmul.f32 $3.125000000e-02, v9;
	[tilespmem:s31+$0x30] =	vst v2  }
0x20a: {  	v2 =	vld [tilespmem:s0+$0xFFFFFC00];
	[tilespmem:s31+$0xFFFFFC70] =	vst v4  }
0x20b: {  	v12 =	vld [tilespmem:s0+$0x30];
	v3 =	vmul.f32 $3.125000000e-02, v3;
	[tilespmem:s31+$0xFFFFFC60] =	vst v5;
	s31 =	smov.u32 s0  }
0x20c: {  	v13 =	vld [tilespmem:s0+$0xFFFFFC50];
	[tilespmem:s0+$0x20] =	vst v7  }
.Ltmp16:
0x20d: {  	v4 =	vmul.f32 $3.125000000e-02, v8;
	[tilespmem:s0+$0x50] =	vst v3;
	v6 =	vld [tilespmem:s0+$0x70];
	(pc) =	sbr.rel @p0 .LBB2_35-.Ltmp16, $4  }
0x20e: {  	v3 =	vld [tilespmem:s0+$0x0];
	v7 =	vmul.f32 $3.125000000e-02, v10;
	[tilespmem:s0+$0x60] =	vst v9  }
0x20f: {  	v9 =	vmul.f32 $3.125000000e-02, v11;
	[tilespmem:s0+$0xFFFFFC40] =	vst v4;
	v4 =	vld [tilespmem:s0+$0xFFFFFC70]  }
0x210: {  	v1 =	vmul.f32 $3.125000000e-02, v1;
	v8 =	vmul.f32 $3.125000000e-02, v2;
	v5 =	vld [tilespmem:s0+$0xFFFFFC60];
	[tilespmem:s0+$0x40] =	vst v7  }
0x211: {  	v2 =	vmul.f32 $3.125000000e-02, v12;
	s0 =	sadd.s32 $0x800, s0;
	[tilespmem:s31+$0xFFFFFC20] =	vst v9;
	v7 =	vld [tilespmem:s31+$0xFFFFFC30];
	v9 =	vmul.f32 $3.125000000e-02, v13  }
0x212: {  	[tilespmem:s31+$0xFFFFFC00] =	vst v8  }
0x213: {  	[tilespmem:s31+$0xFFFFFC10] =	vst v1  }
0x214: {  	v6 =	vmul.f32 $3.125000000e-02, v6;
	[tilespmem:s31+$0xFFFFFC50] =	vst v9  }
0x215: {  	v0 =	vmul.f32 $3.125000000e-02, v0;
	s30 =	sadd.s32 $0x1, s30;
	[tilespmem:s31+$0x30] =	vst v2  }
0x216: {  	v3 =	vmul.f32 $3.125000000e-02, v3;
	p0 =	sne.s32 s30, $0x10;
	[tilespmem:s31+$0x70] =	vst v6  }
.Ltmp17:
0x217: {  	[tilespmem:s31+$0x10] =	vst v0;
	v62 =	vmul.f32 $3.125000000e-02, v4;
	(pc) =	sbr.rel @p0 .LBB2_34-.Ltmp17, $4  }
0x218: {  	[tilespmem:s31+$0x0] =	vst v3;
	v63 =	vmul.f32 $3.125000000e-02, v5  }
0x219: {  	v61 =	vmul.f32 $3.125000000e-02, v7;
	[tilespmem:s31+$0xFFFFFC70] =	vst v62  }
0x21a: {  	[tilespmem:s31+$0xFFFFFC60] =	vst v63  }
0x21b: {  	s29 =	sadd.s32 $0x400, s29;
	s26 =	sadd.s32 $0x1, s26;
	[tilespmem:s31+$0xFFFFFC30] =	vst v61  }
0x21c: {  	s26 =	simm.s32 $0x0;
	s0 =	rddreg [dreg:$0x13]  }
0x21d: {  	[hbm4b:s0+s26] =	stream.linear.scatter [tilespmem:s5], [sflag:$0x9], $0x4000, $0x38;
	[tilespmem:$0x1C000] =	vst v63  }
0x21e: {  	_ =	swait.ge [sflag:s23], $0x4000  }
0x21f: {  	[sflag:s23] =	ssyncset.done $0x0  }
0x220: {  	s31 =	rddreg [dreg:$0x1b];
	[sflag:s23] =	ssyncadd.s32 $0xFFFFC000  }
0x221: {  	[tilespmem:s11], [sflag:$0x6] =	stream.linear.gather [hbm4b:s31+s26], $0x4000, $0x38;
	[tilespmem:$0x1C000] =	vst v63  }
0x222: {  	_ =	swait.ge [sflag:s12], $0x4000  }
0x223: {  	[sflag:s12] =	ssyncset.done $0x0  }
0x224: {  	s29 =	simm.s32 $0x0;
	s30 =	simm.s32 $0x0;
	[sflag:s12] =	ssyncadd.s32 $0xFFFFC000  }
.LBB2_38:
0x225: {  	s0 =	sshll.u32 s29, $0x2;
	s28 =	sand.u32 $0x7, s26  }
0x226: {  	s0 =	sand.u32 $0xFFFF8000, s0;
	s28 =	sshll.u32 s28, $0x9  }
0x227: {  	s0 =	sor.u32 s28, s0  }
0x228: {  	s0 =	sshrl.u32 s0, $0x2  }
0x229: {  	s31 =	sadd.s32 $0x8400, s0  }
0x22a: {  	v1 =	vld [tilespmem:s31+$0x20]  }
0x22b: {  	v2 =	vld [tilespmem:s31+$0xFFFFFC40]  }
0x22c: {  	v3 =	vld [tilespmem:s31+$0x60]  }
0x22d: {  	v4 =	vld [tilespmem:s31+$0x50]  }
0x22e: {  	v5 =	vld [tilespmem:s31+$0xFFFFFC20]  }
0x22f: {  	v0 =	vld [tilespmem:s31+$0x10]  }
0x230: {  	v8 =	vld [tilespmem:s31+$0x40]  }
0x231: {  	v7 =	vld [tilespmem:s31+$0xFFFFFC10]  }
0x232: {  	v9 =	vld [tilespmem:s31+$0xFFFFFC00];
	v1 =	vmul.f32 $3.125000000e-02, v1  }
0x233: {  	v11 =	vld [tilespmem:s31+$0xFFFFFC50];
	v4 =	vmul.f32 $3.125000000e-02, v4  }
0x234: {  	v10 =	vld [tilespmem:s31+$0x30];
	v12 =	vmul.f32 $3.125000000e-02, v5;
	[tilespmem:s31+$0x20] =	vst v1  }
0x235: {  	v6 =	vld [tilespmem:s31+$0x70];
	v13 =	vmul.f32 $3.125000000e-02, v8;
	[tilespmem:s31+$0x50] =	vst v4  }
0x236: {  	v1 =	vmul.f32 $3.125000000e-02, v2;
	v2 =	vmul.f32 $3.125000000e-02, v3;
	v3 =	vld [tilespmem:s31+$0x0];
	[tilespmem:s31+$0xFFFFFC20] =	vst v12  }
0x237: {  	v4 =	vld [tilespmem:s31+$0xFFFFFC70];
	[tilespmem:s31+$0x40] =	vst v13  }
0x238: {  	v8 =	vmul.f32 $3.125000000e-02, v9;
	v5 =	vld [tilespmem:s31+$0xFFFFFC60];
	v9 =	vmul.f32 $3.125000000e-02, v11;
	[tilespmem:s31+$0xFFFFFC40] =	vst v1  }
0x239: {  	s28 =	simm.s32 $0x0;
	s0 =	sadd.s32 $0x800, s31;
	[tilespmem:s31+$0x60] =	vst v2;
	v1 =	vmul.f32 $3.125000000e-02, v7;
	v7 =	vld [tilespmem:s31+$0xFFFFFC30];
	v2 =	vmul.f32 $3.125000000e-02, v10  }
.LBB2_39:
0x23a: {  	v10 =	vld [tilespmem:s0+$0x20];
	s28 =	sadd.s32 $0x10, s28;
	[tilespmem:s31+$0xFFFFFC00] =	vst v8;
	v0 =	vmul.f32 $3.125000000e-02, v0;
	v6 =	vmul.f32 $3.125000000e-02, v6  }
0x23b: {  	v8 =	vld [tilespmem:s0+$0xFFFFFC40];
	p0 =	slt.u32 s28, $0x30;
	[tilespmem:s31+$0xFFFFFC50] =	vst v9;
	v3 =	vmul.f32 $3.125000000e-02, v3  }
0x23c: {  	v9 =	vld [tilespmem:s0+$0x60];
	v4 =	vmul.f32 $3.125000000e-02, v4;
	[tilespmem:s31+$0x70] =	vst v6  }
0x23d: {  	v11 =	vld [tilespmem:s0+$0xFFFFFC20];
	v5 =	vmul.f32 $3.125000000e-02, v5;
	[tilespmem:s31+$0x0] =	vst v3  }
0x23e: {  	v3 =	vld [tilespmem:s0+$0x50];
	v6 =	vmul.f32 $3.125000000e-02, v7;
	[tilespmem:s31+$0x10] =	vst v0  }
0x23f: {  	v0 =	vld [tilespmem:s0+$0x10];
	v7 =	vmul.f32 $3.125000000e-02, v10;
	[tilespmem:s31+$0xFFFFFC10] =	vst v1  }
0x240: {  	v1 =	vld [tilespmem:s0+$0xFFFFFC10];
	[tilespmem:s31+$0xFFFFFC30] =	vst v6  }
0x241: {  	v10 =	vld [tilespmem:s0+$0x40];
	v9 =	vmul.f32 $3.125000000e-02, v9;
	[tilespmem:s31+$0x30] =	vst v2  }
0x242: {  	v2 =	vld [tilespmem:s0+$0xFFFFFC00];
	[tilespmem:s31+$0xFFFFFC70] =	vst v4  }
0x243: {  	v12 =	vld [tilespmem:s0+$0x30];
	v3 =	vmul.f32 $3.125000000e-02, v3;
	[tilespmem:s31+$0xFFFFFC60] =	vst v5;
	s31 =	smov.u32 s0  }
0x244: {  	v13 =	vld [tilespmem:s0+$0xFFFFFC50];
	[tilespmem:s0+$0x20] =	vst v7  }
.Ltmp18:
0x245: {  	v4 =	vmul.f32 $3.125000000e-02, v8;
	[tilespmem:s0+$0x50] =	vst v3;
	v6 =	vld [tilespmem:s0+$0x70];
	(pc) =	sbr.rel @p0 .LBB2_39-.Ltmp18, $4  }
0x246: {  	v3 =	vld [tilespmem:s0+$0x0];
	v7 =	vmul.f32 $3.125000000e-02, v10;
	[tilespmem:s0+$0x60] =	vst v9  }
0x247: {  	v9 =	vmul.f32 $3.125000000e-02, v11;
	[tilespmem:s0+$0xFFFFFC40] =	vst v4;
	v4 =	vld [tilespmem:s0+$0xFFFFFC70]  }
0x248: {  	v1 =	vmul.f32 $3.125000000e-02, v1;
	v8 =	vmul.f32 $3.125000000e-02, v2;
	v5 =	vld [tilespmem:s0+$0xFFFFFC60];
	[tilespmem:s0+$0x40] =	vst v7  }
0x249: {  	v2 =	vmul.f32 $3.125000000e-02, v12;
	s0 =	sadd.s32 $0x800, s0;
	[tilespmem:s31+$0xFFFFFC20] =	vst v9;
	v7 =	vld [tilespmem:s31+$0xFFFFFC30];
	v9 =	vmul.f32 $3.125000000e-02, v13  }
0x24a: {  	[tilespmem:s31+$0xFFFFFC00] =	vst v8  }
0x24b: {  	[tilespmem:s31+$0xFFFFFC10] =	vst v1  }
0x24c: {  	v6 =	vmul.f32 $3.125000000e-02, v6;
	[tilespmem:s31+$0xFFFFFC50] =	vst v9  }
0x24d: {  	v0 =	vmul.f32 $3.125000000e-02, v0;
	s30 =	sadd.s32 $0x1, s30;
	[tilespmem:s31+$0x30] =	vst v2  }
0x24e: {  	v3 =	vmul.f32 $3.125000000e-02, v3;
	p0 =	sne.s32 s30, $0x10;
	[tilespmem:s31+$0x70] =	vst v6  }
.Ltmp19:
0x24f: {  	[tilespmem:s31+$0x10] =	vst v0;
	v62 =	vmul.f32 $3.125000000e-02, v4;
	(pc) =	sbr.rel @p0 .LBB2_38-.Ltmp19, $4  }
0x250: {  	[tilespmem:s31+$0x0] =	vst v3;
	v63 =	vmul.f32 $3.125000000e-02, v5  }
0x251: {  	v61 =	vmul.f32 $3.125000000e-02, v7;
	[tilespmem:s31+$0xFFFFFC70] =	vst v62  }
0x252: {  	[tilespmem:s31+$0xFFFFFC60] =	vst v63  }
0x253: {  	s29 =	sadd.s32 $0x400, s29;
	s26 =	sadd.s32 $0x1, s26;
	[tilespmem:s31+$0xFFFFFC30] =	vst v61  }
0x254: {  	s26 =	simm.s32 $0x0;
	s0 =	rddreg [dreg:$0x14]  }
0x255: {  	[hbm4b:s0+s26] =	stream.linear.scatter [tilespmem:s6], [sflag:$0xA], $0x4000, $0x38;
	[tilespmem:$0x1C000] =	vst v63  }
0x256: {  	_ =	swait.ge [sflag:s24], $0x4000  }
0x257: {  	[sflag:s24] =	ssyncset.done $0x0  }
0x258: {  	s31 =	rddreg [dreg:$0x1c];
	[sflag:s24] =	ssyncadd.s32 $0xFFFFC000  }
0x259: {  	[tilespmem:s13], [sflag:$0x7] =	stream.linear.gather [hbm4b:s31+s26], $0x4000, $0x38;
	[tilespmem:$0x1C000] =	vst v63  }
0x25a: {  	_ =	swait.ge [sflag:s14], $0x4000  }
0x25b: {  	[sflag:s14] =	ssyncset.done $0x0  }
0x25c: {  	s29 =	simm.s32 $0x0;
	s30 =	simm.s32 $0x0;
	[sflag:s14] =	ssyncadd.s32 $0xFFFFC000  }
.LBB2_42:
0x25d: {  	s0 =	sshll.u32 s29, $0x2;
	s28 =	sand.u32 $0x7, s26  }
0x25e: {  	s0 =	sand.u32 $0xFFFF8000, s0;
	s28 =	sshll.u32 s28, $0x9  }
0x25f: {  	s0 =	sor.u32 s28, s0  }
0x260: {  	s0 =	sshrl.u32 s0, $0x2  }
0x261: {  	s31 =	sadd.s32 $0xC400, s0  }
0x262: {  	v1 =	vld [tilespmem:s31+$0x20]  }
0x263: {  	v2 =	vld [tilespmem:s31+$0xFFFFFC40]  }
0x264: {  	v3 =	vld [tilespmem:s31+$0x60]  }
0x265: {  	v4 =	vld [tilespmem:s31+$0x50]  }
0x266: {  	v5 =	vld [tilespmem:s31+$0xFFFFFC20]  }
0x267: {  	v0 =	vld [tilespmem:s31+$0x10]  }
0x268: {  	v8 =	vld [tilespmem:s31+$0x40]  }
0x269: {  	v7 =	vld [tilespmem:s31+$0xFFFFFC10]  }
0x26a: {  	v9 =	vld [tilespmem:s31+$0xFFFFFC00];
	v1 =	vmul.f32 $3.125000000e-02, v1  }
0x26b: {  	v11 =	vld [tilespmem:s31+$0xFFFFFC50];
	v4 =	vmul.f32 $3.125000000e-02, v4  }
0x26c: {  	v10 =	vld [tilespmem:s31+$0x30];
	v12 =	vmul.f32 $3.125000000e-02, v5;
	[tilespmem:s31+$0x20] =	vst v1  }
0x26d: {  	v6 =	vld [tilespmem:s31+$0x70];
	v13 =	vmul.f32 $3.125000000e-02, v8;
	[tilespmem:s31+$0x50] =	vst v4  }
0x26e: {  	v1 =	vmul.f32 $3.125000000e-02, v2;
	v2 =	vmul.f32 $3.125000000e-02, v3;
	v3 =	vld [tilespmem:s31+$0x0];
	[tilespmem:s31+$0xFFFFFC20] =	vst v12  }
0x26f: {  	v4 =	vld [tilespmem:s31+$0xFFFFFC70];
	[tilespmem:s31+$0x40] =	vst v13  }
0x270: {  	v8 =	vmul.f32 $3.125000000e-02, v9;
	v5 =	vld [tilespmem:s31+$0xFFFFFC60];
	v9 =	vmul.f32 $3.125000000e-02, v11;
	[tilespmem:s31+$0xFFFFFC40] =	vst v1  }
0x271: {  	s28 =	simm.s32 $0x0;
	s0 =	sadd.s32 $0x800, s31;
	[tilespmem:s31+$0x60] =	vst v2;
	v1 =	vmul.f32 $3.125000000e-02, v7;
	v7 =	vld [tilespmem:s31+$0xFFFFFC30];
	v2 =	vmul.f32 $3.125000000e-02, v10  }
.LBB2_43:
0x272: {  	v10 =	vld [tilespmem:s0+$0x20];
	s28 =	sadd.s32 $0x10, s28;
	[tilespmem:s31+$0xFFFFFC00] =	vst v8;
	v0 =	vmul.f32 $3.125000000e-02, v0;
	v6 =	vmul.f32 $3.125000000e-02, v6  }
0x273: {  	v8 =	vld [tilespmem:s0+$0xFFFFFC40];
	p0 =	slt.u32 s28, $0x30;
	[tilespmem:s31+$0xFFFFFC50] =	vst v9;
	v3 =	vmul.f32 $3.125000000e-02, v3  }
0x274: {  	v9 =	vld [tilespmem:s0+$0x60];
	v4 =	vmul.f32 $3.125000000e-02, v4;
	[tilespmem:s31+$0x70] =	vst v6  }
0x275: {  	v11 =	vld [tilespmem:s0+$0xFFFFFC20];
	v5 =	vmul.f32 $3.125000000e-02, v5;
	[tilespmem:s31+$0x0] =	vst v3  }
0x276: {  	v3 =	vld [tilespmem:s0+$0x50];
	v6 =	vmul.f32 $3.125000000e-02, v7;
	[tilespmem:s31+$0x10] =	vst v0  }
0x277: {  	v0 =	vld [tilespmem:s0+$0x10];
	v7 =	vmul.f32 $3.125000000e-02, v10;
	[tilespmem:s31+$0xFFFFFC10] =	vst v1  }
0x278: {  	v1 =	vld [tilespmem:s0+$0xFFFFFC10];
	[tilespmem:s31+$0xFFFFFC30] =	vst v6  }
0x279: {  	v10 =	vld [tilespmem:s0+$0x40];
	v9 =	vmul.f32 $3.125000000e-02, v9;
	[tilespmem:s31+$0x30] =	vst v2  }
0x27a: {  	v2 =	vld [tilespmem:s0+$0xFFFFFC00];
	[tilespmem:s31+$0xFFFFFC70] =	vst v4  }
0x27b: {  	v12 =	vld [tilespmem:s0+$0x30];
	v3 =	vmul.f32 $3.125000000e-02, v3;
	[tilespmem:s31+$0xFFFFFC60] =	vst v5;
	s31 =	smov.u32 s0  }
0x27c: {  	v13 =	vld [tilespmem:s0+$0xFFFFFC50];
	[tilespmem:s0+$0x20] =	vst v7  }
.Ltmp20:
0x27d: {  	v4 =	vmul.f32 $3.125000000e-02, v8;
	[tilespmem:s0+$0x50] =	vst v3;
	v6 =	vld [tilespmem:s0+$0x70];
	(pc) =	sbr.rel @p0 .LBB2_43-.Ltmp20, $4  }
0x27e: {  	v3 =	vld [tilespmem:s0+$0x0];
	v7 =	vmul.f32 $3.125000000e-02, v10;
	[tilespmem:s0+$0x60] =	vst v9  }
0x27f: {  	v9 =	vmul.f32 $3.125000000e-02, v11;
	[tilespmem:s0+$0xFFFFFC40] =	vst v4;
	v4 =	vld [tilespmem:s0+$0xFFFFFC70]  }
0x280: {  	v1 =	vmul.f32 $3.125000000e-02, v1;
	v8 =	vmul.f32 $3.125000000e-02, v2;
	v5 =	vld [tilespmem:s0+$0xFFFFFC60];
	[tilespmem:s0+$0x40] =	vst v7  }
0x281: {  	v2 =	vmul.f32 $3.125000000e-02, v12;
	s0 =	sadd.s32 $0x800, s0;
	[tilespmem:s31+$0xFFFFFC20] =	vst v9;
	v7 =	vld [tilespmem:s31+$0xFFFFFC30];
	v9 =	vmul.f32 $3.125000000e-02, v13  }
0x282: {  	[tilespmem:s31+$0xFFFFFC00] =	vst v8  }
0x283: {  	[tilespmem:s31+$0xFFFFFC10] =	vst v1  }
0x284: {  	v6 =	vmul.f32 $3.125000000e-02, v6;
	[tilespmem:s31+$0xFFFFFC50] =	vst v9  }
0x285: {  	v0 =	vmul.f32 $3.125000000e-02, v0;
	s30 =	sadd.s32 $0x1, s30;
	[tilespmem:s31+$0x30] =	vst v2  }
0x286: {  	v3 =	vmul.f32 $3.125000000e-02, v3;
	p0 =	sne.s32 s30, $0x10;
	[tilespmem:s31+$0x70] =	vst v6  }
.Ltmp21:
0x287: {  	[tilespmem:s31+$0x10] =	vst v0;
	v62 =	vmul.f32 $3.125000000e-02, v4;
	(pc) =	sbr.rel @p0 .LBB2_42-.Ltmp21, $4  }
0x288: {  	[tilespmem:s31+$0x0] =	vst v3;
	v63 =	vmul.f32 $3.125000000e-02, v5  }
0x289: {  	v61 =	vmul.f32 $3.125000000e-02, v7;
	[tilespmem:s31+$0xFFFFFC70] =	vst v62  }
0x28a: {  	[tilespmem:s31+$0xFFFFFC60] =	vst v63  }
0x28b: {  	s29 =	sadd.s32 $0x400, s29;
	s26 =	sadd.s32 $0x1, s26;
	[tilespmem:s31+$0xFFFFFC30] =	vst v61  }
0x28c: {  	s26 =	simm.s32 $0x0;
	s0 =	rddreg [dreg:$0x16]  }
0x28d: {  	[hbm4b:s0+s26] =	stream.linear.scatter [tilespmem:s7], [sflag:$0xB], $0x4000, $0x38;
	[tilespmem:$0x1C000] =	vst v63  }
0x28e: {  	_ =	swait.ge [sflag:s15], $0x4000  }
0x28f: {  	[sflag:s15] =	ssyncset.done $0x0  }
0x290: {  	s31 =	rddreg [dreg:$0x1d];
	[sflag:s15] =	ssyncadd.s32 $0xFFFFC000  }
0x291: {  	[tilespmem:s26], [sflag:$0x1] =	stream.linear.gather [hbm4b:s31+s26], $0x4000, $0x38;
	[tilespmem:$0x1C000] =	vst v63  }
0x292: {  	_ =	swait.ge [sflag:s16], $0x4000  }
0x293: {  	[sflag:s16] =	ssyncset.done $0x0  }
0x294: {  	s29 =	simm.s32 $0x0;
	s30 =	simm.s32 $0x0;
	[sflag:s16] =	ssyncadd.s32 $0xFFFFC000  }
.LBB2_46:
0x295: {  	s0 =	sshll.u32 s29, $0x2;
	s28 =	sand.u32 $0x7, s26  }
0x296: {  	s0 =	sand.u32 $0xFFFF8000, s0;
	s28 =	sshll.u32 s28, $0x9  }
0x297: {  	s0 =	sor.u32 s28, s0  }
0x298: {  	s0 =	sshrl.u32 s0, $0x2  }
0x299: {  	s31 =	sadd.s32 $0x10400, s0  }
0x29a: {  	v1 =	vld [tilespmem:s31+$0x20]  }
0x29b: {  	v2 =	vld [tilespmem:s31+$0xFFFFFC40]  }
0x29c: {  	v3 =	vld [tilespmem:s31+$0x60]  }
0x29d: {  	v4 =	vld [tilespmem:s31+$0x50]  }
0x29e: {  	v5 =	vld [tilespmem:s31+$0xFFFFFC20]  }
0x29f: {  	v0 =	vld [tilespmem:s31+$0x10]  }
0x2a0: {  	v8 =	vld [tilespmem:s31+$0x40]  }
0x2a1: {  	v7 =	vld [tilespmem:s31+$0xFFFFFC10]  }
0x2a2: {  	v9 =	vld [tilespmem:s31+$0xFFFFFC00];
	v1 =	vmul.f32 $3.125000000e-02, v1  }
0x2a3: {  	v11 =	vld [tilespmem:s31+$0xFFFFFC50];
	v4 =	vmul.f32 $3.125000000e-02, v4  }
0x2a4: {  	v10 =	vld [tilespmem:s31+$0x30];
	v12 =	vmul.f32 $3.125000000e-02, v5;
	[tilespmem:s31+$0x20] =	vst v1  }
0x2a5: {  	v6 =	vld [tilespmem:s31+$0x70];
	v13 =	vmul.f32 $3.125000000e-02, v8;
	[tilespmem:s31+$0x50] =	vst v4  }
0x2a6: {  	v1 =	vmul.f32 $3.125000000e-02, v2;
	v2 =	vmul.f32 $3.125000000e-02, v3;
	v3 =	vld [tilespmem:s31+$0x0];
	[tilespmem:s31+$0xFFFFFC20] =	vst v12  }
0x2a7: {  	v4 =	vld [tilespmem:s31+$0xFFFFFC70];
	[tilespmem:s31+$0x40] =	vst v13  }
0x2a8: {  	v8 =	vmul.f32 $3.125000000e-02, v9;
	v5 =	vld [tilespmem:s31+$0xFFFFFC60];
	v9 =	vmul.f32 $3.125000000e-02, v11;
	[tilespmem:s31+$0xFFFFFC40] =	vst v1  }
0x2a9: {  	s28 =	simm.s32 $0x0;
	s0 =	sadd.s32 $0x800, s31;
	[tilespmem:s31+$0x60] =	vst v2;
	v1 =	vmul.f32 $3.125000000e-02, v7;
	v7 =	vld [tilespmem:s31+$0xFFFFFC30];
	v2 =	vmul.f32 $3.125000000e-02, v10  }
.LBB2_47:
0x2aa: {  	v10 =	vld [tilespmem:s0+$0x20];
	s28 =	sadd.s32 $0x10, s28;
	[tilespmem:s31+$0xFFFFFC00] =	vst v8;
	v0 =	vmul.f32 $3.125000000e-02, v0;
	v6 =	vmul.f32 $3.125000000e-02, v6  }
0x2ab: {  	v8 =	vld [tilespmem:s0+$0xFFFFFC40];
	p0 =	slt.u32 s28, $0x30;
	[tilespmem:s31+$0xFFFFFC50] =	vst v9;
	v3 =	vmul.f32 $3.125000000e-02, v3  }
0x2ac: {  	v9 =	vld [tilespmem:s0+$0x60];
	v4 =	vmul.f32 $3.125000000e-02, v4;
	[tilespmem:s31+$0x70] =	vst v6  }
0x2ad: {  	v11 =	vld [tilespmem:s0+$0xFFFFFC20];
	v5 =	vmul.f32 $3.125000000e-02, v5;
	[tilespmem:s31+$0x0] =	vst v3  }
0x2ae: {  	v3 =	vld [tilespmem:s0+$0x50];
	v6 =	vmul.f32 $3.125000000e-02, v7;
	[tilespmem:s31+$0x10] =	vst v0  }
0x2af: {  	v0 =	vld [tilespmem:s0+$0x10];
	v7 =	vmul.f32 $3.125000000e-02, v10;
	[tilespmem:s31+$0xFFFFFC10] =	vst v1  }
0x2b0: {  	v1 =	vld [tilespmem:s0+$0xFFFFFC10];
	[tilespmem:s31+$0xFFFFFC30] =	vst v6  }
0x2b1: {  	v10 =	vld [tilespmem:s0+$0x40];
	v9 =	vmul.f32 $3.125000000e-02, v9;
	[tilespmem:s31+$0x30] =	vst v2  }
0x2b2: {  	v2 =	vld [tilespmem:s0+$0xFFFFFC00];
	[tilespmem:s31+$0xFFFFFC70] =	vst v4  }
0x2b3: {  	v12 =	vld [tilespmem:s0+$0x30];
	v3 =	vmul.f32 $3.125000000e-02, v3;
	[tilespmem:s31+$0xFFFFFC60] =	vst v5;
	s31 =	smov.u32 s0  }
0x2b4: {  	v13 =	vld [tilespmem:s0+$0xFFFFFC50];
	[tilespmem:s0+$0x20] =	vst v7  }
.Ltmp22:
0x2b5: {  	v4 =	vmul.f32 $3.125000000e-02, v8;
	[tilespmem:s0+$0x50] =	vst v3;
	v6 =	vld [tilespmem:s0+$0x70];
	(pc) =	sbr.rel @p0 .LBB2_47-.Ltmp22, $4  }
0x2b6: {  	v3 =	vld [tilespmem:s0+$0x0];
	v7 =	vmul.f32 $3.125000000e-02, v10;
	[tilespmem:s0+$0x60] =	vst v9  }
0x2b7: {  	v9 =	vmul.f32 $3.125000000e-02, v11;
	[tilespmem:s0+$0xFFFFFC40] =	vst v4;
	v4 =	vld [tilespmem:s0+$0xFFFFFC70]  }
0x2b8: {  	v1 =	vmul.f32 $3.125000000e-02, v1;
	v8 =	vmul.f32 $3.125000000e-02, v2;
	v5 =	vld [tilespmem:s0+$0xFFFFFC60];
	[tilespmem:s0+$0x40] =	vst v7  }
0x2b9: {  	v2 =	vmul.f32 $3.125000000e-02, v12;
	s0 =	sadd.s32 $0x800, s0;
	[tilespmem:s31+$0xFFFFFC20] =	vst v9;
	v7 =	vld [tilespmem:s31+$0xFFFFFC30];
	v9 =	vmul.f32 $3.125000000e-02, v13  }
0x2ba: {  	[tilespmem:s31+$0xFFFFFC00] =	vst v8  }
0x2bb: {  	[tilespmem:s31+$0xFFFFFC10] =	vst v1  }
0x2bc: {  	v6 =	vmul.f32 $3.125000000e-02, v6;
	[tilespmem:s31+$0xFFFFFC50] =	vst v9  }
0x2bd: {  	v0 =	vmul.f32 $3.125000000e-02, v0;
	s30 =	sadd.s32 $0x1, s30;
	[tilespmem:s31+$0x30] =	vst v2  }
0x2be: {  	v3 =	vmul.f32 $3.125000000e-02, v3;
	p0 =	sne.s32 s30, $0x10;
	[tilespmem:s31+$0x70] =	vst v6  }
.Ltmp23:
0x2bf: {  	[tilespmem:s31+$0x10] =	vst v0;
	v62 =	vmul.f32 $3.125000000e-02, v4;
	(pc) =	sbr.rel @p0 .LBB2_46-.Ltmp23, $4  }
0x2c0: {  	[tilespmem:s31+$0x0] =	vst v3;
	v63 =	vmul.f32 $3.125000000e-02, v5  }
0x2c1: {  	v61 =	vmul.f32 $3.125000000e-02, v7;
	[tilespmem:s31+$0xFFFFFC70] =	vst v62  }
0x2c2: {  	[tilespmem:s31+$0xFFFFFC60] =	vst v63  }
0x2c3: {  	s29 =	sadd.s32 $0x400, s29;
	s26 =	sadd.s32 $0x1, s26;
	[tilespmem:s31+$0xFFFFFC30] =	vst v61  }
0x2c4: {  	s26 =	simm.s32 $0x0;
	s0 =	rddreg [dreg:$0x18]  }
0x2c5: {  	[hbm4b:s0+s26] =	stream.linear.scatter [tilespmem:s9], [sflag:$0xC], $0x4000, $0x38;
	[tilespmem:$0x1C000] =	vst v63  }
0x2c6: {  	_ =	swait.ge [sflag:s17], $0x4000  }
0x2c7: {  	[sflag:s17] =	ssyncset.done $0x0  }
0x2c8: {  	s31 =	rddreg [dreg:$0x1e];
	[sflag:s17] =	ssyncadd.s32 $0xFFFFC000  }
0x2c9: {  	[tilespmem:s5], [sflag:$0x2] =	stream.linear.gather [hbm4b:s31+s26], $0x4000, $0x38;
	[tilespmem:$0x1C000] =	vst v63  }
0x2ca: {  	_ =	swait.ge [sflag:s18], $0x4000  }
0x2cb: {  	[sflag:s18] =	ssyncset.done $0x0  }
0x2cc: {  	s29 =	simm.s32 $0x0;
	s30 =	simm.s32 $0x0;
	[sflag:s18] =	ssyncadd.s32 $0xFFFFC000  }
.LBB2_50:
0x2cd: {  	s0 =	sshll.u32 s29, $0x2;
	s28 =	sand.u32 $0x7, s26  }
0x2ce: {  	s0 =	sand.u32 $0xFFFF8000, s0;
	s28 =	sshll.u32 s28, $0x9  }
0x2cf: {  	s0 =	sor.u32 s28, s0  }
0x2d0: {  	s0 =	sshrl.u32 s0, $0x2  }
0x2d1: {  	s31 =	sadd.s32 $0x14400, s0  }
0x2d2: {  	v1 =	vld [tilespmem:s31+$0x20]  }
0x2d3: {  	v2 =	vld [tilespmem:s31+$0xFFFFFC40]  }
0x2d4: {  	v3 =	vld [tilespmem:s31+$0x60]  }
0x2d5: {  	v4 =	vld [tilespmem:s31+$0x50]  }
0x2d6: {  	v5 =	vld [tilespmem:s31+$0xFFFFFC20]  }
0x2d7: {  	v0 =	vld [tilespmem:s31+$0x10]  }
0x2d8: {  	v8 =	vld [tilespmem:s31+$0x40]  }
0x2d9: {  	v7 =	vld [tilespmem:s31+$0xFFFFFC10]  }
0x2da: {  	v9 =	vld [tilespmem:s31+$0xFFFFFC00];
	v1 =	vmul.f32 $3.125000000e-02, v1  }
0x2db: {  	v11 =	vld [tilespmem:s31+$0xFFFFFC50];
	v4 =	vmul.f32 $3.125000000e-02, v4  }
0x2dc: {  	v10 =	vld [tilespmem:s31+$0x30];
	v12 =	vmul.f32 $3.125000000e-02, v5;
	[tilespmem:s31+$0x20] =	vst v1  }
0x2dd: {  	v6 =	vld [tilespmem:s31+$0x70];
	v13 =	vmul.f32 $3.125000000e-02, v8;
	[tilespmem:s31+$0x50] =	vst v4  }
0x2de: {  	v1 =	vmul.f32 $3.125000000e-02, v2;
	v2 =	vmul.f32 $3.125000000e-02, v3;
	v3 =	vld [tilespmem:s31+$0x0];
	[tilespmem:s31+$0xFFFFFC20] =	vst v12  }
0x2df: {  	v4 =	vld [tilespmem:s31+$0xFFFFFC70];
	[tilespmem:s31+$0x40] =	vst v13  }
0x2e0: {  	v8 =	vmul.f32 $3.125000000e-02, v9;
	v5 =	vld [tilespmem:s31+$0xFFFFFC60];
	v9 =	vmul.f32 $3.125000000e-02, v11;
	[tilespmem:s31+$0xFFFFFC40] =	vst v1  }
0x2e1: {  	s28 =	simm.s32 $0x0;
	s0 =	sadd.s32 $0x800, s31;
	[tilespmem:s31+$0x60] =	vst v2;
	v1 =	vmul.f32 $3.125000000e-02, v7;
	v7 =	vld [tilespmem:s31+$0xFFFFFC30];
	v2 =	vmul.f32 $3.125000000e-02, v10  }
.LBB2_51:
0x2e2: {  	v10 =	vld [tilespmem:s0+$0x20];
	s28 =	sadd.s32 $0x10, s28;
	[tilespmem:s31+$0xFFFFFC00] =	vst v8;
	v0 =	vmul.f32 $3.125000000e-02, v0;
	v6 =	vmul.f32 $3.125000000e-02, v6  }
0x2e3: {  	v8 =	vld [tilespmem:s0+$0xFFFFFC40];
	p0 =	slt.u32 s28, $0x30;
	[tilespmem:s31+$0xFFFFFC50] =	vst v9;
	v3 =	vmul.f32 $3.125000000e-02, v3  }
0x2e4: {  	v9 =	vld [tilespmem:s0+$0x60];
	v4 =	vmul.f32 $3.125000000e-02, v4;
	[tilespmem:s31+$0x70] =	vst v6  }
0x2e5: {  	v11 =	vld [tilespmem:s0+$0xFFFFFC20];
	v5 =	vmul.f32 $3.125000000e-02, v5;
	[tilespmem:s31+$0x0] =	vst v3  }
0x2e6: {  	v3 =	vld [tilespmem:s0+$0x50];
	v6 =	vmul.f32 $3.125000000e-02, v7;
	[tilespmem:s31+$0x10] =	vst v0  }
0x2e7: {  	v0 =	vld [tilespmem:s0+$0x10];
	v7 =	vmul.f32 $3.125000000e-02, v10;
	[tilespmem:s31+$0xFFFFFC10] =	vst v1  }
0x2e8: {  	v1 =	vld [tilespmem:s0+$0xFFFFFC10];
	[tilespmem:s31+$0xFFFFFC30] =	vst v6  }
0x2e9: {  	v10 =	vld [tilespmem:s0+$0x40];
	v9 =	vmul.f32 $3.125000000e-02, v9;
	[tilespmem:s31+$0x30] =	vst v2  }
0x2ea: {  	v2 =	vld [tilespmem:s0+$0xFFFFFC00];
	[tilespmem:s31+$0xFFFFFC70] =	vst v4  }
0x2eb: {  	v12 =	vld [tilespmem:s0+$0x30];
	v3 =	vmul.f32 $3.125000000e-02, v3;
	[tilespmem:s31+$0xFFFFFC60] =	vst v5;
	s31 =	smov.u32 s0  }
0x2ec: {  	v13 =	vld [tilespmem:s0+$0xFFFFFC50];
	[tilespmem:s0+$0x20] =	vst v7  }
.Ltmp24:
0x2ed: {  	v4 =	vmul.f32 $3.125000000e-02, v8;
	[tilespmem:s0+$0x50] =	vst v3;
	v6 =	vld [tilespmem:s0+$0x70];
	(pc) =	sbr.rel @p0 .LBB2_51-.Ltmp24, $4  }
0x2ee: {  	v3 =	vld [tilespmem:s0+$0x0];
	v7 =	vmul.f32 $3.125000000e-02, v10;
	[tilespmem:s0+$0x60] =	vst v9  }
0x2ef: {  	v9 =	vmul.f32 $3.125000000e-02, v11;
	[tilespmem:s0+$0xFFFFFC40] =	vst v4;
	v4 =	vld [tilespmem:s0+$0xFFFFFC70]  }
0x2f0: {  	v1 =	vmul.f32 $3.125000000e-02, v1;
	v8 =	vmul.f32 $3.125000000e-02, v2;
	v5 =	vld [tilespmem:s0+$0xFFFFFC60];
	[tilespmem:s0+$0x40] =	vst v7  }
0x2f1: {  	v2 =	vmul.f32 $3.125000000e-02, v12;
	s0 =	sadd.s32 $0x800, s0;
	[tilespmem:s31+$0xFFFFFC20] =	vst v9;
	v7 =	vld [tilespmem:s31+$0xFFFFFC30];
	v9 =	vmul.f32 $3.125000000e-02, v13  }
0x2f2: {  	[tilespmem:s31+$0xFFFFFC00] =	vst v8  }
0x2f3: {  	[tilespmem:s31+$0xFFFFFC10] =	vst v1  }
0x2f4: {  	v6 =	vmul.f32 $3.125000000e-02, v6;
	[tilespmem:s31+$0xFFFFFC50] =	vst v9  }
0x2f5: {  	v0 =	vmul.f32 $3.125000000e-02, v0;
	s30 =	sadd.s32 $0x1, s30;
	[tilespmem:s31+$0x30] =	vst v2  }
0x2f6: {  	v3 =	vmul.f32 $3.125000000e-02, v3;
	p0 =	sne.s32 s30, $0x10;
	[tilespmem:s31+$0x70] =	vst v6  }
.Ltmp25:
0x2f7: {  	[tilespmem:s31+$0x10] =	vst v0;
	v62 =	vmul.f32 $3.125000000e-02, v4;
	(pc) =	sbr.rel @p0 .LBB2_50-.Ltmp25, $4  }
0x2f8: {  	[tilespmem:s31+$0x0] =	vst v3;
	v63 =	vmul.f32 $3.125000000e-02, v5  }
0x2f9: {  	v61 =	vmul.f32 $3.125000000e-02, v7;
	[tilespmem:s31+$0xFFFFFC70] =	vst v62  }
0x2fa: {  	[tilespmem:s31+$0xFFFFFC60] =	vst v63  }
0x2fb: {  	s29 =	sadd.s32 $0x400, s29;
	s26 =	sadd.s32 $0x1, s26;
	[tilespmem:s31+$0xFFFFFC30] =	vst v61  }
0x2fc: {  	s26 =	simm.s32 $0x0;
	s0 =	rddreg [dreg:$0x1f]  }
0x2fd: {  	[hbm4b:s0+s26] =	stream.linear.scatter [tilespmem:s11], [sflag:$0xD], $0x4000, $0x38;
	[tilespmem:$0x1C000] =	vst v63  }
0x2fe: {  	_ =	swait.ge [sflag:s20], $0x4000  }
0x2ff: {  	[sflag:s20] =	ssyncset.done $0x0  }
0x300: {  	s29 =	simm.s32 $0x0;
	s30 =	simm.s32 $0x0;
	[sflag:s20] =	ssyncadd.s32 $0xFFFFC000  }
.LBB2_54:
0x301: {  	s0 =	sshll.u32 s29, $0x2;
	s28 =	sand.u32 $0x7, s26  }
0x302: {  	s0 =	sand.u32 $0xFFFF8000, s0;
	s28 =	sshll.u32 s28, $0x9  }
0x303: {  	s0 =	sor.u32 s28, s0  }
0x304: {  	s0 =	sshrl.u32 s0, $0x2  }
0x305: {  	s31 =	sadd.s32 $0x18400, s0  }
0x306: {  	v1 =	vld [tilespmem:s31+$0x20]  }
0x307: {  	v2 =	vld [tilespmem:s31+$0xFFFFFC40]  }
0x308: {  	v3 =	vld [tilespmem:s31+$0x60]  }
0x309: {  	v4 =	vld [tilespmem:s31+$0x50]  }
0x30a: {  	v5 =	vld [tilespmem:s31+$0xFFFFFC20]  }
0x30b: {  	v0 =	vld [tilespmem:s31+$0x10]  }
0x30c: {  	v8 =	vld [tilespmem:s31+$0x40]  }
0x30d: {  	v7 =	vld [tilespmem:s31+$0xFFFFFC10]  }
0x30e: {  	v9 =	vld [tilespmem:s31+$0xFFFFFC00];
	v1 =	vmul.f32 $3.125000000e-02, v1  }
0x30f: {  	v11 =	vld [tilespmem:s31+$0xFFFFFC50];
	v4 =	vmul.f32 $3.125000000e-02, v4  }
0x310: {  	v10 =	vld [tilespmem:s31+$0x30];
	v12 =	vmul.f32 $3.125000000e-02, v5;
	[tilespmem:s31+$0x20] =	vst v1  }
0x311: {  	v6 =	vld [tilespmem:s31+$0x70];
	v13 =	vmul.f32 $3.125000000e-02, v8;
	[tilespmem:s31+$0x50] =	vst v4  }
0x312: {  	v1 =	vmul.f32 $3.125000000e-02, v2;
	v2 =	vmul.f32 $3.125000000e-02, v3;
	v3 =	vld [tilespmem:s31+$0x0];
	[tilespmem:s31+$0xFFFFFC20] =	vst v12  }
0x313: {  	v4 =	vld [tilespmem:s31+$0xFFFFFC70];
	[tilespmem:s31+$0x40] =	vst v13  }
0x314: {  	v8 =	vmul.f32 $3.125000000e-02, v9;
	v5 =	vld [tilespmem:s31+$0xFFFFFC60];
	v9 =	vmul.f32 $3.125000000e-02, v11;
	[tilespmem:s31+$0xFFFFFC40] =	vst v1  }
0x315: {  	s28 =	simm.s32 $0x0;
	s0 =	sadd.s32 $0x800, s31;
	[tilespmem:s31+$0x60] =	vst v2;
	v1 =	vmul.f32 $3.125000000e-02, v7;
	v7 =	vld [tilespmem:s31+$0xFFFFFC30];
	v2 =	vmul.f32 $3.125000000e-02, v10  }
.LBB2_55:
0x316: {  	v10 =	vld [tilespmem:s0+$0x20];
	s28 =	sadd.s32 $0x10, s28;
	[tilespmem:s31+$0xFFFFFC00] =	vst v8;
	v0 =	vmul.f32 $3.125000000e-02, v0;
	v6 =	vmul.f32 $3.125000000e-02, v6  }
0x317: {  	v8 =	vld [tilespmem:s0+$0xFFFFFC40];
	p0 =	slt.u32 s28, $0x30;
	[tilespmem:s31+$0xFFFFFC50] =	vst v9;
	v3 =	vmul.f32 $3.125000000e-02, v3  }
0x318: {  	v9 =	vld [tilespmem:s0+$0x60];
	v4 =	vmul.f32 $3.125000000e-02, v4;
	[tilespmem:s31+$0x70] =	vst v6  }
0x319: {  	v11 =	vld [tilespmem:s0+$0xFFFFFC20];
	v5 =	vmul.f32 $3.125000000e-02, v5;
	[tilespmem:s31+$0x0] =	vst v3  }
0x31a: {  	v3 =	vld [tilespmem:s0+$0x50];
	v6 =	vmul.f32 $3.125000000e-02, v7;
	[tilespmem:s31+$0x10] =	vst v0  }
0x31b: {  	v0 =	vld [tilespmem:s0+$0x10];
	v7 =	vmul.f32 $3.125000000e-02, v10;
	[tilespmem:s31+$0xFFFFFC10] =	vst v1  }
0x31c: {  	v1 =	vld [tilespmem:s0+$0xFFFFFC10];
	[tilespmem:s31+$0xFFFFFC30] =	vst v6  }
0x31d: {  	v10 =	vld [tilespmem:s0+$0x40];
	v9 =	vmul.f32 $3.125000000e-02, v9;
	[tilespmem:s31+$0x30] =	vst v2  }
0x31e: {  	v2 =	vld [tilespmem:s0+$0xFFFFFC00];
	[tilespmem:s31+$0xFFFFFC70] =	vst v4  }
0x31f: {  	v12 =	vld [tilespmem:s0+$0x30];
	v3 =	vmul.f32 $3.125000000e-02, v3;
	[tilespmem:s31+$0xFFFFFC60] =	vst v5;
	s31 =	smov.u32 s0  }
0x320: {  	v13 =	vld [tilespmem:s0+$0xFFFFFC50];
	[tilespmem:s0+$0x20] =	vst v7  }
.Ltmp26:
0x321: {  	v4 =	vmul.f32 $3.125000000e-02, v8;
	[tilespmem:s0+$0x50] =	vst v3;
	v6 =	vld [tilespmem:s0+$0x70];
	(pc) =	sbr.rel @p0 .LBB2_55-.Ltmp26, $4  }
0x322: {  	v3 =	vld [tilespmem:s0+$0x0];
	v7 =	vmul.f32 $3.125000000e-02, v10;
	[tilespmem:s0+$0x60] =	vst v9  }
0x323: {  	v9 =	vmul.f32 $3.125000000e-02, v11;
	[tilespmem:s0+$0xFFFFFC40] =	vst v4;
	v4 =	vld [tilespmem:s0+$0xFFFFFC70]  }
0x324: {  	v1 =	vmul.f32 $3.125000000e-02, v1;
	v8 =	vmul.f32 $3.125000000e-02, v2;
	v5 =	vld [tilespmem:s0+$0xFFFFFC60];
	[tilespmem:s0+$0x40] =	vst v7  }
0x325: {  	v2 =	vmul.f32 $3.125000000e-02, v12;
	s0 =	sadd.s32 $0x800, s0;
	[tilespmem:s31+$0xFFFFFC20] =	vst v9;
	v7 =	vld [tilespmem:s31+$0xFFFFFC30];
	v9 =	vmul.f32 $3.125000000e-02, v13  }
0x326: {  	[tilespmem:s31+$0xFFFFFC00] =	vst v8  }
0x327: {  	[tilespmem:s31+$0xFFFFFC10] =	vst v1  }
0x328: {  	v6 =	vmul.f32 $3.125000000e-02, v6;
	[tilespmem:s31+$0xFFFFFC50] =	vst v9  }
0x329: {  	v0 =	vmul.f32 $3.125000000e-02, v0;
	s30 =	sadd.s32 $0x1, s30;
	[tilespmem:s31+$0x30] =	vst v2  }
0x32a: {  	v3 =	vmul.f32 $3.125000000e-02, v3;
	p0 =	sne.s32 s30, $0x10;
	[tilespmem:s31+$0x70] =	vst v6  }
.Ltmp27:
0x32b: {  	[tilespmem:s31+$0x10] =	vst v0;
	v62 =	vmul.f32 $3.125000000e-02, v4;
	(pc) =	sbr.rel @p0 .LBB2_54-.Ltmp27, $4  }
0x32c: {  	[tilespmem:s31+$0x0] =	vst v3;
	v63 =	vmul.f32 $3.125000000e-02, v5  }
0x32d: {  	v61 =	vmul.f32 $3.125000000e-02, v7;
	[tilespmem:s31+$0xFFFFFC70] =	vst v62  }
0x32e: {  	[tilespmem:s31+$0xFFFFFC60] =	vst v63  }
0x32f: {  	s29 =	sadd.s32 $0x400, s29;
	s26 =	sadd.s32 $0x1, s26;
	[tilespmem:s31+$0xFFFFFC30] =	vst v61  }
0x330: {  	s0 =	sld [smem:$0x7FD];
	_ =	sdelay $0x1  }
0x331: {  	s26 =	simm.s32 $0x0  }
0x332: {  	[hbm4b:s0+s26] =	stream.linear.scatter [tilespmem:s13], [sflag:$0xE], $0x4000, $0x38;
	[tilespmem:$0x1C000] =	vst v63  }
0x333: {  	_ =	swait.ge [sflag:s8], $0x4000  }
0x334: {  	[sflag:s8] =	ssyncset.done $0x0  }
0x335: {  	s29 =	simm.s32 $0x0;
	s30 =	simm.s32 $0x0;
	[sflag:s8] =	ssyncadd.s32 $0xFFFFC000  }
.LBB2_58:
0x336: {  	s0 =	sshll.u32 s29, $0x2;
	s28 =	sand.u32 $0x7, s26  }
0x337: {  	s0 =	sand.u32 $0xFFFF8000, s0;
	s28 =	sshll.u32 s28, $0x9  }
0x338: {  	s0 =	sor.u32 s28, s0  }
0x339: {  	s0 =	sshrl.u32 s0, $0x2  }
0x33a: {  	s31 =	sor.u32 $0x400, s0  }
0x33b: {  	v1 =	vld [tilespmem:s31+$0x20]  }
0x33c: {  	v2 =	vld [tilespmem:s31+$0xFFFFFC40]  }
0x33d: {  	v3 =	vld [tilespmem:s31+$0x60]  }
0x33e: {  	v4 =	vld [tilespmem:s31+$0x50]  }
0x33f: {  	v5 =	vld [tilespmem:s31+$0xFFFFFC20]  }
0x340: {  	v0 =	vld [tilespmem:s31+$0x10]  }
0x341: {  	v8 =	vld [tilespmem:s31+$0x40]  }
0x342: {  	v7 =	vld [tilespmem:s31+$0xFFFFFC10]  }
0x343: {  	v9 =	vld [tilespmem:s31+$0xFFFFFC00];
	v1 =	vmul.f32 $3.125000000e-02, v1  }
0x344: {  	v11 =	vld [tilespmem:s31+$0xFFFFFC50];
	v4 =	vmul.f32 $3.125000000e-02, v4  }
0x345: {  	v10 =	vld [tilespmem:s31+$0x30];
	v12 =	vmul.f32 $3.125000000e-02, v5;
	[tilespmem:s31+$0x20] =	vst v1  }
0x346: {  	v6 =	vld [tilespmem:s31+$0x70];
	v13 =	vmul.f32 $3.125000000e-02, v8;
	[tilespmem:s31+$0x50] =	vst v4  }
0x347: {  	v1 =	vmul.f32 $3.125000000e-02, v2;
	v2 =	vmul.f32 $3.125000000e-02, v3;
	v3 =	vld [tilespmem:s31+$0x0];
	[tilespmem:s31+$0xFFFFFC20] =	vst v12  }
0x348: {  	v4 =	vld [tilespmem:s31+$0xFFFFFC70];
	[tilespmem:s31+$0x40] =	vst v13  }
0x349: {  	v8 =	vmul.f32 $3.125000000e-02, v9;
	v5 =	vld [tilespmem:s31+$0xFFFFFC60];
	v9 =	vmul.f32 $3.125000000e-02, v11;
	[tilespmem:s31+$0xFFFFFC40] =	vst v1  }
0x34a: {  	s28 =	simm.s32 $0x0;
	s0 =	sadd.s32 $0x800, s31;
	[tilespmem:s31+$0x60] =	vst v2;
	v1 =	vmul.f32 $3.125000000e-02, v7;
	v7 =	vld [tilespmem:s31+$0xFFFFFC30];
	v2 =	vmul.f32 $3.125000000e-02, v10  }
.LBB2_59:
0x34b: {  	v10 =	vld [tilespmem:s0+$0x20];
	s28 =	sadd.s32 $0x10, s28;
	[tilespmem:s31+$0xFFFFFC00] =	vst v8;
	v0 =	vmul.f32 $3.125000000e-02, v0;
	v6 =	vmul.f32 $3.125000000e-02, v6  }
0x34c: {  	v8 =	vld [tilespmem:s0+$0xFFFFFC40];
	p0 =	slt.u32 s28, $0x30;
	[tilespmem:s31+$0xFFFFFC50] =	vst v9;
	v3 =	vmul.f32 $3.125000000e-02, v3  }
0x34d: {  	v9 =	vld [tilespmem:s0+$0x60];
	v4 =	vmul.f32 $3.125000000e-02, v4;
	[tilespmem:s31+$0x70] =	vst v6  }
0x34e: {  	v11 =	vld [tilespmem:s0+$0xFFFFFC20];
	v5 =	vmul.f32 $3.125000000e-02, v5;
	[tilespmem:s31+$0x0] =	vst v3  }
0x34f: {  	v3 =	vld [tilespmem:s0+$0x50];
	v6 =	vmul.f32 $3.125000000e-02, v7;
	[tilespmem:s31+$0x10] =	vst v0  }
0x350: {  	v0 =	vld [tilespmem:s0+$0x10];
	v7 =	vmul.f32 $3.125000000e-02, v10;
	[tilespmem:s31+$0xFFFFFC10] =	vst v1  }
0x351: {  	v1 =	vld [tilespmem:s0+$0xFFFFFC10];
	[tilespmem:s31+$0xFFFFFC30] =	vst v6  }
0x352: {  	v10 =	vld [tilespmem:s0+$0x40];
	v9 =	vmul.f32 $3.125000000e-02, v9;
	[tilespmem:s31+$0x30] =	vst v2  }
0x353: {  	v2 =	vld [tilespmem:s0+$0xFFFFFC00];
	[tilespmem:s31+$0xFFFFFC70] =	vst v4  }
0x354: {  	v12 =	vld [tilespmem:s0+$0x30];
	v3 =	vmul.f32 $3.125000000e-02, v3;
	[tilespmem:s31+$0xFFFFFC60] =	vst v5;
	s31 =	smov.u32 s0  }
0x355: {  	v13 =	vld [tilespmem:s0+$0xFFFFFC50];
	[tilespmem:s0+$0x20] =	vst v7  }
.Ltmp28:
0x356: {  	v4 =	vmul.f32 $3.125000000e-02, v8;
	[tilespmem:s0+$0x50] =	vst v3;
	v6 =	vld [tilespmem:s0+$0x70];
	(pc) =	sbr.rel @p0 .LBB2_59-.Ltmp28, $4  }
0x357: {  	v3 =	vld [tilespmem:s0+$0x0];
	v7 =	vmul.f32 $3.125000000e-02, v10;
	[tilespmem:s0+$0x60] =	vst v9  }
0x358: {  	v9 =	vmul.f32 $3.125000000e-02, v11;
	[tilespmem:s0+$0xFFFFFC40] =	vst v4;
	v4 =	vld [tilespmem:s0+$0xFFFFFC70]  }
0x359: {  	v1 =	vmul.f32 $3.125000000e-02, v1;
	v8 =	vmul.f32 $3.125000000e-02, v2;
	v5 =	vld [tilespmem:s0+$0xFFFFFC60];
	[tilespmem:s0+$0x40] =	vst v7  }
0x35a: {  	v2 =	vmul.f32 $3.125000000e-02, v12;
	s0 =	sadd.s32 $0x800, s0;
	[tilespmem:s31+$0xFFFFFC20] =	vst v9;
	v7 =	vld [tilespmem:s31+$0xFFFFFC30];
	v9 =	vmul.f32 $3.125000000e-02, v13  }
0x35b: {  	[tilespmem:s31+$0xFFFFFC00] =	vst v8  }
0x35c: {  	[tilespmem:s31+$0xFFFFFC10] =	vst v1  }
0x35d: {  	v6 =	vmul.f32 $3.125000000e-02, v6;
	[tilespmem:s31+$0xFFFFFC50] =	vst v9  }
0x35e: {  	v0 =	vmul.f32 $3.125000000e-02, v0;
	s30 =	sadd.s32 $0x1, s30;
	[tilespmem:s31+$0x30] =	vst v2  }
0x35f: {  	v3 =	vmul.f32 $3.125000000e-02, v3;
	p0 =	sne.s32 s30, $0x10;
	[tilespmem:s31+$0x70] =	vst v6  }
.Ltmp29:
0x360: {  	[tilespmem:s31+$0x10] =	vst v0;
	v62 =	vmul.f32 $3.125000000e-02, v4;
	(pc) =	sbr.rel @p0 .LBB2_58-.Ltmp29, $4  }
0x361: {  	[tilespmem:s31+$0x0] =	vst v3;
	v63 =	vmul.f32 $3.125000000e-02, v5  }
0x362: {  	v61 =	vmul.f32 $3.125000000e-02, v7;
	[tilespmem:s31+$0xFFFFFC70] =	vst v62  }
0x363: {  	[tilespmem:s31+$0xFFFFFC60] =	vst v63  }
0x364: {  	s29 =	sadd.s32 $0x400, s29;
	s26 =	sadd.s32 $0x1, s26;
	[tilespmem:s31+$0xFFFFFC30] =	vst v61  }
0x365: {  	s26 =	simm.s32 $0x0  }
0x366: {  	[hbm4b:s2+s26] =	stream.linear.scatter [tilespmem:s26], [sflag:$0x8], $0x4000, $0x38;
	[tilespmem:$0x1C000] =	vst v63  }
0x367: {  	_ =	swait.ge [sflag:s10], $0x4000  }
0x368: {  	[sflag:s10] =	ssyncset.done $0x0  }
0x369: {  	s29 =	simm.s32 $0x0;
	s30 =	simm.s32 $0x0;
	[sflag:s10] =	ssyncadd.s32 $0xFFFFC000  }
.LBB2_62:
0x36a: {  	s0 =	sshll.u32 s29, $0x2;
	s28 =	sand.u32 $0x7, s26  }
0x36b: {  	s0 =	sand.u32 $0xFFFF8000, s0;
	s28 =	sshll.u32 s28, $0x9  }
0x36c: {  	s0 =	sor.u32 s28, s0  }
0x36d: {  	s0 =	sshrl.u32 s0, $0x2  }
0x36e: {  	s31 =	sadd.s32 $0x4400, s0  }
0x36f: {  	v1 =	vld [tilespmem:s31+$0x20]  }
0x370: {  	v2 =	vld [tilespmem:s31+$0xFFFFFC40]  }
0x371: {  	v3 =	vld [tilespmem:s31+$0x60]  }
0x372: {  	v4 =	vld [tilespmem:s31+$0x50]  }
0x373: {  	v5 =	vld [tilespmem:s31+$0xFFFFFC20]  }
0x374: {  	v0 =	vld [tilespmem:s31+$0x10]  }
0x375: {  	v8 =	vld [tilespmem:s31+$0x40]  }
0x376: {  	v7 =	vld [tilespmem:s31+$0xFFFFFC10]  }
0x377: {  	v9 =	vld [tilespmem:s31+$0xFFFFFC00];
	v1 =	vmul.f32 $3.125000000e-02, v1  }
0x378: {  	v11 =	vld [tilespmem:s31+$0xFFFFFC50];
	v4 =	vmul.f32 $3.125000000e-02, v4  }
0x379: {  	v10 =	vld [tilespmem:s31+$0x30];
	v12 =	vmul.f32 $3.125000000e-02, v5;
	[tilespmem:s31+$0x20] =	vst v1  }
0x37a: {  	v6 =	vld [tilespmem:s31+$0x70];
	v13 =	vmul.f32 $3.125000000e-02, v8;
	[tilespmem:s31+$0x50] =	vst v4  }
0x37b: {  	v1 =	vmul.f32 $3.125000000e-02, v2;
	v2 =	vmul.f32 $3.125000000e-02, v3;
	v3 =	vld [tilespmem:s31+$0x0];
	[tilespmem:s31+$0xFFFFFC20] =	vst v12  }
0x37c: {  	v4 =	vld [tilespmem:s31+$0xFFFFFC70];
	[tilespmem:s31+$0x40] =	vst v13  }
0x37d: {  	v8 =	vmul.f32 $3.125000000e-02, v9;
	v5 =	vld [tilespmem:s31+$0xFFFFFC60];
	v9 =	vmul.f32 $3.125000000e-02, v11;
	[tilespmem:s31+$0xFFFFFC40] =	vst v1  }
0x37e: {  	s28 =	simm.s32 $0x0;
	s0 =	sadd.s32 $0x800, s31;
	[tilespmem:s31+$0x60] =	vst v2;
	v1 =	vmul.f32 $3.125000000e-02, v7;
	v7 =	vld [tilespmem:s31+$0xFFFFFC30];
	v2 =	vmul.f32 $3.125000000e-02, v10  }
.LBB2_63:
0x37f: {  	v10 =	vld [tilespmem:s0+$0x20];
	s28 =	sadd.s32 $0x10, s28;
	[tilespmem:s31+$0xFFFFFC00] =	vst v8;
	v0 =	vmul.f32 $3.125000000e-02, v0;
	v6 =	vmul.f32 $3.125000000e-02, v6  }
0x380: {  	v8 =	vld [tilespmem:s0+$0xFFFFFC40];
	p0 =	slt.u32 s28, $0x30;
	[tilespmem:s31+$0xFFFFFC50] =	vst v9;
	v3 =	vmul.f32 $3.125000000e-02, v3  }
0x381: {  	v9 =	vld [tilespmem:s0+$0x60];
	v4 =	vmul.f32 $3.125000000e-02, v4;
	[tilespmem:s31+$0x70] =	vst v6  }
0x382: {  	v11 =	vld [tilespmem:s0+$0xFFFFFC20];
	v5 =	vmul.f32 $3.125000000e-02, v5;
	[tilespmem:s31+$0x0] =	vst v3  }
0x383: {  	v3 =	vld [tilespmem:s0+$0x50];
	v6 =	vmul.f32 $3.125000000e-02, v7;
	[tilespmem:s31+$0x10] =	vst v0  }
0x384: {  	v0 =	vld [tilespmem:s0+$0x10];
	v7 =	vmul.f32 $3.125000000e-02, v10;
	[tilespmem:s31+$0xFFFFFC10] =	vst v1  }
0x385: {  	v1 =	vld [tilespmem:s0+$0xFFFFFC10];
	[tilespmem:s31+$0xFFFFFC30] =	vst v6  }
0x386: {  	v10 =	vld [tilespmem:s0+$0x40];
	v9 =	vmul.f32 $3.125000000e-02, v9;
	[tilespmem:s31+$0x30] =	vst v2  }
0x387: {  	v2 =	vld [tilespmem:s0+$0xFFFFFC00];
	[tilespmem:s31+$0xFFFFFC70] =	vst v4  }
0x388: {  	v12 =	vld [tilespmem:s0+$0x30];
	v3 =	vmul.f32 $3.125000000e-02, v3;
	[tilespmem:s31+$0xFFFFFC60] =	vst v5;
	s31 =	smov.u32 s0  }
0x389: {  	v13 =	vld [tilespmem:s0+$0xFFFFFC50];
	[tilespmem:s0+$0x20] =	vst v7  }
.Ltmp30:
0x38a: {  	v4 =	vmul.f32 $3.125000000e-02, v8;
	[tilespmem:s0+$0x50] =	vst v3;
	v6 =	vld [tilespmem:s0+$0x70];
	(pc) =	sbr.rel @p0 .LBB2_63-.Ltmp30, $4  }
0x38b: {  	v3 =	vld [tilespmem:s0+$0x0];
	v7 =	vmul.f32 $3.125000000e-02, v10;
	[tilespmem:s0+$0x60] =	vst v9  }
0x38c: {  	v9 =	vmul.f32 $3.125000000e-02, v11;
	[tilespmem:s0+$0xFFFFFC40] =	vst v4;
	v4 =	vld [tilespmem:s0+$0xFFFFFC70]  }
0x38d: {  	v1 =	vmul.f32 $3.125000000e-02, v1;
	v8 =	vmul.f32 $3.125000000e-02, v2;
	v5 =	vld [tilespmem:s0+$0xFFFFFC60];
	[tilespmem:s0+$0x40] =	vst v7  }
0x38e: {  	v2 =	vmul.f32 $3.125000000e-02, v12;
	s0 =	sadd.s32 $0x800, s0;
	[tilespmem:s31+$0xFFFFFC20] =	vst v9;
	v7 =	vld [tilespmem:s31+$0xFFFFFC30];
	v9 =	vmul.f32 $3.125000000e-02, v13  }
0x38f: {  	[tilespmem:s31+$0xFFFFFC00] =	vst v8  }
0x390: {  	[tilespmem:s31+$0xFFFFFC10] =	vst v1  }
0x391: {  	v6 =	vmul.f32 $3.125000000e-02, v6;
	[tilespmem:s31+$0xFFFFFC50] =	vst v9  }
0x392: {  	v0 =	vmul.f32 $3.125000000e-02, v0;
	s30 =	sadd.s32 $0x1, s30;
	[tilespmem:s31+$0x30] =	vst v2  }
0x393: {  	v3 =	vmul.f32 $3.125000000e-02, v3;
	p0 =	sne.s32 s30, $0x10;
	[tilespmem:s31+$0x70] =	vst v6  }
.Ltmp31:
0x394: {  	[tilespmem:s31+$0x10] =	vst v0;
	v62 =	vmul.f32 $3.125000000e-02, v4;
	(pc) =	sbr.rel @p0 .LBB2_62-.Ltmp31, $4  }
0x395: {  	[tilespmem:s31+$0x0] =	vst v3;
	v63 =	vmul.f32 $3.125000000e-02, v5  }
0x396: {  	v61 =	vmul.f32 $3.125000000e-02, v7;
	[tilespmem:s31+$0xFFFFFC70] =	vst v62  }
0x397: {  	[tilespmem:s31+$0xFFFFFC60] =	vst v63  }
0x398: {  	s29 =	sadd.s32 $0x400, s29;
	s26 =	sadd.s32 $0x1, s26;
	[tilespmem:s31+$0xFFFFFC30] =	vst v61  }
0x399: {  	[hbm4b:s3+s1] =	stream.linear.scatter [tilespmem:s5], [sflag:$0x9], $0x4000, $0x38;
	[tilespmem:$0x1C000] =	vst v63  }
0x39a: {  	_ =	swait.ge [sflag:s19], $0x4000  }
0x39b: {  	[sflag:s19] =	ssyncset.done $0x0  }
0x39c: {  	[sflag:s19] =	ssyncadd.s32 $0xFFFFC000  }
0x39d: {  	_ =	swait.ge [sflag:s21], $0x4000  }
0x39e: {  	[sflag:s21] =	ssyncset.done $0x0  }
0x39f: {  	[sflag:s21] =	ssyncadd.s32 $0xFFFFC000  }
0x3a0: {  	_ =	swait.ge [sflag:s22], $0x4000  }
0x3a1: {  	[sflag:s22] =	ssyncset.done $0x0  }
0x3a2: {  	[sflag:s22] =	ssyncadd.s32 $0xFFFFC000  }
0x3a3: {  	_ =	swait.ge [sflag:s23], $0x4000  }
0x3a4: {  	[sflag:s23] =	ssyncset.done $0x0  }
0x3a5: {  	[sflag:s23] =	ssyncadd.s32 $0xFFFFC000  }
0x3a6: {  	_ =	swait.ge [sflag:s24], $0x4000  }
0x3a7: {  	[sflag:s24] =	ssyncset.done $0x0  }
0x3a8: {  	s25 =	sadd.s32 $0x1, s25;
	[sflag:s24] =	ssyncadd.s32 $0xFFFFC000  }
0x3a9: {  	p0 =	sne.s32 s25, s4;
	_ =	swait.ge [sflag:s15], $0x4000  }
.Ltmp32:
0x3aa: {  	[sflag:s15] =	ssyncset.done $0x0;
	(pc) =	sbr.rel @p0 .LBB2_1-.Ltmp32, $4  }
0x3ab: {  	[sflag:s15] =	ssyncadd.s32 $0xFFFFC000  }
0x3ac: {  	_ =	swait.ge [sflag:s17], $0x4000  }
0x3ad: {  	[sflag:s17] =	ssyncset.done $0x0  }
0x3ae: {  	[sflag:s17] =	ssyncadd.s32 $0xFFFFC000  }
0x3af: {  	_ =	sfence.sel $0x180000  }
0x3b0: {  	[bflag:$0x0] =	sbarrier.arrive $0xFFFF  }
0x3b1: {  	_ =	strace $0x90000047  }
0x3b2: {  	s0 =	stileid.u32;
	[bflag:$0x2] =	sbarrier.arrive $0xFFFF  }
0x3b3: {  	p0 =	sne.s32 s0, $0x0;
	s0 =	rddreg [dreg:$0x2]  }
0x3b4: {  	s0 =	sadd.s32 @!p0 $0x100000, s0  }
0x3b5: {  	[sflag:s0] =	ssyncadd.tile.s32 @!p0 $0x1;
	_ =	shalt  }
.Lfunc_end2:
_tile_overlayer_lowered:
.L_overlay_start_2:
0x3b6: {  	(tag) =	ssettag $0x2  }
0x3b7: {  	s0 =	rddreg [dreg:$0x0];
	s2 =	stileid.u32  }
0x3b8: {  	s1 =	rddreg [dreg:$0x1];
	p0 =	sne.s32 s2, $0x0  }
0x3b9: {  	s3 =	rddreg [dreg:$0x2];
	[bflag:$0x3] =	sbarrier.arrive $0xFFFF;
	s2 =	simm.s32 @!p0 $0x1C0F  }
0x3ba: {  	[timem:s3], [sflag:s2] =	dma.local @!p0 [hbm:s0], s1  }
0x3bb: {  	s0 =	simm.s32 @!p0 $0xF  }
0x3bc: {  	_ =	swait.ge @!p0 [sflag:s0], s1  }
0x3bd: {  	s1 =	ssub.s32 @!p0 $0x0, s1;
	[sflag:s0] =	ssyncset.done @!p0 $0x0  }
0x3be: {  	[sflag:s0] =	ssyncadd.s32 @!p0 s1  }
0x3bf: {  	[bflag:$0x3] =	sbarrier.arrive $0xFFFF  }
0x3c0: {  	_ =	shalt  }

</sc_bundles>
